<compile_context>
chip_gen: v7x
topology: tpu7x:2x2x1
jax: 0.10.2.dev20260603
libtpu: 0.0.44.dev20260713+nightly
codegen_flags: <defaults>
</compile_context>

<pallas_src>
import functools

import jax
import jax.numpy as jnp
import numpy as np
from jax import lax
from jax.experimental import pallas as pl
from jax.experimental.pallas import tpu as pltpu, tpu_sc as plsc

N_NODES = 10000
N_EDGES = 320000
D = 128
REL_TYPES = 16
RSTR = REL_TYPES + 1

_info = plsc.get_sparse_core_info()
NC, NS, L = _info.num_cores, _info.num_subcores, _info.num_lanes
NW = NC * NS
PER_W = N_EDGES // NW
SUB = 80
CHUNK = 2 * SUB
N_FULL = PER_W // CHUNK
TAIL = PER_W - N_FULL * CHUNK
ASTR = L + 1


@functools.partial(
    pl.kernel,
    mesh=plsc.VectorSubcoreMesh(core_axis_name="c", subcore_axis_name="s"),
    out_type=jax.ShapeDtypeStruct((N_EDGES,), jnp.float32),
    scratch_types=[
        pltpu.VMEM((PER_W,), jnp.int32),
        pltpu.VMEM((PER_W,), jnp.int32),
        pltpu.VMEM((PER_W,), jnp.int32),
        pltpu.VMEM((CHUNK, D), jnp.bfloat16),
        pltpu.VMEM((CHUNK, D), jnp.bfloat16),
        pltpu.VMEM((CHUNK, D), jnp.bfloat16),
        pltpu.VMEM((CHUNK, D), jnp.bfloat16),
        pltpu.VMEM((D // 2 * RSTR,), jnp.float32),
        pltpu.VMEM((CHUNK * ASTR,), jnp.float32),
        pltpu.VMEM((PER_W,), jnp.float32),
        pltpu.VMEM_SHARED((N_NODES, D), jnp.bfloat16),
        pltpu.SemaphoreType.DMA,
        pltpu.SemaphoreType.DMA,
        pltpu.SemaphoreType.DMA,
        pltpu.SemaphoreType.DMA,
    ],
    compiler_params=pltpu.CompilerParams(needs_layout_passes=False,
                                         use_tc_tiling_on_sc=False),
)
def _distmult_sc(z_hbm, src_hbm, dst_hbm, rid_hbm, rel_hbm, out_hbm,
                 srci_v, dsti_v, rid_v, srcr0, srcr1, dstr0, dstr1,
                 rel_v, accs_v, out_v, z_sh, sem_s0, sem_s1, sem_d0, sem_d1):
    wid = lax.axis_index("s") * NC + lax.axis_index("c")
    base_w = wid * PER_W
    sid = lax.axis_index("s")
    zrows = N_NODES // NS
    pltpu.sync_copy(z_hbm.at[pl.ds(sid * zrows, zrows)],
                    z_sh.at[pl.ds(sid * zrows, zrows)])
    pltpu.sync_copy(rel_hbm, rel_v)
    pltpu.sync_copy(src_hbm.at[pl.ds(base_w, PER_W)], srci_v)
    pltpu.sync_copy(dst_hbm.at[pl.ds(base_w, PER_W)], dsti_v)
    pltpu.sync_copy(rid_hbm.at[pl.ds(base_w, PER_W)], rid_v)
    plsc.subcore_barrier()
    iota16 = lax.iota(jnp.int32, L)
    iota_astr = iota16 * ASTR
    pv = [(16 * m + iota16) * RSTR for m in range(D // 32)]

    srcr = (srcr0, srcr1)
    dstr = (dstr0, dstr1)
    sem_s = (sem_s0, sem_s1)
    sem_d = (sem_d0, sem_d1)

    def issue(base, b, nh):
        for h in range(nh):
            idx_s = srci_v.at[pl.ds(base + SUB * h, SUB)]
            idx_d = dsti_v.at[pl.ds(base + SUB * h, SUB)]
            dst_s = srcr[b].at[pl.ds(SUB * h, SUB)]
            dst_d = dstr[b].at[pl.ds(SUB * h, SUB)]
            pltpu.async_copy(z_sh.at[idx_s], dst_s, sem_s[b])
            pltpu.async_copy(z_sh.at[idx_d], dst_d, sem_d[b])

    def drain(b, nh):
        idx0 = srci_v.at[pl.ds(0, SUB)]
        for h in range(nh):
            pltpu.make_async_copy(
                z_sh.at[idx0], srcr[b].at[pl.ds(SUB * h, SUB)],
                sem_s[b]).wait()
            pltpu.make_async_copy(
                z_sh.at[idx0], dstr[b].at[pl.ds(SUB * h, SUB)],
                sem_d[b]).wait()

    def compute(base, b, n):
        @plsc.parallel_loop(0, n, unroll=8)
        def _edge_loop(k):
            kv = jnp.zeros((L,), jnp.int32) + (base + k)
            rid_b = plsc.load_gather(rid_v, [kv])
            acc0 = acc1 = None
            for m in range(D // 32):
                sv = srcr[b][k, pl.ds(m * 32, 32)]
                tv = dstr[b][k, pl.ds(m * 32, 32)]
                pe, po = plsc.unpack(sv * tv,
                                     format=plsc.PackFormat.INTERLEAVED)
                rp = plsc.load_gather(rel_v, [pv[m] + rid_b])
                re, ro = plsc.unpack(plsc.bitcast(rp, jnp.bfloat16),
                                     format=plsc.PackFormat.INTERLEAVED)
                if m == 0:
                    acc0 = pe * re
                    acc1 = po * ro
                else:
                    acc0 = acc0 + pe * re
                    acc1 = acc1 + po * ro
            accs_v[pl.ds(k * ASTR, L)] = acc0 + acc1

        @plsc.parallel_loop(0, n // L, unroll=1)
        def _reduce_loop(g):
            gb = g * (L * ASTR)
            parts = []
            for p4 in range(4):
                t = plsc.load_gather(accs_v, [gb + iota_astr + 4 * p4])
                for c in range(1, 4):
                    t = t + plsc.load_gather(
                        accs_v, [gb + iota_astr + 4 * p4 + c])
                parts.append(t)
            tot = (parts[0] + parts[1]) + (parts[2] + parts[3])
            sig = 1.0 / (1.0 + jnp.exp(-tot))
            out_v[pl.ds(base + g * L, L)] = sig

    issue(0, 0, 2)

    def body(kk, carry):
        c0 = kk * (2 * CHUNK)
        c1 = c0 + CHUNK
        issue(c1, 1, 2)
        drain(0, 2)
        compute(c0, 0, CHUNK)

        @pl.when(c0 + 2 * CHUNK < N_FULL * CHUNK)
        def _():
            issue(c0 + 2 * CHUNK, 0, 2)

        drain(1, 2)
        compute(c1, 1, CHUNK)
        return carry

    lax.fori_loop(0, N_FULL // 2, body, 0)
    issue(N_FULL * CHUNK, 0, 1)
    drain(0, 1)
    compute(N_FULL * CHUNK, 0, TAIL)
    pltpu.sync_copy(out_v, out_hbm.at[pl.ds(base_w, PER_W)])


def kernel(z, edge_index, rel_id, rel):
    src = edge_index[0].astype(jnp.int32)
    dst = edge_index[1].astype(jnp.int32)
    rid = rel_id.astype(jnp.int32)
    z_bf = z.astype(jnp.bfloat16)
    q = np.arange(D // 2)
    f_even = 32 * (q // 16) + 2 * (q % 16)
    rt = rel.astype(jnp.float32).T
    e16 = jax.lax.bitcast_convert_type(
        rt[f_even].astype(jnp.bfloat16), jnp.uint16).astype(jnp.uint32)
    o16 = jax.lax.bitcast_convert_type(
        rt[f_even + 1].astype(jnp.bfloat16), jnp.uint16).astype(jnp.uint32)
    packed = jax.lax.bitcast_convert_type(e16 | (o16 << 16), jnp.float32)
    rel_t = jnp.pad(packed, ((0, 0), (0, RSTR - REL_TYPES))).reshape(-1)
    return _distmult_sc(z_bf, src, dst, rid, rel_t)

# --- scband reference (transcript-rebuilt; emitter-appended) ---
"""Pipeline reference for scband-rel-decoder-39127152066939 (READ-ONLY COPY).

The authoritative reference and input builder live on the scoring server;
editing this copy changes nothing except your own understanding.
"""

import jax, jax.numpy as jnp
import numpy as np

N_NODES = 10000
N_EDGES = 320000
D = 128
REL_TYPES = 16

def setup_inputs(seed: int = 0) -> dict:
    key = jax.random.key(seed)
    k1, k2, k3 = jax.random.split(key, 3)
    z = jax.random.normal(k1, (N_NODES, D), dtype=jnp.float32)
    edge_index = jax.random.randint(k2, (2, N_EDGES), 0, N_NODES, dtype=jnp.int64) if jax.config.read('jax_enable_x64') else jax.random.randint(k2, (2, N_EDGES), 0, N_NODES, dtype=jnp.int32)
    rel_id = jax.random.randint(k3, (N_EDGES,), 0, REL_TYPES, dtype=jnp.int32)
    # learned parameter: relation diagonal matrices, initialized to ones (matches torch init)
    rel = jnp.ones((REL_TYPES, D), dtype=jnp.float32)
    return {"z": z, "edge_index": edge_index, "rel_id": rel_id, "rel": rel}

def reference(z, edge_index, rel_id, rel):
    # DistMult: sigmoid( (z_src * rel[rel_id] * z_dst).sum(-1) )
    src = jnp.take(z, edge_index[0], axis=0)          # gather [E, D]
    dst = jnp.take(z, edge_index[1], axis=0)          # gather [E, D]
    r = jnp.take(rel, rel_id, axis=0)                 # embedding lookup [E, D]
    res = jnp.sum(src * r * dst, axis=1)              # [E]
    return jax.nn.sigmoid(res)

if __name__ == "__main__":
    import jax
    _d = setup_inputs()
    print(jax.jit(kernel)(*tuple(_d.values())))

</pallas_src>

<mosaic_0001>
#map = affine_map<(d0, d1) -> (0, 0)>
#map1 = affine_map<(d0, d1) -> (0)>
module attributes {stable_mosaic.version = 14 : i64} {
  func.func @_distmult_sc(%arg0: i32, %arg1: i32, %arg2: memref<10000x128xbf16, #tpu.memory_space<hbm>>, %arg3: memref<320000xi32, #tpu.memory_space<hbm>>, %arg4: memref<320000xi32, #tpu.memory_space<hbm>>, %arg5: memref<320000xi32, #tpu.memory_space<hbm>>, %arg6: memref<1088xf32, #tpu.memory_space<hbm>>, %arg7: memref<320000xf32, #tpu.memory_space<hbm>>, %arg8: memref<10000xi32, #tpu.memory_space<vmem>>, %arg9: memref<10000xi32, #tpu.memory_space<vmem>>, %arg10: memref<10000xi32, #tpu.memory_space<vmem>>, %arg11: memref<160x128xbf16, #tpu.memory_space<vmem>>, %arg12: memref<160x128xbf16, #tpu.memory_space<vmem>>, %arg13: memref<160x128xbf16, #tpu.memory_space<vmem>>, %arg14: memref<160x128xbf16, #tpu.memory_space<vmem>>, %arg15: memref<1088xf32, #tpu.memory_space<vmem>>, %arg16: memref<2720xf32, #tpu.memory_space<vmem>>, %arg17: memref<10000xf32, #tpu.memory_space<vmem>>, %arg18: memref<10000x128xbf16, #tpu.memory_space<vmem_shared>>, %arg19: memref<!tpu.dma_semaphore, #tpu.memory_space<semaphore_mem>>, %arg20: memref<!tpu.dma_semaphore, #tpu.memory_space<semaphore_mem>>, %arg21: memref<!tpu.dma_semaphore, #tpu.memory_space<semaphore_mem>>, %arg22: memref<!tpu.dma_semaphore, #tpu.memory_space<semaphore_mem>>) attributes {dimension_semantics = [#tpu.dimension_semantics<core_parallel>, #tpu.dimension_semantics<subcore_parallel>], iteration_bounds = array<i64: 2, 16>, scalar_prefetch = 0 : i64, scratch_operands = 15 : i64, tpu.core_type = #tpu.core_type<sc_vector_subcore>, window_params = [{transform_indices = #map}, {transform_indices = #map1}, {transform_indices = #map1}, {transform_indices = #map1}, {transform_indices = #map1}, {transform_indices = #map1}]} {
    %mul3A = arith.constant 2 : i32
    %mul3A_0 = arith.muli %arg1, %mul3A : i32
    %add3A = arith.addi %mul3A_0, %arg0 : i32
    %mul3A_1 = arith.constant 10000 : i32
    %mul3A_2 = arith.muli %add3A, %mul3A_1 : i32
    %mul3A_3 = arith.constant 625 : i32
    %mul3A_4 = arith.muli %arg1, %mul3A_3 : i32
    %mul3A_5 = arith.constant 625 : i32
    %mul3A_6 = arith.muli %arg1, %mul3A_5 : i32
    "tpu.region"() ({
      %run_scoped3A = tpu.sem_alloc : memref<!tpu.dma_semaphore, #tpu.memory_space<semaphore_mem>>
      %dma_start3A_106 = arith.constant 0 : i32
      %dma_start3A_107 = tpu.memref_slice %arg18[%mul3A_6, %dma_start3A_106] : memref<10000x128xbf16, #tpu.memory_space<vmem_shared>> -> memref<625x128xbf16, #tpu.memory_space<vmem_shared>>
      %dma_start3A_108 = arith.constant 0 : i32
      %dma_start3A_109 = tpu.memref_slice %arg2[%mul3A_4, %dma_start3A_108] : memref<10000x128xbf16, #tpu.memory_space<hbm>> -> memref<625x128xbf16, #tpu.memory_space<hbm>>
      tpu.enqueue_dma source(%dma_start3A_109 : memref<625x128xbf16, #tpu.memory_space<hbm>>) target(%dma_start3A_107 : memref<625x128xbf16, #tpu.memory_space<vmem_shared>>) target_semaphore(%run_scoped3A : memref<!tpu.dma_semaphore, #tpu.memory_space<semaphore_mem>>)
      %dma_wait3A_110 = arith.constant 0 : i32
      %dma_wait3A_111 = tpu.memref_slice %arg18[%mul3A_6, %dma_wait3A_110] : memref<10000x128xbf16, #tpu.memory_space<vmem_shared>> -> memref<625x128xbf16, #tpu.memory_space<vmem_shared>>
      %dma_wait3A_112 = arith.constant 0 : i32
      %dma_wait3A_113 = tpu.memref_slice %arg2[%mul3A_4, %dma_wait3A_112] : memref<10000x128xbf16, #tpu.memory_space<hbm>> -> memref<625x128xbf16, #tpu.memory_space<hbm>>
      tpu.wait_dma2 semaphore(%run_scoped3A : memref<!tpu.dma_semaphore, #tpu.memory_space<semaphore_mem>>) src(%dma_wait3A_113 : memref<625x128xbf16, #tpu.memory_space<hbm>>) dst(%dma_wait3A_111 : memref<625x128xbf16, #tpu.memory_space<vmem_shared>>)
      tpu.yield
    }) : () -> ()
    "tpu.region"() ({
      %run_scoped3A = tpu.sem_alloc : memref<!tpu.dma_semaphore, #tpu.memory_space<semaphore_mem>>
      tpu.enqueue_dma source(%arg6 : memref<1088xf32, #tpu.memory_space<hbm>>) target(%arg15 : memref<1088xf32, #tpu.memory_space<vmem>>) target_semaphore(%run_scoped3A : memref<!tpu.dma_semaphore, #tpu.memory_space<semaphore_mem>>)
      tpu.wait_dma2 semaphore(%run_scoped3A : memref<!tpu.dma_semaphore, #tpu.memory_space<semaphore_mem>>) src(%arg6 : memref<1088xf32, #tpu.memory_space<hbm>>) dst(%arg15 : memref<1088xf32, #tpu.memory_space<vmem>>)
      tpu.yield
    }) : () -> ()
    "tpu.region"() ({
      %run_scoped3A = tpu.sem_alloc : memref<!tpu.dma_semaphore, #tpu.memory_space<semaphore_mem>>
      %dma_start3A_106 = tpu.memref_slice %arg3[%mul3A_2] : memref<320000xi32, #tpu.memory_space<hbm>> -> memref<10000xi32, #tpu.memory_space<hbm>>
      %dma_start3A_107 = tpu.memref_slice %arg3[%mul3A_2] : memref<320000xi32, #tpu.memory_space<hbm>> -> memref<10000xi32, #tpu.memory_space<hbm>>
      tpu.enqueue_dma source(%dma_start3A_107 : memref<10000xi32, #tpu.memory_space<hbm>>) target(%arg8 : memref<10000xi32, #tpu.memory_space<vmem>>) target_semaphore(%run_scoped3A : memref<!tpu.dma_semaphore, #tpu.memory_space<semaphore_mem>>)
      %dma_wait3A_108 = tpu.memref_slice %arg3[%mul3A_2] : memref<320000xi32, #tpu.memory_space<hbm>> -> memref<10000xi32, #tpu.memory_space<hbm>>
      %dma_wait3A_109 = tpu.memref_slice %arg3[%mul3A_2] : memref<320000xi32, #tpu.memory_space<hbm>> -> memref<10000xi32, #tpu.memory_space<hbm>>
      tpu.wait_dma2 semaphore(%run_scoped3A : memref<!tpu.dma_semaphore, #tpu.memory_space<semaphore_mem>>) src(%dma_wait3A_109 : memref<10000xi32, #tpu.memory_space<hbm>>) dst(%arg8 : memref<10000xi32, #tpu.memory_space<vmem>>)
      tpu.yield
    }) : () -> ()
    "tpu.region"() ({
      %run_scoped3A = tpu.sem_alloc : memref<!tpu.dma_semaphore, #tpu.memory_space<semaphore_mem>>
      %dma_start3A_106 = tpu.memref_slice %arg4[%mul3A_2] : memref<320000xi32, #tpu.memory_space<hbm>> -> memref<10000xi32, #tpu.memory_space<hbm>>
      %dma_start3A_107 = tpu.memref_slice %arg4[%mul3A_2] : memref<320000xi32, #tpu.memory_space<hbm>> -> memref<10000xi32, #tpu.memory_space<hbm>>
      tpu.enqueue_dma source(%dma_start3A_107 : memref<10000xi32, #tpu.memory_space<hbm>>) target(%arg9 : memref<10000xi32, #tpu.memory_space<vmem>>) target_semaphore(%run_scoped3A : memref<!tpu.dma_semaphore, #tpu.memory_space<semaphore_mem>>)
      %dma_wait3A_108 = tpu.memref_slice %arg4[%mul3A_2] : memref<320000xi32, #tpu.memory_space<hbm>> -> memref<10000xi32, #tpu.memory_space<hbm>>
      %dma_wait3A_109 = tpu.memref_slice %arg4[%mul3A_2] : memref<320000xi32, #tpu.memory_space<hbm>> -> memref<10000xi32, #tpu.memory_space<hbm>>
      tpu.wait_dma2 semaphore(%run_scoped3A : memref<!tpu.dma_semaphore, #tpu.memory_space<semaphore_mem>>) src(%dma_wait3A_109 : memref<10000xi32, #tpu.memory_space<hbm>>) dst(%arg9 : memref<10000xi32, #tpu.memory_space<vmem>>)
      tpu.yield
    }) : () -> ()
    "tpu.region"() ({
      %run_scoped3A = tpu.sem_alloc : memref<!tpu.dma_semaphore, #tpu.memory_space<semaphore_mem>>
      %dma_start3A_106 = tpu.memref_slice %arg5[%mul3A_2] : memref<320000xi32, #tpu.memory_space<hbm>> -> memref<10000xi32, #tpu.memory_space<hbm>>
      %dma_start3A_107 = tpu.memref_slice %arg5[%mul3A_2] : memref<320000xi32, #tpu.memory_space<hbm>> -> memref<10000xi32, #tpu.memory_space<hbm>>
      tpu.enqueue_dma source(%dma_start3A_107 : memref<10000xi32, #tpu.memory_space<hbm>>) target(%arg10 : memref<10000xi32, #tpu.memory_space<vmem>>) target_semaphore(%run_scoped3A : memref<!tpu.dma_semaphore, #tpu.memory_space<semaphore_mem>>)
      %dma_wait3A_108 = tpu.memref_slice %arg5[%mul3A_2] : memref<320000xi32, #tpu.memory_space<hbm>> -> memref<10000xi32, #tpu.memory_space<hbm>>
      %dma_wait3A_109 = tpu.memref_slice %arg5[%mul3A_2] : memref<320000xi32, #tpu.memory_space<hbm>> -> memref<10000xi32, #tpu.memory_space<hbm>>
      tpu.wait_dma2 semaphore(%run_scoped3A : memref<!tpu.dma_semaphore, #tpu.memory_space<semaphore_mem>>) src(%dma_wait3A_109 : memref<10000xi32, #tpu.memory_space<hbm>>) dst(%arg10 : memref<10000xi32, #tpu.memory_space<vmem>>)
      tpu.yield
    }) : () -> ()
    %barrier3A = arith.constant 0 : index
    tpu.barrier barrier_id(%barrier3A)
    %iota3A = tpu.iota {dimensions = array<i32: 0>} : vector<16xi32>
    %mul3A_7 = arith.constant 17 : i32
    %mul3A_8 = vector.broadcast %mul3A_7 : i32 to vector<16xi32>
    %mul3A_9 = arith.muli %iota3A, %mul3A_8 : vector<16xi32>
    %add3A_10 = arith.constant 0 : i32
    %add3A_11 = vector.broadcast %add3A_10 : i32 to vector<16xi32>
    %add3A_12 = arith.addi %add3A_11, %iota3A : vector<16xi32>
    %mul3A_13 = arith.constant 17 : i32
    %mul3A_14 = vector.broadcast %mul3A_13 : i32 to vector<16xi32>
    %mul3A_15 = arith.muli %add3A_12, %mul3A_14 : vector<16xi32>
    %add3A_16 = arith.constant 16 : i32
    %add3A_17 = vector.broadcast %add3A_16 : i32 to vector<16xi32>
    %add3A_18 = arith.addi %add3A_17, %iota3A : vector<16xi32>
    %mul3A_19 = arith.constant 17 : i32
    %mul3A_20 = vector.broadcast %mul3A_19 : i32 to vector<16xi32>
    %mul3A_21 = arith.muli %add3A_18, %mul3A_20 : vector<16xi32>
    %add3A_22 = arith.constant 32 : i32
    %add3A_23 = vector.broadcast %add3A_22 : i32 to vector<16xi32>
    %add3A_24 = arith.addi %add3A_23, %iota3A : vector<16xi32>
    %mul3A_25 = arith.constant 17 : i32
    %mul3A_26 = vector.broadcast %mul3A_25 : i32 to vector<16xi32>
    %mul3A_27 = arith.muli %add3A_24, %mul3A_26 : vector<16xi32>
    %add3A_28 = arith.constant 48 : i32
    %add3A_29 = vector.broadcast %add3A_28 : i32 to vector<16xi32>
    %add3A_30 = arith.addi %add3A_29, %iota3A : vector<16xi32>
    %mul3A_31 = arith.constant 17 : i32
    %mul3A_32 = vector.broadcast %mul3A_31 : i32 to vector<16xi32>
    %mul3A_33 = arith.muli %add3A_30, %mul3A_32 : vector<16xi32>
    %dma_start3A = arith.constant 0 : i32
    %dma_start3A_34 = arith.constant 0 : i32
    %dma_start3A_35 = tpu.memref_slice %arg11[%dma_start3A, %dma_start3A_34] : memref<160x128xbf16, #tpu.memory_space<vmem>> -> memref<80x128xbf16, #tpu.memory_space<vmem>>
    %dma_start3A_36 = arith.constant 0 : i32
    %dma_start3A_37 = tpu.memref_slice %arg8[%dma_start3A_36] : memref<10000xi32, #tpu.memory_space<vmem>> -> memref<80xi32, #tpu.memory_space<vmem>>
    %dma_start3A_38 = arith.constant 0 : i32
    %dma_start3A_39 = arith.constant 0 : i32
    %dma_start3A_40 = tpu.memref_slice %arg18[%dma_start3A_38, %dma_start3A_39] : memref<10000x128xbf16, #tpu.memory_space<vmem_shared>> -> memref<10000x128xbf16, #tpu.memory_space<vmem_shared>>
    tpu.enqueue_indirect_dma source(%dma_start3A_40 : memref<10000x128xbf16, #tpu.memory_space<vmem_shared>>) target(%dma_start3A_35 : memref<80x128xbf16, #tpu.memory_space<vmem>>) offsets(%dma_start3A_37 : memref<80xi32, #tpu.memory_space<vmem>>) semaphore(%arg19 : memref<!tpu.dma_semaphore, #tpu.memory_space<semaphore_mem>>)
    %dma_start3A_41 = arith.constant 0 : i32
    %dma_start3A_42 = arith.constant 0 : i32
    %dma_start3A_43 = tpu.memref_slice %arg13[%dma_start3A_41, %dma_start3A_42] : memref<160x128xbf16, #tpu.memory_space<vmem>> -> memref<80x128xbf16, #tpu.memory_space<vmem>>
    %dma_start3A_44 = arith.constant 0 : i32
    %dma_start3A_45 = tpu.memref_slice %arg9[%dma_start3A_44] : memref<10000xi32, #tpu.memory_space<vmem>> -> memref<80xi32, #tpu.memory_space<vmem>>
    %dma_start3A_46 = arith.constant 0 : i32
    %dma_start3A_47 = arith.constant 0 : i32
    %dma_start3A_48 = tpu.memref_slice %arg18[%dma_start3A_46, %dma_start3A_47] : memref<10000x128xbf16, #tpu.memory_space<vmem_shared>> -> memref<10000x128xbf16, #tpu.memory_space<vmem_shared>>
    tpu.enqueue_indirect_dma source(%dma_start3A_48 : memref<10000x128xbf16, #tpu.memory_space<vmem_shared>>) target(%dma_start3A_43 : memref<80x128xbf16, #tpu.memory_space<vmem>>) offsets(%dma_start3A_45 : memref<80xi32, #tpu.memory_space<vmem>>) semaphore(%arg21 : memref<!tpu.dma_semaphore, #tpu.memory_space<semaphore_mem>>)
    %dma_start3A_49 = arith.constant 80 : i32
    %dma_start3A_50 = arith.constant 0 : i32
    %dma_start3A_51 = tpu.memref_slice %arg11[%dma_start3A_49, %dma_start3A_50] : memref<160x128xbf16, #tpu.memory_space<vmem>> -> memref<80x128xbf16, #tpu.memory_space<vmem>>
    %dma_start3A_52 = arith.constant 80 : i32
    %dma_start3A_53 = tpu.memref_slice %arg8[%dma_start3A_52] : memref<10000xi32, #tpu.memory_space<vmem>> -> memref<80xi32, #tpu.memory_space<vmem>>
    %dma_start3A_54 = arith.constant 0 : i32
    %dma_start3A_55 = arith.constant 0 : i32
    %dma_start3A_56 = tpu.memref_slice %arg18[%dma_start3A_54, %dma_start3A_55] : memref<10000x128xbf16, #tpu.memory_space<vmem_shared>> -> memref<10000x128xbf16, #tpu.memory_space<vmem_shared>>
    tpu.enqueue_indirect_dma source(%dma_start3A_56 : memref<10000x128xbf16, #tpu.memory_space<vmem_shared>>) target(%dma_start3A_51 : memref<80x128xbf16, #tpu.memory_space<vmem>>) offsets(%dma_start3A_53 : memref<80xi32, #tpu.memory_space<vmem>>) semaphore(%arg19 : memref<!tpu.dma_semaphore, #tpu.memory_space<semaphore_mem>>)
    %dma_start3A_57 = arith.constant 80 : i32
    %dma_start3A_58 = arith.constant 0 : i32
    %dma_start3A_59 = tpu.memref_slice %arg13[%dma_start3A_57, %dma_start3A_58] : memref<160x128xbf16, #tpu.memory_space<vmem>> -> memref<80x128xbf16, #tpu.memory_space<vmem>>
    %dma_start3A_60 = arith.constant 80 : i32
    %dma_start3A_61 = tpu.memref_slice %arg9[%dma_start3A_60] : memref<10000xi32, #tpu.memory_space<vmem>> -> memref<80xi32, #tpu.memory_space<vmem>>
    %dma_start3A_62 = arith.constant 0 : i32
    %dma_start3A_63 = arith.constant 0 : i32
    %dma_start3A_64 = tpu.memref_slice %arg18[%dma_start3A_62, %dma_start3A_63] : memref<10000x128xbf16, #tpu.memory_space<vmem_shared>> -> memref<10000x128xbf16, #tpu.memory_space<vmem_shared>>
    tpu.enqueue_indirect_dma source(%dma_start3A_64 : memref<10000x128xbf16, #tpu.memory_space<vmem_shared>>) target(%dma_start3A_59 : memref<80x128xbf16, #tpu.memory_space<vmem>>) offsets(%dma_start3A_61 : memref<80xi32, #tpu.memory_space<vmem>>) semaphore(%arg21 : memref<!tpu.dma_semaphore, #tpu.memory_space<semaphore_mem>>)
    %scan3A = arith.constant 0 : i32
    %scan3A_65 = arith.constant 0 : i32
    %scan3A_66 = arith.constant 31 : i32
    %scan3A_67 = arith.addi %scan3A_65, %scan3A_66 : i32
    %scan3A_68 = arith.constant 1 : i32
    scf.for %scan3A_106 = %scan3A_65 to %scan3A_67 step %scan3A_68  : i32 {
      %mul3A_107 = arith.constant 320 : i32
      %mul3A_108 = arith.muli %scan3A_106, %mul3A_107 : i32
      %add3A_109 = arith.constant 160 : i32
      %add3A_110 = arith.addi %mul3A_108, %add3A_109 : i32
      %add3A_111 = arith.constant 0 : i32
      %add3A_112 = arith.addi %add3A_110, %add3A_111 : i32
      %add3A_113 = arith.constant 0 : i32
      %add3A_114 = arith.addi %add3A_110, %add3A_113 : i32
      %dma_start3A_115 = arith.constant 0 : i32
      %dma_start3A_116 = arith.constant 0 : i32
      %dma_start3A_117 = tpu.memref_slice %arg12[%dma_start3A_115, %dma_start3A_116] : memref<160x128xbf16, #tpu.memory_space<vmem>> -> memref<80x128xbf16, #tpu.memory_space<vmem>>
      %dma_start3A_118 = tpu.memref_slice %arg8[%add3A_112] : memref<10000xi32, #tpu.memory_space<vmem>> -> memref<80xi32, #tpu.memory_space<vmem>>
      %dma_start3A_119 = arith.constant 0 : i32
      %dma_start3A_120 = arith.constant 0 : i32
      %dma_start3A_121 = tpu.memref_slice %arg18[%dma_start3A_119, %dma_start3A_120] : memref<10000x128xbf16, #tpu.memory_space<vmem_shared>> -> memref<10000x128xbf16, #tpu.memory_space<vmem_shared>>
      tpu.enqueue_indirect_dma source(%dma_start3A_121 : memref<10000x128xbf16, #tpu.memory_space<vmem_shared>>) target(%dma_start3A_117 : memref<80x128xbf16, #tpu.memory_space<vmem>>) offsets(%dma_start3A_118 : memref<80xi32, #tpu.memory_space<vmem>>) semaphore(%arg20 : memref<!tpu.dma_semaphore, #tpu.memory_space<semaphore_mem>>)
      %dma_start3A_122 = arith.constant 0 : i32
      %dma_start3A_123 = arith.constant 0 : i32
      %dma_start3A_124 = tpu.memref_slice %arg14[%dma_start3A_122, %dma_start3A_123] : memref<160x128xbf16, #tpu.memory_space<vmem>> -> memref<80x128xbf16, #tpu.memory_space<vmem>>
      %dma_start3A_125 = tpu.memref_slice %arg9[%add3A_114] : memref<10000xi32, #tpu.memory_space<vmem>> -> memref<80xi32, #tpu.memory_space<vmem>>
      %dma_start3A_126 = arith.constant 0 : i32
      %dma_start3A_127 = arith.constant 0 : i32
      %dma_start3A_128 = tpu.memref_slice %arg18[%dma_start3A_126, %dma_start3A_127] : memref<10000x128xbf16, #tpu.memory_space<vmem_shared>> -> memref<10000x128xbf16, #tpu.memory_space<vmem_shared>>
      tpu.enqueue_indirect_dma source(%dma_start3A_128 : memref<10000x128xbf16, #tpu.memory_space<vmem_shared>>) target(%dma_start3A_124 : memref<80x128xbf16, #tpu.memory_space<vmem>>) offsets(%dma_start3A_125 : memref<80xi32, #tpu.memory_space<vmem>>) semaphore(%arg22 : memref<!tpu.dma_semaphore, #tpu.memory_space<semaphore_mem>>)
      %add3A_129 = arith.constant 80 : i32
      %add3A_130 = arith.addi %add3A_110, %add3A_129 : i32
      %add3A_131 = arith.constant 80 : i32
      %add3A_132 = arith.addi %add3A_110, %add3A_131 : i32
      %dma_start3A_133 = arith.constant 80 : i32
      %dma_start3A_134 = arith.constant 0 : i32
      %dma_start3A_135 = tpu.memref_slice %arg12[%dma_start3A_133, %dma_start3A_134] : memref<160x128xbf16, #tpu.memory_space<vmem>> -> memref<80x128xbf16, #tpu.memory_space<vmem>>
      %dma_start3A_136 = tpu.memref_slice %arg8[%add3A_130] : memref<10000xi32, #tpu.memory_space<vmem>> -> memref<80xi32, #tpu.memory_space<vmem>>
      %dma_start3A_137 = arith.constant 0 : i32
      %dma_start3A_138 = arith.constant 0 : i32
      %dma_start3A_139 = tpu.memref_slice %arg18[%dma_start3A_137, %dma_start3A_138] : memref<10000x128xbf16, #tpu.memory_space<vmem_shared>> -> memref<10000x128xbf16, #tpu.memory_space<vmem_shared>>
      tpu.enqueue_indirect_dma source(%dma_start3A_139 : memref<10000x128xbf16, #tpu.memory_space<vmem_shared>>) target(%dma_start3A_135 : memref<80x128xbf16, #tpu.memory_space<vmem>>) offsets(%dma_start3A_136 : memref<80xi32, #tpu.memory_space<vmem>>) semaphore(%arg20 : memref<!tpu.dma_semaphore, #tpu.memory_space<semaphore_mem>>)
      %dma_start3A_140 = arith.constant 80 : i32
      %dma_start3A_141 = arith.constant 0 : i32
      %dma_start3A_142 = tpu.memref_slice %arg14[%dma_start3A_140, %dma_start3A_141] : memref<160x128xbf16, #tpu.memory_space<vmem>> -> memref<80x128xbf16, #tpu.memory_space<vmem>>
      %dma_start3A_143 = tpu.memref_slice %arg9[%add3A_132] : memref<10000xi32, #tpu.memory_space<vmem>> -> memref<80xi32, #tpu.memory_space<vmem>>
      %dma_start3A_144 = arith.constant 0 : i32
      %dma_start3A_145 = arith.constant 0 : i32
      %dma_start3A_146 = tpu.memref_slice %arg18[%dma_start3A_144, %dma_start3A_145] : memref<10000x128xbf16, #tpu.memory_space<vmem_shared>> -> memref<10000x128xbf16, #tpu.memory_space<vmem_shared>>
      tpu.enqueue_indirect_dma source(%dma_start3A_146 : memref<10000x128xbf16, #tpu.memory_space<vmem_shared>>) target(%dma_start3A_142 : memref<80x128xbf16, #tpu.memory_space<vmem>>) offsets(%dma_start3A_143 : memref<80xi32, #tpu.memory_space<vmem>>) semaphore(%arg22 : memref<!tpu.dma_semaphore, #tpu.memory_space<semaphore_mem>>)
      %dma_wait3A_147 = arith.constant 0 : i32
      %dma_wait3A_148 = arith.constant 0 : i32
      %dma_wait3A_149 = tpu.memref_slice %arg11[%dma_wait3A_147, %dma_wait3A_148] : memref<160x128xbf16, #tpu.memory_space<vmem>> -> memref<80x128xbf16, #tpu.memory_space<vmem>>
      %dma_wait3A_150 = arith.constant 0 : i32
      %dma_wait3A_151 = tpu.memref_slice %arg8[%dma_wait3A_150] : memref<10000xi32, #tpu.memory_space<vmem>> -> memref<80xi32, #tpu.memory_space<vmem>>
      %dma_wait3A_152 = arith.constant 0 : i32
      %dma_wait3A_153 = arith.constant 0 : i32
      %dma_wait3A_154 = tpu.memref_slice %arg18[%dma_wait3A_152, %dma_wait3A_153] : memref<10000x128xbf16, #tpu.memory_space<vmem_shared>> -> memref<10000x128xbf16, #tpu.memory_space<vmem_shared>>
      tpu.wait_indirect_dma semaphore(%arg19 : memref<!tpu.dma_semaphore, #tpu.memory_space<semaphore_mem>>) src(%dma_wait3A_154 : memref<10000x128xbf16, #tpu.memory_space<vmem_shared>>) dst(%dma_wait3A_149 : memref<80x128xbf16, #tpu.memory_space<vmem>>)
      %dma_wait3A_155 = arith.constant 0 : i32
      %dma_wait3A_156 = arith.constant 0 : i32
      %dma_wait3A_157 = tpu.memref_slice %arg13[%dma_wait3A_155, %dma_wait3A_156] : memref<160x128xbf16, #tpu.memory_space<vmem>> -> memref<80x128xbf16, #tpu.memory_space<vmem>>
      %dma_wait3A_158 = arith.constant 0 : i32
      %dma_wait3A_159 = tpu.memref_slice %arg8[%dma_wait3A_158] : memref<10000xi32, #tpu.memory_space<vmem>> -> memref<80xi32, #tpu.memory_space<vmem>>
      %dma_wait3A_160 = arith.constant 0 : i32
      %dma_wait3A_161 = arith.constant 0 : i32
      %dma_wait3A_162 = tpu.memref_slice %arg18[%dma_wait3A_160, %dma_wait3A_161] : memref<10000x128xbf16, #tpu.memory_space<vmem_shared>> -> memref<10000x128xbf16, #tpu.memory_space<vmem_shared>>
      tpu.wait_indirect_dma semaphore(%arg21 : memref<!tpu.dma_semaphore, #tpu.memory_space<semaphore_mem>>) src(%dma_wait3A_162 : memref<10000x128xbf16, #tpu.memory_space<vmem_shared>>) dst(%dma_wait3A_157 : memref<80x128xbf16, #tpu.memory_space<vmem>>)
      %dma_wait3A_163 = arith.constant 80 : i32
      %dma_wait3A_164 = arith.constant 0 : i32
      %dma_wait3A_165 = tpu.memref_slice %arg11[%dma_wait3A_163, %dma_wait3A_164] : memref<160x128xbf16, #tpu.memory_space<vmem>> -> memref<80x128xbf16, #tpu.memory_space<vmem>>
      %dma_wait3A_166 = arith.constant 0 : i32
      %dma_wait3A_167 = tpu.memref_slice %arg8[%dma_wait3A_166] : memref<10000xi32, #tpu.memory_space<vmem>> -> memref<80xi32, #tpu.memory_space<vmem>>
      %dma_wait3A_168 = arith.constant 0 : i32
      %dma_wait3A_169 = arith.constant 0 : i32
      %dma_wait3A_170 = tpu.memref_slice %arg18[%dma_wait3A_168, %dma_wait3A_169] : memref<10000x128xbf16, #tpu.memory_space<vmem_shared>> -> memref<10000x128xbf16, #tpu.memory_space<vmem_shared>>
      tpu.wait_indirect_dma semaphore(%arg19 : memref<!tpu.dma_semaphore, #tpu.memory_space<semaphore_mem>>) src(%dma_wait3A_170 : memref<10000x128xbf16, #tpu.memory_space<vmem_shared>>) dst(%dma_wait3A_165 : memref<80x128xbf16, #tpu.memory_space<vmem>>)
      %dma_wait3A_171 = arith.constant 80 : i32
      %dma_wait3A_172 = arith.constant 0 : i32
      %dma_wait3A_173 = tpu.memref_slice %arg13[%dma_wait3A_171, %dma_wait3A_172] : memref<160x128xbf16, #tpu.memory_space<vmem>> -> memref<80x128xbf16, #tpu.memory_space<vmem>>
      %dma_wait3A_174 = arith.constant 0 : i32
      %dma_wait3A_175 = tpu.memref_slice %arg8[%dma_wait3A_174] : memref<10000xi32, #tpu.memory_space<vmem>> -> memref<80xi32, #tpu.memory_space<vmem>>
      %dma_wait3A_176 = arith.constant 0 : i32
      %dma_wait3A_177 = arith.constant 0 : i32
      %dma_wait3A_178 = tpu.memref_slice %arg18[%dma_wait3A_176, %dma_wait3A_177] : memref<10000x128xbf16, #tpu.memory_space<vmem_shared>> -> memref<10000x128xbf16, #tpu.memory_space<vmem_shared>>
      tpu.wait_indirect_dma semaphore(%arg21 : memref<!tpu.dma_semaphore, #tpu.memory_space<semaphore_mem>>) src(%dma_wait3A_178 : memref<10000x128xbf16, #tpu.memory_space<vmem_shared>>) dst(%dma_wait3A_173 : memref<80x128xbf16, #tpu.memory_space<vmem>>)
      %parallel_loop3A_179 = arith.constant 0 : i32
      %parallel_loop3A_180 = arith.constant 160 : i32
      %parallel_loop3A_181 = arith.constant 1 : i32
      scf.for %parallel_loop3A_227 = %parallel_loop3A_179 to %parallel_loop3A_180 step %parallel_loop3A_181  : i32 {
        %parallel_loop3A_228 = arith.constant 0 : i32
        %parallel_loop3A_229 = vector.broadcast %parallel_loop3A_228 : i32 to vector<16xi32>
        %parallel_loop3A_230 = arith.addi %mul3A_108, %parallel_loop3A_227 : i32
        %parallel_loop3A_231 = vector.broadcast %parallel_loop3A_230 : i32 to vector<16xi32>
        %parallel_loop3A_232 = arith.addi %parallel_loop3A_229, %parallel_loop3A_231 : vector<16xi32>
        %parallel_loop3A_233 = tpu.vector_load_idx %arg10[%parallel_loop3A_232] : memref<10000xi32, #tpu.memory_space<vmem>>[vector<16xi32>], vector<16xi32>,
        %parallel_loop3A_234 = arith.index_cast %parallel_loop3A_227 : i32 to index
        %parallel_loop3A_235 = arith.constant 0 : index
        %parallel_loop3A_236 = tpu.vector_load %arg11[%parallel_loop3A_234, %parallel_loop3A_235] {strides = array<i32>} : memref<160x128xbf16, #tpu.memory_space<vmem>>, vector<32xbf16>,
        %parallel_loop3A_237 = arith.index_cast %parallel_loop3A_227 : i32 to index
        %parallel_loop3A_238 = arith.constant 0 : index
        %parallel_loop3A_239 = tpu.vector_load %arg13[%parallel_loop3A_237, %parallel_loop3A_238] {strides = array<i32>} : memref<160x128xbf16, #tpu.memory_space<vmem>>, vector<32xbf16>,
        %parallel_loop3A_240 = arith.mulf %parallel_loop3A_236, %parallel_loop3A_239 : vector<32xbf16>
        %parallel_loop3A_241 = tpu.unpack_subelements %parallel_loop3A_240, 0 {pack_format = #tpu.pack_format<interleaved>} : vector<32xbf16> -> vector<16xf32>
        %parallel_loop3A_242 = tpu.unpack_subelements %parallel_loop3A_240, 1 {pack_format = #tpu.pack_format<interleaved>} : vector<32xbf16> -> vector<16xf32>
        %parallel_loop3A_243 = arith.addi %mul3A_15, %parallel_loop3A_233 : vector<16xi32>
        %parallel_loop3A_244 = tpu.vector_load_idx %arg15[%parallel_loop3A_243] : memref<1088xf32, #tpu.memory_space<vmem>>[vector<16xi32>], vector<16xf32>,
        %parallel_loop3A_245 = vector.bitcast %parallel_loop3A_244 : vector<16xf32> to vector<32xbf16>
        %parallel_loop3A_246 = tpu.unpack_subelements %parallel_loop3A_245, 0 {pack_format = #tpu.pack_format<interleaved>} : vector<32xbf16> -> vector<16xf32>
        %parallel_loop3A_247 = tpu.unpack_subelements %parallel_loop3A_245, 1 {pack_format = #tpu.pack_format<interleaved>} : vector<32xbf16> -> vector<16xf32>
        %parallel_loop3A_248 = arith.mulf %parallel_loop3A_241, %parallel_loop3A_246 : vector<16xf32>
        %parallel_loop3A_249 = arith.mulf %parallel_loop3A_242, %parallel_loop3A_247 : vector<16xf32>
        %parallel_loop3A_250 = arith.index_cast %parallel_loop3A_227 : i32 to index
        %parallel_loop3A_251 = arith.constant 32 : index
        %parallel_loop3A_252 = tpu.vector_load %arg11[%parallel_loop3A_250, %parallel_loop3A_251] {strides = array<i32>} : memref<160x128xbf16, #tpu.memory_space<vmem>>, vector<32xbf16>,
        %parallel_loop3A_253 = arith.index_cast %parallel_loop3A_227 : i32 to index
        %parallel_loop3A_254 = arith.constant 32 : index
        %parallel_loop3A_255 = tpu.vector_load %arg13[%parallel_loop3A_253, %parallel_loop3A_254] {strides = array<i32>} : memref<160x128xbf16, #tpu.memory_space<vmem>>, vector<32xbf16>,
        %parallel_loop3A_256 = arith.mulf %parallel_loop3A_252, %parallel_loop3A_255 : vector<32xbf16>
        %parallel_loop3A_257 = tpu.unpack_subelements %parallel_loop3A_256, 0 {pack_format = #tpu.pack_format<interleaved>} : vector<32xbf16> -> vector<16xf32>
        %parallel_loop3A_258 = tpu.unpack_subelements %parallel_loop3A_256, 1 {pack_format = #tpu.pack_format<interleaved>} : vector<32xbf16> -> vector<16xf32>
        %parallel_loop3A_259 = arith.addi %mul3A_21, %parallel_loop3A_233 : vector<16xi32>
        %parallel_loop3A_260 = tpu.vector_load_idx %arg15[%parallel_loop3A_259] : memref<1088xf32, #tpu.memory_space<vmem>>[vector<16xi32>], vector<16xf32>,
        %parallel_loop3A_261 = vector.bitcast %parallel_loop3A_260 : vector<16xf32> to vector<32xbf16>
        %parallel_loop3A_262 = tpu.unpack_subelements %parallel_loop3A_261, 0 {pack_format = #tpu.pack_format<interleaved>} : vector<32xbf16> -> vector<16xf32>
        %parallel_loop3A_263 = tpu.unpack_subelements %parallel_loop3A_261, 1 {pack_format = #tpu.pack_format<interleaved>} : vector<32xbf16> -> vector<16xf32>
        %parallel_loop3A_264 = arith.mulf %parallel_loop3A_257, %parallel_loop3A_262 : vector<16xf32>
        %parallel_loop3A_265 = arith.addf %parallel_loop3A_248, %parallel_loop3A_264 : vector<16xf32>
        %parallel_loop3A_266 = arith.mulf %parallel_loop3A_258, %parallel_loop3A_263 : vector<16xf32>
        %parallel_loop3A_267 = arith.addf %parallel_loop3A_249, %parallel_loop3A_266 : vector<16xf32>
        %parallel_loop3A_268 = arith.index_cast %parallel_loop3A_227 : i32 to index
        %parallel_loop3A_269 = arith.constant 64 : index
        %parallel_loop3A_270 = tpu.vector_load %arg11[%parallel_loop3A_268, %parallel_loop3A_269] {strides = array<i32>} : memref<160x128xbf16, #tpu.memory_space<vmem>>, vector<32xbf16>,
        %parallel_loop3A_271 = arith.index_cast %parallel_loop3A_227 : i32 to index
        %parallel_loop3A_272 = arith.constant 64 : index
        %parallel_loop3A_273 = tpu.vector_load %arg13[%parallel_loop3A_271, %parallel_loop3A_272] {strides = array<i32>} : memref<160x128xbf16, #tpu.memory_space<vmem>>, vector<32xbf16>,
        %parallel_loop3A_274 = arith.mulf %parallel_loop3A_270, %parallel_loop3A_273 : vector<32xbf16>
        %parallel_loop3A_275 = tpu.unpack_subelements %parallel_loop3A_274, 0 {pack_format = #tpu.pack_format<interleaved>} : vector<32xbf16> -> vector<16xf32>
        %parallel_loop3A_276 = tpu.unpack_subelements %parallel_loop3A_274, 1 {pack_format = #tpu.pack_format<interleaved>} : vector<32xbf16> -> vector<16xf32>
        %parallel_loop3A_277 = arith.addi %mul3A_27, %parallel_loop3A_233 : vector<16xi32>
        %parallel_loop3A_278 = tpu.vector_load_idx %arg15[%parallel_loop3A_277] : memref<1088xf32, #tpu.memory_space<vmem>>[vector<16xi32>], vector<16xf32>,
        %parallel_loop3A_279 = vector.bitcast %parallel_loop3A_278 : vector<16xf32> to vector<32xbf16>
        %parallel_loop3A_280 = tpu.unpack_subelements %parallel_loop3A_279, 0 {pack_format = #tpu.pack_format<interleaved>} : vector<32xbf16> -> vector<16xf32>
        %parallel_loop3A_281 = tpu.unpack_subelements %parallel_loop3A_279, 1 {pack_format = #tpu.pack_format<interleaved>} : vector<32xbf16> -> vector<16xf32>
        %parallel_loop3A_282 = arith.mulf %parallel_loop3A_275, %parallel_loop3A_280 : vector<16xf32>
        %parallel_loop3A_283 = arith.addf %parallel_loop3A_265, %parallel_loop3A_282 : vector<16xf32>
        %parallel_loop3A_284 = arith.mulf %parallel_loop3A_276, %parallel_loop3A_281 : vector<16xf32>
        %parallel_loop3A_285 = arith.addf %parallel_loop3A_267, %parallel_loop3A_284 : vector<16xf32>
        %parallel_loop3A_286 = arith.index_cast %parallel_loop3A_227 : i32 to index
        %parallel_loop3A_287 = arith.constant 96 : index
        %parallel_loop3A_288 = tpu.vector_load %arg11[%parallel_loop3A_286, %parallel_loop3A_287] {strides = array<i32>} : memref<160x128xbf16, #tpu.memory_space<vmem>>, vector<32xbf16>,
        %parallel_loop3A_289 = arith.index_cast %parallel_loop3A_227 : i32 to index
        %parallel_loop3A_290 = arith.constant 96 : index
        %parallel_loop3A_291 = tpu.vector_load %arg13[%parallel_loop3A_289, %parallel_loop3A_290] {strides = array<i32>} : memref<160x128xbf16, #tpu.memory_space<vmem>>, vector<32xbf16>,
        %parallel_loop3A_292 = arith.mulf %parallel_loop3A_288, %parallel_loop3A_291 : vector<32xbf16>
        %parallel_loop3A_293 = tpu.unpack_subelements %parallel_loop3A_292, 0 {pack_format = #tpu.pack_format<interleaved>} : vector<32xbf16> -> vector<16xf32>
        %parallel_loop3A_294 = tpu.unpack_subelements %parallel_loop3A_292, 1 {pack_format = #tpu.pack_format<interleaved>} : vector<32xbf16> -> vector<16xf32>
        %parallel_loop3A_295 = arith.addi %mul3A_33, %parallel_loop3A_233 : vector<16xi32>
        %parallel_loop3A_296 = tpu.vector_load_idx %arg15[%parallel_loop3A_295] : memref<1088xf32, #tpu.memory_space<vmem>>[vector<16xi32>], vector<16xf32>,
        %parallel_loop3A_297 = vector.bitcast %parallel_loop3A_296 : vector<16xf32> to vector<32xbf16>
        %parallel_loop3A_298 = tpu.unpack_subelements %parallel_loop3A_297, 0 {pack_format = #tpu.pack_format<interleaved>} : vector<32xbf16> -> vector<16xf32>
        %parallel_loop3A_299 = tpu.unpack_subelements %parallel_loop3A_297, 1 {pack_format = #tpu.pack_format<interleaved>} : vector<32xbf16> -> vector<16xf32>
        %parallel_loop3A_300 = arith.mulf %parallel_loop3A_293, %parallel_loop3A_298 : vector<16xf32>
        %parallel_loop3A_301 = arith.addf %parallel_loop3A_283, %parallel_loop3A_300 : vector<16xf32>
        %parallel_loop3A_302 = arith.mulf %parallel_loop3A_294, %parallel_loop3A_299 : vector<16xf32>
        %parallel_loop3A_303 = arith.addf %parallel_loop3A_285, %parallel_loop3A_302 : vector<16xf32>
        %parallel_loop3A_304 = arith.addf %parallel_loop3A_301, %parallel_loop3A_303 : vector<16xf32>
        %parallel_loop3A_305 = arith.constant 17 : i32
        %parallel_loop3A_306 = arith.muli %parallel_loop3A_227, %parallel_loop3A_305 : i32
        %parallel_loop3A_307 = arith.index_cast %parallel_loop3A_306 : i32 to index
        %parallel_loop3A_308 = tpu.vector_load %arg16[%parallel_loop3A_307] {strides = array<i32>} : memref<2720xf32, #tpu.memory_space<vmem>>, vector<16xf32>,
        tpu.vector_store %arg16[%parallel_loop3A_307], %parallel_loop3A_304 {strides = array<i32>} : memref<2720xf32, #tpu.memory_space<vmem>>, vector<16xf32>,
      } {sc.loop_unroll_factor = 8 : i64, sc.parallel_access}
      %parallel_loop3A_182 = arith.constant 0 : i32
      %parallel_loop3A_183 = arith.constant 10 : i32
      %parallel_loop3A_184 = arith.constant 1 : i32
      scf.for %parallel_loop3A_227 = %parallel_loop3A_182 to %parallel_loop3A_183 step %parallel_loop3A_184  : i32 {
        %parallel_loop3A_228 = arith.constant 272 : i32
        %parallel_loop3A_229 = arith.muli %parallel_loop3A_227, %parallel_loop3A_228 : i32
        %parallel_loop3A_230 = vector.broadcast %parallel_loop3A_229 : i32 to vector<16xi32>
        %parallel_loop3A_231 = arith.addi %parallel_loop3A_230, %mul3A_9 : vector<16xi32>
        %parallel_loop3A_232 = arith.constant 0 : i32
        %parallel_loop3A_233 = vector.broadcast %parallel_loop3A_232 : i32 to vector<16xi32>
        %parallel_loop3A_234 = arith.addi %parallel_loop3A_231, %parallel_loop3A_233 : vector<16xi32>
        %parallel_loop3A_235 = tpu.vector_load_idx %arg16[%parallel_loop3A_234] : memref<2720xf32, #tpu.memory_space<vmem>>[vector<16xi32>], vector<16xf32>,
        %parallel_loop3A_236 = vector.broadcast %parallel_loop3A_229 : i32 to vector<16xi32>
        %parallel_loop3A_237 = arith.addi %parallel_loop3A_236, %mul3A_9 : vector<16xi32>
        %parallel_loop3A_238 = arith.constant 0 : i32
        %parallel_loop3A_239 = vector.broadcast %parallel_loop3A_238 : i32 to vector<16xi32>
        %parallel_loop3A_240 = arith.addi %parallel_loop3A_237, %parallel_loop3A_239 : vector<16xi32>
        %parallel_loop3A_241 = arith.constant 1 : i32
        %parallel_loop3A_242 = vector.broadcast %parallel_loop3A_241 : i32 to vector<16xi32>
        %parallel_loop3A_243 = arith.addi %parallel_loop3A_240, %parallel_loop3A_242 : vector<16xi32>
        %parallel_loop3A_244 = tpu.vector_load_idx %arg16[%parallel_loop3A_243] : memref<2720xf32, #tpu.memory_space<vmem>>[vector<16xi32>], vector<16xf32>,
        %parallel_loop3A_245 = arith.addf %parallel_loop3A_235, %parallel_loop3A_244 : vector<16xf32>
        %parallel_loop3A_246 = vector.broadcast %parallel_loop3A_229 : i32 to vector<16xi32>
        %parallel_loop3A_247 = arith.addi %parallel_loop3A_246, %mul3A_9 : vector<16xi32>
        %parallel_loop3A_248 = arith.constant 0 : i32
        %parallel_loop3A_249 = vector.broadcast %parallel_loop3A_248 : i32 to vector<16xi32>
        %parallel_loop3A_250 = arith.addi %parallel_loop3A_247, %parallel_loop3A_249 : vector<16xi32>
        %parallel_loop3A_251 = arith.constant 2 : i32
        %parallel_loop3A_252 = vector.broadcast %parallel_loop3A_251 : i32 to vector<16xi32>
        %parallel_loop3A_253 = arith.addi %parallel_loop3A_250, %parallel_loop3A_252 : vector<16xi32>
        %parallel_loop3A_254 = tpu.vector_load_idx %arg16[%parallel_loop3A_253] : memref<2720xf32, #tpu.memory_space<vmem>>[vector<16xi32>], vector<16xf32>,
        %parallel_loop3A_255 = arith.addf %parallel_loop3A_245, %parallel_loop3A_254 : vector<16xf32>
        %parallel_loop3A_256 = vector.broadcast %parallel_loop3A_229 : i32 to vector<16xi32>
        %parallel_loop3A_257 = arith.addi %parallel_loop3A_256, %mul3A_9 : vector<16xi32>
        %parallel_loop3A_258 = arith.constant 0 : i32
        %parallel_loop3A_259 = vector.broadcast %parallel_loop3A_258 : i32 to vector<16xi32>
        %parallel_loop3A_260 = arith.addi %parallel_loop3A_257, %parallel_loop3A_259 : vector<16xi32>
        %parallel_loop3A_261 = arith.constant 3 : i32
        %parallel_loop3A_262 = vector.broadcast %parallel_loop3A_261 : i32 to vector<16xi32>
        %parallel_loop3A_263 = arith.addi %parallel_loop3A_260, %parallel_loop3A_262 : vector<16xi32>
        %parallel_loop3A_264 = tpu.vector_load_idx %arg16[%parallel_loop3A_263] : memref<2720xf32, #tpu.memory_space<vmem>>[vector<16xi32>], vector<16xf32>,
        %parallel_loop3A_265 = arith.addf %parallel_loop3A_255, %parallel_loop3A_264 : vector<16xf32>
        %parallel_loop3A_266 = vector.broadcast %parallel_loop3A_229 : i32 to vector<16xi32>
        %parallel_loop3A_267 = arith.addi %parallel_loop3A_266, %mul3A_9 : vector<16xi32>
        %parallel_loop3A_268 = arith.constant 4 : i32
        %parallel_loop3A_269 = vector.broadcast %parallel_loop3A_268 : i32 to vector<16xi32>
        %parallel_loop3A_270 = arith.addi %parallel_loop3A_267, %parallel_loop3A_269 : vector<16xi32>
        %parallel_loop3A_271 = tpu.vector_load_idx %arg16[%parallel_loop3A_270] : memref<2720xf32, #tpu.memory_space<vmem>>[vector<16xi32>], vector<16xf32>,
        %parallel_loop3A_272 = vector.broadcast %parallel_loop3A_229 : i32 to vector<16xi32>
        %parallel_loop3A_273 = arith.addi %parallel_loop3A_272, %mul3A_9 : vector<16xi32>
        %parallel_loop3A_274 = arith.constant 4 : i32
        %parallel_loop3A_275 = vector.broadcast %parallel_loop3A_274 : i32 to vector<16xi32>
        %parallel_loop3A_276 = arith.addi %parallel_loop3A_273, %parallel_loop3A_275 : vector<16xi32>
        %parallel_loop3A_277 = arith.constant 1 : i32
        %parallel_loop3A_278 = vector.broadcast %parallel_loop3A_277 : i32 to vector<16xi32>
        %parallel_loop3A_279 = arith.addi %parallel_loop3A_276, %parallel_loop3A_278 : vector<16xi32>
        %parallel_loop3A_280 = tpu.vector_load_idx %arg16[%parallel_loop3A_279] : memref<2720xf32, #tpu.memory_space<vmem>>[vector<16xi32>], vector<16xf32>,
        %parallel_loop3A_281 = arith.addf %parallel_loop3A_271, %parallel_loop3A_280 : vector<16xf32>
        %parallel_loop3A_282 = vector.broadcast %parallel_loop3A_229 : i32 to vector<16xi32>
        %parallel_loop3A_283 = arith.addi %parallel_loop3A_282, %mul3A_9 : vector<16xi32>
        %parallel_loop3A_284 = arith.constant 4 : i32
        %parallel_loop3A_285 = vector.broadcast %parallel_loop3A_284 : i32 to vector<16xi32>
        %parallel_loop3A_286 = arith.addi %parallel_loop3A_283, %parallel_loop3A_285 : vector<16xi32>
        %parallel_loop3A_287 = arith.constant 2 : i32
        %parallel_loop3A_288 = vector.broadcast %parallel_loop3A_287 : i32 to vector<16xi32>
        %parallel_loop3A_289 = arith.addi %parallel_loop3A_286, %parallel_loop3A_288 : vector<16xi32>
        %parallel_loop3A_290 = tpu.vector_load_idx %arg16[%parallel_loop3A_289] : memref<2720xf32, #tpu.memory_space<vmem>>[vector<16xi32>], vector<16xf32>,
        %parallel_loop3A_291 = arith.addf %parallel_loop3A_281, %parallel_loop3A_290 : vector<16xf32>
        %parallel_loop3A_292 = vector.broadcast %parallel_loop3A_229 : i32 to vector<16xi32>
        %parallel_loop3A_293 = arith.addi %parallel_loop3A_292, %mul3A_9 : vector<16xi32>
        %parallel_loop3A_294 = arith.constant 4 : i32
        %parallel_loop3A_295 = vector.broadcast %parallel_loop3A_294 : i32 to vector<16xi32>
        %parallel_loop3A_296 = arith.addi %parallel_loop3A_293, %parallel_loop3A_295 : vector<16xi32>
        %parallel_loop3A_297 = arith.constant 3 : i32
        %parallel_loop3A_298 = vector.broadcast %parallel_loop3A_297 : i32 to vector<16xi32>
        %parallel_loop3A_299 = arith.addi %parallel_loop3A_296, %parallel_loop3A_298 : vector<16xi32>
        %parallel_loop3A_300 = tpu.vector_load_idx %arg16[%parallel_loop3A_299] : memref<2720xf32, #tpu.memory_space<vmem>>[vector<16xi32>], vector<16xf32>,
        %parallel_loop3A_301 = arith.addf %parallel_loop3A_291, %parallel_loop3A_300 : vector<16xf32>
        %parallel_loop3A_302 = vector.broadcast %parallel_loop3A_229 : i32 to vector<16xi32>
        %parallel_loop3A_303 = arith.addi %parallel_loop3A_302, %mul3A_9 : vector<16xi32>
        %parallel_loop3A_304 = arith.constant 8 : i32
        %parallel_loop3A_305 = vector.broadcast %parallel_loop3A_304 : i32 to vector<16xi32>
        %parallel_loop3A_306 = arith.addi %parallel_loop3A_303, %parallel_loop3A_305 : vector<16xi32>
        %parallel_loop3A_307 = tpu.vector_load_idx %arg16[%parallel_loop3A_306] : memref<2720xf32, #tpu.memory_space<vmem>>[vector<16xi32>], vector<16xf32>,
        %parallel_loop3A_308 = vector.broadcast %parallel_loop3A_229 : i32 to vector<16xi32>
        %parallel_loop3A_309 = arith.addi %parallel_loop3A_308, %mul3A_9 : vector<16xi32>
        %parallel_loop3A_310 = arith.constant 8 : i32
        %parallel_loop3A_311 = vector.broadcast %parallel_loop3A_310 : i32 to vector<16xi32>
        %parallel_loop3A_312 = arith.addi %parallel_loop3A_309, %parallel_loop3A_311 : vector<16xi32>
        %parallel_loop3A_313 = arith.constant 1 : i32
        %parallel_loop3A_314 = vector.broadcast %parallel_loop3A_313 : i32 to vector<16xi32>
        %parallel_loop3A_315 = arith.addi %parallel_loop3A_312, %parallel_loop3A_314 : vector<16xi32>
        %parallel_loop3A_316 = tpu.vector_load_idx %arg16[%parallel_loop3A_315] : memref<2720xf32, #tpu.memory_space<vmem>>[vector<16xi32>], vector<16xf32>,
        %parallel_loop3A_317 = arith.addf %parallel_loop3A_307, %parallel_loop3A_316 : vector<16xf32>
        %parallel_loop3A_318 = vector.broadcast %parallel_loop3A_229 : i32 to vector<16xi32>
        %parallel_loop3A_319 = arith.addi %parallel_loop3A_318, %mul3A_9 : vector<16xi32>
        %parallel_loop3A_320 = arith.constant 8 : i32
        %parallel_loop3A_321 = vector.broadcast %parallel_loop3A_320 : i32 to vector<16xi32>
        %parallel_loop3A_322 = arith.addi %parallel_loop3A_319, %parallel_loop3A_321 : vector<16xi32>
        %parallel_loop3A_323 = arith.constant 2 : i32
        %parallel_loop3A_324 = vector.broadcast %parallel_loop3A_323 : i32 to vector<16xi32>
        %parallel_loop3A_325 = arith.addi %parallel_loop3A_322, %parallel_loop3A_324 : vector<16xi32>
        %parallel_loop3A_326 = tpu.vector_load_idx %arg16[%parallel_loop3A_325] : memref<2720xf32, #tpu.memory_space<vmem>>[vector<16xi32>], vector<16xf32>,
        %parallel_loop3A_327 = arith.addf %parallel_loop3A_317, %parallel_loop3A_326 : vector<16xf32>
        %parallel_loop3A_328 = vector.broadcast %parallel_loop3A_229 : i32 to vector<16xi32>
        %parallel_loop3A_329 = arith.addi %parallel_loop3A_328, %mul3A_9 : vector<16xi32>
        %parallel_loop3A_330 = arith.constant 8 : i32
        %parallel_loop3A_331 = vector.broadcast %parallel_loop3A_330 : i32 to vector<16xi32>
        %parallel_loop3A_332 = arith.addi %parallel_loop3A_329, %parallel_loop3A_331 : vector<16xi32>
        %parallel_loop3A_333 = arith.constant 3 : i32
        %parallel_loop3A_334 = vector.broadcast %parallel_loop3A_333 : i32 to vector<16xi32>
        %parallel_loop3A_335 = arith.addi %parallel_loop3A_332, %parallel_loop3A_334 : vector<16xi32>
        %parallel_loop3A_336 = tpu.vector_load_idx %arg16[%parallel_loop3A_335] : memref<2720xf32, #tpu.memory_space<vmem>>[vector<16xi32>], vector<16xf32>,
        %parallel_loop3A_337 = arith.addf %parallel_loop3A_327, %parallel_loop3A_336 : vector<16xf32>
        %parallel_loop3A_338 = vector.broadcast %parallel_loop3A_229 : i32 to vector<16xi32>
        %parallel_loop3A_339 = arith.addi %parallel_loop3A_338, %mul3A_9 : vector<16xi32>
        %parallel_loop3A_340 = arith.constant 12 : i32
        %parallel_loop3A_341 = vector.broadcast %parallel_loop3A_340 : i32 to vector<16xi32>
        %parallel_loop3A_342 = arith.addi %parallel_loop3A_339, %parallel_loop3A_341 : vector<16xi32>
        %parallel_loop3A_343 = tpu.vector_load_idx %arg16[%parallel_loop3A_342] : memref<2720xf32, #tpu.memory_space<vmem>>[vector<16xi32>], vector<16xf32>,
        %parallel_loop3A_344 = vector.broadcast %parallel_loop3A_229 : i32 to vector<16xi32>
        %parallel_loop3A_345 = arith.addi %parallel_loop3A_344, %mul3A_9 : vector<16xi32>
        %parallel_loop3A_346 = arith.constant 12 : i32
        %parallel_loop3A_347 = vector.broadcast %parallel_loop3A_346 : i32 to vector<16xi32>
        %parallel_loop3A_348 = arith.addi %parallel_loop3A_345, %parallel_loop3A_347 : vector<16xi32>
        %parallel_loop3A_349 = arith.constant 1 : i32
        %parallel_loop3A_350 = vector.broadcast %parallel_loop3A_349 : i32 to vector<16xi32>
        %parallel_loop3A_351 = arith.addi %parallel_loop3A_348, %parallel_loop3A_350 : vector<16xi32>
        %parallel_loop3A_352 = tpu.vector_load_idx %arg16[%parallel_loop3A_351] : memref<2720xf32, #tpu.memory_space<vmem>>[vector<16xi32>], vector<16xf32>,
        %parallel_loop3A_353 = arith.addf %parallel_loop3A_343, %parallel_loop3A_352 : vector<16xf32>
        %parallel_loop3A_354 = vector.broadcast %parallel_loop3A_229 : i32 to vector<16xi32>
        %parallel_loop3A_355 = arith.addi %parallel_loop3A_354, %mul3A_9 : vector<16xi32>
        %parallel_loop3A_356 = arith.constant 12 : i32
        %parallel_loop3A_357 = vector.broadcast %parallel_loop3A_356 : i32 to vector<16xi32>
        %parallel_loop3A_358 = arith.addi %parallel_loop3A_355, %parallel_loop3A_357 : vector<16xi32>
        %parallel_loop3A_359 = arith.constant 2 : i32
        %parallel_loop3A_360 = vector.broadcast %parallel_loop3A_359 : i32 to vector<16xi32>
        %parallel_loop3A_361 = arith.addi %parallel_loop3A_358, %parallel_loop3A_360 : vector<16xi32>
        %parallel_loop3A_362 = tpu.vector_load_idx %arg16[%parallel_loop3A_361] : memref<2720xf32, #tpu.memory_space<vmem>>[vector<16xi32>], vector<16xf32>,
        %parallel_loop3A_363 = arith.addf %parallel_loop3A_353, %parallel_loop3A_362 : vector<16xf32>
        %parallel_loop3A_364 = vector.broadcast %parallel_loop3A_229 : i32 to vector<16xi32>
        %parallel_loop3A_365 = arith.addi %parallel_loop3A_364, %mul3A_9 : vector<16xi32>
        %parallel_loop3A_366 = arith.constant 12 : i32
        %parallel_loop3A_367 = vector.broadcast %parallel_loop3A_366 : i32 to vector<16xi32>
        %parallel_loop3A_368 = arith.addi %parallel_loop3A_365, %parallel_loop3A_367 : vector<16xi32>
        %parallel_loop3A_369 = arith.constant 3 : i32
        %parallel_loop3A_370 = vector.broadcast %parallel_loop3A_369 : i32 to vector<16xi32>
        %parallel_loop3A_371 = arith.addi %parallel_loop3A_368, %parallel_loop3A_370 : vector<16xi32>
        %parallel_loop3A_372 = tpu.vector_load_idx %arg16[%parallel_loop3A_371] : memref<2720xf32, #tpu.memory_space<vmem>>[vector<16xi32>], vector<16xf32>,
        %parallel_loop3A_373 = arith.addf %parallel_loop3A_363, %parallel_loop3A_372 : vector<16xf32>
        %parallel_loop3A_374 = arith.addf %parallel_loop3A_265, %parallel_loop3A_301 : vector<16xf32>
        %parallel_loop3A_375 = arith.addf %parallel_loop3A_337, %parallel_loop3A_373 : vector<16xf32>
        %parallel_loop3A_376 = arith.addf %parallel_loop3A_374, %parallel_loop3A_375 : vector<16xf32>
        %parallel_loop3A_377 = arith.constant 0.000000e+00 : f32
        %parallel_loop3A_378 = vector.broadcast %parallel_loop3A_377 : f32 to vector<16xf32>
        %parallel_loop3A_379 = arith.subf %parallel_loop3A_378, %parallel_loop3A_376 : vector<16xf32>
        %parallel_loop3A_380 = math.exp %parallel_loop3A_379 : vector<16xf32>
        %parallel_loop3A_381 = arith.constant 1.000000e+00 : f32
        %parallel_loop3A_382 = vector.broadcast %parallel_loop3A_381 : f32 to vector<16xf32>
        %parallel_loop3A_383 = arith.addf %parallel_loop3A_382, %parallel_loop3A_380 : vector<16xf32>
        %parallel_loop3A_384 = arith.constant 1.000000e+00 : f32
        %parallel_loop3A_385 = vector.broadcast %parallel_loop3A_384 : f32 to vector<16xf32>
        %parallel_loop3A_386 = arith.divf %parallel_loop3A_385, %parallel_loop3A_383 : vector<16xf32>
        %parallel_loop3A_387 = arith.constant 16 : i32
        %parallel_loop3A_388 = arith.muli %parallel_loop3A_227, %parallel_loop3A_387 : i32
        %parallel_loop3A_389 = arith.addi %mul3A_108, %parallel_loop3A_388 : i32
        %parallel_loop3A_390 = arith.index_cast %parallel_loop3A_389 : i32 to index
        %parallel_loop3A_391 = tpu.vector_load %arg17[%parallel_loop3A_390] {strides = array<i32>} : memref<10000xf32, #tpu.memory_space<vmem>>, vector<16xf32>,
        tpu.vector_store %arg17[%parallel_loop3A_390], %parallel_loop3A_386 {strides = array<i32>} : memref<10000xf32, #tpu.memory_space<vmem>>, vector<16xf32>,
      } {sc.loop_unroll_factor = 1 : i64, sc.parallel_access}
      %add3A_185 = arith.constant 320 : i32
      %add3A_186 = arith.addi %mul3A_108, %add3A_185 : i32
      %lt3A = arith.constant 9920 : i32
      %lt3A_187 = arith.cmpi slt, %add3A_186, %lt3A : i32
      %convert_element_type3A = arith.extui %lt3A_187 : i1 to i32
      %cond3A = arith.constant 0 : i32
      %cond3A_188 = arith.cmpi ne, %convert_element_type3A, %cond3A : i32
      scf.if %cond3A_188 {
        %add3A_227 = arith.constant 320 : i32
        %add3A_228 = arith.addi %mul3A_108, %add3A_227 : i32
        %add3A_229 = arith.constant 0 : i32
        %add3A_230 = arith.addi %add3A_228, %add3A_229 : i32
        %add3A_231 = arith.constant 0 : i32
        %add3A_232 = arith.addi %add3A_228, %add3A_231 : i32
        %dma_start3A_233 = arith.constant 0 : i32
        %dma_start3A_234 = arith.constant 0 : i32
        %dma_start3A_235 = tpu.memref_slice %arg11[%dma_start3A_233, %dma_start3A_234] : memref<160x128xbf16, #tpu.memory_space<vmem>> -> memref<80x128xbf16, #tpu.memory_space<vmem>>
        %dma_start3A_236 = tpu.memref_slice %arg8[%add3A_230] : memref<10000xi32, #tpu.memory_space<vmem>> -> memref<80xi32, #tpu.memory_space<vmem>>
        %dma_start3A_237 = arith.constant 0 : i32
        %dma_start3A_238 = arith.constant 0 : i32
        %dma_start3A_239 = tpu.memref_slice %arg18[%dma_start3A_237, %dma_start3A_238] : memref<10000x128xbf16, #tpu.memory_space<vmem_shared>> -> memref<10000x128xbf16, #tpu.memory_space<vmem_shared>>
        tpu.enqueue_indirect_dma source(%dma_start3A_239 : memref<10000x128xbf16, #tpu.memory_space<vmem_shared>>) target(%dma_start3A_235 : memref<80x128xbf16, #tpu.memory_space<vmem>>) offsets(%dma_start3A_236 : memref<80xi32, #tpu.memory_space<vmem>>) semaphore(%arg19 : memref<!tpu.dma_semaphore, #tpu.memory_space<semaphore_mem>>)
        %dma_start3A_240 = arith.constant 0 : i32
        %dma_start3A_241 = arith.constant 0 : i32
        %dma_start3A_242 = tpu.memref_slice %arg13[%dma_start3A_240, %dma_start3A_241] : memref<160x128xbf16, #tpu.memory_space<vmem>> -> memref<80x128xbf16, #tpu.memory_space<vmem>>
        %dma_start3A_243 = tpu.memref_slice %arg9[%add3A_232] : memref<10000xi32, #tpu.memory_space<vmem>> -> memref<80xi32, #tpu.memory_space<vmem>>
        %dma_start3A_244 = arith.constant 0 : i32
        %dma_start3A_245 = arith.constant 0 : i32
        %dma_start3A_246 = tpu.memref_slice %arg18[%dma_start3A_244, %dma_start3A_245] : memref<10000x128xbf16, #tpu.memory_space<vmem_shared>> -> memref<10000x128xbf16, #tpu.memory_space<vmem_shared>>
        tpu.enqueue_indirect_dma source(%dma_start3A_246 : memref<10000x128xbf16, #tpu.memory_space<vmem_shared>>) target(%dma_start3A_242 : memref<80x128xbf16, #tpu.memory_space<vmem>>) offsets(%dma_start3A_243 : memref<80xi32, #tpu.memory_space<vmem>>) semaphore(%arg21 : memref<!tpu.dma_semaphore, #tpu.memory_space<semaphore_mem>>)
        %add3A_247 = arith.constant 80 : i32
        %add3A_248 = arith.addi %add3A_228, %add3A_247 : i32
        %add3A_249 = arith.constant 80 : i32
        %add3A_250 = arith.addi %add3A_228, %add3A_249 : i32
        %dma_start3A_251 = arith.constant 80 : i32
        %dma_start3A_252 = arith.constant 0 : i32
        %dma_start3A_253 = tpu.memref_slice %arg11[%dma_start3A_251, %dma_start3A_252] : memref<160x128xbf16, #tpu.memory_space<vmem>> -> memref<80x128xbf16, #tpu.memory_space<vmem>>
        %dma_start3A_254 = tpu.memref_slice %arg8[%add3A_248] : memref<10000xi32, #tpu.memory_space<vmem>> -> memref<80xi32, #tpu.memory_space<vmem>>
        %dma_start3A_255 = arith.constant 0 : i32
        %dma_start3A_256 = arith.constant 0 : i32
        %dma_start3A_257 = tpu.memref_slice %arg18[%dma_start3A_255, %dma_start3A_256] : memref<10000x128xbf16, #tpu.memory_space<vmem_shared>> -> memref<10000x128xbf16, #tpu.memory_space<vmem_shared>>
        tpu.enqueue_indirect_dma source(%dma_start3A_257 : memref<10000x128xbf16, #tpu.memory_space<vmem_shared>>) target(%dma_start3A_253 : memref<80x128xbf16, #tpu.memory_space<vmem>>) offsets(%dma_start3A_254 : memref<80xi32, #tpu.memory_space<vmem>>) semaphore(%arg19 : memref<!tpu.dma_semaphore, #tpu.memory_space<semaphore_mem>>)
        %dma_start3A_258 = arith.constant 80 : i32
        %dma_start3A_259 = arith.constant 0 : i32
        %dma_start3A_260 = tpu.memref_slice %arg13[%dma_start3A_258, %dma_start3A_259] : memref<160x128xbf16, #tpu.memory_space<vmem>> -> memref<80x128xbf16, #tpu.memory_space<vmem>>
        %dma_start3A_261 = tpu.memref_slice %arg9[%add3A_250] : memref<10000xi32, #tpu.memory_space<vmem>> -> memref<80xi32, #tpu.memory_space<vmem>>
        %dma_start3A_262 = arith.constant 0 : i32
        %dma_start3A_263 = arith.constant 0 : i32
        %dma_start3A_264 = tpu.memref_slice %arg18[%dma_start3A_262, %dma_start3A_263] : memref<10000x128xbf16, #tpu.memory_space<vmem_shared>> -> memref<10000x128xbf16, #tpu.memory_space<vmem_shared>>
        tpu.enqueue_indirect_dma source(%dma_start3A_264 : memref<10000x128xbf16, #tpu.memory_space<vmem_shared>>) target(%dma_start3A_260 : memref<80x128xbf16, #tpu.memory_space<vmem>>) offsets(%dma_start3A_261 : memref<80xi32, #tpu.memory_space<vmem>>) semaphore(%arg21 : memref<!tpu.dma_semaphore, #tpu.memory_space<semaphore_mem>>)
      } else {
      }
      %dma_wait3A_189 = arith.constant 0 : i32
      %dma_wait3A_190 = arith.constant 0 : i32
      %dma_wait3A_191 = tpu.memref_slice %arg12[%dma_wait3A_189, %dma_wait3A_190] : memref<160x128xbf16, #tpu.memory_space<vmem>> -> memref<80x128xbf16, #tpu.memory_space<vmem>>
      %dma_wait3A_192 = arith.constant 0 : i32
      %dma_wait3A_193 = tpu.memref_slice %arg8[%dma_wait3A_192] : memref<10000xi32, #tpu.memory_space<vmem>> -> memref<80xi32, #tpu.memory_space<vmem>>
      %dma_wait3A_194 = arith.constant 0 : i32
      %dma_wait3A_195 = arith.constant 0 : i32
      %dma_wait3A_196 = tpu.memref_slice %arg18[%dma_wait3A_194, %dma_wait3A_195] : memref<10000x128xbf16, #tpu.memory_space<vmem_shared>> -> memref<10000x128xbf16, #tpu.memory_space<vmem_shared>>
      tpu.wait_indirect_dma semaphore(%arg20 : memref<!tpu.dma_semaphore, #tpu.memory_space<semaphore_mem>>) src(%dma_wait3A_196 : memref<10000x128xbf16, #tpu.memory_space<vmem_shared>>) dst(%dma_wait3A_191 : memref<80x128xbf16, #tpu.memory_space<vmem>>)
      %dma_wait3A_197 = arith.constant 0 : i32
      %dma_wait3A_198 = arith.constant 0 : i32
      %dma_wait3A_199 = tpu.memref_slice %arg14[%dma_wait3A_197, %dma_wait3A_198] : memref<160x128xbf16, #tpu.memory_space<vmem>> -> memref<80x128xbf16, #tpu.memory_space<vmem>>
      %dma_wait3A_200 = arith.constant 0 : i32
      %dma_wait3A_201 = tpu.memref_slice %arg8[%dma_wait3A_200] : memref<10000xi32, #tpu.memory_space<vmem>> -> memref<80xi32, #tpu.memory_space<vmem>>
      %dma_wait3A_202 = arith.constant 0 : i32
      %dma_wait3A_203 = arith.constant 0 : i32
      %dma_wait3A_204 = tpu.memref_slice %arg18[%dma_wait3A_202, %dma_wait3A_203] : memref<10000x128xbf16, #tpu.memory_space<vmem_shared>> -> memref<10000x128xbf16, #tpu.memory_space<vmem_shared>>
      tpu.wait_indirect_dma semaphore(%arg22 : memref<!tpu.dma_semaphore, #tpu.memory_space<semaphore_mem>>) src(%dma_wait3A_204 : memref<10000x128xbf16, #tpu.memory_space<vmem_shared>>) dst(%dma_wait3A_199 : memref<80x128xbf16, #tpu.memory_space<vmem>>)
      %dma_wait3A_205 = arith.constant 80 : i32
      %dma_wait3A_206 = arith.constant 0 : i32
      %dma_wait3A_207 = tpu.memref_slice %arg12[%dma_wait3A_205, %dma_wait3A_206] : memref<160x128xbf16, #tpu.memory_space<vmem>> -> memref<80x128xbf16, #tpu.memory_space<vmem>>
      %dma_wait3A_208 = arith.constant 0 : i32
      %dma_wait3A_209 = tpu.memref_slice %arg8[%dma_wait3A_208] : memref<10000xi32, #tpu.memory_space<vmem>> -> memref<80xi32, #tpu.memory_space<vmem>>
      %dma_wait3A_210 = arith.constant 0 : i32
      %dma_wait3A_211 = arith.constant 0 : i32
      %dma_wait3A_212 = tpu.memref_slice %arg18[%dma_wait3A_210, %dma_wait3A_211] : memref<10000x128xbf16, #tpu.memory_space<vmem_shared>> -> memref<10000x128xbf16, #tpu.memory_space<vmem_shared>>
      tpu.wait_indirect_dma semaphore(%arg20 : memref<!tpu.dma_semaphore, #tpu.memory_space<semaphore_mem>>) src(%dma_wait3A_212 : memref<10000x128xbf16, #tpu.memory_space<vmem_shared>>) dst(%dma_wait3A_207 : memref<80x128xbf16, #tpu.memory_space<vmem>>)
      %dma_wait3A_213 = arith.constant 80 : i32
      %dma_wait3A_214 = arith.constant 0 : i32
      %dma_wait3A_215 = tpu.memref_slice %arg14[%dma_wait3A_213, %dma_wait3A_214] : memref<160x128xbf16, #tpu.memory_space<vmem>> -> memref<80x128xbf16, #tpu.memory_space<vmem>>
      %dma_wait3A_216 = arith.constant 0 : i32
      %dma_wait3A_217 = tpu.memref_slice %arg8[%dma_wait3A_216] : memref<10000xi32, #tpu.memory_space<vmem>> -> memref<80xi32, #tpu.memory_space<vmem>>
      %dma_wait3A_218 = arith.constant 0 : i32
      %dma_wait3A_219 = arith.constant 0 : i32
      %dma_wait3A_220 = tpu.memref_slice %arg18[%dma_wait3A_218, %dma_wait3A_219] : memref<10000x128xbf16, #tpu.memory_space<vmem_shared>> -> memref<10000x128xbf16, #tpu.memory_space<vmem_shared>>
      tpu.wait_indirect_dma semaphore(%arg22 : memref<!tpu.dma_semaphore, #tpu.memory_space<semaphore_mem>>) src(%dma_wait3A_220 : memref<10000x128xbf16, #tpu.memory_space<vmem_shared>>) dst(%dma_wait3A_215 : memref<80x128xbf16, #tpu.memory_space<vmem>>)
      %parallel_loop3A_221 = arith.constant 0 : i32
      %parallel_loop3A_222 = arith.constant 160 : i32
      %parallel_loop3A_223 = arith.constant 1 : i32
      scf.for %parallel_loop3A_227 = %parallel_loop3A_221 to %parallel_loop3A_222 step %parallel_loop3A_223  : i32 {
        %parallel_loop3A_228 = arith.constant 0 : i32
        %parallel_loop3A_229 = vector.broadcast %parallel_loop3A_228 : i32 to vector<16xi32>
        %parallel_loop3A_230 = arith.addi %add3A_110, %parallel_loop3A_227 : i32
        %parallel_loop3A_231 = vector.broadcast %parallel_loop3A_230 : i32 to vector<16xi32>
        %parallel_loop3A_232 = arith.addi %parallel_loop3A_229, %parallel_loop3A_231 : vector<16xi32>
        %parallel_loop3A_233 = tpu.vector_load_idx %arg10[%parallel_loop3A_232] : memref<10000xi32, #tpu.memory_space<vmem>>[vector<16xi32>], vector<16xi32>,
        %parallel_loop3A_234 = arith.index_cast %parallel_loop3A_227 : i32 to index
        %parallel_loop3A_235 = arith.constant 0 : index
        %parallel_loop3A_236 = tpu.vector_load %arg12[%parallel_loop3A_234, %parallel_loop3A_235] {strides = array<i32>} : memref<160x128xbf16, #tpu.memory_space<vmem>>, vector<32xbf16>,
        %parallel_loop3A_237 = arith.index_cast %parallel_loop3A_227 : i32 to index
        %parallel_loop3A_238 = arith.constant 0 : index
        %parallel_loop3A_239 = tpu.vector_load %arg14[%parallel_loop3A_237, %parallel_loop3A_238] {strides = array<i32>} : memref<160x128xbf16, #tpu.memory_space<vmem>>, vector<32xbf16>,
        %parallel_loop3A_240 = arith.mulf %parallel_loop3A_236, %parallel_loop3A_239 : vector<32xbf16>
        %parallel_loop3A_241 = tpu.unpack_subelements %parallel_loop3A_240, 0 {pack_format = #tpu.pack_format<interleaved>} : vector<32xbf16> -> vector<16xf32>
        %parallel_loop3A_242 = tpu.unpack_subelements %parallel_loop3A_240, 1 {pack_format = #tpu.pack_format<interleaved>} : vector<32xbf16> -> vector<16xf32>
        %parallel_loop3A_243 = arith.addi %mul3A_15, %parallel_loop3A_233 : vector<16xi32>
        %parallel_loop3A_244 = tpu.vector_load_idx %arg15[%parallel_loop3A_243] : memref<1088xf32, #tpu.memory_space<vmem>>[vector<16xi32>], vector<16xf32>,
        %parallel_loop3A_245 = vector.bitcast %parallel_loop3A_244 : vector<16xf32> to vector<32xbf16>
        %parallel_loop3A_246 = tpu.unpack_subelements %parallel_loop3A_245, 0 {pack_format = #tpu.pack_format<interleaved>} : vector<32xbf16> -> vector<16xf32>
        %parallel_loop3A_247 = tpu.unpack_subelements %parallel_loop3A_245, 1 {pack_format = #tpu.pack_format<interleaved>} : vector<32xbf16> -> vector<16xf32>
        %parallel_loop3A_248 = arith.mulf %parallel_loop3A_241, %parallel_loop3A_246 : vector<16xf32>
        %parallel_loop3A_249 = arith.mulf %parallel_loop3A_242, %parallel_loop3A_247 : vector<16xf32>
        %parallel_loop3A_250 = arith.index_cast %parallel_loop3A_227 : i32 to index
        %parallel_loop3A_251 = arith.constant 32 : index
        %parallel_loop3A_252 = tpu.vector_load %arg12[%parallel_loop3A_250, %parallel_loop3A_251] {strides = array<i32>} : memref<160x128xbf16, #tpu.memory_space<vmem>>, vector<32xbf16>,
        %parallel_loop3A_253 = arith.index_cast %parallel_loop3A_227 : i32 to index
        %parallel_loop3A_254 = arith.constant 32 : index
        %parallel_loop3A_255 = tpu.vector_load %arg14[%parallel_loop3A_253, %parallel_loop3A_254] {strides = array<i32>} : memref<160x128xbf16, #tpu.memory_space<vmem>>, vector<32xbf16>,
        %parallel_loop3A_256 = arith.mulf %parallel_loop3A_252, %parallel_loop3A_255 : vector<32xbf16>
        %parallel_loop3A_257 = tpu.unpack_subelements %parallel_loop3A_256, 0 {pack_format = #tpu.pack_format<interleaved>} : vector<32xbf16> -> vector<16xf32>
        %parallel_loop3A_258 = tpu.unpack_subelements %parallel_loop3A_256, 1 {pack_format = #tpu.pack_format<interleaved>} : vector<32xbf16> -> vector<16xf32>
        %parallel_loop3A_259 = arith.addi %mul3A_21, %parallel_loop3A_233 : vector<16xi32>
        %parallel_loop3A_260 = tpu.vector_load_idx %arg15[%parallel_loop3A_259] : memref<1088xf32, #tpu.memory_space<vmem>>[vector<16xi32>], vector<16xf32>,
        %parallel_loop3A_261 = vector.bitcast %parallel_loop3A_260 : vector<16xf32> to vector<32xbf16>
        %parallel_loop3A_262 = tpu.unpack_subelements %parallel_loop3A_261, 0 {pack_format = #tpu.pack_format<interleaved>} : vector<32xbf16> -> vector<16xf32>
        %parallel_loop3A_263 = tpu.unpack_subelements %parallel_loop3A_261, 1 {pack_format = #tpu.pack_format<interleaved>} : vector<32xbf16> -> vector<16xf32>
        %parallel_loop3A_264 = arith.mulf %parallel_loop3A_257, %parallel_loop3A_262 : vector<16xf32>
        %parallel_loop3A_265 = arith.addf %parallel_loop3A_248, %parallel_loop3A_264 : vector<16xf32>
        %parallel_loop3A_266 = arith.mulf %parallel_loop3A_258, %parallel_loop3A_263 : vector<16xf32>
        %parallel_loop3A_267 = arith.addf %parallel_loop3A_249, %parallel_loop3A_266 : vector<16xf32>
        %parallel_loop3A_268 = arith.index_cast %parallel_loop3A_227 : i32 to index
        %parallel_loop3A_269 = arith.constant 64 : index
        %parallel_loop3A_270 = tpu.vector_load %arg12[%parallel_loop3A_268, %parallel_loop3A_269] {strides = array<i32>} : memref<160x128xbf16, #tpu.memory_space<vmem>>, vector<32xbf16>,
        %parallel_loop3A_271 = arith.index_cast %parallel_loop3A_227 : i32 to index
        %parallel_loop3A_272 = arith.constant 64 : index
        %parallel_loop3A_273 = tpu.vector_load %arg14[%parallel_loop3A_271, %parallel_loop3A_272] {strides = array<i32>} : memref<160x128xbf16, #tpu.memory_space<vmem>>, vector<32xbf16>,
        %parallel_loop3A_274 = arith.mulf %parallel_loop3A_270, %parallel_loop3A_273 : vector<32xbf16>
        %parallel_loop3A_275 = tpu.unpack_subelements %parallel_loop3A_274, 0 {pack_format = #tpu.pack_format<interleaved>} : vector<32xbf16> -> vector<16xf32>
        %parallel_loop3A_276 = tpu.unpack_subelements %parallel_loop3A_274, 1 {pack_format = #tpu.pack_format<interleaved>} : vector<32xbf16> -> vector<16xf32>
        %parallel_loop3A_277 = arith.addi %mul3A_27, %parallel_loop3A_233 : vector<16xi32>
        %parallel_loop3A_278 = tpu.vector_load_idx %arg15[%parallel_loop3A_277] : memref<1088xf32, #tpu.memory_space<vmem>>[vector<16xi32>], vector<16xf32>,
        %parallel_loop3A_279 = vector.bitcast %parallel_loop3A_278 : vector<16xf32> to vector<32xbf16>
        %parallel_loop3A_280 = tpu.unpack_subelements %parallel_loop3A_279, 0 {pack_format = #tpu.pack_format<interleaved>} : vector<32xbf16> -> vector<16xf32>
        %parallel_loop3A_281 = tpu.unpack_subelements %parallel_loop3A_279, 1 {pack_format = #tpu.pack_format<interleaved>} : vector<32xbf16> -> vector<16xf32>
        %parallel_loop3A_282 = arith.mulf %parallel_loop3A_275, %parallel_loop3A_280 : vector<16xf32>
        %parallel_loop3A_283 = arith.addf %parallel_loop3A_265, %parallel_loop3A_282 : vector<16xf32>
        %parallel_loop3A_284 = arith.mulf %parallel_loop3A_276, %parallel_loop3A_281 : vector<16xf32>
        %parallel_loop3A_285 = arith.addf %parallel_loop3A_267, %parallel_loop3A_284 : vector<16xf32>
        %parallel_loop3A_286 = arith.index_cast %parallel_loop3A_227 : i32 to index
        %parallel_loop3A_287 = arith.constant 96 : index
        %parallel_loop3A_288 = tpu.vector_load %arg12[%parallel_loop3A_286, %parallel_loop3A_287] {strides = array<i32>} : memref<160x128xbf16, #tpu.memory_space<vmem>>, vector<32xbf16>,
        %parallel_loop3A_289 = arith.index_cast %parallel_loop3A_227 : i32 to index
        %parallel_loop3A_290 = arith.constant 96 : index
        %parallel_loop3A_291 = tpu.vector_load %arg14[%parallel_loop3A_289, %parallel_loop3A_290] {strides = array<i32>} : memref<160x128xbf16, #tpu.memory_space<vmem>>, vector<32xbf16>,
        %parallel_loop3A_292 = arith.mulf %parallel_loop3A_288, %parallel_loop3A_291 : vector<32xbf16>
        %parallel_loop3A_293 = tpu.unpack_subelements %parallel_loop3A_292, 0 {pack_format = #tpu.pack_format<interleaved>} : vector<32xbf16> -> vector<16xf32>
        %parallel_loop3A_294 = tpu.unpack_subelements %parallel_loop3A_292, 1 {pack_format = #tpu.pack_format<interleaved>} : vector<32xbf16> -> vector<16xf32>
        %parallel_loop3A_295 = arith.addi %mul3A_33, %parallel_loop3A_233 : vector<16xi32>
        %parallel_loop3A_296 = tpu.vector_load_idx %arg15[%parallel_loop3A_295] : memref<1088xf32, #tpu.memory_space<vmem>>[vector<16xi32>], vector<16xf32>,
        %parallel_loop3A_297 = vector.bitcast %parallel_loop3A_296 : vector<16xf32> to vector<32xbf16>
        %parallel_loop3A_298 = tpu.unpack_subelements %parallel_loop3A_297, 0 {pack_format = #tpu.pack_format<interleaved>} : vector<32xbf16> -> vector<16xf32>
        %parallel_loop3A_299 = tpu.unpack_subelements %parallel_loop3A_297, 1 {pack_format = #tpu.pack_format<interleaved>} : vector<32xbf16> -> vector<16xf32>
        %parallel_loop3A_300 = arith.mulf %parallel_loop3A_293, %parallel_loop3A_298 : vector<16xf32>
        %parallel_loop3A_301 = arith.addf %parallel_loop3A_283, %parallel_loop3A_300 : vector<16xf32>
        %parallel_loop3A_302 = arith.mulf %parallel_loop3A_294, %parallel_loop3A_299 : vector<16xf32>
        %parallel_loop3A_303 = arith.addf %parallel_loop3A_285, %parallel_loop3A_302 : vector<16xf32>
        %parallel_loop3A_304 = arith.addf %parallel_loop3A_301, %parallel_loop3A_303 : vector<16xf32>
        %parallel_loop3A_305 = arith.constant 17 : i32
        %parallel_loop3A_306 = arith.muli %parallel_loop3A_227, %parallel_loop3A_305 : i32
        %parallel_loop3A_307 = arith.index_cast %parallel_loop3A_306 : i32 to index
        %parallel_loop3A_308 = tpu.vector_load %arg16[%parallel_loop3A_307] {strides = array<i32>} : memref<2720xf32, #tpu.memory_space<vmem>>, vector<16xf32>,
        tpu.vector_store %arg16[%parallel_loop3A_307], %parallel_loop3A_304 {strides = array<i32>} : memref<2720xf32, #tpu.memory_space<vmem>>, vector<16xf32>,
      } {sc.loop_unroll_factor = 8 : i64, sc.parallel_access}
      %parallel_loop3A_224 = arith.constant 0 : i32
      %parallel_loop3A_225 = arith.constant 10 : i32
      %parallel_loop3A_226 = arith.constant 1 : i32
      scf.for %parallel_loop3A_227 = %parallel_loop3A_224 to %parallel_loop3A_225 step %parallel_loop3A_226  : i32 {
        %parallel_loop3A_228 = arith.constant 272 : i32
        %parallel_loop3A_229 = arith.muli %parallel_loop3A_227, %parallel_loop3A_228 : i32
        %parallel_loop3A_230 = vector.broadcast %parallel_loop3A_229 : i32 to vector<16xi32>
        %parallel_loop3A_231 = arith.addi %parallel_loop3A_230, %mul3A_9 : vector<16xi32>
        %parallel_loop3A_232 = arith.constant 0 : i32
        %parallel_loop3A_233 = vector.broadcast %parallel_loop3A_232 : i32 to vector<16xi32>
        %parallel_loop3A_234 = arith.addi %parallel_loop3A_231, %parallel_loop3A_233 : vector<16xi32>
        %parallel_loop3A_235 = tpu.vector_load_idx %arg16[%parallel_loop3A_234] : memref<2720xf32, #tpu.memory_space<vmem>>[vector<16xi32>], vector<16xf32>,
        %parallel_loop3A_236 = vector.broadcast %parallel_loop3A_229 : i32 to vector<16xi32>
        %parallel_loop3A_237 = arith.addi %parallel_loop3A_236, %mul3A_9 : vector<16xi32>
        %parallel_loop3A_238 = arith.constant 0 : i32
        %parallel_loop3A_239 = vector.broadcast %parallel_loop3A_238 : i32 to vector<16xi32>
        %parallel_loop3A_240 = arith.addi %parallel_loop3A_237, %parallel_loop3A_239 : vector<16xi32>
        %parallel_loop3A_241 = arith.constant 1 : i32
        %parallel_loop3A_242 = vector.broadcast %parallel_loop3A_241 : i32 to vector<16xi32>
        %parallel_loop3A_243 = arith.addi %parallel_loop3A_240, %parallel_loop3A_242 : vector<16xi32>
        %parallel_loop3A_244 = tpu.vector_load_idx %arg16[%parallel_loop3A_243] : memref<2720xf32, #tpu.memory_space<vmem>>[vector<16xi32>], vector<16xf32>,
        %parallel_loop3A_245 = arith.addf %parallel_loop3A_235, %parallel_loop3A_244 : vector<16xf32>
        %parallel_loop3A_246 = vector.broadcast %parallel_loop3A_229 : i32 to vector<16xi32>
        %parallel_loop3A_247 = arith.addi %parallel_loop3A_246, %mul3A_9 : vector<16xi32>
        %parallel_loop3A_248 = arith.constant 0 : i32
        %parallel_loop3A_249 = vector.broadcast %parallel_loop3A_248 : i32 to vector<16xi32>
        %parallel_loop3A_250 = arith.addi %parallel_loop3A_247, %parallel_loop3A_249 : vector<16xi32>
        %parallel_loop3A_251 = arith.constant 2 : i32
        %parallel_loop3A_252 = vector.broadcast %parallel_loop3A_251 : i32 to vector<16xi32>
        %parallel_loop3A_253 = arith.addi %parallel_loop3A_250, %parallel_loop3A_252 : vector<16xi32>
        %parallel_loop3A_254 = tpu.vector_load_idx %arg16[%parallel_loop3A_253] : memref<2720xf32, #tpu.memory_space<vmem>>[vector<16xi32>], vector<16xf32>,
        %parallel_loop3A_255 = arith.addf %parallel_loop3A_245, %parallel_loop3A_254 : vector<16xf32>
        %parallel_loop3A_256 = vector.broadcast %parallel_loop3A_229 : i32 to vector<16xi32>
        %parallel_loop3A_257 = arith.addi %parallel_loop3A_256, %mul3A_9 : vector<16xi32>
        %parallel_loop3A_258 = arith.constant 0 : i32
        %parallel_loop3A_259 = vector.broadcast %parallel_loop3A_258 : i32 to vector<16xi32>
        %parallel_loop3A_260 = arith.addi %parallel_loop3A_257, %parallel_loop3A_259 : vector<16xi32>
        %parallel_loop3A_261 = arith.constant 3 : i32
        %parallel_loop3A_262 = vector.broadcast %parallel_loop3A_261 : i32 to vector<16xi32>
        %parallel_loop3A_263 = arith.addi %parallel_loop3A_260, %parallel_loop3A_262 : vector<16xi32>
        %parallel_loop3A_264 = tpu.vector_load_idx %arg16[%parallel_loop3A_263] : memref<2720xf32, #tpu.memory_space<vmem>>[vector<16xi32>], vector<16xf32>,
        %parallel_loop3A_265 = arith.addf %parallel_loop3A_255, %parallel_loop3A_264 : vector<16xf32>
        %parallel_loop3A_266 = vector.broadcast %parallel_loop3A_229 : i32 to vector<16xi32>
        %parallel_loop3A_267 = arith.addi %parallel_loop3A_266, %mul3A_9 : vector<16xi32>
        %parallel_loop3A_268 = arith.constant 4 : i32
        %parallel_loop3A_269 = vector.broadcast %parallel_loop3A_268 : i32 to vector<16xi32>
        %parallel_loop3A_270 = arith.addi %parallel_loop3A_267, %parallel_loop3A_269 : vector<16xi32>
        %parallel_loop3A_271 = tpu.vector_load_idx %arg16[%parallel_loop3A_270] : memref<2720xf32, #tpu.memory_space<vmem>>[vector<16xi32>], vector<16xf32>,
        %parallel_loop3A_272 = vector.broadcast %parallel_loop3A_229 : i32 to vector<16xi32>
        %parallel_loop3A_273 = arith.addi %parallel_loop3A_272, %mul3A_9 : vector<16xi32>
        %parallel_loop3A_274 = arith.constant 4 : i32
        %parallel_loop3A_275 = vector.broadcast %parallel_loop3A_274 : i32 to vector<16xi32>
        %parallel_loop3A_276 = arith.addi %parallel_loop3A_273, %parallel_loop3A_275 : vector<16xi32>
        %parallel_loop3A_277 = arith.constant 1 : i32
        %parallel_loop3A_278 = vector.broadcast %parallel_loop3A_277 : i32 to vector<16xi32>
        %parallel_loop3A_279 = arith.addi %parallel_loop3A_276, %parallel_loop3A_278 : vector<16xi32>
        %parallel_loop3A_280 = tpu.vector_load_idx %arg16[%parallel_loop3A_279] : memref<2720xf32, #tpu.memory_space<vmem>>[vector<16xi32>], vector<16xf32>,
        %parallel_loop3A_281 = arith.addf %parallel_loop3A_271, %parallel_loop3A_280 : vector<16xf32>
        %parallel_loop3A_282 = vector.broadcast %parallel_loop3A_229 : i32 to vector<16xi32>
        %parallel_loop3A_283 = arith.addi %parallel_loop3A_282, %mul3A_9 : vector<16xi32>
        %parallel_loop3A_284 = arith.constant 4 : i32
        %parallel_loop3A_285 = vector.broadcast %parallel_loop3A_284 : i32 to vector<16xi32>
        %parallel_loop3A_286 = arith.addi %parallel_loop3A_283, %parallel_loop3A_285 : vector<16xi32>
        %parallel_loop3A_287 = arith.constant 2 : i32
        %parallel_loop3A_288 = vector.broadcast %parallel_loop3A_287 : i32 to vector<16xi32>
        %parallel_loop3A_289 = arith.addi %parallel_loop3A_286, %parallel_loop3A_288 : vector<16xi32>
        %parallel_loop3A_290 = tpu.vector_load_idx %arg16[%parallel_loop3A_289] : memref<2720xf32, #tpu.memory_space<vmem>>[vector<16xi32>], vector<16xf32>,
        %parallel_loop3A_291 = arith.addf %parallel_loop3A_281, %parallel_loop3A_290 : vector<16xf32>
        %parallel_loop3A_292 = vector.broadcast %parallel_loop3A_229 : i32 to vector<16xi32>
        %parallel_loop3A_293 = arith.addi %parallel_loop3A_292, %mul3A_9 : vector<16xi32>
        %parallel_loop3A_294 = arith.constant 4 : i32
        %parallel_loop3A_295 = vector.broadcast %parallel_loop3A_294 : i32 to vector<16xi32>
        %parallel_loop3A_296 = arith.addi %parallel_loop3A_293, %parallel_loop3A_295 : vector<16xi32>
        %parallel_loop3A_297 = arith.constant 3 : i32
        %parallel_loop3A_298 = vector.broadcast %parallel_loop3A_297 : i32 to vector<16xi32>
        %parallel_loop3A_299 = arith.addi %parallel_loop3A_296, %parallel_loop3A_298 : vector<16xi32>
        %parallel_loop3A_300 = tpu.vector_load_idx %arg16[%parallel_loop3A_299] : memref<2720xf32, #tpu.memory_space<vmem>>[vector<16xi32>], vector<16xf32>,
        %parallel_loop3A_301 = arith.addf %parallel_loop3A_291, %parallel_loop3A_300 : vector<16xf32>
        %parallel_loop3A_302 = vector.broadcast %parallel_loop3A_229 : i32 to vector<16xi32>
        %parallel_loop3A_303 = arith.addi %parallel_loop3A_302, %mul3A_9 : vector<16xi32>
        %parallel_loop3A_304 = arith.constant 8 : i32
        %parallel_loop3A_305 = vector.broadcast %parallel_loop3A_304 : i32 to vector<16xi32>
        %parallel_loop3A_306 = arith.addi %parallel_loop3A_303, %parallel_loop3A_305 : vector<16xi32>
        %parallel_loop3A_307 = tpu.vector_load_idx %arg16[%parallel_loop3A_306] : memref<2720xf32, #tpu.memory_space<vmem>>[vector<16xi32>], vector<16xf32>,
        %parallel_loop3A_308 = vector.broadcast %parallel_loop3A_229 : i32 to vector<16xi32>
        %parallel_loop3A_309 = arith.addi %parallel_loop3A_308, %mul3A_9 : vector<16xi32>
        %parallel_loop3A_310 = arith.constant 8 : i32
        %parallel_loop3A_311 = vector.broadcast %parallel_loop3A_310 : i32 to vector<16xi32>
        %parallel_loop3A_312 = arith.addi %parallel_loop3A_309, %parallel_loop3A_311 : vector<16xi32>
        %parallel_loop3A_313 = arith.constant 1 : i32
        %parallel_loop3A_314 = vector.broadcast %parallel_loop3A_313 : i32 to vector<16xi32>
        %parallel_loop3A_315 = arith.addi %parallel_loop3A_312, %parallel_loop3A_314 : vector<16xi32>
        %parallel_loop3A_316 = tpu.vector_load_idx %arg16[%parallel_loop3A_315] : memref<2720xf32, #tpu.memory_space<vmem>>[vector<16xi32>], vector<16xf32>,
        %parallel_loop3A_317 = arith.addf %parallel_loop3A_307, %parallel_loop3A_316 : vector<16xf32>
        %parallel_loop3A_318 = vector.broadcast %parallel_loop3A_229 : i32 to vector<16xi32>
        %parallel_loop3A_319 = arith.addi %parallel_loop3A_318, %mul3A_9 : vector<16xi32>
        %parallel_loop3A_320 = arith.constant 8 : i32
        %parallel_loop3A_321 = vector.broadcast %parallel_loop3A_320 : i32 to vector<16xi32>
        %parallel_loop3A_322 = arith.addi %parallel_loop3A_319, %parallel_loop3A_321 : vector<16xi32>
        %parallel_loop3A_323 = arith.constant 2 : i32
        %parallel_loop3A_324 = vector.broadcast %parallel_loop3A_323 : i32 to vector<16xi32>
        %parallel_loop3A_325 = arith.addi %parallel_loop3A_322, %parallel_loop3A_324 : vector<16xi32>
        %parallel_loop3A_326 = tpu.vector_load_idx %arg16[%parallel_loop3A_325] : memref<2720xf32, #tpu.memory_space<vmem>>[vector<16xi32>], vector<16xf32>,
        %parallel_loop3A_327 = arith.addf %parallel_loop3A_317, %parallel_loop3A_326 : vector<16xf32>
        %parallel_loop3A_328 = vector.broadcast %parallel_loop3A_229 : i32 to vector<16xi32>
        %parallel_loop3A_329 = arith.addi %parallel_loop3A_328, %mul3A_9 : vector<16xi32>
        %parallel_loop3A_330 = arith.constant 8 : i32
        %parallel_loop3A_331 = vector.broadcast %parallel_loop3A_330 : i32 to vector<16xi32>
        %parallel_loop3A_332 = arith.addi %parallel_loop3A_329, %parallel_loop3A_331 : vector<16xi32>
        %parallel_loop3A_333 = arith.constant 3 : i32
        %parallel_loop3A_334 = vector.broadcast %parallel_loop3A_333 : i32 to vector<16xi32>
        %parallel_loop3A_335 = arith.addi %parallel_loop3A_332, %parallel_loop3A_334 : vector<16xi32>
        %parallel_loop3A_336 = tpu.vector_load_idx %arg16[%parallel_loop3A_335] : memref<2720xf32, #tpu.memory_space<vmem>>[vector<16xi32>], vector<16xf32>,
        %parallel_loop3A_337 = arith.addf %parallel_loop3A_327, %parallel_loop3A_336 : vector<16xf32>
        %parallel_loop3A_338 = vector.broadcast %parallel_loop3A_229 : i32 to vector<16xi32>
        %parallel_loop3A_339 = arith.addi %parallel_loop3A_338, %mul3A_9 : vector<16xi32>
        %parallel_loop3A_340 = arith.constant 12 : i32
        %parallel_loop3A_341 = vector.broadcast %parallel_loop3A_340 : i32 to vector<16xi32>
        %parallel_loop3A_342 = arith.addi %parallel_loop3A_339, %parallel_loop3A_341 : vector<16xi32>
        %parallel_loop3A_343 = tpu.vector_load_idx %arg16[%parallel_loop3A_342] : memref<2720xf32, #tpu.memory_space<vmem>>[vector<16xi32>], vector<16xf32>,
        %parallel_loop3A_344 = vector.broadcast %parallel_loop3A_229 : i32 to vector<16xi32>
        %parallel_loop3A_345 = arith.addi %parallel_loop3A_344, %mul3A_9 : vector<16xi32>
        %parallel_loop3A_346 = arith.constant 12 : i32
        %parallel_loop3A_347 = vector.broadcast %parallel_loop3A_346 : i32 to vector<16xi32>
        %parallel_loop3A_348 = arith.addi %parallel_loop3A_345, %parallel_loop3A_347 : vector<16xi32>
        %parallel_loop3A_349 = arith.constant 1 : i32
        %parallel_loop3A_350 = vector.broadcast %parallel_loop3A_349 : i32 to vector<16xi32>
        %parallel_loop3A_351 = arith.addi %parallel_loop3A_348, %parallel_loop3A_350 : vector<16xi32>
        %parallel_loop3A_352 = tpu.vector_load_idx %arg16[%parallel_loop3A_351] : memref<2720xf32, #tpu.memory_space<vmem>>[vector<16xi32>], vector<16xf32>,
        %parallel_loop3A_353 = arith.addf %parallel_loop3A_343, %parallel_loop3A_352 : vector<16xf32>
        %parallel_loop3A_354 = vector.broadcast %parallel_loop3A_229 : i32 to vector<16xi32>
        %parallel_loop3A_355 = arith.addi %parallel_loop3A_354, %mul3A_9 : vector<16xi32>
        %parallel_loop3A_356 = arith.constant 12 : i32
        %parallel_loop3A_357 = vector.broadcast %parallel_loop3A_356 : i32 to vector<16xi32>
        %parallel_loop3A_358 = arith.addi %parallel_loop3A_355, %parallel_loop3A_357 : vector<16xi32>
        %parallel_loop3A_359 = arith.constant 2 : i32
        %parallel_loop3A_360 = vector.broadcast %parallel_loop3A_359 : i32 to vector<16xi32>
        %parallel_loop3A_361 = arith.addi %parallel_loop3A_358, %parallel_loop3A_360 : vector<16xi32>
        %parallel_loop3A_362 = tpu.vector_load_idx %arg16[%parallel_loop3A_361] : memref<2720xf32, #tpu.memory_space<vmem>>[vector<16xi32>], vector<16xf32>,
        %parallel_loop3A_363 = arith.addf %parallel_loop3A_353, %parallel_loop3A_362 : vector<16xf32>
        %parallel_loop3A_364 = vector.broadcast %parallel_loop3A_229 : i32 to vector<16xi32>
        %parallel_loop3A_365 = arith.addi %parallel_loop3A_364, %mul3A_9 : vector<16xi32>
        %parallel_loop3A_366 = arith.constant 12 : i32
        %parallel_loop3A_367 = vector.broadcast %parallel_loop3A_366 : i32 to vector<16xi32>
        %parallel_loop3A_368 = arith.addi %parallel_loop3A_365, %parallel_loop3A_367 : vector<16xi32>
        %parallel_loop3A_369 = arith.constant 3 : i32
        %parallel_loop3A_370 = vector.broadcast %parallel_loop3A_369 : i32 to vector<16xi32>
        %parallel_loop3A_371 = arith.addi %parallel_loop3A_368, %parallel_loop3A_370 : vector<16xi32>
        %parallel_loop3A_372 = tpu.vector_load_idx %arg16[%parallel_loop3A_371] : memref<2720xf32, #tpu.memory_space<vmem>>[vector<16xi32>], vector<16xf32>,
        %parallel_loop3A_373 = arith.addf %parallel_loop3A_363, %parallel_loop3A_372 : vector<16xf32>
        %parallel_loop3A_374 = arith.addf %parallel_loop3A_265, %parallel_loop3A_301 : vector<16xf32>
        %parallel_loop3A_375 = arith.addf %parallel_loop3A_337, %parallel_loop3A_373 : vector<16xf32>
        %parallel_loop3A_376 = arith.addf %parallel_loop3A_374, %parallel_loop3A_375 : vector<16xf32>
        %parallel_loop3A_377 = arith.constant 0.000000e+00 : f32
        %parallel_loop3A_378 = vector.broadcast %parallel_loop3A_377 : f32 to vector<16xf32>
        %parallel_loop3A_379 = arith.subf %parallel_loop3A_378, %parallel_loop3A_376 : vector<16xf32>
        %parallel_loop3A_380 = math.exp %parallel_loop3A_379 : vector<16xf32>
        %parallel_loop3A_381 = arith.constant 1.000000e+00 : f32
        %parallel_loop3A_382 = vector.broadcast %parallel_loop3A_381 : f32 to vector<16xf32>
        %parallel_loop3A_383 = arith.addf %parallel_loop3A_382, %parallel_loop3A_380 : vector<16xf32>
        %parallel_loop3A_384 = arith.constant 1.000000e+00 : f32
        %parallel_loop3A_385 = vector.broadcast %parallel_loop3A_384 : f32 to vector<16xf32>
        %parallel_loop3A_386 = arith.divf %parallel_loop3A_385, %parallel_loop3A_383 : vector<16xf32>
        %parallel_loop3A_387 = arith.constant 16 : i32
        %parallel_loop3A_388 = arith.muli %parallel_loop3A_227, %parallel_loop3A_387 : i32
        %parallel_loop3A_389 = arith.addi %add3A_110, %parallel_loop3A_388 : i32
        %parallel_loop3A_390 = arith.index_cast %parallel_loop3A_389 : i32 to index
        %parallel_loop3A_391 = tpu.vector_load %arg17[%parallel_loop3A_390] {strides = array<i32>} : memref<10000xf32, #tpu.memory_space<vmem>>, vector<16xf32>,
        tpu.vector_store %arg17[%parallel_loop3A_390], %parallel_loop3A_386 {strides = array<i32>} : memref<10000xf32, #tpu.memory_space<vmem>>, vector<16xf32>,
      } {sc.loop_unroll_factor = 1 : i64, sc.parallel_access}
    }
    %scan3A_69 = arith.constant 31 : i32
    %dma_start3A_70 = arith.constant 0 : i32
    %dma_start3A_71 = arith.constant 0 : i32
    %dma_start3A_72 = tpu.memref_slice %arg11[%dma_start3A_70, %dma_start3A_71] : memref<160x128xbf16, #tpu.memory_space<vmem>> -> memref<80x128xbf16, #tpu.memory_space<vmem>>
    %dma_start3A_73 = arith.constant 9920 : i32
    %dma_start3A_74 = tpu.memref_slice %arg8[%dma_start3A_73] : memref<10000xi32, #tpu.memory_space<vmem>> -> memref<80xi32, #tpu.memory_space<vmem>>
    %dma_start3A_75 = arith.constant 0 : i32
    %dma_start3A_76 = arith.constant 0 : i32
    %dma_start3A_77 = tpu.memref_slice %arg18[%dma_start3A_75, %dma_start3A_76] : memref<10000x128xbf16, #tpu.memory_space<vmem_shared>> -> memref<10000x128xbf16, #tpu.memory_space<vmem_shared>>
    tpu.enqueue_indirect_dma source(%dma_start3A_77 : memref<10000x128xbf16, #tpu.memory_space<vmem_shared>>) target(%dma_start3A_72 : memref<80x128xbf16, #tpu.memory_space<vmem>>) offsets(%dma_start3A_74 : memref<80xi32, #tpu.memory_space<vmem>>) semaphore(%arg19 : memref<!tpu.dma_semaphore, #tpu.memory_space<semaphore_mem>>)
    %dma_start3A_78 = arith.constant 0 : i32
    %dma_start3A_79 = arith.constant 0 : i32
    %dma_start3A_80 = tpu.memref_slice %arg13[%dma_start3A_78, %dma_start3A_79] : memref<160x128xbf16, #tpu.memory_space<vmem>> -> memref<80x128xbf16, #tpu.memory_space<vmem>>
    %dma_start3A_81 = arith.constant 9920 : i32
    %dma_start3A_82 = tpu.memref_slice %arg9[%dma_start3A_81] : memref<10000xi32, #tpu.memory_space<vmem>> -> memref<80xi32, #tpu.memory_space<vmem>>
    %dma_start3A_83 = arith.constant 0 : i32
    %dma_start3A_84 = arith.constant 0 : i32
    %dma_start3A_85 = tpu.memref_slice %arg18[%dma_start3A_83, %dma_start3A_84] : memref<10000x128xbf16, #tpu.memory_space<vmem_shared>> -> memref<10000x128xbf16, #tpu.memory_space<vmem_shared>>
    tpu.enqueue_indirect_dma source(%dma_start3A_85 : memref<10000x128xbf16, #tpu.memory_space<vmem_shared>>) target(%dma_start3A_80 : memref<80x128xbf16, #tpu.memory_space<vmem>>) offsets(%dma_start3A_82 : memref<80xi32, #tpu.memory_space<vmem>>) semaphore(%arg21 : memref<!tpu.dma_semaphore, #tpu.memory_space<semaphore_mem>>)
    %dma_wait3A = arith.constant 0 : i32
    %dma_wait3A_86 = arith.constant 0 : i32
    %dma_wait3A_87 = tpu.memref_slice %arg11[%dma_wait3A, %dma_wait3A_86] : memref<160x128xbf16, #tpu.memory_space<vmem>> -> memref<80x128xbf16, #tpu.memory_space<vmem>>
    %dma_wait3A_88 = arith.constant 0 : i32
    %dma_wait3A_89 = tpu.memref_slice %arg8[%dma_wait3A_88] : memref<10000xi32, #tpu.memory_space<vmem>> -> memref<80xi32, #tpu.memory_space<vmem>>
    %dma_wait3A_90 = arith.constant 0 : i32
    %dma_wait3A_91 = arith.constant 0 : i32
    %dma_wait3A_92 = tpu.memref_slice %arg18[%dma_wait3A_90, %dma_wait3A_91] : memref<10000x128xbf16, #tpu.memory_space<vmem_shared>> -> memref<10000x128xbf16, #tpu.memory_space<vmem_shared>>
    tpu.wait_indirect_dma semaphore(%arg19 : memref<!tpu.dma_semaphore, #tpu.memory_space<semaphore_mem>>) src(%dma_wait3A_92 : memref<10000x128xbf16, #tpu.memory_space<vmem_shared>>) dst(%dma_wait3A_87 : memref<80x128xbf16, #tpu.memory_space<vmem>>)
    %dma_wait3A_93 = arith.constant 0 : i32
    %dma_wait3A_94 = arith.constant 0 : i32
    %dma_wait3A_95 = tpu.memref_slice %arg13[%dma_wait3A_93, %dma_wait3A_94] : memref<160x128xbf16, #tpu.memory_space<vmem>> -> memref<80x128xbf16, #tpu.memory_space<vmem>>
    %dma_wait3A_96 = arith.constant 0 : i32
    %dma_wait3A_97 = tpu.memref_slice %arg8[%dma_wait3A_96] : memref<10000xi32, #tpu.memory_space<vmem>> -> memref<80xi32, #tpu.memory_space<vmem>>
    %dma_wait3A_98 = arith.constant 0 : i32
    %dma_wait3A_99 = arith.constant 0 : i32
    %dma_wait3A_100 = tpu.memref_slice %arg18[%dma_wait3A_98, %dma_wait3A_99] : memref<10000x128xbf16, #tpu.memory_space<vmem_shared>> -> memref<10000x128xbf16, #tpu.memory_space<vmem_shared>>
    tpu.wait_indirect_dma semaphore(%arg21 : memref<!tpu.dma_semaphore, #tpu.memory_space<semaphore_mem>>) src(%dma_wait3A_100 : memref<10000x128xbf16, #tpu.memory_space<vmem_shared>>) dst(%dma_wait3A_95 : memref<80x128xbf16, #tpu.memory_space<vmem>>)
    %parallel_loop3A = arith.constant 0 : i32
    %parallel_loop3A_101 = arith.constant 80 : i32
    %parallel_loop3A_102 = arith.constant 1 : i32
    scf.for %parallel_loop3A_106 = %parallel_loop3A to %parallel_loop3A_101 step %parallel_loop3A_102  : i32 {
      %parallel_loop3A_107 = arith.constant 0 : i32
      %parallel_loop3A_108 = vector.broadcast %parallel_loop3A_107 : i32 to vector<16xi32>
      %parallel_loop3A_109 = arith.constant 9920 : i32
      %parallel_loop3A_110 = arith.addi %parallel_loop3A_109, %parallel_loop3A_106 : i32
      %parallel_loop3A_111 = vector.broadcast %parallel_loop3A_110 : i32 to vector<16xi32>
      %parallel_loop3A_112 = arith.addi %parallel_loop3A_108, %parallel_loop3A_111 : vector<16xi32>
      %parallel_loop3A_113 = tpu.vector_load_idx %arg10[%parallel_loop3A_112] : memref<10000xi32, #tpu.memory_space<vmem>>[vector<16xi32>], vector<16xi32>,
      %parallel_loop3A_114 = arith.index_cast %parallel_loop3A_106 : i32 to index
      %parallel_loop3A_115 = arith.constant 0 : index
      %parallel_loop3A_116 = tpu.vector_load %arg11[%parallel_loop3A_114, %parallel_loop3A_115] {strides = array<i32>} : memref<160x128xbf16, #tpu.memory_space<vmem>>, vector<32xbf16>,
      %parallel_loop3A_117 = arith.index_cast %parallel_loop3A_106 : i32 to index
      %parallel_loop3A_118 = arith.constant 0 : index
      %parallel_loop3A_119 = tpu.vector_load %arg13[%parallel_loop3A_117, %parallel_loop3A_118] {strides = array<i32>} : memref<160x128xbf16, #tpu.memory_space<vmem>>, vector<32xbf16>,
      %parallel_loop3A_120 = arith.mulf %parallel_loop3A_116, %parallel_loop3A_119 : vector<32xbf16>
      %parallel_loop3A_121 = tpu.unpack_subelements %parallel_loop3A_120, 0 {pack_format = #tpu.pack_format<interleaved>} : vector<32xbf16> -> vector<16xf32>
      %parallel_loop3A_122 = tpu.unpack_subelements %parallel_loop3A_120, 1 {pack_format = #tpu.pack_format<interleaved>} : vector<32xbf16> -> vector<16xf32>
      %parallel_loop3A_123 = arith.addi %mul3A_15, %parallel_loop3A_113 : vector<16xi32>
      %parallel_loop3A_124 = tpu.vector_load_idx %arg15[%parallel_loop3A_123] : memref<1088xf32, #tpu.memory_space<vmem>>[vector<16xi32>], vector<16xf32>,
      %parallel_loop3A_125 = vector.bitcast %parallel_loop3A_124 : vector<16xf32> to vector<32xbf16>
      %parallel_loop3A_126 = tpu.unpack_subelements %parallel_loop3A_125, 0 {pack_format = #tpu.pack_format<interleaved>} : vector<32xbf16> -> vector<16xf32>
      %parallel_loop3A_127 = tpu.unpack_subelements %parallel_loop3A_125, 1 {pack_format = #tpu.pack_format<interleaved>} : vector<32xbf16> -> vector<16xf32>
      %parallel_loop3A_128 = arith.mulf %parallel_loop3A_121, %parallel_loop3A_126 : vector<16xf32>
      %parallel_loop3A_129 = arith.mulf %parallel_loop3A_122, %parallel_loop3A_127 : vector<16xf32>
      %parallel_loop3A_130 = arith.index_cast %parallel_loop3A_106 : i32 to index
      %parallel_loop3A_131 = arith.constant 32 : index
      %parallel_loop3A_132 = tpu.vector_load %arg11[%parallel_loop3A_130, %parallel_loop3A_131] {strides = array<i32>} : memref<160x128xbf16, #tpu.memory_space<vmem>>, vector<32xbf16>,
      %parallel_loop3A_133 = arith.index_cast %parallel_loop3A_106 : i32 to index
      %parallel_loop3A_134 = arith.constant 32 : index
      %parallel_loop3A_135 = tpu.vector_load %arg13[%parallel_loop3A_133, %parallel_loop3A_134] {strides = array<i32>} : memref<160x128xbf16, #tpu.memory_space<vmem>>, vector<32xbf16>,
      %parallel_loop3A_136 = arith.mulf %parallel_loop3A_132, %parallel_loop3A_135 : vector<32xbf16>
      %parallel_loop3A_137 = tpu.unpack_subelements %parallel_loop3A_136, 0 {pack_format = #tpu.pack_format<interleaved>} : vector<32xbf16> -> vector<16xf32>
      %parallel_loop3A_138 = tpu.unpack_subelements %parallel_loop3A_136, 1 {pack_format = #tpu.pack_format<interleaved>} : vector<32xbf16> -> vector<16xf32>
      %parallel_loop3A_139 = arith.addi %mul3A_21, %parallel_loop3A_113 : vector<16xi32>
      %parallel_loop3A_140 = tpu.vector_load_idx %arg15[%parallel_loop3A_139] : memref<1088xf32, #tpu.memory_space<vmem>>[vector<16xi32>], vector<16xf32>,
      %parallel_loop3A_141 = vector.bitcast %parallel_loop3A_140 : vector<16xf32> to vector<32xbf16>
      %parallel_loop3A_142 = tpu.unpack_subelements %parallel_loop3A_141, 0 {pack_format = #tpu.pack_format<interleaved>} : vector<32xbf16> -> vector<16xf32>
      %parallel_loop3A_143 = tpu.unpack_subelements %parallel_loop3A_141, 1 {pack_format = #tpu.pack_format<interleaved>} : vector<32xbf16> -> vector<16xf32>
      %parallel_loop3A_144 = arith.mulf %parallel_loop3A_137, %parallel_loop3A_142 : vector<16xf32>
      %parallel_loop3A_145 = arith.addf %parallel_loop3A_128, %parallel_loop3A_144 : vector<16xf32>
      %parallel_loop3A_146 = arith.mulf %parallel_loop3A_138, %parallel_loop3A_143 : vector<16xf32>
      %parallel_loop3A_147 = arith.addf %parallel_loop3A_129, %parallel_loop3A_146 : vector<16xf32>
      %parallel_loop3A_148 = arith.index_cast %parallel_loop3A_106 : i32 to index
      %parallel_loop3A_149 = arith.constant 64 : index
      %parallel_loop3A_150 = tpu.vector_load %arg11[%parallel_loop3A_148, %parallel_loop3A_149] {strides = array<i32>} : memref<160x128xbf16, #tpu.memory_space<vmem>>, vector<32xbf16>,
      %parallel_loop3A_151 = arith.index_cast %parallel_loop3A_106 : i32 to index
      %parallel_loop3A_152 = arith.constant 64 : index
      %parallel_loop3A_153 = tpu.vector_load %arg13[%parallel_loop3A_151, %parallel_loop3A_152] {strides = array<i32>} : memref<160x128xbf16, #tpu.memory_space<vmem>>, vector<32xbf16>,
      %parallel_loop3A_154 = arith.mulf %parallel_loop3A_150, %parallel_loop3A_153 : vector<32xbf16>
      %parallel_loop3A_155 = tpu.unpack_subelements %parallel_loop3A_154, 0 {pack_format = #tpu.pack_format<interleaved>} : vector<32xbf16> -> vector<16xf32>
      %parallel_loop3A_156 = tpu.unpack_subelements %parallel_loop3A_154, 1 {pack_format = #tpu.pack_format<interleaved>} : vector<32xbf16> -> vector<16xf32>
      %parallel_loop3A_157 = arith.addi %mul3A_27, %parallel_loop3A_113 : vector<16xi32>
      %parallel_loop3A_158 = tpu.vector_load_idx %arg15[%parallel_loop3A_157] : memref<1088xf32, #tpu.memory_space<vmem>>[vector<16xi32>], vector<16xf32>,
      %parallel_loop3A_159 = vector.bitcast %parallel_loop3A_158 : vector<16xf32> to vector<32xbf16>
      %parallel_loop3A_160 = tpu.unpack_subelements %parallel_loop3A_159, 0 {pack_format = #tpu.pack_format<interleaved>} : vector<32xbf16> -> vector<16xf32>
      %parallel_loop3A_161 = tpu.unpack_subelements %parallel_loop3A_159, 1 {pack_format = #tpu.pack_format<interleaved>} : vector<32xbf16> -> vector<16xf32>
      %parallel_loop3A_162 = arith.mulf %parallel_loop3A_155, %parallel_loop3A_160 : vector<16xf32>
      %parallel_loop3A_163 = arith.addf %parallel_loop3A_145, %parallel_loop3A_162 : vector<16xf32>
      %parallel_loop3A_164 = arith.mulf %parallel_loop3A_156, %parallel_loop3A_161 : vector<16xf32>
      %parallel_loop3A_165 = arith.addf %parallel_loop3A_147, %parallel_loop3A_164 : vector<16xf32>
      %parallel_loop3A_166 = arith.index_cast %parallel_loop3A_106 : i32 to index
      %parallel_loop3A_167 = arith.constant 96 : index
      %parallel_loop3A_168 = tpu.vector_load %arg11[%parallel_loop3A_166, %parallel_loop3A_167] {strides = array<i32>} : memref<160x128xbf16, #tpu.memory_space<vmem>>, vector<32xbf16>,
      %parallel_loop3A_169 = arith.index_cast %parallel_loop3A_106 : i32 to index
      %parallel_loop3A_170 = arith.constant 96 : index
      %parallel_loop3A_171 = tpu.vector_load %arg13[%parallel_loop3A_169, %parallel_loop3A_170] {strides = array<i32>} : memref<160x128xbf16, #tpu.memory_space<vmem>>, vector<32xbf16>,
      %parallel_loop3A_172 = arith.mulf %parallel_loop3A_168, %parallel_loop3A_171 : vector<32xbf16>
      %parallel_loop3A_173 = tpu.unpack_subelements %parallel_loop3A_172, 0 {pack_format = #tpu.pack_format<interleaved>} : vector<32xbf16> -> vector<16xf32>
      %parallel_loop3A_174 = tpu.unpack_subelements %parallel_loop3A_172, 1 {pack_format = #tpu.pack_format<interleaved>} : vector<32xbf16> -> vector<16xf32>
      %parallel_loop3A_175 = arith.addi %mul3A_33, %parallel_loop3A_113 : vector<16xi32>
      %parallel_loop3A_176 = tpu.vector_load_idx %arg15[%parallel_loop3A_175] : memref<1088xf32, #tpu.memory_space<vmem>>[vector<16xi32>], vector<16xf32>,
      %parallel_loop3A_177 = vector.bitcast %parallel_loop3A_176 : vector<16xf32> to vector<32xbf16>
      %parallel_loop3A_178 = tpu.unpack_subelements %parallel_loop3A_177, 0 {pack_format = #tpu.pack_format<interleaved>} : vector<32xbf16> -> vector<16xf32>
      %parallel_loop3A_179 = tpu.unpack_subelements %parallel_loop3A_177, 1 {pack_format = #tpu.pack_format<interleaved>} : vector<32xbf16> -> vector<16xf32>
      %parallel_loop3A_180 = arith.mulf %parallel_loop3A_173, %parallel_loop3A_178 : vector<16xf32>
      %parallel_loop3A_181 = arith.addf %parallel_loop3A_163, %parallel_loop3A_180 : vector<16xf32>
      %parallel_loop3A_182 = arith.mulf %parallel_loop3A_174, %parallel_loop3A_179 : vector<16xf32>
      %parallel_loop3A_183 = arith.addf %parallel_loop3A_165, %parallel_loop3A_182 : vector<16xf32>
      %parallel_loop3A_184 = arith.addf %parallel_loop3A_181, %parallel_loop3A_183 : vector<16xf32>
      %parallel_loop3A_185 = arith.constant 17 : i32
      %parallel_loop3A_186 = arith.muli %parallel_loop3A_106, %parallel_loop3A_185 : i32
      %parallel_loop3A_187 = arith.index_cast %parallel_loop3A_186 : i32 to index
      %parallel_loop3A_188 = tpu.vector_load %arg16[%parallel_loop3A_187] {strides = array<i32>} : memref<2720xf32, #tpu.memory_space<vmem>>, vector<16xf32>,
      tpu.vector_store %arg16[%parallel_loop3A_187], %parallel_loop3A_184 {strides = array<i32>} : memref<2720xf32, #tpu.memory_space<vmem>>, vector<16xf32>,
    } {sc.loop_unroll_factor = 8 : i64, sc.parallel_access}
    %parallel_loop3A_103 = arith.constant 0 : i32
    %parallel_loop3A_104 = arith.constant 5 : i32
    %parallel_loop3A_105 = arith.constant 1 : i32
    scf.for %parallel_loop3A_106 = %parallel_loop3A_103 to %parallel_loop3A_104 step %parallel_loop3A_105  : i32 {
      %parallel_loop3A_107 = arith.constant 272 : i32
      %parallel_loop3A_108 = arith.muli %parallel_loop3A_106, %parallel_loop3A_107 : i32
      %parallel_loop3A_109 = vector.broadcast %parallel_loop3A_108 : i32 to vector<16xi32>
      %parallel_loop3A_110 = arith.addi %parallel_loop3A_109, %mul3A_9 : vector<16xi32>
      %parallel_loop3A_111 = arith.constant 0 : i32
      %parallel_loop3A_112 = vector.broadcast %parallel_loop3A_111 : i32 to vector<16xi32>
      %parallel_loop3A_113 = arith.addi %parallel_loop3A_110, %parallel_loop3A_112 : vector<16xi32>
      %parallel_loop3A_114 = tpu.vector_load_idx %arg16[%parallel_loop3A_113] : memref<2720xf32, #tpu.memory_space<vmem>>[vector<16xi32>], vector<16xf32>,
      %parallel_loop3A_115 = vector.broadcast %parallel_loop3A_108 : i32 to vector<16xi32>
      %parallel_loop3A_116 = arith.addi %parallel_loop3A_115, %mul3A_9 : vector<16xi32>
      %parallel_loop3A_117 = arith.constant 0 : i32
      %parallel_loop3A_118 = vector.broadcast %parallel_loop3A_117 : i32 to vector<16xi32>
      %parallel_loop3A_119 = arith.addi %parallel_loop3A_116, %parallel_loop3A_118 : vector<16xi32>
      %parallel_loop3A_120 = arith.constant 1 : i32
      %parallel_loop3A_121 = vector.broadcast %parallel_loop3A_120 : i32 to vector<16xi32>
      %parallel_loop3A_122 = arith.addi %parallel_loop3A_119, %parallel_loop3A_121 : vector<16xi32>
      %parallel_loop3A_123 = tpu.vector_load_idx %arg16[%parallel_loop3A_122] : memref<2720xf32, #tpu.memory_space<vmem>>[vector<16xi32>], vector<16xf32>,
      %parallel_loop3A_124 = arith.addf %parallel_loop3A_114, %parallel_loop3A_123 : vector<16xf32>
      %parallel_loop3A_125 = vector.broadcast %parallel_loop3A_108 : i32 to vector<16xi32>
      %parallel_loop3A_126 = arith.addi %parallel_loop3A_125, %mul3A_9 : vector<16xi32>
      %parallel_loop3A_127 = arith.constant 0 : i32
      %parallel_loop3A_128 = vector.broadcast %parallel_loop3A_127 : i32 to vector<16xi32>
      %parallel_loop3A_129 = arith.addi %parallel_loop3A_126, %parallel_loop3A_128 : vector<16xi32>
      %parallel_loop3A_130 = arith.constant 2 : i32
      %parallel_loop3A_131 = vector.broadcast %parallel_loop3A_130 : i32 to vector<16xi32>
      %parallel_loop3A_132 = arith.addi %parallel_loop3A_129, %parallel_loop3A_131 : vector<16xi32>
      %parallel_loop3A_133 = tpu.vector_load_idx %arg16[%parallel_loop3A_132] : memref<2720xf32, #tpu.memory_space<vmem>>[vector<16xi32>], vector<16xf32>,
      %parallel_loop3A_134 = arith.addf %parallel_loop3A_124, %parallel_loop3A_133 : vector<16xf32>
      %parallel_loop3A_135 = vector.broadcast %parallel_loop3A_108 : i32 to vector<16xi32>
      %parallel_loop3A_136 = arith.addi %parallel_loop3A_135, %mul3A_9 : vector<16xi32>
      %parallel_loop3A_137 = arith.constant 0 : i32
      %parallel_loop3A_138 = vector.broadcast %parallel_loop3A_137 : i32 to vector<16xi32>
      %parallel_loop3A_139 = arith.addi %parallel_loop3A_136, %parallel_loop3A_138 : vector<16xi32>
      %parallel_loop3A_140 = arith.constant 3 : i32
      %parallel_loop3A_141 = vector.broadcast %parallel_loop3A_140 : i32 to vector<16xi32>
      %parallel_loop3A_142 = arith.addi %parallel_loop3A_139, %parallel_loop3A_141 : vector<16xi32>
      %parallel_loop3A_143 = tpu.vector_load_idx %arg16[%parallel_loop3A_142] : memref<2720xf32, #tpu.memory_space<vmem>>[vector<16xi32>], vector<16xf32>,
      %parallel_loop3A_144 = arith.addf %parallel_loop3A_134, %parallel_loop3A_143 : vector<16xf32>
      %parallel_loop3A_145 = vector.broadcast %parallel_loop3A_108 : i32 to vector<16xi32>
      %parallel_loop3A_146 = arith.addi %parallel_loop3A_145, %mul3A_9 : vector<16xi32>
      %parallel_loop3A_147 = arith.constant 4 : i32
      %parallel_loop3A_148 = vector.broadcast %parallel_loop3A_147 : i32 to vector<16xi32>
      %parallel_loop3A_149 = arith.addi %parallel_loop3A_146, %parallel_loop3A_148 : vector<16xi32>
      %parallel_loop3A_150 = tpu.vector_load_idx %arg16[%parallel_loop3A_149] : memref<2720xf32, #tpu.memory_space<vmem>>[vector<16xi32>], vector<16xf32>,
      %parallel_loop3A_151 = vector.broadcast %parallel_loop3A_108 : i32 to vector<16xi32>
      %parallel_loop3A_152 = arith.addi %parallel_loop3A_151, %mul3A_9 : vector<16xi32>
      %parallel_loop3A_153 = arith.constant 4 : i32
      %parallel_loop3A_154 = vector.broadcast %parallel_loop3A_153 : i32 to vector<16xi32>
      %parallel_loop3A_155 = arith.addi %parallel_loop3A_152, %parallel_loop3A_154 : vector<16xi32>
      %parallel_loop3A_156 = arith.constant 1 : i32
      %parallel_loop3A_157 = vector.broadcast %parallel_loop3A_156 : i32 to vector<16xi32>
      %parallel_loop3A_158 = arith.addi %parallel_loop3A_155, %parallel_loop3A_157 : vector<16xi32>
      %parallel_loop3A_159 = tpu.vector_load_idx %arg16[%parallel_loop3A_158] : memref<2720xf32, #tpu.memory_space<vmem>>[vector<16xi32>], vector<16xf32>,
      %parallel_loop3A_160 = arith.addf %parallel_loop3A_150, %parallel_loop3A_159 : vector<16xf32>
      %parallel_loop3A_161 = vector.broadcast %parallel_loop3A_108 : i32 to vector<16xi32>
      %parallel_loop3A_162 = arith.addi %parallel_loop3A_161, %mul3A_9 : vector<16xi32>
      %parallel_loop3A_163 = arith.constant 4 : i32
      %parallel_loop3A_164 = vector.broadcast %parallel_loop3A_163 : i32 to vector<16xi32>
      %parallel_loop3A_165 = arith.addi %parallel_loop3A_162, %parallel_loop3A_164 : vector<16xi32>
      %parallel_loop3A_166 = arith.constant 2 : i32
      %parallel_loop3A_167 = vector.broadcast %parallel_loop3A_166 : i32 to vector<16xi32>
      %parallel_loop3A_168 = arith.addi %parallel_loop3A_165, %parallel_loop3A_167 : vector<16xi32>
      %parallel_loop3A_169 = tpu.vector_load_idx %arg16[%parallel_loop3A_168] : memref<2720xf32, #tpu.memory_space<vmem>>[vector<16xi32>], vector<16xf32>,
      %parallel_loop3A_170 = arith.addf %parallel_loop3A_160, %parallel_loop3A_169 : vector<16xf32>
      %parallel_loop3A_171 = vector.broadcast %parallel_loop3A_108 : i32 to vector<16xi32>
      %parallel_loop3A_172 = arith.addi %parallel_loop3A_171, %mul3A_9 : vector<16xi32>
      %parallel_loop3A_173 = arith.constant 4 : i32
      %parallel_loop3A_174 = vector.broadcast %parallel_loop3A_173 : i32 to vector<16xi32>
      %parallel_loop3A_175 = arith.addi %parallel_loop3A_172, %parallel_loop3A_174 : vector<16xi32>
      %parallel_loop3A_176 = arith.constant 3 : i32
      %parallel_loop3A_177 = vector.broadcast %parallel_loop3A_176 : i32 to vector<16xi32>
      %parallel_loop3A_178 = arith.addi %parallel_loop3A_175, %parallel_loop3A_177 : vector<16xi32>
      %parallel_loop3A_179 = tpu.vector_load_idx %arg16[%parallel_loop3A_178] : memref<2720xf32, #tpu.memory_space<vmem>>[vector<16xi32>], vector<16xf32>,
      %parallel_loop3A_180 = arith.addf %parallel_loop3A_170, %parallel_loop3A_179 : vector<16xf32>
      %parallel_loop3A_181 = vector.broadcast %parallel_loop3A_108 : i32 to vector<16xi32>
      %parallel_loop3A_182 = arith.addi %parallel_loop3A_181, %mul3A_9 : vector<16xi32>
      %parallel_loop3A_183 = arith.constant 8 : i32
      %parallel_loop3A_184 = vector.broadcast %parallel_loop3A_183 : i32 to vector<16xi32>
      %parallel_loop3A_185 = arith.addi %parallel_loop3A_182, %parallel_loop3A_184 : vector<16xi32>
      %parallel_loop3A_186 = tpu.vector_load_idx %arg16[%parallel_loop3A_185] : memref<2720xf32, #tpu.memory_space<vmem>>[vector<16xi32>], vector<16xf32>,
      %parallel_loop3A_187 = vector.broadcast %parallel_loop3A_108 : i32 to vector<16xi32>
      %parallel_loop3A_188 = arith.addi %parallel_loop3A_187, %mul3A_9 : vector<16xi32>
      %parallel_loop3A_189 = arith.constant 8 : i32
      %parallel_loop3A_190 = vector.broadcast %parallel_loop3A_189 : i32 to vector<16xi32>
      %parallel_loop3A_191 = arith.addi %parallel_loop3A_188, %parallel_loop3A_190 : vector<16xi32>
      %parallel_loop3A_192 = arith.constant 1 : i32
      %parallel_loop3A_193 = vector.broadcast %parallel_loop3A_192 : i32 to vector<16xi32>
      %parallel_loop3A_194 = arith.addi %parallel_loop3A_191, %parallel_loop3A_193 : vector<16xi32>
      %parallel_loop3A_195 = tpu.vector_load_idx %arg16[%parallel_loop3A_194] : memref<2720xf32, #tpu.memory_space<vmem>>[vector<16xi32>], vector<16xf32>,
      %parallel_loop3A_196 = arith.addf %parallel_loop3A_186, %parallel_loop3A_195 : vector<16xf32>
      %parallel_loop3A_197 = vector.broadcast %parallel_loop3A_108 : i32 to vector<16xi32>
      %parallel_loop3A_198 = arith.addi %parallel_loop3A_197, %mul3A_9 : vector<16xi32>
      %parallel_loop3A_199 = arith.constant 8 : i32
      %parallel_loop3A_200 = vector.broadcast %parallel_loop3A_199 : i32 to vector<16xi32>
      %parallel_loop3A_201 = arith.addi %parallel_loop3A_198, %parallel_loop3A_200 : vector<16xi32>
      %parallel_loop3A_202 = arith.constant 2 : i32
      %parallel_loop3A_203 = vector.broadcast %parallel_loop3A_202 : i32 to vector<16xi32>
      %parallel_loop3A_204 = arith.addi %parallel_loop3A_201, %parallel_loop3A_203 : vector<16xi32>
      %parallel_loop3A_205 = tpu.vector_load_idx %arg16[%parallel_loop3A_204] : memref<2720xf32, #tpu.memory_space<vmem>>[vector<16xi32>], vector<16xf32>,
      %parallel_loop3A_206 = arith.addf %parallel_loop3A_196, %parallel_loop3A_205 : vector<16xf32>
      %parallel_loop3A_207 = vector.broadcast %parallel_loop3A_108 : i32 to vector<16xi32>
      %parallel_loop3A_208 = arith.addi %parallel_loop3A_207, %mul3A_9 : vector<16xi32>
      %parallel_loop3A_209 = arith.constant 8 : i32
      %parallel_loop3A_210 = vector.broadcast %parallel_loop3A_209 : i32 to vector<16xi32>
      %parallel_loop3A_211 = arith.addi %parallel_loop3A_208, %parallel_loop3A_210 : vector<16xi32>
      %parallel_loop3A_212 = arith.constant 3 : i32
      %parallel_loop3A_213 = vector.broadcast %parallel_loop3A_212 : i32 to vector<16xi32>
      %parallel_loop3A_214 = arith.addi %parallel_loop3A_211, %parallel_loop3A_213 : vector<16xi32>
      %parallel_loop3A_215 = tpu.vector_load_idx %arg16[%parallel_loop3A_214] : memref<2720xf32, #tpu.memory_space<vmem>>[vector<16xi32>], vector<16xf32>,
      %parallel_loop3A_216 = arith.addf %parallel_loop3A_206, %parallel_loop3A_215 : vector<16xf32>
      %parallel_loop3A_217 = vector.broadcast %parallel_loop3A_108 : i32 to vector<16xi32>
      %parallel_loop3A_218 = arith.addi %parallel_loop3A_217, %mul3A_9 : vector<16xi32>
      %parallel_loop3A_219 = arith.constant 12 : i32
      %parallel_loop3A_220 = vector.broadcast %parallel_loop3A_219 : i32 to vector<16xi32>
      %parallel_loop3A_221 = arith.addi %parallel_loop3A_218, %parallel_loop3A_220 : vector<16xi32>
      %parallel_loop3A_222 = tpu.vector_load_idx %arg16[%parallel_loop3A_221] : memref<2720xf32, #tpu.memory_space<vmem>>[vector<16xi32>], vector<16xf32>,
      %parallel_loop3A_223 = vector.broadcast %parallel_loop3A_108 : i32 to vector<16xi32>
      %parallel_loop3A_224 = arith.addi %parallel_loop3A_223, %mul3A_9 : vector<16xi32>
      %parallel_loop3A_225 = arith.constant 12 : i32
      %parallel_loop3A_226 = vector.broadcast %parallel_loop3A_225 : i32 to vector<16xi32>
      %parallel_loop3A_227 = arith.addi %parallel_loop3A_224, %parallel_loop3A_226 : vector<16xi32>
      %parallel_loop3A_228 = arith.constant 1 : i32
      %parallel_loop3A_229 = vector.broadcast %parallel_loop3A_228 : i32 to vector<16xi32>
      %parallel_loop3A_230 = arith.addi %parallel_loop3A_227, %parallel_loop3A_229 : vector<16xi32>
      %parallel_loop3A_231 = tpu.vector_load_idx %arg16[%parallel_loop3A_230] : memref<2720xf32, #tpu.memory_space<vmem>>[vector<16xi32>], vector<16xf32>,
      %parallel_loop3A_232 = arith.addf %parallel_loop3A_222, %parallel_loop3A_231 : vector<16xf32>
      %parallel_loop3A_233 = vector.broadcast %parallel_loop3A_108 : i32 to vector<16xi32>
      %parallel_loop3A_234 = arith.addi %parallel_loop3A_233, %mul3A_9 : vector<16xi32>
      %parallel_loop3A_235 = arith.constant 12 : i32
      %parallel_loop3A_236 = vector.broadcast %parallel_loop3A_235 : i32 to vector<16xi32>
      %parallel_loop3A_237 = arith.addi %parallel_loop3A_234, %parallel_loop3A_236 : vector<16xi32>
      %parallel_loop3A_238 = arith.constant 2 : i32
      %parallel_loop3A_239 = vector.broadcast %parallel_loop3A_238 : i32 to vector<16xi32>
      %parallel_loop3A_240 = arith.addi %parallel_loop3A_237, %parallel_loop3A_239 : vector<16xi32>
      %parallel_loop3A_241 = tpu.vector_load_idx %arg16[%parallel_loop3A_240] : memref<2720xf32, #tpu.memory_space<vmem>>[vector<16xi32>], vector<16xf32>,
      %parallel_loop3A_242 = arith.addf %parallel_loop3A_232, %parallel_loop3A_241 : vector<16xf32>
      %parallel_loop3A_243 = vector.broadcast %parallel_loop3A_108 : i32 to vector<16xi32>
      %parallel_loop3A_244 = arith.addi %parallel_loop3A_243, %mul3A_9 : vector<16xi32>
      %parallel_loop3A_245 = arith.constant 12 : i32
      %parallel_loop3A_246 = vector.broadcast %parallel_loop3A_245 : i32 to vector<16xi32>
      %parallel_loop3A_247 = arith.addi %parallel_loop3A_244, %parallel_loop3A_246 : vector<16xi32>
      %parallel_loop3A_248 = arith.constant 3 : i32
      %parallel_loop3A_249 = vector.broadcast %parallel_loop3A_248 : i32 to vector<16xi32>
      %parallel_loop3A_250 = arith.addi %parallel_loop3A_247, %parallel_loop3A_249 : vector<16xi32>
      %parallel_loop3A_251 = tpu.vector_load_idx %arg16[%parallel_loop3A_250] : memref<2720xf32, #tpu.memory_space<vmem>>[vector<16xi32>], vector<16xf32>,
      %parallel_loop3A_252 = arith.addf %parallel_loop3A_242, %parallel_loop3A_251 : vector<16xf32>
      %parallel_loop3A_253 = arith.addf %parallel_loop3A_144, %parallel_loop3A_180 : vector<16xf32>
      %parallel_loop3A_254 = arith.addf %parallel_loop3A_216, %parallel_loop3A_252 : vector<16xf32>
      %parallel_loop3A_255 = arith.addf %parallel_loop3A_253, %parallel_loop3A_254 : vector<16xf32>
      %parallel_loop3A_256 = arith.constant 0.000000e+00 : f32
      %parallel_loop3A_257 = vector.broadcast %parallel_loop3A_256 : f32 to vector<16xf32>
      %parallel_loop3A_258 = arith.subf %parallel_loop3A_257, %parallel_loop3A_255 : vector<16xf32>
      %parallel_loop3A_259 = math.exp %parallel_loop3A_258 : vector<16xf32>
      %parallel_loop3A_260 = arith.constant 1.000000e+00 : f32
      %parallel_loop3A_261 = vector.broadcast %parallel_loop3A_260 : f32 to vector<16xf32>
      %parallel_loop3A_262 = arith.addf %parallel_loop3A_261, %parallel_loop3A_259 : vector<16xf32>
      %parallel_loop3A_263 = arith.constant 1.000000e+00 : f32
      %parallel_loop3A_264 = vector.broadcast %parallel_loop3A_263 : f32 to vector<16xf32>
      %parallel_loop3A_265 = arith.divf %parallel_loop3A_264, %parallel_loop3A_262 : vector<16xf32>
      %parallel_loop3A_266 = arith.constant 16 : i32
      %parallel_loop3A_267 = arith.muli %parallel_loop3A_106, %parallel_loop3A_266 : i32
      %parallel_loop3A_268 = arith.constant 9920 : i32
      %parallel_loop3A_269 = arith.addi %parallel_loop3A_268, %parallel_loop3A_267 : i32
      %parallel_loop3A_270 = arith.index_cast %parallel_loop3A_269 : i32 to index
      %parallel_loop3A_271 = tpu.vector_load %arg17[%parallel_loop3A_270] {strides = array<i32>} : memref<10000xf32, #tpu.memory_space<vmem>>, vector<16xf32>,
      tpu.vector_store %arg17[%parallel_loop3A_270], %parallel_loop3A_265 {strides = array<i32>} : memref<10000xf32, #tpu.memory_space<vmem>>, vector<16xf32>,
    } {sc.loop_unroll_factor = 1 : i64, sc.parallel_access}
    "tpu.region"() ({
      %run_scoped3A = tpu.sem_alloc : memref<!tpu.dma_semaphore, #tpu.memory_space<semaphore_mem>>
      %dma_start3A_106 = tpu.memref_slice %arg7[%mul3A_2] : memref<320000xf32, #tpu.memory_space<hbm>> -> memref<10000xf32, #tpu.memory_space<hbm>>
      %dma_start3A_107 = tpu.memref_slice %arg7[%mul3A_2] : memref<320000xf32, #tpu.memory_space<hbm>> -> memref<10000xf32, #tpu.memory_space<hbm>>
      tpu.enqueue_dma source(%arg17 : memref<10000xf32, #tpu.memory_space<vmem>>) target(%dma_start3A_107 : memref<10000xf32, #tpu.memory_space<hbm>>) target_semaphore(%run_scoped3A : memref<!tpu.dma_semaphore, #tpu.memory_space<semaphore_mem>>)
      %dma_wait3A_108 = tpu.memref_slice %arg7[%mul3A_2] : memref<320000xf32, #tpu.memory_space<hbm>> -> memref<10000xf32, #tpu.memory_space<hbm>>
      %dma_wait3A_109 = tpu.memref_slice %arg7[%mul3A_2] : memref<320000xf32, #tpu.memory_space<hbm>> -> memref<10000xf32, #tpu.memory_space<hbm>>
      tpu.wait_dma2 semaphore(%run_scoped3A : memref<!tpu.dma_semaphore, #tpu.memory_space<semaphore_mem>>) src(%arg17 : memref<10000xf32, #tpu.memory_space<vmem>>) dst(%dma_wait3A_109 : memref<10000xf32, #tpu.memory_space<hbm>>)
      tpu.yield
    }) : () -> ()
    return
  }
}

</mosaic_0001>

<sc_bundles>
// kernel: kernel.3.cloned.1.call-start
scs
__scs_entry_jumppad:
0x0: {  	(pc) =	sbr.rel $0x88, $3  }
0x1: {  	(tag) =	ssettag $0x0;
	lr =	simm.s32 $0x1  }
0x2: {  	[smem:$0x3F9D] =	sst lr;
	_ =	strace $0xD0000000  }
0x3: {  	_ = 	snop  }
0x4: {  	_ = 	snop  }
0x5: {  	_ = 	snop  }
0x6: {  	_ = 	snop  }
0x7: {  	_ = 	snop  }
__scs_overlays_trampoline_lowered:
0x8: {  	[smem:$0x3FAC] =	sst s0  }
0x9: {  	[smem:$0x3FAD] =	sst s1  }
0xa: {  	[smem:$0x3FAE] =	sst s2  }
0xb: {  	[smem:$0x3FAF] =	sst s3  }
0xc: {  	[smem:$0x3FB0] =	sst s4  }
0xd: {  	[smem:$0x3FB1] =	sst s5  }
0xe: {  	[smem:$0x3FB2] =	sst s6  }
0xf: {  	[smem:$0x3FB3] =	sst s7  }
0x10: {  	[smem:$0x3FB4] =	sst s8  }
0x11: {  	[smem:$0x3FB5] =	sst s9;
	s0 =	simm.s32 @!p0 $0x0  }
0x12: {  	s1 =	sld [smem:$0x3F9B];
	s0 =	simm.s32 @p0 $0x1  }
0x13: {  	[smem:$0x3FB6] =	sst s0;
	s0 =	simm.s32 @!p1 $0x0  }
0x14: {  	s2 =	sld [smem:$0x3F9A];
	s0 =	simm.s32 @p1 $0x1  }
0x15: {  	[smem:$0x3FB7] =	sst s0;
	s0 =	simm.s32 @!p2 $0x0  }
0x16: {  	s3 =	sld [smem:$0x3FDB];
	s0 =	simm.s32 @p2 $0x1  }
0x17: {  	s4 =	simm.s32 $0x1BF5;
	[smem:$0x3FB9] =	sst s0  }
0x18: {  	s0 =	sld [smem:$0x3F9C];
	_ =	swait.ge [sflag:s4], $0x0  }
0x19: {  	s7 =	sld [smem:$0x3F9D]  }
0x1a: {  	s8 =	sadd.s32 $0xFFFFE003, lr  }
0x1b: {  	s9 =	sadd.s32 $0xFFFFFEF7, lr;
	s5 =	simm.s32 $0xFFFFFFFF;
	p2 =	slt.u32 s8, $0xFFFFF086  }
0x1c: {  	p1 =	slt.u32 s9, $0xF7A;
	s5 =	simm.s32 @!p2 $0x0  }
0x1d: {  	s5 =	simm.s32 @p1 $0x1;
	p0 =	seq.s32 s7, s2  }
0x1e: {  	s7 =	smul.u32 @!p0 $0xF7A, s2;
	p2 =	seq.s32 @!p0 s5, $0x0  }
0x1f: {  	s9 =	smul.u32 $0xF7A, s1;
	s8 =	simm.s32 @!p0 $0x1BF5;
	p2 =	por !p2, p0  }
0x20: {  	[sflag:s8] =	ssyncset.s32 @!p0 $0xFFFFF086;
	s6 =	sadd.s32 @!p0 s3, s7;
	s7 =	simm.s32 @!p0 $0x108  }
0x21: {  	s3 =	sadd.s32 s3, s9;
	s6 =	sadd.s32 @!p0 $0x88, s6;
	s7 =	simm.s32 @p2 $0x1082  }
0x22: {  	[simem:s7], [sflag:s8] =	dma.local @!p0 [hbm:s6], $0xF7A  }
0x23: {  	s9 =	sor.u32 $0xD0000000, s2;
	s6 =	simm.s32 $0x108;
	_ =	swait.ge @!p0 [sflag:s8], $0x0  }
0x24: {  	s3 =	sadd.s32 $0x88, s3;
	s6 =	simm.s32 @!p1 $0x1082;
	[sflag:s4] =	ssyncset.s32 $0xFFFFF086  }
0x25: {  	[simem:s6], [sflag:s4] =	dma.local [hbm:s3], $0xF7A  }
0x26: {  	[smem:$0x3F9D] =	sst s1;
	(tag) =	ssettag s2;
	_ =	strace s9  }
0x27: {  	s1 =	sld [smem:$0x3FAD]  }
0x28: {  	s2 =	sld [smem:$0x3FAE]  }
0x29: {  	s4 =	sld [smem:$0x3FB0]  }
0x2a: {  	p0 =	seq.s32 s5, $0x0;
	s5 =	sld [smem:$0x3FB1]  }
0x2b: {  	s6 =	sld [smem:$0x3FB2]  }
0x2c: {  	s7 =	sld [smem:$0x3FB3]  }
0x2d: {  	s3 =	simm.s32 $0x108;
	s8 =	sld [smem:$0x3FB4]  }
0x2e: {  	s3 =	simm.s32 @!p0 $0x1082;
	s9 =	sld [smem:$0x3FB5]  }
0x2f: {  	lr =	sadd.s32 s0, s3;
	s0 =	sld [smem:$0x3FAC]  }
0x30: {  	s3 =	sld [smem:$0x3FAF]  }
0x31: {  	[smem:$0x3FB8] =	sst s10  }
0x32: {  	s10 =	sld [smem:$0x3FB6];
	_ =	sdelay $0x3  }
0x33: {  	p0 =	seq.s32 s10, $0x1;
	s10 =	sld [smem:$0x3FB8];
	_ =	sdelay $0x3  }
0x34: {  	[smem:$0x3FB8] =	sst s10  }
0x35: {  	s10 =	sld [smem:$0x3FB7];
	_ =	sdelay $0x3  }
0x36: {  	p1 =	seq.s32 s10, $0x1;
	s10 =	sld [smem:$0x3FB8];
	_ =	sdelay $0x3  }
0x37: {  	[smem:$0x3FB8] =	sst s10  }
0x38: {  	s10 =	sld [smem:$0x3FB9]  }
0x39: {  	_ = 	snop;
	(pc) =	sbr.ind lr, $3  }
0x3a: {  	_ = 	snop  }
0x3b: {  	_ = 	snop  }
0x3c: {  	p2 =	seq.s32 s10, $0x1;
	s10 =	sld [smem:$0x3FB8]  }
0x3d: {  	_ =	shalt  }
0x3e: {  	_ =	shalt  }
0x3f: {  	_ =	shalt  }
0x40: {  	_ =	shalt  }
0x41: {  	_ =	shalt  }
0x42: {  	_ =	shalt  }
0x43: {  	_ =	shalt  }
0x44: {  	_ =	shalt  }
0x45: {  	_ =	shalt  }
0x46: {  	_ =	shalt  }
0x47: {  	_ =	shalt  }
0x48: {  	_ =	shalt  }
0x49: {  	_ =	shalt  }
0x4a: {  	_ =	shalt  }
0x4b: {  	_ =	shalt  }
0x4c: {  	_ =	shalt  }
0x4d: {  	_ =	shalt  }
0x4e: {  	_ =	shalt  }
0x4f: {  	_ =	shalt  }
0x50: {  	_ =	shalt  }
0x51: {  	_ =	shalt  }
0x52: {  	_ =	shalt  }
0x53: {  	_ =	shalt  }
0x54: {  	_ =	shalt  }
0x55: {  	_ =	shalt  }
0x56: {  	_ =	shalt  }
0x57: {  	_ =	shalt  }
0x58: {  	_ =	shalt  }
0x59: {  	_ =	shalt  }
0x5a: {  	_ =	shalt  }
0x5b: {  	_ =	shalt  }
0x5c: {  	_ =	shalt  }
0x5d: {  	_ =	shalt  }
0x5e: {  	_ =	shalt  }
0x5f: {  	_ =	shalt  }
0x60: {  	_ =	shalt  }
0x61: {  	_ =	shalt  }
0x62: {  	_ =	shalt  }
0x63: {  	_ =	shalt  }
0x64: {  	_ =	shalt  }
0x65: {  	_ =	shalt  }
0x66: {  	_ =	shalt  }
0x67: {  	_ =	shalt  }
0x68: {  	_ =	shalt  }
0x69: {  	_ =	shalt  }
0x6a: {  	_ =	shalt  }
0x6b: {  	_ =	shalt  }
0x6c: {  	_ =	shalt  }
0x6d: {  	_ =	shalt  }
0x6e: {  	_ =	shalt  }
0x6f: {  	_ =	shalt  }
0x70: {  	_ =	shalt  }
0x71: {  	_ =	shalt  }
0x72: {  	_ =	shalt  }
0x73: {  	_ =	shalt  }
0x74: {  	_ =	shalt  }
0x75: {  	_ =	shalt  }
0x76: {  	_ =	shalt  }
0x77: {  	_ =	shalt  }
0x78: {  	_ =	shalt  }
0x79: {  	_ =	shalt  }
0x7a: {  	_ =	shalt  }
0x7b: {  	_ =	shalt  }
0x7c: {  	_ =	shalt  }
0x7d: {  	_ =	shalt  }
0x7e: {  	_ =	shalt  }
0x7f: {  	_ =	shalt  }
0x80: {  	_ =	shalt  }
0x81: {  	_ =	shalt  }
0x82: {  	_ =	shalt  }
0x83: {  	_ =	shalt  }
0x84: {  	_ =	shalt  }
0x85: {  	_ =	shalt  }
0x86: {  	_ =	shalt  }
0x87: {  	_ =	shalt  }
.Lfunc_end0:
.L_simem_size_0:
called_computation_lowered:
.L_overlay_start_0:
0x88: {  	s2 =	sld [smem:$0x3FD9]  }
0x89: {  	s3 =	sld [smem:$0x3FFE];
	_ =	sdelay $0x1  }
0x8a: {  	s1 =	srdreg.scid  }
0x8b: {  	s0 =	sand.u32 $0x1, s1  }
0x8c: {  	s17 =	sshll.u32 s0, $0xA;
	s2 =	sadd.s32 s3, s2  }
0x8d: {  	s2 =	sadd.s32 s2, s17  }
0x8e: {  	[smem:$0x3FC4] =	sst s2  }
0x8f: {  	_ = 	snop  }
0x90: {  	s2 =	sld [smem:$0x3FC7]  }
0x91: {  	s18 =	sld [smem:$0x3FD0];
	(tm) =	ssettm $0x1  }
0x92: {  	s4 =	sld [smem:$0x3FFB];
	_ =	sdelay $0x3  }
0x93: {  	_ =	strace s4  }
0x94: {  	s4 =	sld [smem:$0x3FFC];
	_ =	sdelay $0x3  }
0x95: {  	_ =	strace s4  }
0x96: {  	s4 =	sld [smem:$0x3FFD];
	_ =	sdelay $0x3  }
0x97: {  	_ =	strace s4  }
0x98: {  	_ =	strace $0x8FFFFFFF  }
0x99: {  	s19 =	sld [smem:$0x3FDB];
	_ =	sdelay $0x1  }
0x9a: {  	s5 =	simm.s32 $_scs_section_size  }
0x9b: {  	s6 =	simm.s32 $_size__tile_overlayer_lowered;
	s7 =	simm.s32 $_tile_overlayer_lowered  }
0x9c: {  	s22 =	simm.s32 $0x1BFF;
	s21 =	sshll.u32 s7, $0x1;
	s4 =	sadd.s32 s5, s19  }
0x9d: {  	s8 =	simm.s32 $0x0;
	s20 =	sshll.u32 s6, $0x1;
	s6 =	sadd.s32 s21, s4  }
0x9e: {  	[timem:s8], [sflag:s22] =	dma.local [hbm:s6], s20  }
0x9f: {  	_ =	swait.ge [sflag:s22], s20  }
0xa0: {  	s5 =	ssub.s32 $0x0, s20;
	[sflag:s22] =	ssyncset.done $0x0  }
0xa1: {  	[sflag:s22] =	ssyncadd.s32 s5;
	_ =	sdelay $0x1  }
0xa2: {  	s23 =	simm.s32 $0x1B8B  }
0xa3: {  	_ =	swait.ge [sflag:s23], $0x1  }
0xa4: {  	[sflag:s23] =	ssyncset.done $0x0  }
0xa5: {  	s25 =	simm.s32 $0x1B8E;
	s24 =	sld [smem:$0x3FFE];
	[sflag:s23] =	ssyncadd.s32 $0xFFFFFFFF  }
0xa6: {  	s26 =	simm.s32 $execute0_lowered;
	[smem:$0x3FD2] =	sst s25  }
0xa7: {  	s6 =	sshll.u32 s26, $0x1;
	_ =	strace $0x80000046;
	[dreg:$0x1] =	wrdreg $0xFFFFFFFF  }
0xa8: {  	s28 =	simm.s32 $_size_execute0_lowered;
	s4 =	sadd.s32 s4, s6;
	[dreg:$0x0] =	wrdreg $0x0  }
0xa9: {  	s6 =	sshll.u32 s28, $0x1;
	[dreg:$0x2] =	wrdreg s4  }
0xaa: {  	[dreg:$0x3] =	wrdreg s6  }
0xab: {  	[dreg:$0x4] =	wrdreg $0xC0  }
0xac: {  	_ =	task [dreg:s8], $0x5FFFF  }
0xad: {  	[dreg:$0x1] =	wrdreg $0xFFFFFFFF  }
0xae: {  	[dreg:$0x0] =	wrdreg $0x60  }
0xaf: {  	[dreg:$0x2] =	wrdreg s24  }
0xb0: {  	[dreg:$0x3] =	wrdreg s2  }
0xb1: {  	[dreg:$0x4] =	wrdreg s18  }
0xb2: {  	[dreg:$0x5] =	wrdreg $0x14B200  }
0xb3: {  	[dreg:$0x6] =	wrdreg $0x9  }
0xb4: {  	_ =	task.clear_ibuf [dreg:s8], $0x7FFFF;
	_ =	strace $0x90000046  }
0xb5: {  	s29 =	simm.s32 $0x9;
	_ =	strace $0x80000048  }
0xb6: {  	_ =	swait.ge [sflag:s29], $0x1  }
0xb7: {  	[sflag:s29] =	ssyncadd.s32 $0xFFFFFFFF  }
0xb8: {  	_ =	strace $0x90000048  }
0xb9: {  	_ =	sfence  }
0xba: {  	s30 =	sld [smem:$0x0];
	_ =	sdelay $0x2  }
0xbb: {  	s31 =	sshll.u32 s1, $0xD;
	s1 =	sshrl.u32 s1, $0x2  }
0xbc: {  	s3 =	sand.u32 $0x4000, s31;
	s1 =	sadd.s32 s1, s30  }
0xbd: {  	s0 =	sor.u32 s3, s0;
	s1 =	sshll.u32 s1, $0x11  }
0xbe: {  	s0 =	sor.u32 s1, s0  }
0xbf: {  	s0 =	sadd.s32 $0x8F2B, s0  }
0xc0: {  	[sflag:s0] =	ssyncadd.remote.s32 $0x1  }
0xc1: {  	_ =	sfence.sel $0xFFFF  }
0xc2: {  	[dreg:$0x0] =	wrdreg $0xFFFFFFFF;
	(pc) =	sbr.abs _section_cstart, $3  }
0xc3: {  	[dreg:$0x1] =	wrdreg $0xFFFFFFFF  }
0xc4: {  	_ =	task.clear_ibuf [dreg:s8], $0x2FFFF;
	_ =	strace $0x9FFFFFFF  }
0xc5: {  	(tm) =	ssettm $0x7FFFFFFF  }
tec
execute0_lowered:
.L_overlay_start_1:
0x0: {  	(tag) =	ssettag $0x1  }
0x1: {  	s9 =	rddreg [dreg:$0x0]  }
0x2: {  	s0 =	rddreg [dreg:$0x1]  }
0x3: {  	s1 =	rddreg [dreg:$0x2]  }
0x4: {  	s3 =	rddreg [dreg:$0x3];
	s4 =	simm.s32 $0x0;
	s10 =	stileid.u32  }
0x5: {  	s2 =	srdreg.scid;
	s11 =	simm.s32 $0x11530;
	s13 =	simm.s32 $0x4E20  }
0x6: {  	s14 =	simm.s32 $0x50;
	s28 =	simm.s32 $0x1;
	s29 =	simm.s32 $0x3  }
0x7: {  	v0 =	vlaneseq.u32;
	v56 =	vimm.s32 $0x0;
	vm0 =	vcmask $0x300;
	s30 =	simm.s32 $0x11970;
	s31 =	simm.s32 $0x2;
	s20 =	simm.s32 $0x0  }
0x8: {  	v4 =	vimm.s32 $0x7654321;
	s5 =	smul.u32 $0x13880, s10;
	s2 =	sand.u32 $0x1, s2;
	[smem:$0x7FF] =	sst s4;
	v61 =	vmul.u32 $0x11, v0;
	v34 =	vsel vm0, $0x3, v56  }
0x9: {  	v7 =	vimm.s32 $0x10765432;
	s6 =	sshll.u32 s10, $0x1;
	s22 =	sshll.u32 s10, $0x6;
	_ =	strace $0x80000047;
	[tilespmem:$0x1FF40] =	vst v34  }
0xa: {  	v59 =	vimm.s32 $0x21076543;
	v57 =	vunpack.c.l.s4.s8 v4;
	s6 =	sor.u32 s2, s6;
	s2 =	ssub.s32 $0x2, s2;
	s7 =	sshrl.u32 s5, $0x4;
	v62 =	vadd.s32 $0x110, v61;
	[tilespmem:$0x1FFF0] =	vst v61  }
0xb: {  	v60 =	vimm.s32 $0x32107654;
	v58 =	vunpack.c.l.s4.s8 v7;
	s6 =	smul.u32 $0x4E2, s6;
	s8 =	sshrl.u32 s2, $0x1;
	v46 =	vadd.s32 $0x220, v61;
	s7 =	sadd.s32 s7, s9;
	[tilespmem:$0x1FF50] =	vst v62  }
0xc: {  	v8 =	vunpack.c.l.s4.s8 v59;
	s5 =	sshrl.u32 s5, $0x1;
	v43 =	vadd.s32 $0x330, v61;
	v27 =	vunpack.c.0.s8.s32 v57;
	s2 =	ssub.s32 s2, s8;
	[tilespmem:$0x1FF60] =	vst v46;
	s7 =	sadd.s32 $0x200, s7  }
0xd: {  	v9 =	vimm.s32 $0x43210765;
	v10 =	vunpack.c.l.s4.s8 v60;
	v32 =	vunpack.c.0.s8.s32 v58;
	s5 =	sadd.s32 s5, s3;
	[tilespmem:$0x1FF70] =	vst v43;
	s0 =	sadd.s32 s0, s6;
	[dreg:$0x5] =	wrdreg s7  }
0xe: {  	v63 =	vimm.s32 $0x54321076;
	v12 =	vunpack.c.l.s4.s8 v9;
	v33 =	vunpack.c.0.s8.s32 v8;
	s8 =	simm.s32 $0xC530;
	s25 =	sadd.s32 s1, s6;
	[tilespmem:$0x1FF80] =	vst v27;
	[dreg:$0x9] =	wrdreg s0  }
0xf: {  	v11 =	vimm.s32 $0x65432107;
	v13 =	vunpack.c.l.s4.s8 v63;
	v54 =	vunpack.c.0.s8.s32 v10;
	s9 =	sadd.s32 s6, s9;
	s26 =	smax.u32 s2, $0x1;
	[tilespmem:$0x1FF90] =	vst v32;
	[dreg:$0xa] =	wrdreg s25  }
0x10: {  	v14 =	vunpack.c.l.s4.s8 v11;
	v35 =	vunpack.c.0.s8.s32 v12;
	s21 =	sshrl.u32 s5, $0x3;
	[tilespmem:$0x1FFA0] =	vst v33;
	s7 =	sor.u32 $0x1C05, s22;
	[dreg:$0xb] =	wrdreg s26  }
0x11: {  	v36 =	vunpack.c.0.s8.s32 v13;
	[tilespmem:$0x1FFB0] =	vst v54;
	s23 =	sadd.s32 $0x1DA00, s9;
	s24 =	sadd.s32 $0x13C00, s9;
	[dreg:$0x6] =	wrdreg s7  }
0x12: {  	v37 =	vunpack.c.0.s8.s32 v14;
	[tilespmem:$0x1FFC0] =	vst v35;
	s22 =	simm.s32 $0x9D30;
	s25 =	simm.s32 $0xB130;
	[dreg:$0x7] =	wrdreg s23  }
0x13: {  	[tilespmem:$0x1FFD0] =	vst v36;
	s26 =	simm.s32 $0x10130;
	s0 =	simm.s32 $0x4;
	[dreg:$0x8] =	wrdreg s24  }
0x14: {  	[tilespmem:$0x1FFE0] =	vst v37;
	s7 =	simm.s32 $0x7530;
	s23 =	simm.s32 $0xED30;
	s24 =	simm.s32 $0x5  }
.LBB2_1:
0x15: {  	s1 =	rddreg [dreg:$0x5]  }
0x16: {  	s2 =	rddreg [dreg:$0x6]  }
0x17: {  	[spmem:s21], [sflag:s2] =	dma.local [hbm:s1], $0x1388  }
0x18: {  	_ =	swait.ge [sflag:s24], $0x1388  }
0x19: {  	[sflag:s24] =	ssyncset.done $0x0  }
0x1a: {  	[sflag:s24] =	ssyncadd.s32 $0xFFFFEC78  }
0x1b: {  	s9 =	rddreg [dreg:$0x0]  }
0x1c: {  	[tilespmem:s11], [sflag:$0x5] =	stream.linear.gather [hbm4b:s9+s4], $0x440, $0x38;
	[tilespmem:$0x1E760] =	vst v63  }
0x1d: {  	_ =	swait.ge [sflag:s24], $0x440  }
0x1e: {  	[sflag:s24] =	ssyncset.done $0x0  }
0x1f: {  	s10 =	rddreg [dreg:$0x7];
	[sflag:s24] =	ssyncadd.s32 $0xFFFFFBC0  }
0x20: {  	[tilespmem:s4], [sflag:$0x5] =	stream.linear.gather [hbm4b:s10+s4], $0x2710, $0x38;
	[tilespmem:$0x1E760] =	vst v63  }
0x21: {  	_ =	swait.ge [sflag:s24], $0x2710  }
0x22: {  	[sflag:s24] =	ssyncset.done $0x0  }
0x23: {  	s15 =	simm.s32 $0x2710;
	s12 =	rddreg [dreg:$0x8];
	[sflag:s24] =	ssyncadd.s32 $0xFFFFD8F0  }
0x24: {  	[tilespmem:s15], [sflag:$0x5] =	stream.linear.gather [hbm4b:s12+s4], $0x2710, $0x38;
	[tilespmem:$0x1E760] =	vst v63  }
0x25: {  	_ =	swait.ge [sflag:s24], $0x2710  }
0x26: {  	[sflag:s24] =	ssyncset.done $0x0  }
0x27: {  	s16 =	rddreg [dreg:$0x9];
	[sflag:s24] =	ssyncadd.s32 $0xFFFFD8F0  }
0x28: {  	[tilespmem:s13], [sflag:$0x5] =	stream.linear.gather [hbm4b:s16+s4], $0x2710, $0x38;
	[tilespmem:$0x1E760] =	vst v63  }
0x29: {  	_ =	swait.ge [sflag:s24], $0x2710  }
0x2a: {  	[sflag:s24] =	ssyncset.done $0x0  }
0x2b: {  	[sflag:s24] =	ssyncadd.s32 $0xFFFFD8F0  }
0x2c: {  	[bflag:$0x0] =	sbarrier.arrive $0xFFFF  }
0x2d: {  	[tilespmem:s7], [sflag:$0x1] =	stream.indirect.gather [spmem:s3], $0x40, s4, s14, $0xb8;
	[tilespmem:$0x1E760] =	vst v63  }
0x2e: {  	_ = 	snop  }
0x2f: {  	[tilespmem:s8], [sflag:$0x3] =	stream.indirect.gather [spmem:s3], $0x40, s15, s14, $0xb8;
	[tilespmem:$0x1E760] =	vst v63  }
0x30: {  	s17 =	simm.s32 $0x8930  }
0x31: {  	[tilespmem:s17], [sflag:$0x1] =	stream.indirect.gather [spmem:s3], $0x40, s14, s14, $0xb8;
	[tilespmem:$0x1E760] =	vst v63  }
0x32: {  	s18 =	simm.s32 $0x2760;
	s19 =	simm.s32 $0xD930;
	s2 =	simm.s32 $0x124B0  }
0x33: {  	[tilespmem:s19], [sflag:$0x3] =	stream.indirect.gather [spmem:s3], $0x40, s18, s14, $0xb8;
	[tilespmem:$0x1E760] =	vst v63  }
0x34: {  	s1 =	simm.s32 $0x0;
	s18 =	simm.s32 $0x12410;
	s19 =	simm.s32 $0x0  }
.LBB2_2:
0x35: {  	s12 =	smul.u32 $0x140, s1;
	_ =	sdelay $0x1  }
0x36: {  	s5 =	sadd.s32 $0xA0, s12  }
0x37: {  	[tilespmem:s22], [sflag:$0x2] =	stream.indirect.gather [spmem:s3], $0x40, s5, s14, $0xb8;
	[tilespmem:$0x1E760] =	vst v63  }
0x38: {  	s17 =	sadd.s32 $0x27B0, s12  }
0x39: {  	[tilespmem:s23], [sflag:$0x4] =	stream.indirect.gather [spmem:s3], $0x40, s17, s14, $0xb8;
	[tilespmem:$0x1E760] =	vst v63  }
0x3a: {  	s6 =	sadd.s32 $0xF0, s12  }
0x3b: {  	[tilespmem:s25], [sflag:$0x2] =	stream.indirect.gather [spmem:s3], $0x40, s6, s14, $0xb8;
	[tilespmem:$0x1E760] =	vst v63  }
0x3c: {  	s7 =	sadd.s32 $0x2800, s12  }
0x3d: {  	[tilespmem:s26], [sflag:$0x4] =	stream.indirect.gather [spmem:s3], $0x40, s7, s14, $0xb8;
	[tilespmem:$0x1E760] =	vst v63  }
0x3e: {  	s5 =	sadd.s32 $0xFFFFFFF8, s19;
	_ =	swait.ge [sflag:s28], $0x1400  }
0x3f: {  	s6 =	sadd.s32 $0xF, s5;
	[sflag:s28] =	ssyncset.done $0x0  }
0x40: {  	v0 =	vmov s6;
	[sflag:s28] =	ssyncadd.s32 $0xFFFFEC00  }
0x41: {  	v0 =	vshrl.u32 v0, $0x3;
	_ =	swait.ge [sflag:s29], $0x1400  }
0x42: {  	v0 =	vshll.u32 v0, v34;
	[sflag:s29] =	ssyncset.done $0x0  }
0x43: {  	v0 =	vadd.s32 $0x7, v0;
	[sflag:s29] =	ssyncadd.s32 $0xFFFFEC00  }
0x44: {  	v0 =	vbroadcast v0, $0x0;
	_ =	swait.ge [sflag:s28], $0x1400  }
0x45: {  	[sflag:s28] =	ssyncset.done $0x0  }
0x46: {  	[sflag:s28] =	ssyncadd.s32 $0xFFFFEC00  }
0x47: {  	_ =	swait.ge [sflag:s29], $0x1400  }
0x48: {  	s8 =	sadd.s32 $0x9, s5;
	s10 =	sadd.s32 $0xC, s5;
	[sflag:s29] =	ssyncset.done $0x0  }
0x49: {  	v13 =	vmov s8;
	s8 =	sadd.s32 $0xD, s5;
	v16 =	vmov s10;
	s7 =	sadd.s32 $0xA, s5;
	[sflag:s29] =	ssyncadd.s32 $0xFFFFEC00  }
0x4a: {  	s16 =	simm.s32 $0x7630;
	v17 =	vmov s8;
	v13 =	vshrl.u32 v13, $0x3;
	v14 =	vmov s7;
	v0 =	vld.idx.msk [tilespmem:v0+s13+$0x0], $0xffff  }
0x4b: {  	s17 =	simm.s32 $0xC630;
	v16 =	vshrl.u32 v16, $0x3;
	v13 =	vshll.u32 v13, v34;
	v14 =	vshrl.u32 v14, $0x3;
	v21 =	vld [tilespmem:s16+$0xF0]  }
0x4c: {  	v17 =	vshrl.u32 v17, $0x3;
	v13 =	vadd.s32 $0x1, v13;
	v14 =	vshll.u32 v14, v34;
	v22 =	vld [tilespmem:s17+$0xF0]  }
0x4d: {  	v16 =	vshll.u32 v16, v34;
	v13 =	vbroadcast v13, $0x0;
	v14 =	vadd.s32 $0x2, v14;
	v23 =	vld [tilespmem:s16+$0xE0]  }
0x4e: {  	v16 =	vadd.s32 $0x4, v16;
	v30 =	vbroadcast v14, $0x0;
	v14 =	vshll.u32 v17, v34;
	v24 =	vld [tilespmem:s17+$0xE0]  }
0x4f: {  	v16 =	vbroadcast v16, $0x0;
	v14 =	vadd.s32 $0x5, v14;
	v25 =	vld [tilespmem:s16+$0xC0]  }
0x50: {  	v33 =	vbroadcast v14, $0x0;
	v27 =	vld [tilespmem:s17+$0xC0]  }
0x51: {  	s15 =	sadd.s32 $0xE, s5;
	v28 =	vld [tilespmem:s16+$0xD0]  }
0x52: {  	s9 =	sadd.s32 $0xB, s5;
	v18 =	vmov s15;
	s5 =	sadd.s32 $0x8, s5;
	v31 =	vld [tilespmem:s17+$0xD0]  }
0x53: {  	v18 =	vshrl.u32 v18, $0x3;
	v19 =	vmov s5;
	v14 =	vld.idx.msk [tilespmem:v13+s13+$0x0], $0xffff  }
0x54: {  	v17 =	vshll.u32 v18, v34;
	v18 =	vshrl.u32 v19, $0x3;
	v19 =	vld.idx.msk [tilespmem:v30+s13+$0x0], $0xffff  }
0x55: {  	v17 =	vadd.s32 $0x6, v17;
	v16 =	vld.idx.msk [tilespmem:v16+s13+$0x0], $0xffff  }
0x56: {  	v13 =	vshll.u32 v18, v34;
	v18 =	vbroadcast v17, $0x0;
	v17 =	vld.idx.msk [tilespmem:v33+s13+$0x0], $0xffff  }
0x57: {  	v30 =	vld [tilespmem:s16+$0xFFFFFF00]  }
0x58: {  	v10 =	vld [tilespmem:s17+$0xFFFFFF00]  }
0x59: {  	v11 =	vld [tilespmem:s16+$0xFFFFFF10]  }
0x5a: {  	v35 =	vld [tilespmem:s17+$0xFFFFFF10]  }
0x5b: {  	v36 =	vld [tilespmem:s16+$0xFFFFFF40]  }
0x5c: {  	v15 =	vmov s9;
	v37 =	vld [tilespmem:s17+$0xFFFFFF40]  }
0x5d: {  	v15 =	vshrl.u32 v15, $0x3;
	v38 =	vld [tilespmem:s16+$0xFFFFFF50]  }
0x5e: {  	v15 =	vshll.u32 v15, v34;
	v39 =	vld [tilespmem:s17+$0xFFFFFF80]  }
0x5f: {  	v15 =	vadd.s32 $0x3, v15;
	v41 =	vld [tilespmem:s16+$0xFFFFFF90];
	v20 =	vadd.s32 v61, v0  }
0x60: {  	v15 =	vbroadcast v15, $0x0;
	v33 =	vld [tilespmem:s16+$0x80];
	v26 =	vadd.s32 v62, v0  }
0x61: {  	v9 =	vld [tilespmem:s17+$0x80];
	v13 =	vbroadcast v13, $0x0  }
0x62: {  	v1 =	vmov v46;
	v2 =	vmov v43;
	v44 =	vld [tilespmem:s17+$0xFFFFFF90]  }
0x63: {  	v29 =	vadd.s32 v46, v0;
	v0 =	vadd.s32 v43, v0;
	v43 =	vadd.s32 v62, v14;
	v18 =	vld.idx.msk [tilespmem:v18+s13+$0x0], $0xffff  }
0x64: {  	v46 =	vadd.s32 v61, v19;
	v47 =	vadd.s32 v62, v19;
	v51 =	vadd.s32 v61, v16;
	v32 =	vld.idx.msk [tilespmem:v20+s11+$0x0], $0xffff  }
0x65: {  	v52 =	vadd.s32 v62, v16;
	v30 =	vmul.bf16 v10, v30;
	v8 =	vmul.bf16 v37, v36;
	v26 =	vld.idx.msk [tilespmem:v26+s11+$0x0], $0xffff  }
0x66: {  	v53 =	vadd.s32 v61, v17;
	v34 =	vmul.bf16 v35, v11;
	v33 =	vmul.bf16 v9, v33;
	v20 =	vld.idx.msk [tilespmem:v15+s13+$0x0], $0xffff  }
0x67: {  	v35 =	vunpack.i.l.bf16.f32 v8;
	v15 =	vld.idx.msk [tilespmem:v13+s13+$0x0], $0xffff;
	v13 =	vmul.bf16 v22, v21;
	v21 =	vmul.bf16 v27, v25  }
0x68: {  	v29 =	vld.idx.msk [tilespmem:v29+s11+$0x0], $0xffff;
	v22 =	vmul.bf16 v24, v23;
	v24 =	vmul.bf16 v31, v28;
	v55 =	vadd.s32 v61, v18  }
0x69: {  	v45 =	vld [tilespmem:s16+$0x10];
	v57 =	vadd.s32 v62, v18;
	v4 =	vadd.s32 v2, v18;
	v27 =	vunpack.i.l.bf16.f32 v13  }
0x6a: {  	v23 =	vld [tilespmem:s17+$0xFFFFFF50];
	v28 =	vunpack.i.u.bf16.f32 v21;
	v31 =	vunpack.i.l.bf16.f32 v22;
	v21 =	vunpack.i.l.bf16.f32 v21  }
0x6b: {  	v25 =	vld [tilespmem:s16+$0xFFFFFF80];
	v40 =	vunpack.i.u.bf16.f32 v24;
	v24 =	vunpack.i.l.bf16.f32 v24;
	v22 =	vunpack.i.u.bf16.f32 v22  }
0x6c: {  	v9 =	vld.idx.msk [tilespmem:v47+s11+$0x0], $0xffff;
	v13 =	vunpack.i.u.bf16.f32 v13;
	v42 =	vunpack.i.u.bf16.f32 v32;
	v32 =	vunpack.i.l.bf16.f32 v32  }
0x6d: {  	v50 =	vld [tilespmem:s16+$0x40];
	v60 =	vunpack.i.u.bf16.f32 v26;
	v26 =	vunpack.i.l.bf16.f32 v26;
	v63 =	vunpack.i.l.bf16.f32 v29  }
0x6e: {  	v54 =	vld [tilespmem:s17+$0x40];
	v29 =	vunpack.i.u.bf16.f32 v29;
	v48 =	vadd.s32 v61, v20;
	v49 =	vadd.s32 v62, v20  }
0x6f: {  	v0 =	vld.idx.msk [tilespmem:v0+s11+$0x0], $0xffff;
	v58 =	vadd.s32 v61, v15;
	v59 =	vadd.s32 v62, v15;
	v10 =	vmul.bf16 v23, v38  }
0x70: {  	v56 =	vld [tilespmem:s16+$0x50];
	v23 =	vadd.s32 v1, v16;
	v25 =	vmul.bf16 v39, v25;
	v21 =	vmul.f32 v32, v21  }
0x71: {  	v11 =	vld [tilespmem:s16+$0x90];
	v36 =	vunpack.i.u.bf16.f32 v9;
	v28 =	vmul.f32 v42, v28;
	v24 =	vmul.f32 v26, v24  }
0x72: {  	v43 =	vld.idx.msk [tilespmem:v43+s11+$0x0], $0xffff;
	v16 =	vadd.s32 v2, v16;
	v26 =	vmul.f32 v60, v40;
	v31 =	vmul.f32 v63, v31  }
0x73: {  	v32 =	vld [tilespmem:s16+$0xFFFFFFC0];
	v22 =	vmul.f32 v29, v22;
	v63 =	vunpack.i.u.bf16.f32 v8;
	v21 =	vadd.f32 v24, v21  }
0x74: {  	v42 =	vld [tilespmem:s17+$0xFFFFFFC0];
	v24 =	vadd.f32 v26, v28;
	v28 =	vunpack.i.l.bf16.f32 v0;
	v0 =	vunpack.i.u.bf16.f32 v0  }
0x75: {  	v40 =	vld [tilespmem:s16+$0xFFFFFFD0];
	v37 =	vunpack.i.l.bf16.f32 v10;
	v27 =	vmul.f32 v28, v27;
	v0 =	vmul.f32 v0, v13  }
0x76: {  	v29 =	vld [tilespmem:s16+$0x0];
	v21 =	vadd.f32 v31, v21;
	v22 =	vadd.f32 v22, v24;
	v31 =	vadd.s32 v61, v14  }
0x77: {  	v26 =	vld [tilespmem:s17+$0xFFFFFFD0];
	v24 =	vadd.s32 v1, v14;
	v61 =	vmul.bf16 v44, v41;
	v41 =	vunpack.i.u.bf16.f32 v30  }
0x78: {  	v28 =	vld [tilespmem:s17+$0x0];
	v44 =	vunpack.i.u.bf16.f32 v25;
	v25 =	vunpack.i.l.bf16.f32 v25;
	v30 =	vunpack.i.l.bf16.f32 v30  }
0x79: {  	v52 =	vld.idx.msk [tilespmem:v52+s11+$0x0], $0xffff;
	v14 =	vadd.s32 v2, v14;
	v32 =	vmul.bf16 v42, v32;
	v13 =	vadd.f32 v27, v21  }
0x7a: {  	v48 =	vld.idx.msk [tilespmem:v48+s11+$0x0], $0xffff;
	v0 =	vadd.f32 v0, v22;
	v21 =	vadd.s32 v1, v19;
	v8 =	vunpack.i.u.bf16.f32 v61  }
0x7b: {  	v27 =	vld [tilespmem:s17+$0x10];
	v39 =	vunpack.i.l.bf16.f32 v61;
	v61 =	vunpack.i.u.bf16.f32 v43;
	v43 =	vunpack.i.l.bf16.f32 v43  }
0x7c: {  	v60 =	vld [tilespmem:s17+$0x50];
	v26 =	vmul.bf16 v26, v40;
	v37 =	vmul.f32 v43, v37;
	v3 =	vadd.f32 v13, v0  }
0x7d: {  	v0 =	vadd.s32 v62, v17;
	v62 =	vld [tilespmem:s17+$0x90];
	v28 =	vmul.bf16 v28, v29;
	v29 =	vunpack.i.u.bf16.f32 v10  }
0x7e: {  	v46 =	vld.idx.msk [tilespmem:v46+s11+$0x0], $0xffff;
	v22 =	vadd.s32 v1, v20;
	v36 =	vmul.f32 v36, v8;
	v29 =	vmul.f32 v61, v29  }
0x7f: {  	v31 =	vld.idx.msk [tilespmem:v31+s11+$0x0], $0xffff;
	v8 =	vunpack.i.l.bf16.f32 v48;
	v61 =	vunpack.i.u.bf16.f32 v52;
	v52 =	vunpack.i.l.bf16.f32 v52  }
0x80: {  	v42 =	vunpack.i.u.bf16.f32 v28;
	v27 =	vmul.bf16 v27, v45;
	v45 =	vmul.bf16 v54, v50  }
0x81: {  	v54 =	vmul.bf16 v60, v56;
	v56 =	vunpack.i.u.bf16.f32 v32;
	v32 =	vunpack.i.l.bf16.f32 v32  }
0x82: {  	v53 =	vld.idx.msk [tilespmem:v53+s11+$0x0], $0xffff;
	v28 =	vunpack.i.l.bf16.f32 v28;
	v32 =	vmul.f32 v8, v32;
	v38 =	vmul.bf16 v62, v11  }
0x83: {  	v49 =	vld.idx.msk [tilespmem:v49+s11+$0x0], $0xffff;
	v11 =	vunpack.i.u.bf16.f32 v26;
	v26 =	vunpack.i.l.bf16.f32 v26;
	v62 =	vunpack.i.u.bf16.f32 v46  }
0x84: {  	v46 =	vunpack.i.l.bf16.f32 v46;
	v60 =	vld.idx.msk [tilespmem:v0+s11+$0x0], $0xffff;
	v0 =	vunpack.i.u.bf16.f32 v48;
	v10 =	vunpack.i.l.bf16.f32 v31  }
0x85: {  	v31 =	vunpack.i.u.bf16.f32 v31;
	v25 =	vmul.f32 v46, v25;
	v43 =	vmul.f32 v62, v44  }
0x86: {  	v51 =	vld.idx.msk [tilespmem:v51+s11+$0x0], $0xffff;
	v44 =	vunpack.i.u.bf16.f32 v27;
	v27 =	vunpack.i.l.bf16.f32 v27;
	v50 =	vmul.f32 v0, v56  }
0x87: {  	v55 =	vld.idx.msk [tilespmem:v55+s11+$0x0], $0xffff;
	v62 =	vunpack.i.l.bf16.f32 v53;
	v53 =	vunpack.i.u.bf16.f32 v53;
	v35 =	vmul.f32 v10, v35  }
0x88: {  	v23 =	vld.idx.msk [tilespmem:v23+s11+$0x0], $0xffff;
	v31 =	vmul.f32 v31, v63;
	v63 =	vunpack.i.l.bf16.f32 v9;
	v9 =	vunpack.i.u.bf16.f32 v49  }
0x89: {  	v46 =	vld [tilespmem:s16+$0xFFFFFF20];
	v49 =	vunpack.i.l.bf16.f32 v49;
	v27 =	vmul.f32 v52, v27;
	v44 =	vmul.f32 v61, v44  }
0x8a: {  	v10 =	vld [tilespmem:s16+$0xFFFFFF60];
	v40 =	vmul.f32 v63, v39;
	v26 =	vmul.f32 v49, v26;
	v49 =	vunpack.i.u.bf16.f32 v45  }
0x8b: {  	v39 =	vld [tilespmem:s17+$0xFFFFFF20];
	v47 =	vmul.f32 v9, v11;
	v45 =	vunpack.i.l.bf16.f32 v45;
	v63 =	vunpack.i.l.bf16.f32 v51  }
0x8c: {  	v11 =	vld [tilespmem:s17+$0xFFFFFF60];
	v51 =	vunpack.i.u.bf16.f32 v51;
	v0 =	vadd.f32 v37, v35;
	v35 =	vunpack.i.u.bf16.f32 v54  }
0x8d: {  	v9 =	vld [tilespmem:s17+$0xFFFFFFE0];
	v28 =	vmul.f32 v63, v28;
	v54 =	vunpack.i.l.bf16.f32 v54;
	v42 =	vmul.f32 v51, v42  }
0x8e: {  	v63 =	vld [tilespmem:s16+$0xFFFFFFE0];
	v45 =	vmul.f32 v62, v45;
	v49 =	vmul.f32 v53, v49;
	v61 =	vunpack.i.l.bf16.f32 v60  }
0x8f: {  	v8 =	vld [tilespmem:s16+$0xFFFFFFA0];
	v5 =	vadd.f32 v40, v25;
	v25 =	vadd.s32 v1, v18;
	v13 =	vadd.f32 v26, v32  }
0x90: {  	v54 =	vmul.f32 v61, v54;
	v46 =	vmul.bf16 v39, v46;
	v39 =	vadd.f32 v29, v31;
	v29 =	vld [tilespmem:s17+$0xFFFFFFA0]  }
0x91: {  	v61 =	vadd.s32 v2, v19;
	v31 =	vld.idx.msk [tilespmem:v57+s11+$0x0], $0xffff;
	v48 =	vmul.bf16 v11, v10;
	v11 =	vunpack.i.u.bf16.f32 v60  }
0x92: {  	v10 =	vunpack.i.u.bf16.f32 v33;
	v33 =	vunpack.i.l.bf16.f32 v33;
	v57 =	vld.idx.msk [tilespmem:v58+s11+$0x0], $0xffff;
	v35 =	vmul.f32 v11, v35  }
0x93: {  	v53 =	vld.idx.msk [tilespmem:v59+s11+$0x0], $0xffff;
	v60 =	vadd.s32 v1, v15;
	v58 =	vadd.s32 v2, v17;
	v51 =	vmul.bf16 v9, v63  }
0x94: {  	v19 =	vld.idx.msk [tilespmem:v21+s11+$0x0], $0xffff;
	v18 =	vunpack.i.u.bf16.f32 v46;
	v32 =	vunpack.i.u.bf16.f32 v48;
	v21 =	vadd.f32 v35, v49  }
0x95: {  	v62 =	vld [tilespmem:s16+$0x20];
	v37 =	vmul.bf16 v29, v8;
	v29 =	vunpack.i.l.bf16.f32 v55;
	v8 =	vunpack.i.l.bf16.f32 v38  }
0x96: {  	v55 =	vunpack.i.u.bf16.f32 v55;
	v9 =	vunpack.i.l.bf16.f32 v31;
	v33 =	vmul.f32 v29, v33;
	v29 =	vld [tilespmem:s17+$0x20]  }
0x97: {  	v11 =	vld [tilespmem:s17+$0x60];
	v38 =	vunpack.i.u.bf16.f32 v38;
	v31 =	vunpack.i.u.bf16.f32 v31;
	v63 =	vunpack.i.l.bf16.f32 v57  }
0x98: {  	v57 =	vunpack.i.u.bf16.f32 v57;
	v52 =	vmul.f32 v55, v10;
	v10 =	vld [tilespmem:s16+$0x60];
	v56 =	vmul.f32 v9, v8  }
0x99: {  	v14 =	vld.idx.msk [tilespmem:v14+s11+$0x0], $0xffff;
	v31 =	vmul.f32 v31, v38;
	v30 =	vmul.f32 v63, v30;
	v8 =	vunpack.i.u.bf16.f32 v34  }
0x9a: {  	v40 =	vld.idx.msk [tilespmem:v24+s11+$0x0], $0xffff;
	v34 =	vunpack.i.l.bf16.f32 v34;
	v41 =	vmul.f32 v57, v41;
	v63 =	vadd.f32 v47, v50  }
0x9b: {  	v9 =	vld [tilespmem:s16+$0xA0];
	v57 =	vunpack.i.l.bf16.f32 v51;
	v59 =	vmul.bf16 v29, v62;
	v29 =	vunpack.i.l.bf16.f32 v53  }
0x9c: {  	v53 =	vunpack.i.u.bf16.f32 v53;
	v62 =	vadd.s32 v2, v20;
	v34 =	vmul.f32 v29, v34;
	v29 =	vld [tilespmem:s17+$0xA0]  }
0x9d: {  	v26 =	vld [tilespmem:s16+$0xFFFFFF30];
	v20 =	vadd.f32 v54, v45;
	v38 =	vmul.f32 v53, v8;
	v53 =	vmul.bf16 v11, v10  }
0x9e: {  	v10 =	vadd.s32 v1, v17;
	v17 =	vld.idx.msk [tilespmem:v22+s11+$0x0], $0xffff;
	v1 =	vadd.s32 v2, v15;
	v15 =	vadd.f32 v36, v43  }
0x9f: {  	v43 =	vunpack.i.l.bf16.f32 v46;
	v46 =	vunpack.i.l.bf16.f32 v48;
	v11 =	vld [tilespmem:s17+$0xFFFFFF30];
	v22 =	vadd.f32 v56, v33  }
0xa0: {  	v50 =	vld.idx.msk [tilespmem:v25+s11+$0x0], $0xffff;
	v33 =	vunpack.i.u.bf16.f32 v59;
	v24 =	vadd.f32 v34, v30;
	v30 =	vunpack.i.u.bf16.f32 v53  }
0xa1: {  	v8 =	vld [tilespmem:s17+$0xFFFFFF70];
	v34 =	vunpack.i.l.bf16.f32 v53;
	v25 =	vadd.f32 v38, v41;
	v36 =	vmul.bf16 v29, v9  }
0xa2: {  	v41 =	vld.idx.msk [tilespmem:v60+s11+$0x0], $0xffff;
	v29 =	vadd.f32 v27, v28;
	v27 =	vunpack.i.u.bf16.f32 v37;
	v37 =	vunpack.i.l.bf16.f32 v37  }
0xa3: {  	v48 =	vld.idx.msk [tilespmem:v10+s11+$0x0], $0xffff;
	v28 =	vadd.f32 v44, v42;
	v42 =	vunpack.i.u.bf16.f32 v51;
	v9 =	vunpack.i.l.bf16.f32 v59  }
0xa4: {  	v44 =	vld [tilespmem:s16+$0xFFFFFF70];
	v47 =	vmul.bf16 v11, v26;
	v26 =	vadd.f32 v31, v52;
	v31 =	vunpack.i.l.bf16.f32 v40  }
0xa5: {  	v10 =	vld [tilespmem:s16+$0xFFFFFFB0];
	v40 =	vunpack.i.u.bf16.f32 v40;
	v60 =	vunpack.i.l.bf16.f32 v17;
	v17 =	vunpack.i.u.bf16.f32 v17  }
0xa6: {  	v11 =	vld [tilespmem:s17+$0xFFFFFFB0];
	v46 =	vmul.f32 v31, v46;
	v31 =	vunpack.i.u.bf16.f32 v19;
	v54 =	vmul.f32 v40, v32  }
0xa7: {  	v19 =	vunpack.i.l.bf16.f32 v19;
	v56 =	vmul.f32 v60, v57;
	v59 =	vmul.f32 v17, v42  }
0xa8: {  	v32 =	vld [tilespmem:s16+$0xFFFFFFF0];
	v55 =	vmul.f32 v31, v27;
	v31 =	vunpack.i.u.bf16.f32 v36;
	v60 =	vunpack.i.u.bf16.f32 v41  }
0xa9: {  	v17 =	vld [tilespmem:s17+$0x30];
	v36 =	vunpack.i.l.bf16.f32 v36;
	v38 =	vmul.f32 v60, v18;
	v42 =	vadd.f32 v46, v0  }
0xaa: {  	v27 =	vld [tilespmem:s16+$0x30];
	v15 =	vadd.f32 v55, v15;
	v55 =	vunpack.i.l.bf16.f32 v14;
	v35 =	vmul.bf16 v8, v44  }
0xab: {  	v44 =	vmul.f32 v19, v37;
	v19 =	vld [tilespmem:s17+$0xFFFFFFF0];
	v40 =	vmul.bf16 v11, v10;
	v8 =	vunpack.i.l.bf16.f32 v23  }
0xac: {  	v60 =	vld.idx.msk [tilespmem:v62+s11+$0x0], $0xffff;
	v23 =	vunpack.i.u.bf16.f32 v23;
	v10 =	vunpack.i.l.bf16.f32 v48;
	v11 =	vunpack.i.u.bf16.f32 v50  }
0xad: {  	v52 =	vmul.f32 v8, v9;
	v9 =	vunpack.i.u.bf16.f32 v48;
	v53 =	vmul.f32 v23, v33;
	v8 =	vld [tilespmem:s17+$0x70]  }
0xae: {  	v23 =	vunpack.i.l.bf16.f32 v50;
	v33 =	vmul.f32 v10, v34;
	v37 =	vmul.f32 v11, v31;
	v10 =	vld [tilespmem:s17+$0xB0]  }
0xaf: {  	v11 =	vld.idx.msk [tilespmem:v61+s11+$0x0], $0xffff;
	v36 =	vmul.f32 v23, v36;
	v17 =	vmul.bf16 v17, v27;
	v23 =	vunpack.i.u.bf16.f32 v47  }
0xb0: {  	v27 =	vunpack.i.l.bf16.f32 v47;
	v31 =	vunpack.i.u.bf16.f32 v40;
	v57 =	vmul.bf16 v19, v32;
	v19 =	vld [tilespmem:s16+$0x70]  }
0xb1: {  	v61 =	vld.idx.msk [tilespmem:v16+s11+$0x0], $0xffff;
	v34 =	vunpack.i.l.bf16.f32 v40;
	v16 =	vadd.f32 v44, v5;
	v47 =	vunpack.i.u.bf16.f32 v60  }
0xb2: {  	v51 =	vunpack.i.l.bf16.f32 v60;
	v18 =	vunpack.i.u.bf16.f32 v17;
	v32 =	vmul.f32 v9, v30;
	v9 =	vld [tilespmem:s16+$0xB0]  }
0xb3: {  	v30 =	vunpack.i.l.bf16.f32 v41;
	v41 =	vunpack.i.l.bf16.f32 v17;
	v17 =	vadd.f32 v54, v39  }
0xb4: {  	v43 =	vmul.f32 v30, v43;
	v30 =	vunpack.i.u.bf16.f32 v35;
	v35 =	vunpack.i.l.bf16.f32 v35  }
0xb5: {  	v40 =	vunpack.i.l.bf16.f32 v57;
	v48 =	vmul.bf16 v8, v19;
	v19 =	vunpack.i.u.bf16.f32 v57;
	v57 =	vld.idx.msk [tilespmem:v58+s11+$0x0], $0xffff  }
0xb6: {  	v46 =	vunpack.i.u.bf16.f32 v11;
	v50 =	vunpack.i.l.bf16.f32 v11;
	v49 =	vunpack.i.u.bf16.f32 v61;
	v58 =	vld.idx.msk [tilespmem:v4+s11+$0x0], $0xffff  }
0xb7: {  	v54 =	vunpack.i.l.bf16.f32 v61;
	v62 =	vmul.bf16 v10, v9;
	v4 =	vadd.f32 v56, v13  }
0xb8: {  	s6 =	simm.s32 $0x119B4;
	v13 =	vadd.f32 v59, v63;
	v39 =	vunpack.i.u.bf16.f32 v48;
	v0 =	vunpack.i.l.bf16.f32 v48  }
0xb9: {  	s7 =	simm.s32 $0x0;
	s5 =	simm.s32 $0x119B4;
	[tilespmem:s6+$0x33] =	vst v3;
	v56 =	vld.idx.msk [tilespmem:v1+s11+$0x0], $0xffff;
	v48 =	vunpack.i.u.bf16.f32 v14;
	v14 =	vunpack.i.u.bf16.f32 v62;
	v45 =	vunpack.i.l.bf16.f32 v62  }
.LBB2_3:
0xba: {  	v52 =	vadd.f32 v52, v29  }
0xbb: {  	v53 =	vadd.f32 v53, v28;
	v60 =	vunpack.i.u.bf16.f32 v58;
	v58 =	vunpack.i.l.bf16.f32 v58  }
0xbc: {  	v55 =	vmul.f32 v55, v35;
	v36 =	vadd.f32 v36, v22;
	v22 =	vmul.f32 v48, v30  }
0xbd: {  	v35 =	vadd.f32 v32, v21;
	v31 =	vmul.f32 v46, v31;
	v51 =	vmul.f32 v51, v40  }
0xbe: {  	s8 =	sadd.s32 s7, s19;
	v32 =	vadd.f32 v43, v24;
	v19 =	vmul.f32 v47, v19;
	v18 =	vmul.f32 v49, v18  }
0xbf: {  	s9 =	sadd.s32 $0x9, s8;
	s10 =	sadd.s32 $0xA, s8;
	v48 =	vmul.f32 v58, v45;
	v46 =	vmul.f32 v60, v14;
	v59 =	vunpack.i.u.bf16.f32 v57  }
0xc0: {  	v1 =	vld [tilespmem:$0x1FF40];
	s15 =	sadd.s32 $0xF, s8;
	v57 =	vunpack.i.l.bf16.f32 v57;
	v28 =	vmov s9;
	v29 =	vmov s10;
	s9 =	sadd.s32 $0xB, s8  }
0xc1: {  	s10 =	sadd.s32 $0xC, s8;
	v61 =	vmov s15;
	s15 =	sadd.s32 $0xE, s8;
	v40 =	vadd.f32 v22, v17;
	v62 =	vmov s9  }
0xc2: {  	v63 =	vmov s10;
	v61 =	vshrl.u32 v61, $0x3;
	v7 =	vmov s15  }
0xc3: {  	v44 =	vld [tilespmem:$0x1FF50];
	s10 =	sadd.s32 $0xD, s8;
	v28 =	vshrl.u32 v28, $0x3;
	v29 =	vshrl.u32 v29, $0x3;
	v30 =	vmul.f32 v57, v0  }
0xc4: {  	s16 =	sadd.s32 $0x200, s16;
	v3 =	vld [tilespmem:$0x1FF60];
	s8 =	sadd.s32 $0x8, s8;
	v6 =	vmov s10;
	v62 =	vshrl.u32 v62, $0x3;
	v63 =	vshrl.u32 v63, $0x3  }
0xc5: {  	v12 =	vld [tilespmem:s16+$0xF0];
	v8 =	vmov s8;
	v7 =	vshrl.u32 v7, $0x3;
	v61 =	vshll.u32 v61, v1  }
0xc6: {  	s17 =	sadd.s32 $0x200, s17;
	v21 =	vld [tilespmem:s16+$0xE0];
	v6 =	vshrl.u32 v6, $0x3;
	v28 =	vshll.u32 v28, v1;
	v29 =	vshll.u32 v29, v1  }
0xc7: {  	v2 =	vld [tilespmem:s17+$0xC0];
	v62 =	vshll.u32 v62, v1;
	v63 =	vshll.u32 v63, v1;
	v7 =	vshll.u32 v7, v1  }
0xc8: {  	v49 =	vld [tilespmem:s17+$0xD0];
	v8 =	vshrl.u32 v8, $0x3;
	v61 =	vadd.s32 $0x7, v61;
	v6 =	vshll.u32 v6, v1  }
0xc9: {  	v0 =	vld [tilespmem:$0x1FF70];
	v28 =	vadd.s32 $0x1, v28;
	v29 =	vadd.s32 $0x2, v29;
	v61 =	vbroadcast v61, $0x0  }
0xca: {  	v62 =	vadd.s32 $0x3, v62;
	v8 =	vshll.u32 v8, v1;
	v1 =	vld [tilespmem:$0x1FFF0];
	v9 =	vbroadcast v28, $0x0  }
0xcb: {  	v63 =	vadd.s32 $0x4, v63;
	v10 =	vbroadcast v29, $0x0;
	v28 =	vadd.f32 v33, v20;
	v20 =	vld [tilespmem:s17+$0xF0]  }
0xcc: {  	v7 =	vadd.s32 $0x6, v7;
	v62 =	vbroadcast v62, $0x0;
	v33 =	vadd.f32 v37, v26;
	v26 =	vld [tilespmem:s17+$0xE0]  }
0xcd: {  	v63 =	vbroadcast v63, $0x0;
	v29 =	vadd.f32 v38, v25;
	v25 =	vmul.f32 v50, v34;
	v50 =	vld [tilespmem:s16+$0xC0]  }
0xce: {  	v7 =	vbroadcast v7, $0x0;
	v34 =	vadd.f32 v55, v42;
	v42 =	vmul.f32 v54, v41;
	v54 =	vld [tilespmem:s16+$0xD0]  }
0xcf: {  	v47 =	vmul.f32 v59, v39;
	v6 =	vadd.s32 $0x5, v6;
	v8 =	vbroadcast v8, $0x0;
	v61 =	vld.idx.msk [tilespmem:v61+s13+$0x0], $0xffff  }
0xd0: {  	v36 =	vadd.f32 v48, v36;
	v11 =	vunpack.i.u.bf16.f32 v56;
	v6 =	vbroadcast v6, $0x0;
	v9 =	vld.idx.msk [tilespmem:v9+s13+$0x0], $0xffff  }
0xd1: {  	v56 =	vunpack.i.l.bf16.f32 v56;
	v38 =	vadd.f32 v31, v15;
	v41 =	vadd.f32 v51, v4;
	v10 =	vld.idx.msk [tilespmem:v10+s13+$0x0], $0xffff  }
0xd2: {  	v45 =	vmul.f32 v56, v27;
	v39 =	vadd.f32 v42, v52;
	v42 =	vadd.f32 v18, v53;
	v27 =	vld.idx.msk [tilespmem:v62+s13+$0x0], $0xffff  }
0xd3: {  	v43 =	vmul.f32 v11, v23;
	v33 =	vadd.f32 v46, v33;
	v34 =	vadd.f32 v34, v40;
	v31 =	vld.idx.msk [tilespmem:v63+s13+$0x0], $0xffff  }
0xd4: {  	v2 =	vmul.bf16 v2, v50;
	v15 =	vmul.bf16 v49, v54;
	v7 =	vld.idx.msk [tilespmem:v7+s13+$0x0], $0xffff;
	v24 =	vadd.s32 v1, v61  }
0xd5: {  	v59 =	vmul.bf16 v20, v12;
	v12 =	vmul.bf16 v26, v21;
	v8 =	vld.idx.msk [tilespmem:v8+s13+$0x0], $0xffff;
	v37 =	vadd.s32 v44, v61  }
0xd6: {  	v18 =	vunpack.i.u.bf16.f32 v2;
	v2 =	vunpack.i.l.bf16.f32 v2;
	v20 =	vunpack.i.u.bf16.f32 v15;
	v6 =	vld.idx.msk [tilespmem:v6+s13+$0x0], $0xffff  }
0xd7: {  	v15 =	vunpack.i.l.bf16.f32 v15;
	v11 =	vunpack.i.u.bf16.f32 v59;
	v55 =	vadd.s32 v3, v61  }
0xd8: {  	v60 =	vld [tilespmem:s16+$0xFFFFFF00];
	v61 =	vadd.s32 v0, v61;
	v63 =	vadd.s32 v1, v9;
	v57 =	vadd.s32 v44, v10  }
0xd9: {  	v58 =	vadd.s32 v1, v27;
	v56 =	vadd.s32 v44, v27;
	v54 =	vadd.s32 v44, v31;
	v24 =	vld.idx.msk [tilespmem:v24+s11+$0x0], $0xffff  }
0xda: {  	v51 =	vadd.s32 v1, v7;
	v49 =	vadd.s32 v44, v7;
	v50 =	vadd.s32 v1, v8;
	v14 =	vld.idx.msk [tilespmem:v37+s11+$0x0], $0xffff  }
0xdb: {  	v5 =	vld [tilespmem:s16+$0xFFFFFF50];
	v26 =	vadd.s32 v3, v10;
	v53 =	vadd.s32 v1, v6;
	v52 =	vadd.s32 v44, v6  }
0xdc: {  	v37 =	vadd.f32 v25, v16;
	v25 =	vadd.f32 v19, v13;
	v13 =	vld.idx.msk [tilespmem:v55+s11+$0x0], $0xffff;
	v16 =	vunpack.i.l.bf16.f32 v59  }
0xdd: {  	v17 =	vld.idx.msk [tilespmem:v61+s11+$0x0], $0xffff;
	v19 =	vunpack.i.u.bf16.f32 v12;
	v12 =	vunpack.i.l.bf16.f32 v12;
	v59 =	vadd.s32 v1, v10  }
0xde: {  	v48 =	vld [tilespmem:s16+$0x50];
	v55 =	vadd.s32 v1, v31;
	v21 =	vunpack.i.u.bf16.f32 v24;
	v22 =	vunpack.i.l.bf16.f32 v24  }
0xdf: {  	v4 =	vld [tilespmem:s16+$0xFFFFFF40];
	v23 =	vunpack.i.u.bf16.f32 v14;
	v14 =	vunpack.i.l.bf16.f32 v14;
	v2 =	vmul.f32 v22, v2  }
0xe0: {  	v46 =	vld [tilespmem:s17+$0x80];
	v24 =	vadd.s32 v3, v27;
	v18 =	vmul.f32 v21, v18;
	v14 =	vmul.f32 v14, v15  }
0xe1: {  	v62 =	vld [tilespmem:s16+$0xFFFFFF10];
	v15 =	vmul.f32 v23, v20;
	v20 =	vunpack.i.l.bf16.f32 v13;
	v13 =	vunpack.i.u.bf16.f32 v13  }
0xe2: {  	v61 =	vld [tilespmem:s17+$0xFFFFFF00];
	v22 =	vadd.s32 v3, v31;
	v12 =	vmul.f32 v20, v12;
	v20 =	vunpack.i.l.bf16.f32 v17  }
0xe3: {  	v1 =	vld [tilespmem:s16+$0xFFFFFF80];
	v13 =	vmul.f32 v13, v19;
	v2 =	vadd.f32 v14, v2;
	v14 =	vadd.f32 v15, v18  }
0xe4: {  	v15 =	vunpack.i.u.bf16.f32 v17;
	v16 =	vmul.f32 v20, v16;
	v18 =	vadd.s32 v0, v10;
	v10 =	vld [tilespmem:s16+$0xFFFFFFC0]  }
0xe5: {  	v11 =	vmul.f32 v15, v11;
	v2 =	vadd.f32 v12, v2;
	v12 =	vadd.f32 v13, v14;
	v14 =	vld [tilespmem:s17+$0xFFFFFF10]  }
0xe6: {  	v23 =	vadd.s32 v3, v6;
	v21 =	vadd.s32 v3, v7;
	v19 =	vadd.s32 v0, v9;
	v13 =	vld [tilespmem:s16+$0xFFFFFF90]  }
0xe7: {  	v20 =	vadd.s32 v3, v8;
	v2 =	vadd.f32 v16, v2;
	v11 =	vadd.f32 v11, v12;
	v12 =	vld [tilespmem:s17+$0xFFFFFF40]  }
0xe8: {  	v15 =	vadd.s32 v44, v9;
	v16 =	vadd.s32 v3, v9;
	v9 =	vld [tilespmem:s17+$0xFFFFFF90];
	v3 =	vadd.s32 v0, v31  }
0xe9: {  	v17 =	vadd.s32 v0, v27;
	[tilespmem:$0x1FF00] =	vst v3;
	v3 =	vadd.s32 v0, v6;
	v2 =	vadd.f32 v2, v11;
	v11 =	vld [tilespmem:s17+$0xFFFFFF50]  }
0xea: {  	v44 =	vadd.s32 v44, v8;
	[tilespmem:$0x1FF10] =	vst v3;
	v3 =	vadd.s32 v0, v7;
	v0 =	vadd.s32 v0, v8;
	v8 =	vld [tilespmem:s17+$0xFFFFFFC0]  }
0xeb: {  	s6 =	sadd.s32 $0x88, s6;
	v7 =	vmul.bf16 v61, v60;
	v61 =	vld [tilespmem:s17+$0x0];
	[tilespmem:s5+$0xFFFFFFCD] =	vst v34  }
0xec: {  	[tilespmem:s6+$0x33] =	vst v2;
	v2 =	vld [tilespmem:s17+$0xFFFFFF80]  }
0xed: {  	[tilespmem:$0x1FF30] =	vst v0;
	v0 =	vld [tilespmem:s17+$0x10]  }
0xee: {  	v34 =	vadd.f32 v37, v38;
	v37 =	vld.idx.msk [tilespmem:v63+s11+$0x0], $0xffff  }
0xef: {  	v15 =	vld.idx.msk [tilespmem:v15+s11+$0x0], $0xffff  }
0xf0: {  	v35 =	vadd.f32 v47, v35;
	v5 =	vmul.bf16 v11, v5;
	v11 =	vld [tilespmem:s16+$0xFFFFFFD0]  }
0xf1: {  	v27 =	vunpack.i.u.bf16.f32 v7;
	v31 =	vunpack.i.l.bf16.f32 v7;
	v1 =	vmul.bf16 v2, v1;
	v2 =	vld [tilespmem:s17+$0xFFFFFFD0]  }
0xf2: {  	v4 =	vmul.bf16 v12, v4;
	v12 =	vadd.f32 v30, v28;
	v7 =	vmul.bf16 v9, v13;
	v9 =	vld [tilespmem:s16+$0x0]  }
0xf3: {  	v32 =	vadd.f32 v45, v32;
	v29 =	vadd.f32 v43, v29;
	[tilespmem:s5+$0xFFFFFFDE] =	vst v34;
	v8 =	vmul.bf16 v8, v10;
	v10 =	vld [tilespmem:s16+$0x10]  }
0xf4: {  	v39 =	vadd.f32 v39, v42;
	v60 =	vmul.bf16 v14, v62;
	v12 =	vadd.f32 v12, v35;
	v35 =	vld.idx.msk [tilespmem:v59+s11+$0x0], $0xffff  }
0xf5: {  	v25 =	vadd.f32 v41, v25;
	[tilespmem:$0x1FF20] =	vst v3;
	v62 =	vunpack.i.u.bf16.f32 v1;
	v3 =	vunpack.i.l.bf16.f32 v1;
	v1 =	vld [tilespmem:s17+$0x40]  }
0xf6: {  	v28 =	vunpack.i.u.bf16.f32 v60;
	v30 =	vunpack.i.l.bf16.f32 v60;
	v2 =	vmul.bf16 v2, v11;
	v11 =	vld [tilespmem:s16+$0x40]  }
0xf7: {  	v13 =	vunpack.i.u.bf16.f32 v4;
	v4 =	vunpack.i.l.bf16.f32 v4;
	v6 =	vunpack.i.u.bf16.f32 v7;
	v59 =	vld.idx.msk [tilespmem:v57+s11+$0x0], $0xffff;
	[tilespmem:s5+$0x0] =	vst v39  }
0xf8: {  	v7 =	vunpack.i.l.bf16.f32 v7;
	[tilespmem:s5+$0xFFFFFFEF] =	vst v25;
	v25 =	vadd.f32 v32, v29;
	v9 =	vmul.bf16 v61, v9;
	v61 =	vld [tilespmem:s17+$0x50]  }
0xf9: {  	v57 =	vld.idx.msk [tilespmem:v54+s11+$0x0], $0xffff;
	v60 =	vunpack.i.u.bf16.f32 v5;
	v5 =	vunpack.i.l.bf16.f32 v5;
	v0 =	vmul.bf16 v0, v10  }
0xfa: {  	v14 =	vunpack.i.u.bf16.f32 v8;
	v8 =	vunpack.i.l.bf16.f32 v8;
	v29 =	vadd.f32 v36, v33;
	[tilespmem:s5+$0xFFFFFFBC] =	vst v25;
	v10 =	vld [tilespmem:s16+$0x80]  }
0xfb: {  	v54 =	vld [tilespmem:s17+$0xFFFFFF20];
	v40 =	vunpack.i.u.bf16.f32 v0;
	v43 =	vunpack.i.l.bf16.f32 v0;
	v0 =	vmul.bf16 v1, v11  }
0xfc: {  	v25 =	vunpack.i.u.bf16.f32 v15;
	v15 =	vunpack.i.l.bf16.f32 v15;
	v45 =	vunpack.i.u.bf16.f32 v9;
	v1 =	vld [tilespmem:s16+$0x90]  }
0xfd: {  	v11 =	vld [tilespmem:s17+$0x90];
	v41 =	vunpack.i.u.bf16.f32 v0;
	v63 =	vunpack.i.l.bf16.f32 v0;
	v0 =	vmul.bf16 v61, v48  }
0xfe: {  	v9 =	vunpack.i.l.bf16.f32 v9;
	v5 =	vmul.f32 v15, v5;
	v25 =	vmul.f32 v25, v60;
	[tilespmem:s5+$0x11] =	vst v12;
	v61 =	vld.idx.msk [tilespmem:v58+s11+$0x0], $0xffff  }
0xff: {  	v58 =	vld.idx.msk [tilespmem:v53+s11+$0x0], $0xffff;
	v42 =	vunpack.i.u.bf16.f32 v0;
	v48 =	vunpack.i.l.bf16.f32 v0;
	v0 =	vmul.bf16 v46, v10  }
0x100: {  	v12 =	vunpack.i.l.bf16.f32 v37;
	v47 =	vunpack.i.u.bf16.f32 v2;
	v53 =	vld [tilespmem:s16+$0xFFFFFF20];
	v10 =	vunpack.i.l.bf16.f32 v59  }
0x101: {  	v16 =	vld.idx.msk [tilespmem:v16+s11+$0x0], $0xffff;
	v2 =	vunpack.i.l.bf16.f32 v2;
	v7 =	vmul.f32 v10, v7;
	v33 =	vunpack.i.u.bf16.f32 v0  }
0x102: {  	[tilespmem:s5+$0x22] =	vst v29;
	v34 =	vunpack.i.l.bf16.f32 v0;
	v0 =	vmul.bf16 v11, v1;
	v1 =	vld.idx.msk [tilespmem:v56+s11+$0x0], $0xffff;
	v56 =	vunpack.i.u.bf16.f32 v37  }
0x103: {  	v49 =	vld.idx.msk [tilespmem:v49+s11+$0x0], $0xffff;
	v37 =	vunpack.i.l.bf16.f32 v57;
	v11 =	vmul.f32 v56, v13;
	v13 =	vunpack.i.u.bf16.f32 v59  }
0x104: {  	v59 =	vld.idx.msk [tilespmem:v52+s11+$0x0], $0xffff;
	v15 =	vunpack.i.u.bf16.f32 v61;
	v32 =	vunpack.i.l.bf16.f32 v61;
	v52 =	vunpack.i.u.bf16.f32 v57  }
0x105: {  	v29 =	vld.idx.msk [tilespmem:v55+s11+$0x0], $0xffff;
	v10 =	vunpack.i.u.bf16.f32 v58;
	v54 =	vmul.bf16 v54, v53;
	v36 =	vunpack.i.u.bf16.f32 v0  }
0x106: {  	v26 =	vld.idx.msk [tilespmem:v26+s11+$0x0], $0xffff;
	v46 =	vunpack.i.l.bf16.f32 v0;
	v0 =	vmul.f32 v12, v4;
	v4 =	vunpack.i.u.bf16.f32 v35  }
0x107: {  	v50 =	vld.idx.msk [tilespmem:v50+s11+$0x0], $0xffff;
	v12 =	vunpack.i.l.bf16.f32 v35;
	v35 =	vunpack.i.l.bf16.f32 v58;
	v6 =	vmul.f32 v13, v6  }
0x108: {  	v44 =	vld.idx.msk [tilespmem:v44+s11+$0x0], $0xffff;
	v8 =	vmul.f32 v32, v8;
	v14 =	vmul.f32 v15, v14;
	v15 =	vunpack.i.u.bf16.f32 v49  }
0x109: {  	v60 =	vld [tilespmem:s16+$0xFFFFFFA0];
	v49 =	vunpack.i.l.bf16.f32 v49;
	v10 =	vmul.f32 v10, v41;
	v3 =	vmul.f32 v12, v3  }
0x10a: {  	v61 =	vld.idx.msk [tilespmem:v51+s11+$0x0], $0xffff;
	v12 =	vunpack.i.u.bf16.f32 v29;
	v29 =	vunpack.i.l.bf16.f32 v29;
	v4 =	vmul.f32 v4, v62  }
0x10b: {  	v56 =	vld [tilespmem:s16+$0xFFFFFF60];
	v39 =	vadd.f32 v25, v11;
	v25 =	vmul.f32 v37, v43;
	v38 =	vunpack.i.u.bf16.f32 v54  }
0x10c: {  	v58 =	vld [tilespmem:s17+$0xFFFFFF60];
	v37 =	vmul.f32 v52, v40;
	v40 =	vunpack.i.l.bf16.f32 v54;
	v35 =	vmul.f32 v35, v63  }
0x10d: {  	v11 =	vld [tilespmem:s17+$0xFFFFFFE0];
	v46 =	vmul.f32 v49, v46;
	v15 =	vmul.f32 v15, v36;
	v36 =	vunpack.i.u.bf16.f32 v16  }
0x10e: {  	v43 =	vld [tilespmem:s16+$0x20];
	v16 =	vunpack.i.l.bf16.f32 v16;
	v52 =	vunpack.i.l.bf16.f32 v26;
	v0 =	vadd.f32 v5, v0  }
0x10f: {  	v62 =	vld [tilespmem:s17+$0x20];
	v9 =	vmul.f32 v29, v9;
	v12 =	vmul.f32 v12, v45;
	v51 =	vunpack.i.u.bf16.f32 v1  }
0x110: {  	v5 =	vld [tilespmem:s16+$0xFFFFFFE0];
	v1 =	vunpack.i.l.bf16.f32 v1;
	v3 =	vadd.f32 v7, v3;
	v13 =	vunpack.i.u.bf16.f32 v59  }
0x111: {  	v7 =	vld.idx.msk [tilespmem:v22+s11+$0x0], $0xffff;
	v55 =	vunpack.i.l.bf16.f32 v59;
	v32 =	vunpack.i.u.bf16.f32 v61;
	v57 =	vunpack.i.l.bf16.f32 v61  }
0x112: {  	v22 =	vld.idx.msk [tilespmem:v23+s11+$0x0], $0xffff;
	v59 =	vunpack.i.u.bf16.f32 v50;
	v1 =	vmul.f32 v1, v2;
	v47 =	vmul.f32 v51, v47  }
0x113: {  	v50 =	vunpack.i.l.bf16.f32 v50;
	v61 =	vld [tilespmem:s17+$0xFFFFFFA0];
	v29 =	vmul.bf16 v58, v56;
	v48 =	vmul.f32 v55, v48  }
0x114: {  	v2 =	vunpack.i.u.bf16.f32 v44;
	v58 =	vld [tilespmem:s16+$0x60];
	v13 =	vmul.f32 v13, v42;
	v34 =	vmul.f32 v57, v34  }
0x115: {  	v31 =	vmul.f32 v50, v31;
	v1 =	vadd.f32 v1, v8;
	v8 =	vadd.f32 v47, v14;
	v14 =	vld.idx.msk [tilespmem:v21+s11+$0x0], $0xffff  }
0x116: {  	v44 =	vunpack.i.l.bf16.f32 v44;
	v27 =	vmul.f32 v59, v27;
	v43 =	vmul.bf16 v62, v43;
	v62 =	vld.idx.msk [tilespmem:v20+s11+$0x0], $0xffff  }
0x117: {  	v30 =	vmul.f32 v44, v30;
	v41 =	vunpack.i.u.bf16.f32 v29;
	v53 =	vunpack.i.l.bf16.f32 v29;
	v29 =	vld [tilespmem:s17+$0x60]  }
0x118: {  	v4 =	vadd.f32 v6, v4;
	v2 =	vmul.f32 v2, v28;
	v56 =	vmul.bf16 v61, v60;
	v60 =	vld [tilespmem:s16+$0xA0]  }
0x119: {  	v51 =	vunpack.i.u.bf16.f32 v26;
	v5 =	vmul.bf16 v11, v5;
	v11 =	vmul.f32 v32, v33;
	v61 =	vld [tilespmem:s17+$0xA0]  }
0x11a: {  	v24 =	vld.idx.msk [tilespmem:v24+s11+$0x0], $0xffff;
	v20 =	vadd.f32 v48, v35;
	v21 =	vadd.f32 v13, v10;
	v44 =	vunpack.i.u.bf16.f32 v43  }
0x11b: {  	v63 =	vld [tilespmem:s16+$0xFFFFFF30];
	v6 =	vunpack.i.l.bf16.f32 v43;
	v48 =	vunpack.i.u.bf16.f32 v22;
	v57 =	vunpack.i.l.bf16.f32 v22  }
0x11c: {  	v22 =	vadd.f32 v46, v34;
	v26 =	vadd.f32 v15, v11;
	v15 =	vld [tilespmem:s17+$0xFFFFFFF0];
	v10 =	vunpack.i.u.bf16.f32 v14  }
0x11d: {  	v13 =	vunpack.i.l.bf16.f32 v14;
	v28 =	vmul.bf16 v29, v58;
	v29 =	vadd.f32 v25, v9;
	v9 =	vld [tilespmem:s16+$0xFFFFFF70]  }
0x11e: {  	v14 =	vunpack.i.u.bf16.f32 v62;
	v58 =	vunpack.i.l.bf16.f32 v62;
	v62 =	vld [tilespmem:s17+$0xFFFFFFB0];
	v23 =	vmul.bf16 v61, v60  }
0x11f: {  	v42 =	vunpack.i.u.bf16.f32 v56;
	v33 =	vunpack.i.l.bf16.f32 v56;
	v25 =	vadd.f32 v2, v27;
	v60 =	vld [tilespmem:s17+$0xFFFFFF70]  }
0x120: {  	v2 =	vmul.f32 v16, v53;
	v47 =	vunpack.i.u.bf16.f32 v23;
	v54 =	vunpack.i.l.bf16.f32 v23;
	v23 =	vld [tilespmem:s17+$0xFFFFFF30]  }
0x121: {  	v16 =	vmul.f32 v52, v33;
	v46 =	vmul.f32 v51, v42;
	v43 =	vunpack.i.u.bf16.f32 v28;
	v61 =	vld [tilespmem:s16+$0xFFFFFFB0]  }
0x122: {  	v45 =	vunpack.i.l.bf16.f32 v28;
	v28 =	vadd.f32 v37, v12;
	v42 =	vadd.f32 v2, v0;
	v0 =	vld [tilespmem:$0x1FF00]  }
0x123: {  	v12 =	vunpack.i.u.bf16.f32 v7;
	v7 =	vunpack.i.l.bf16.f32 v7;
	v16 =	vadd.f32 v16, v3;
	v3 =	vld [tilespmem:$0x1FF20]  }
0x124: {  	v55 =	vunpack.i.u.bf16.f32 v24;
	v52 =	vmul.f32 v7, v6;
	v6 =	vld [tilespmem:s17+$0x70]  }
0x125: {  	v56 =	vunpack.i.l.bf16.f32 v24;
	v24 =	vadd.f32 v30, v31;
	v30 =	vmul.bf16 v23, v63;
	v63 =	vld [tilespmem:s16+$0xFFFFFFF0]  }
0x126: {  	v32 =	vmul.bf16 v62, v61;
	v61 =	vld [tilespmem:s16+$0x70]  }
0x127: {  	v59 =	vld [tilespmem:s16+$0x30]  }
0x128: {  	v53 =	vmul.f32 v12, v44;
	v12 =	vld [tilespmem:s17+$0xB0]  }
0x129: {  	v49 =	vunpack.i.u.bf16.f32 v5;
	v11 =	vmul.f32 v36, v41;
	v36 =	vmul.f32 v13, v54;
	v13 =	vld.idx.msk [tilespmem:v19+s11+$0x0], $0xffff  }
0x12a: {  	v9 =	vmul.bf16 v60, v9;
	v60 =	vld [tilespmem:s17+$0x30];
	v31 =	vunpack.i.u.bf16.f32 v32;
	v7 =	vmul.bf16 v15, v63  }
0x12b: {  	v34 =	vunpack.i.l.bf16.f32 v32;
	v32 =	vmul.f32 v48, v43;
	v2 =	vld.idx.msk [tilespmem:v0+s11+$0x0], $0xffff;
	v6 =	vmul.bf16 v6, v61  }
0x12c: {  	v43 =	vmul.f32 v58, v40;
	v19 =	vunpack.i.u.bf16.f32 v7;
	v40 =	vunpack.i.l.bf16.f32 v7;
	v7 =	vld.idx.msk [tilespmem:v17+s11+$0x0], $0xffff  }
0x12d: {  	v0 =	vunpack.i.l.bf16.f32 v6;
	v17 =	vadd.f32 v11, v39;
	v39 =	vunpack.i.u.bf16.f32 v6;
	v6 =	vld [tilespmem:$0x1FF10]  }
0x12e: {  	v5 =	vunpack.i.l.bf16.f32 v5;
	v49 =	vmul.f32 v55, v49;
	v58 =	vld.idx.msk [tilespmem:v3+s11+$0x0], $0xffff  }
0x12f: {  	v5 =	vmul.f32 v56, v5;
	v38 =	vmul.f32 v14, v38;
	v3 =	vld [tilespmem:$0x1FF30]  }
0x130: {  	v33 =	vmul.f32 v57, v45;
	v37 =	vmul.f32 v10, v47;
	v62 =	vld [tilespmem:s16+$0xB0]  }
0x131: {  	s7 =	sadd.s32 $0x8, s7;
	v35 =	vunpack.i.l.bf16.f32 v9;
	v48 =	vunpack.i.u.bf16.f32 v13;
	v55 =	vunpack.i.l.bf16.f32 v13;
	v63 =	vld.idx.msk [tilespmem:v18+s11+$0x0], $0xffff  }
0x132: {  	p0 =	slt.u32 s7, $0x98;
	v13 =	vadd.f32 v49, v8;
	v23 =	vunpack.i.u.bf16.f32 v30;
	v15 =	vmul.bf16 v60, v59  }
.Ltmp0:
0x133: {  	v27 =	vunpack.i.l.bf16.f32 v30;
	v30 =	vunpack.i.u.bf16.f32 v9;
	v49 =	vunpack.i.u.bf16.f32 v2;
	(pc) =	sbr.rel @p0 .LBB2_3-.Ltmp0, $4  }
0x134: {  	v54 =	vunpack.i.l.bf16.f32 v2;
	v18 =	vunpack.i.u.bf16.f32 v15;
	v41 =	vunpack.i.l.bf16.f32 v15  }
0x135: {  	v15 =	vadd.f32 v46, v4;
	v4 =	vadd.f32 v5, v1;
	v57 =	vld.idx.msk [tilespmem:v6+s11+$0x0], $0xffff;
	v6 =	vmul.bf16 v12, v62  }
0x136: {  	v46 =	vunpack.i.u.bf16.f32 v63;
	v50 =	vunpack.i.l.bf16.f32 v63;
	v47 =	vunpack.i.u.bf16.f32 v7  }
0x137: {  	s8 =	simm.s32 $0x0;
	s5 =	smov.u32 s6;
	v56 =	vld.idx.msk [tilespmem:v3+s11+$0x0], $0xffff;
	v51 =	vunpack.i.l.bf16.f32 v7;
	v14 =	vunpack.i.u.bf16.f32 v6;
	v45 =	vunpack.i.l.bf16.f32 v6  }
0x138: {  	v1 =	vadd.f32 v52, v29;
	v44 =	vadd.f32 v53, v28;
	v5 =	vunpack.i.u.bf16.f32 v58  }
0x139: {  	v9 =	vadd.f32 v33, v20;
	v10 =	vmul.f32 v55, v35;
	v11 =	vadd.f32 v32, v21  }
0x13a: {  	v12 =	vadd.f32 v36, v22;
	v20 =	vadd.f32 v43, v24;
	v21 =	vmul.f32 v48, v30  }
0x13b: {  	v22 =	vmul.f32 v50, v34;
	v24 =	vadd.f32 v37, v26;
	v26 =	vmul.f32 v46, v31  }
0x13c: {  	v6 =	vunpack.i.l.bf16.f32 v58;
	v28 =	vmul.f32 v51, v40;
	v19 =	vmul.f32 v47, v19  }
0x13d: {  	v25 =	vadd.f32 v38, v25;
	v29 =	vmul.f32 v54, v41;
	v18 =	vmul.f32 v49, v18  }
0x13e: {  	v6 =	vmul.f32 v6, v45;
	v5 =	vmul.f32 v5, v14;
	v10 =	vadd.f32 v10, v42  }
0x13f: {  	v2 =	vunpack.i.u.bf16.f32 v57;
	v16 =	vadd.f32 v22, v16;
	v15 =	vadd.f32 v26, v15  }
0x140: {  	v3 =	vunpack.i.l.bf16.f32 v57;
	v13 =	vadd.f32 v19, v13;
	v1 =	vadd.f32 v29, v1  }
0x141: {  	v52 =	vadd.f32 v18, v44;
	v0 =	vmul.f32 v3, v0;
	v3 =	vadd.f32 v21, v17  }
0x142: {  	v2 =	vmul.f32 v2, v39;
	v17 =	vadd.f32 v28, v4;
	v6 =	vadd.f32 v6, v12  }
0x143: {  	v18 =	vld [tilespmem:$0x1FFF0];
	v5 =	vadd.f32 v5, v24;
	v7 =	vunpack.i.u.bf16.f32 v56;
	v8 =	vunpack.i.l.bf16.f32 v56  }
0x144: {  	v53 =	vadd.f32 v16, v15;
	v1 =	vadd.f32 v1, v52;
	v56 =	vlaneseq.u32  }
0x145: {  	v8 =	vmul.f32 v8, v27;
	v0 =	vadd.f32 v0, v9;
	v2 =	vadd.f32 v2, v11  }
0x146: {  	v7 =	vmul.f32 v7, v23;
	v3 =	vadd.f32 v10, v3;
	v54 =	vadd.f32 v17, v13  }
0x147: {  	v55 =	vadd.f32 v6, v5;
	v36 =	vand.u32 $0x7, v56;
	v8 =	vadd.f32 v8, v20  }
0x148: {  	[tilespmem:s5+$0xFFFFFFDE] =	vst v53;
	v7 =	vadd.f32 v7, v25;
	v0 =	vadd.f32 v0, v2;
	v32 =	vadd.s32 $0x3, v18  }
0x149: {  	[tilespmem:s5+$0x0] =	vst v1;
	v34 =	vadd.s32 $0x7, v18;
	v35 =	vadd.s32 $0xB, v18;
	v37 =	vadd.s32 $0x2, v18  }
0x14a: {  	v31 =	vadd.s32 $0xF, v18;
	v38 =	vadd.s32 $0x6, v18;
	v39 =	vadd.s32 $0xA, v18;
	[tilespmem:s5+$0xFFFFFFCD] =	vst v3  }
0x14b: {  	v33 =	vadd.s32 $0xE, v18;
	v57 =	vadd.s32 s8, v18;
	v40 =	vadd.s32 $0x1, v18;
	[tilespmem:s5+$0xFFFFFFEF] =	vst v54  }
0x14c: {  	v41 =	vadd.s32 $0x4, v18;
	v42 =	vadd.s32 $0x5, v18;
	v43 =	vadd.s32 $0x8, v18;
	v26 =	vld [tilespmem:$0x1FFA0];
	[tilespmem:s5+$0x11] =	vst v0  }
0x14d: {  	v44 =	vadd.s32 $0x9, v18;
	v45 =	vadd.s32 $0xC, v18;
	v2 =	vadd.f32 v8, v7;
	v30 =	vld [tilespmem:$0x1FFE0];
	[tilespmem:s5+$0x22] =	vst v55  }
0x14e: {  	v46 =	vadd.s32 $0xD, v18;
	v5 =	vand.u32 $0x1FF8, v57;
	v61 =	vadd.s32 s8, v43;
	v25 =	vld [tilespmem:$0x1FF90]  }
0x14f: {  	v3 =	vadd.s32 s8, v32;
	v5 =	vor.u32 v36, v5;
	v8 =	vand.u32 $0x1FF8, v61;
	[tilespmem:s5+$0xFFFFFFBC] =	vst v2  }
0x150: {  	v14 =	vadd.s32 s8, v35;
	v3 =	vand.u32 $0x1FF8, v3;
	v8 =	vor.u32 v36, v8;
	v24 =	vld [tilespmem:$0x1FF80]  }
0x151: {  	v1 =	vadd.s32 s8, v37;
	v14 =	vand.u32 $0x1FF8, v14;
	v27 =	vld [tilespmem:$0x1FFB0];
	v3 =	vor.u32 v26, v3  }
0x152: {  	v12 =	vadd.s32 s8, v39;
	v1 =	vand.u32 $0x1FF8, v1;
	v28 =	vld [tilespmem:$0x1FFC0];
	v14 =	vor.u32 v26, v14  }
0x153: {  	v59 =	vadd.s32 s8, v40;
	v12 =	vand.u32 $0x1FF8, v12;
	v29 =	vld [tilespmem:$0x1FFD0];
	v1 =	vor.u32 v25, v1  }
0x154: {  	v4 =	vand.u32 $0x1FF8, v59;
	v2 =	vadd.s32 s8, v41;
	v5 =	vld.idx.msk [tilespmem:v5+s30+$0x0], $0xffff;
	v12 =	vor.u32 v25, v12  }
0x155: {  	v60 =	vadd.s32 s8, v42;
	v2 =	vand.u32 $0x1FF8, v2;
	v8 =	vld.idx.msk [tilespmem:v8+s30+$0x0], $0xffff;
	v4 =	vor.u32 v24, v4  }
0x156: {  	v62 =	vadd.s32 s8, v44;
	v7 =	vand.u32 $0x1FF8, v60;
	v2 =	vor.u32 v27, v2;
	v3 =	vld.idx.msk [tilespmem:v3+s30+$0x0], $0xffff  }
0x157: {  	v63 =	vadd.s32 s8, v45;
	v9 =	vand.u32 $0x1FF8, v62;
	v7 =	vor.u32 v28, v7;
	v14 =	vld.idx.msk [tilespmem:v14+s30+$0x0], $0xffff  }
0x158: {  	v47 =	vadd.s32 s8, v46;
	v10 =	vand.u32 $0x1FF8, v63;
	v9 =	vor.u32 v24, v9;
	v1 =	vld.idx.msk [tilespmem:v1+s30+$0x0], $0xffff  }
0x159: {  	v0 =	vadd.s32 s8, v38;
	v11 =	vand.u32 $0x1FF8, v47;
	v10 =	vor.u32 v27, v10;
	v12 =	vld.idx.msk [tilespmem:v12+s30+$0x0], $0xffff  }
0x15a: {  	v13 =	vadd.s32 s8, v33;
	v0 =	vand.u32 $0x1FF8, v0;
	v11 =	vor.u32 v28, v11;
	v4 =	vld.idx.msk [tilespmem:v4+s30+$0x0], $0xffff  }
0x15b: {  	v58 =	vadd.s32 s8, v34;
	v13 =	vand.u32 $0x1FF8, v13;
	v0 =	vor.u32 v29, v0;
	v2 =	vld.idx.msk [tilespmem:v2+s30+$0x0], $0xffff  }
0x15c: {  	v15 =	vadd.s32 s8, v31;
	v6 =	vand.u32 $0x1FF8, v58;
	v13 =	vor.u32 v29, v13;
	v7 =	vld.idx.msk [tilespmem:v7+s30+$0x0], $0xffff  }
0x15d: {  	v15 =	vand.u32 $0x1FF8, v15;
	v6 =	vor.u32 v30, v6;
	v9 =	vld.idx.msk [tilespmem:v9+s30+$0x0], $0xffff  }
0x15e: {  	v15 =	vor.u32 v30, v15;
	v10 =	vld.idx.msk [tilespmem:v10+s30+$0x0], $0xffff  }
0x15f: {  	s17 =	simm.s32 $0x110;
	v11 =	vld.idx.msk [tilespmem:v11+s30+$0x0], $0xffff  }
0x160: {  	v16 =	vadd.s32 s17, v18;
	v0 =	vld.idx.msk [tilespmem:v0+s30+$0x0], $0xffff  }
0x161: {  	v48 =	vadd.s32 s17, v32;
	v51 =	vadd.s32 s17, v34;
	v54 =	vadd.s32 s17, v38;
	v13 =	vld.idx.msk [tilespmem:v13+s30+$0x0], $0xffff  }
0x162: {  	v56 =	vadd.s32 s17, v40;
	v57 =	vadd.s32 s17, v41;
	v59 =	vadd.s32 s17, v42;
	v6 =	vld.idx.msk [tilespmem:v6+s30+$0x0], $0xffff  }
0x163: {  	v61 =	vadd.s32 s17, v43;
	v15 =	vld.idx.msk [tilespmem:v15+s30+$0x0], $0xffff;
	v4 =	vadd.f32 v4, v5;
	v2 =	vadd.f32 v7, v2  }
0x164: {  	v62 =	vand.u32 $0x1FF8, v57;
	v49 =	vadd.f32 v9, v8;
	v50 =	vadd.f32 v11, v10  }
0x165: {  	v5 =	vand.u32 $0x1FF8, v48;
	v1 =	vadd.f32 v1, v4;
	v0 =	vadd.f32 v0, v2  }
0x166: {  	v7 =	vand.u32 $0x1FF8, v56;
	v52 =	vadd.f32 v12, v49;
	v53 =	vadd.f32 v13, v50  }
0x167: {  	v9 =	vor.u32 v27, v62;
	v1 =	vadd.f32 v3, v1;
	v0 =	vadd.f32 v6, v0  }
0x168: {  	v8 =	vand.u32 $0x1FF8, v61;
	v4 =	vadd.f32 v14, v52;
	v55 =	vadd.f32 v15, v53  }
0x169: {  	v58 =	vor.u32 v26, v5;
	v7 =	vor.u32 v24, v7;
	v5 =	vand.u32 $0x1FF8, v59  }
0x16a: {  	v2 =	vadd.s32 s17, v37;
	v0 =	vadd.f32 v0, v1;
	v1 =	vadd.f32 v55, v4  }
0x16b: {  	v8 =	vor.u32 v36, v8;
	v5 =	vor.u32 v28, v5;
	v2 =	vand.u32 $0x1FF8, v2  }
0x16c: {  	v0 =	vadd.f32 v1, v0;
	v1 =	vor.u32 v25, v2;
	v2 =	vand.u32 $0x1FF8, v54  }
0x16d: {  	v60 =	vand.u32 $0x1FF8, v51;
	v49 =	vadd.s32 s17, v46;
	v9 =	vld.idx.msk [tilespmem:v9+s30+$0x0], $0xffff;
	v2 =	vor.u32 v29, v2  }
0x16e: {  	v11 =	vand.u32 $0x1FF8, v49;
	v6 =	vor.u32 v30, v60;
	v4 =	vld.idx.msk [tilespmem:v58+s30+$0x0], $0xffff;
	v0 =	vsub.f32 $0.0e+00, v0  }
0x16f: {  	v63 =	vadd.s32 s17, v44;
	v3 =	vand.u32 $0x1FF8, v16;
	v11 =	vor.u32 v28, v11;
	v7 =	vld.idx.msk [tilespmem:v7+s30+$0x0], $0xffff  }
0x170: {  	v47 =	vadd.s32 s17, v45;
	v3 =	vor.u32 v36, v3;
	v8 =	vld.idx.msk [tilespmem:v8+s30+$0x0], $0xffff;
	v0 =	vmul.f32 $1.442695020e+00, v0  }
0x171: {  	v10 =	vand.u32 $0x1FF8, v63;
	v48 =	vand.u32 $0x1FF8, v47;
	v5 =	vld.idx.msk [tilespmem:v5+s30+$0x0], $0xffff  }
0x172: {  	v12 =	vadd.s32 s17, v39;
	(erf) = vpow2.f32 v0;
	v0 =	vld.idx.msk [tilespmem:v2+s30+$0x0], $0xffff;
	v2 =	vor.u32 v24, v10  }
0x173: {  	v13 =	vadd.s32 s17, v33;
	v12 =	vand.u32 $0x1FF8, v12;
	v6 =	vld.idx.msk [tilespmem:v6+s30+$0x0], $0xffff;
	v10 =	vor.u32 v27, v48  }
0x174: {  	v13 =	vand.u32 $0x1FF8, v13;
	v12 =	vor.u32 v25, v12;
	v14 =	vadd.s32 s17, v35;
	v11 =	vld.idx.msk [tilespmem:v11+s30+$0x0], $0xffff  }
0x175: {  	v13 =	vor.u32 v29, v13;
	v15 =	vadd.s32 s17, v31;
	v14 =	vand.u32 $0x1FF8, v14;
	v3 =	vld.idx.msk [tilespmem:v3+s30+$0x0], $0xffff  }
0x176: {  	v15 =	vand.u32 $0x1FF8, v15;
	v14 =	vor.u32 v26, v14;
	v1 =	vld.idx.msk [tilespmem:v1+s30+$0x0], $0xffff  }
0x177: {  	v15 =	vor.u32 v30, v15;
	v2 =	vld.idx.msk [tilespmem:v2+s30+$0x0], $0xffff  }
0x178: {  	v10 =	vld.idx.msk [tilespmem:v10+s30+$0x0], $0xffff  }
0x179: {  	v12 =	vld.idx.msk [tilespmem:v12+s30+$0x0], $0xffff  }
0x17a: {  	s5 =	simm.s32 $0x220;
	v13 =	vld.idx.msk [tilespmem:v13+s30+$0x0], $0xffff;
	v3 =	vadd.f32 v7, v3  }
0x17b: {  	v17 =	vadd.s32 s5, v18;
	v14 =	vld.idx.msk [tilespmem:v14+s30+$0x0], $0xffff  }
0x17c: {  	v57 =	vadd.s32 s5, v41;
	v15 =	vld.idx.msk [tilespmem:v15+s30+$0x0], $0xffff;
	v5 =	vadd.f32 v5, v9;
	v1 =	vadd.f32 v1, v3  }
0x17d: {  	v22 =	vadd.s32 s5, v45;
	v16 =	vpop (erf);
	v2 =	vadd.f32 v2, v8;
	v51 =	vadd.f32 v11, v10  }
0x17e: {  	v56 =	vadd.s32 s5, v40;
	v0 =	vadd.f32 v0, v5;
	v16 =	vadd.f32 $1.000000000e+00, v16  }
0x17f: {  	v50 =	vadd.s32 s5, v32;
	v2 =	vadd.f32 v12, v2;
	v53 =	vadd.f32 v13, v51  }
0x180: {  	v52 =	vadd.s32 s5, v34;
	v1 =	vadd.f32 v4, v1;
	v0 =	vadd.f32 v6, v0  }
0x181: {  	(erf) = vrcp.f32 v16;
	v2 =	vadd.f32 v14, v2;
	v5 =	vadd.f32 v15, v53  }
0x182: {  	v59 =	vand.u32 $0x1FF8, v52;
	v55 =	vand.u32 $0x1FF8, v17;
	v7 =	vand.u32 $0x1FF8, v50  }
0x183: {  	v4 =	vor.u32 v36, v55;
	v0 =	vadd.f32 v0, v1;
	v1 =	vadd.f32 v5, v2  }
0x184: {  	v54 =	vadd.s32 s5, v38;
	v3 =	vadd.s32 s5, v37;
	v2 =	vor.u32 v26, v7  }
0x185: {  	v3 =	vand.u32 $0x1FF8, v3;
	v7 =	vor.u32 v30, v59;
	v0 =	vadd.f32 v1, v0  }
0x186: {  	v61 =	vand.u32 $0x1FF8, v57;
	v1 =	vor.u32 v25, v3;
	v3 =	vand.u32 $0x1FF8, v54  }
0x187: {  	v6 =	vand.u32 $0x1FF8, v56;
	v20 =	vor.u32 v29, v3;
	v3 =	vsub.f32 $0.0e+00, v0  }
0x188: {  	v19 =	vor.u32 v27, v61;
	v58 =	vadd.s32 s5, v42;
	v17 =	vor.u32 v24, v6;
	v14 =	vld.idx.msk [tilespmem:v4+s30+$0x0], $0xffff  }
0x189: {  	v60 =	vadd.s32 s5, v43;
	v0 =	vld.idx.msk [tilespmem:v2+s30+$0x0], $0xffff;
	v2 =	vand.u32 $0x1FF8, v58;
	v3 =	vmul.f32 $1.442695020e+00, v3  }
0x18a: {  	v62 =	vadd.s32 s5, v44;
	v63 =	vpop (erf);
	v13 =	vld.idx.msk [tilespmem:v7+s30+$0x0], $0xffff;
	v16 =	vor.u32 v28, v2;
	v2 =	vand.u32 $0x1FF8, v60  }
0x18b: {  	s7 =	simm.s32 $0x330;
	s6 =	smov.u32 s18;
	v23 =	vand.u32 $0x1FF8, v62;
	[tilespmem:s18+$0x0] =	vst v63;
	v15 =	vld.idx.msk [tilespmem:v1+s30+$0x0], $0xffff;
	v21 =	vor.u32 v36, v2;
	(erf) = vpow2.f32 v3  }
.LBB2_5:
0x18c: {  	p0 =	sne.s32 s7, $0x990;
	v1 =	vld.idx.msk [tilespmem:v20+s30+$0x0], $0xffff;
	v2 =	vor.u32 v24, v23;
	v3 =	vand.u32 $0x1FF8, v22;
	v4 =	vadd.s32 s5, v46  }
0x18d: {  	v6 =	vadd.s32 s5, v39;
	v5 =	vld.idx.msk [tilespmem:v17+s30+$0x0], $0xffff;
	v3 =	vor.u32 v27, v3;
	v4 =	vand.u32 $0x1FF8, v4  }
0x18e: {  	v8 =	vadd.s32 s5, v33;
	v6 =	vand.u32 $0x1FF8, v6;
	v7 =	vld.idx.msk [tilespmem:v19+s30+$0x0], $0xffff;
	v4 =	vor.u32 v28, v4  }
0x18f: {  	v10 =	vadd.s32 s5, v35;
	v8 =	vand.u32 $0x1FF8, v8;
	v6 =	vor.u32 v25, v6;
	v9 =	vld.idx.msk [tilespmem:v16+s30+$0x0], $0xffff  }
0x190: {  	v12 =	vadd.s32 s5, v31;
	s5 =	smov.u32 s7;
	v10 =	vand.u32 $0x1FF8, v10;
	v8 =	vor.u32 v29, v8;
	v11 =	vld.idx.msk [tilespmem:v21+s30+$0x0], $0xffff  }
0x191: {  	v12 =	vand.u32 $0x1FF8, v12;
	v10 =	vor.u32 v26, v10;
	v2 =	vld.idx.msk [tilespmem:v2+s30+$0x0], $0xffff  }
0x192: {  	v12 =	vor.u32 v30, v12;
	v3 =	vld.idx.msk [tilespmem:v3+s30+$0x0], $0xffff  }
0x193: {  	v4 =	vld.idx.msk [tilespmem:v4+s30+$0x0], $0xffff  }
0x194: {  	v6 =	vld.idx.msk [tilespmem:v6+s30+$0x0], $0xffff;
	v16 =	vpop (erf)  }
0x195: {  	v17 =	vadd.s32 s7, v18;
	v8 =	vld.idx.msk [tilespmem:v8+s30+$0x0], $0xffff;
	v16 =	vadd.f32 $1.000000000e+00, v16  }
0x196: {  	v10 =	vld.idx.msk [tilespmem:v10+s30+$0x0], $0xffff  }
0x197: {  	v12 =	vld.idx.msk [tilespmem:v12+s30+$0x0], $0xffff;
	(erf) = vrcp.f32 v16  }
0x198: {  	v5 =	vadd.f32 v5, v14;
	v7 =	vadd.f32 v9, v7  }
0x199: {  	v9 =	vadd.s32 s7, v32;
	v2 =	vadd.f32 v2, v11;
	v3 =	vadd.f32 v4, v3  }
0x19a: {  	v5 =	vadd.f32 v15, v5;
	v1 =	vadd.f32 v1, v7;
	v4 =	vadd.s32 s7, v34  }
0x19b: {  	v7 =	vadd.s32 s7, v37;
	v2 =	vadd.f32 v6, v2;
	v3 =	vadd.f32 v8, v3  }
0x19c: {  	v0 =	vadd.f32 v0, v5;
	v1 =	vadd.f32 v13, v1;
	v6 =	vadd.s32 s7, v38  }
0x19d: {  	v5 =	vand.u32 $0x1FF8, v17;
	v2 =	vadd.f32 v10, v2;
	v3 =	vadd.f32 v12, v3  }
0x19e: {  	v11 =	vand.u32 $0x1FF8, v9;
	v8 =	vadd.s32 s7, v40;
	v10 =	vadd.s32 s7, v41  }
0x19f: {  	v5 =	vor.u32 v36, v5;
	v0 =	vadd.f32 v1, v0;
	v1 =	vadd.f32 v3, v2  }
0x1a0: {  	s6 =	sadd.s32 $0x10, s6;
	v4 =	vand.u32 $0x1FF8, v4;
	v2 =	vor.u32 v26, v11;
	v3 =	vadd.s32 s7, v42;
	v9 =	vpop (erf)  }
0x1a1: {  	v7 =	vand.u32 $0x1FF8, v7;
	v4 =	vor.u32 v30, v4;
	v0 =	vadd.f32 v1, v0;
	[tilespmem:s6+$0x0] =	vst v9  }
0x1a2: {  	v6 =	vand.u32 $0x1FF8, v6;
	v1 =	vor.u32 v25, v7;
	v7 =	vadd.s32 s7, v43  }
.Ltmp1:
0x1a3: {  	v8 =	vand.u32 $0x1FF8, v8;
	v20 =	vor.u32 v29, v6;
	v6 =	vsub.f32 $0.0e+00, v0;
	(pc) =	sbr.rel @p0 .LBB2_5-.Ltmp1, $4  }
0x1a4: {  	v17 =	vor.u32 v24, v8;
	v8 =	vadd.s32 s7, v44;
	v14 =	vld.idx.msk [tilespmem:v5+s30+$0x0], $0xffff;
	v5 =	vand.u32 $0x1FF8, v10  }
0x1a5: {  	v0 =	vld.idx.msk [tilespmem:v2+s30+$0x0], $0xffff;
	v19 =	vor.u32 v27, v5;
	v2 =	vand.u32 $0x1FF8, v3;
	v3 =	vmul.f32 $1.442695020e+00, v6  }
0x1a6: {  	v22 =	vadd.s32 s7, v45;
	v16 =	vor.u32 v28, v2;
	v13 =	vld.idx.msk [tilespmem:v4+s30+$0x0], $0xffff;
	v2 =	vand.u32 $0x1FF8, v7  }
0x1a7: {  	v23 =	vand.u32 $0x1FF8, v8;
	s7 =	sadd.s32 $0x110, s7;
	v15 =	vld.idx.msk [tilespmem:v1+s30+$0x0], $0xffff;
	v21 =	vor.u32 v36, v2;
	(erf) = vpow2.f32 v3  }
0x1a8: {  	[tilespmem:$0x1FDF0] =	vst v45  }
0x1a9: {  	[tilespmem:$0x1FE00] =	vst v44  }
0x1aa: {  	[tilespmem:$0x1FE10] =	vst v43  }
0x1ab: {  	[tilespmem:$0x1FE20] =	vst v42  }
0x1ac: {  	[tilespmem:$0x1FE30] =	vst v41  }
0x1ad: {  	[tilespmem:$0x1FE40] =	vst v40  }
0x1ae: {  	[tilespmem:$0x1FE50] =	vst v38  }
0x1af: {  	[tilespmem:$0x1FE60] =	vst v37  }
0x1b0: {  	[tilespmem:$0x1FE70] =	vst v36  }
0x1b1: {  	[tilespmem:$0x1FE80] =	vst v34  }
0x1b2: {  	[tilespmem:$0x1FE90] =	vst v32  }
0x1b3: {  	v2 =	vor.u32 v24, v23;
	v3 =	vand.u32 $0x1FF8, v22;
	v4 =	vadd.s32 s5, v46;
	v1 =	vld.idx.msk [tilespmem:v20+s30+$0x0], $0xffff;
	[tilespmem:$0x1FEA0] =	vst v46  }
0x1b4: {  	v6 =	vadd.s32 s5, v39;
	v3 =	vor.u32 v27, v3;
	v4 =	vand.u32 $0x1FF8, v4;
	v5 =	vld.idx.msk [tilespmem:v17+s30+$0x0], $0xffff;
	[tilespmem:$0x1FEB0] =	vst v39  }
0x1b5: {  	v8 =	vadd.s32 s5, v33;
	v6 =	vand.u32 $0x1FF8, v6;
	v4 =	vor.u32 v28, v4;
	v7 =	vld.idx.msk [tilespmem:v19+s30+$0x0], $0xffff;
	[tilespmem:$0x1FEC0] =	vst v33  }
0x1b6: {  	v10 =	vadd.s32 s5, v35;
	v8 =	vand.u32 $0x1FF8, v8;
	v6 =	vor.u32 v25, v6;
	v9 =	vld.idx.msk [tilespmem:v16+s30+$0x0], $0xffff;
	[tilespmem:$0x1FED0] =	vst v35  }
0x1b7: {  	v12 =	vadd.s32 s5, v31;
	v10 =	vand.u32 $0x1FF8, v10;
	v8 =	vor.u32 v29, v8;
	v11 =	vld.idx.msk [tilespmem:v21+s30+$0x0], $0xffff;
	[tilespmem:$0x1FEE0] =	vst v31  }
0x1b8: {  	v12 =	vand.u32 $0x1FF8, v12;
	v10 =	vor.u32 v26, v10;
	v2 =	vld.idx.msk [tilespmem:v2+s30+$0x0], $0xffff  }
0x1b9: {  	v12 =	vor.u32 v30, v12;
	v3 =	vld.idx.msk [tilespmem:v3+s30+$0x0], $0xffff  }
0x1ba: {  	v4 =	vld.idx.msk [tilespmem:v4+s30+$0x0], $0xffff  }
0x1bb: {  	v6 =	vld.idx.msk [tilespmem:v6+s30+$0x0], $0xffff  }
0x1bc: {  	v8 =	vld.idx.msk [tilespmem:v8+s30+$0x0], $0xffff  }
0x1bd: {  	v10 =	vld.idx.msk [tilespmem:v10+s30+$0x0], $0xffff  }
0x1be: {  	v12 =	vld.idx.msk [tilespmem:v12+s30+$0x0], $0xffff;
	v5 =	vadd.f32 v5, v14;
	v7 =	vadd.f32 v9, v7  }
0x1bf: {  	v2 =	vadd.f32 v2, v11;
	v3 =	vadd.f32 v4, v3  }
0x1c0: {  	v44 =	vadd.f32 v15, v5;
	v1 =	vadd.f32 v1, v7  }
0x1c1: {  	v2 =	vadd.f32 v6, v2;
	v3 =	vadd.f32 v8, v3  }
0x1c2: {  	v0 =	vadd.f32 v0, v44;
	v1 =	vadd.f32 v13, v1  }
0x1c3: {  	v2 =	vadd.f32 v10, v2;
	v3 =	vadd.f32 v12, v3;
	_ =	sdelay $0x1  }
0x1c4: {  	v0 =	vadd.f32 v1, v0;
	v1 =	vadd.f32 v3, v2;
	_ =	sdelay $0x1  }
0x1c5: {  	v0 =	vadd.f32 v1, v0;
	_ =	sdelay $0x1  }
0x1c6: {  	v1 =	vpop (erf);
	v0 =	vsub.f32 $0.0e+00, v0  }
0x1c7: {  	v1 =	vadd.f32 $1.000000000e+00, v1  }
0x1c8: {  	v0 =	vmul.f32 $1.442695020e+00, v0  }
0x1c9: {  	(erf) = vrcp.f32 v1  }
0x1ca: {  	(erf) = vpow2.f32 v0;
	_ =	sdelay $0x7  }
0x1cb: {  	v0 =	vpop (erf)  }
0x1cc: {  	v1 =	vpop (erf)  }
0x1cd: {  	v1 =	vadd.f32 $1.000000000e+00, v1;
	_ =	sdelay $0x1  }
0x1ce: {  	(erf) = vrcp.f32 v1;
	_ =	sdelay $0x7  }
0x1cf: {  	s6 =	sadd.s32 $0x10, s6  }
0x1d0: {  	p0 =	seq.s32 s1, $0x1E;
	s5 =	sadd.s32 $0x10, s6;
	[tilespmem:s6+$0x0] =	vst v0;
	v0 =	vpop (erf)  }
0x1d1: {  	s7 =	simm.s32 @!p0 $0x7530;
	s6 =	simm.s32 @!p0 $0x50;
	[tilespmem:s5+$0x0] =	vst v0;
	s5 =	sadd.s32 @!p0 $0x140, s12  }
0x1d2: {  	[tilespmem:s7], [sflag:$0x1] =	stream.indirect.gather @!p0 [spmem:s3], $0x40, s5, s6, $0xb8;
	[tilespmem:$0x1E760] =	vst v63  }
0x1d3: {  	s5 =	sadd.s32 @!p0 $0x2850, s12;
	s7 =	simm.s32 @!p0 $0xC530  }
0x1d4: {  	[tilespmem:s7], [sflag:$0x3] =	stream.indirect.gather @!p0 [spmem:s3], $0x40, s5, s6, $0xb8;
	[tilespmem:$0x1E760] =	vst v63  }
0x1d5: {  	s5 =	sadd.s32 @!p0 $0x190, s12;
	s7 =	simm.s32 @!p0 $0x8930  }
0x1d6: {  	[tilespmem:s7], [sflag:$0x1] =	stream.indirect.gather @!p0 [spmem:s3], $0x40, s5, s6, $0xb8;
	[tilespmem:$0x1E760] =	vst v63  }
0x1d7: {  	s5 =	sadd.s32 @!p0 $0x28A0, s12;
	s7 =	simm.s32 @!p0 $0xD930  }
0x1d8: {  	[tilespmem:s7], [sflag:$0x3] =	stream.indirect.gather @!p0 [spmem:s3], $0x40, s5, s6, $0xb8;
	[tilespmem:$0x1E760] =	vst v63  }
0x1d9: {  	_ =	swait.ge [sflag:s31], $0x1400  }
0x1da: {  	[sflag:s31] =	ssyncset.done $0x0  }
0x1db: {  	[sflag:s31] =	ssyncadd.s32 $0xFFFFEC00  }
0x1dc: {  	_ =	swait.ge [sflag:s0], $0x1400  }
0x1dd: {  	[sflag:s0] =	ssyncset.done $0x0  }
0x1de: {  	[sflag:s0] =	ssyncadd.s32 $0xFFFFEC00  }
0x1df: {  	v34 =	vld [tilespmem:$0x1FF40];
	_ =	swait.ge [sflag:s31], $0x1400  }
0x1e0: {  	[sflag:s31] =	ssyncset.done $0x0  }
0x1e1: {  	[sflag:s31] =	ssyncadd.s32 $0xFFFFEC00  }
0x1e2: {  	_ =	swait.ge [sflag:s0], $0x1400  }
0x1e3: {  	v26 =	vld [tilespmem:$0x1FF50]  }
0x1e4: {  	[sflag:s0] =	ssyncset.done $0x0;
	v27 =	vld [tilespmem:$0x1FF60]  }
0x1e5: {  	s12 =	simm.s32 $0x9E30;
	v54 =	vld [tilespmem:$0x1FF70];
	[sflag:s0] =	ssyncadd.s32 $0xFFFFEC00  }
0x1e6: {  	s16 =	simm.s32 $0xEE30;
	v47 =	vld [tilespmem:s12+$0xF0]  }
0x1e7: {  	v49 =	vld [tilespmem:s16+$0xF0]  }
0x1e8: {  	s5 =	sadd.s32 $0xFFFFFFF8, s19;
	v50 =	vld [tilespmem:s12+$0xE0]  }
0x1e9: {  	s7 =	sadd.s32 $0xAF, s5;
	s8 =	sadd.s32 $0xA9, s5;
	v12 =	vld [tilespmem:s16+$0xE0]  }
0x1ea: {  	s9 =	sadd.s32 $0xAA, s5;
	s10 =	sadd.s32 $0xAB, s5;
	s15 =	sadd.s32 $0xAC, s5;
	v0 =	vmov s7;
	v1 =	vmov s8;
	v13 =	vld [tilespmem:s12+$0xC0]  }
0x1eb: {  	s17 =	sadd.s32 $0xAE, s5;
	v2 =	vmov s9;
	s8 =	sadd.s32 $0xAD, s5;
	v3 =	vmov s10;
	v45 =	vmov s15;
	v15 =	vld [tilespmem:s16+$0xC0]  }
0x1ec: {  	v48 =	vmov s17;
	v0 =	vshrl.u32 v0, $0x3;
	v46 =	vmov s8;
	v16 =	vld [tilespmem:s12+$0xD0]  }
0x1ed: {  	v1 =	vshrl.u32 v1, $0x3;
	v2 =	vshrl.u32 v2, $0x3;
	v3 =	vshrl.u32 v3, $0x3;
	v19 =	vld [tilespmem:s16+$0xD0]  }
0x1ee: {  	v4 =	vshrl.u32 v45, $0x3;
	v7 =	vshrl.u32 v48, $0x3;
	v0 =	vshll.u32 v0, v34;
	v59 =	vld [tilespmem:s16+$0xFFFFFF10]  }
0x1ef: {  	v5 =	vshrl.u32 v46, $0x3;
	v1 =	vshll.u32 v1, v34;
	v0 =	vadd.s32 $0x7, v0;
	v60 =	vld [tilespmem:s12+$0xFFFFFF40]  }
0x1f0: {  	v2 =	vshll.u32 v2, v34;
	v1 =	vadd.s32 $0x1, v1;
	v0 =	vbroadcast v0, $0x0;
	v61 =	vld [tilespmem:s16+$0xFFFFFF40]  }
0x1f1: {  	v3 =	vshll.u32 v3, v34;
	v2 =	vadd.s32 $0x2, v2;
	v1 =	vbroadcast v1, $0x0;
	v62 =	vld [tilespmem:s12+$0xFFFFFF50]  }
0x1f2: {  	v4 =	vshll.u32 v4, v34;
	v3 =	vadd.s32 $0x3, v3;
	v2 =	vbroadcast v2, $0x0;
	v21 =	vld [tilespmem:s16+$0xFFFFFF80]  }
0x1f3: {  	v5 =	vshll.u32 v5, v34;
	v4 =	vadd.s32 $0x4, v4;
	v3 =	vbroadcast v3, $0x0;
	v23 =	vld [tilespmem:s12+$0xFFFFFF90]  }
0x1f4: {  	v7 =	vshll.u32 v7, v34;
	v5 =	vadd.s32 $0x5, v5;
	v4 =	vbroadcast v4, $0x0;
	v37 =	vld [tilespmem:s16+$0xFFFFFF90]  }
0x1f5: {  	v7 =	vadd.s32 $0x6, v7;
	v5 =	vbroadcast v5, $0x0;
	v53 =	vld [tilespmem:s16+$0x50]  }
0x1f6: {  	v7 =	vbroadcast v7, $0x0;
	v0 =	vld.idx.msk [tilespmem:v0+s13+$0x0], $0xffff  }
0x1f7: {  	v30 =	vld.idx.msk [tilespmem:v1+s13+$0x0], $0xffff  }
0x1f8: {  	v35 =	vld.idx.msk [tilespmem:v2+s13+$0x0], $0xffff  }
0x1f9: {  	v36 =	vld.idx.msk [tilespmem:v3+s13+$0x0], $0xffff  }
0x1fa: {  	s5 =	sadd.s32 $0xA8, s5;
	v32 =	vld.idx.msk [tilespmem:v4+s13+$0x0], $0xffff  }
0x1fb: {  	v51 =	vmov s5;
	v33 =	vld.idx.msk [tilespmem:v5+s13+$0x0], $0xffff  }
0x1fc: {  	v10 =	vshrl.u32 v51, $0x3;
	v28 =	vld.idx.msk [tilespmem:v7+s13+$0x0], $0xffff  }
0x1fd: {  	v1 =	vshll.u32 v10, v34;
	v3 =	vld [tilespmem:s12+$0xFFFFFF10]  }
0x1fe: {  	v9 =	vmul.bf16 v12, v50;
	v12 =	vld [tilespmem:s16+$0xFFFFFF50];
	v1 =	vbroadcast v1, $0x0  }
0x1ff: {  	v2 =	vld [tilespmem:s16+$0xFFFFFF00];
	v6 =	vmul.bf16 v49, v47  }
0x200: {  	v13 =	vmul.bf16 v15, v13;
	v15 =	vmul.bf16 v19, v16;
	v19 =	vld [tilespmem:s12+$0xFFFFFF80]  }
0x201: {  	v47 =	vld [tilespmem:s16+$0x40];
	v16 =	vunpack.i.l.bf16.f32 v6  }
0x202: {  	v49 =	vld [tilespmem:s12+$0x50];
	v20 =	vunpack.i.l.bf16.f32 v9;
	v57 =	vadd.s32 v18, v0;
	v3 =	vmul.bf16 v59, v3  }
0x203: {  	v14 =	vadd.s32 v26, v0;
	v59 =	vmul.bf16 v61, v60;
	v61 =	vmul.bf16 v12, v62;
	v12 =	vld [tilespmem:s12+$0x90]  }
0x204: {  	v22 =	vunpack.i.u.bf16.f32 v15;
	v15 =	vunpack.i.l.bf16.f32 v15;
	v9 =	vunpack.i.u.bf16.f32 v9;
	v31 =	vld.idx.msk [tilespmem:v1+s13+$0x0], $0xffff  }
0x205: {  	v6 =	vunpack.i.u.bf16.f32 v6;
	v17 =	vadd.s32 v27, v0;
	v0 =	vadd.s32 v54, v0;
	v1 =	vld [tilespmem:s12+$0xFFFFFF00]  }
0x206: {  	v56 =	vadd.s32 v26, v35;
	v62 =	vmul.bf16 v21, v19;
	v19 =	vmul.bf16 v37, v23;
	v23 =	vld [tilespmem:s16+$0x90]  }
0x207: {  	v38 =	vadd.s32 v26, v30;
	v40 =	vadd.s32 v18, v35;
	v42 =	vadd.s32 v26, v36;
	v11 =	vld.idx.msk [tilespmem:v57+s11+$0x0], $0xffff  }
0x208: {  	v45 =	vadd.s32 v26, v32;
	v46 =	vadd.s32 v18, v33;
	v48 =	vadd.s32 v18, v28;
	v14 =	vld.idx.msk [tilespmem:v14+s11+$0x0], $0xffff  }
0x209: {  	v50 =	vadd.s32 v26, v28;
	v43 =	vmul.bf16 v53, v49;
	v4 =	vunpack.i.l.bf16.f32 v59;
	v57 =	vld [tilespmem:s12+$0x40]  }
0x20a: {  	v7 =	vunpack.i.l.bf16.f32 v61;
	v8 =	vunpack.i.l.bf16.f32 v62;
	v58 =	vld.idx.msk [tilespmem:v17+s11+$0x0], $0xffff;
	v1 =	vmul.bf16 v2, v1  }
0x20b: {  	v17 =	vunpack.i.u.bf16.f32 v13;
	v13 =	vunpack.i.l.bf16.f32 v13;
	v55 =	vld.idx.msk [tilespmem:v56+s11+$0x0], $0xffff;
	v12 =	vmul.bf16 v23, v12  }
0x20c: {  	v60 =	vld [tilespmem:s16+$0x80];
	v51 =	vadd.s32 v18, v31;
	v52 =	vadd.s32 v26, v31;
	v21 =	vunpack.i.u.bf16.f32 v1  }
0x20d: {  	v2 =	vld [tilespmem:s12+$0x80];
	v1 =	vunpack.i.l.bf16.f32 v1;
	v24 =	vunpack.i.u.bf16.f32 v11;
	v11 =	vunpack.i.l.bf16.f32 v11  }
0x20e: {  	v25 =	vunpack.i.u.bf16.f32 v14;
	v14 =	vunpack.i.l.bf16.f32 v14;
	v37 =	vmul.bf16 v47, v57  }
0x20f: {  	v0 =	vld.idx.msk [tilespmem:v0+s11+$0x0], $0xffff;
	v10 =	vunpack.i.u.bf16.f32 v58;
	v11 =	vmul.f32 v11, v13;
	v13 =	vmul.f32 v24, v17  }
0x210: {  	v5 =	vunpack.i.u.bf16.f32 v55;
	v14 =	vmul.f32 v14, v15;
	v15 =	vmul.f32 v25, v22  }
0x211: {  	v24 =	vld [tilespmem:s12+$0xFFFFFFC0];
	v17 =	vunpack.i.l.bf16.f32 v58;
	v9 =	vmul.f32 v10, v9;
	v58 =	vadd.s32 v18, v32  }
0x212: {  	v22 =	vld [tilespmem:s16+$0xFFFFFFC0];
	v17 =	vmul.f32 v17, v20;
	v2 =	vmul.bf16 v60, v2;
	v47 =	vunpack.i.u.bf16.f32 v37  }
0x213: {  	v10 =	vld [tilespmem:s16+$0xFFFFFFD0];
	v37 =	vunpack.i.l.bf16.f32 v37;
	v11 =	vadd.f32 v14, v11;
	v13 =	vadd.f32 v15, v13  }
0x214: {  	v20 =	vld [tilespmem:s12+$0xFFFFFFD0];
	v14 =	vunpack.i.l.bf16.f32 v0;
	v0 =	vunpack.i.u.bf16.f32 v0;
	v15 =	vadd.s32 v27, v36  }
0x215: {  	v40 =	vld.idx.msk [tilespmem:v40+s11+$0x0], $0xffff;
	v14 =	vmul.f32 v14, v16;
	v0 =	vmul.f32 v0, v6;
	v6 =	vadd.s32 v18, v30  }
0x216: {  	v63 =	vld [tilespmem:s12+$0x10];
	v16 =	vadd.s32 v27, v32;
	v32 =	vadd.s32 v54, v32;
	v11 =	vadd.f32 v17, v11  }
0x217: {  	v25 =	vld [tilespmem:s12+$0x0];
	v9 =	vadd.f32 v9, v13;
	v17 =	vadd.s32 v27, v30;
	v30 =	vadd.s32 v54, v30  }
0x218: {  	v13 =	vld [tilespmem:s16+$0x0];
	v22 =	vmul.bf16 v22, v24;
	v24 =	vunpack.i.u.bf16.f32 v61;
	v11 =	vadd.f32 v14, v11  }
0x219: {  	v44 =	vld.idx.msk [tilespmem:v45+s11+$0x0], $0xffff;
	v0 =	vadd.f32 v0, v9;
	v9 =	vadd.s32 v18, v36;
	v10 =	vmul.bf16 v10, v20  }
0x21a: {  	v14 =	vld [tilespmem:s16+$0x10];
	v20 =	vunpack.i.u.bf16.f32 v59;
	v59 =	vunpack.i.u.bf16.f32 v40;
	v40 =	vunpack.i.l.bf16.f32 v40  }
0x21b: {  	v53 =	vunpack.i.u.bf16.f32 v22;
	v22 =	vunpack.i.l.bf16.f32 v22;
	v8 =	vmul.f32 v40, v8  }
0x21c: {  	v29 =	vadd.f32 v11, v0;
	v11 =	vadd.s32 v26, v33;
	v0 =	vadd.s32 v27, v35;
	v6 =	vld.idx.msk [tilespmem:v6+s11+$0x0], $0xffff  }
0x21d: {  	v38 =	vld.idx.msk [tilespmem:v38+s11+$0x0], $0xffff;
	v56 =	vunpack.i.u.bf16.f32 v10;
	v13 =	vmul.bf16 v13, v25;
	v25 =	vunpack.i.u.bf16.f32 v62  }
0x21e: {  	v58 =	vld.idx.msk [tilespmem:v58+s11+$0x0], $0xffff;
	v10 =	vunpack.i.l.bf16.f32 v10;
	v25 =	vmul.f32 v59, v25;
	v59 =	vunpack.i.u.bf16.f32 v44  }
0x21f: {  	v45 =	vld.idx.msk [tilespmem:v46+s11+$0x0], $0xffff;
	v44 =	vunpack.i.l.bf16.f32 v44;
	v14 =	vmul.bf16 v14, v63;
	v63 =	vunpack.i.u.bf16.f32 v19  }
0x220: {  	v48 =	vld.idx.msk [tilespmem:v48+s11+$0x0], $0xffff;
	v19 =	vunpack.i.l.bf16.f32 v19;
	v57 =	vunpack.i.l.bf16.f32 v13;
	v5 =	vmul.f32 v5, v63  }
0x221: {  	v9 =	vld.idx.msk [tilespmem:v9+s11+$0x0], $0xffff;
	v23 =	vunpack.i.l.bf16.f32 v6;
	v6 =	vunpack.i.u.bf16.f32 v6;
	v62 =	vunpack.i.l.bf16.f32 v14  }
0x222: {  	v60 =	vld [tilespmem:s12+$0xFFFFFF20];
	v4 =	vmul.f32 v23, v4;
	v23 =	vunpack.i.u.bf16.f32 v13;
	v6 =	vmul.f32 v6, v20  }
0x223: {  	v13 =	vld.idx.msk [tilespmem:v42+s11+$0x0], $0xffff;
	v20 =	vunpack.i.u.bf16.f32 v38;
	v38 =	vunpack.i.l.bf16.f32 v38;
	v42 =	vunpack.i.u.bf16.f32 v58  }
0x224: {  	v63 =	vld [tilespmem:s12+$0xFFFFFF60];
	v44 =	vmul.f32 v44, v62;
	v5 =	vadd.f32 v5, v25;
	v7 =	vmul.f32 v38, v7  }
0x225: {  	v11 =	vld.idx.msk [tilespmem:v11+s11+$0x0], $0xffff;
	v20 =	vmul.f32 v20, v24;
	v24 =	vunpack.i.l.bf16.f32 v55;
	v38 =	vunpack.i.u.bf16.f32 v14  }
0x226: {  	v23 =	vmul.f32 v42, v23;
	v55 =	vld.idx.msk [tilespmem:v52+s11+$0x0], $0xffff;
	v19 =	vmul.f32 v24, v19;
	v61 =	vunpack.i.l.bf16.f32 v9  }
0x227: {  	v24 =	vld [tilespmem:s16+$0xFFFFFF20];
	v9 =	vunpack.i.u.bf16.f32 v9;
	v38 =	vmul.f32 v59, v38;
	v59 =	vunpack.i.l.bf16.f32 v12  }
0x228: {  	v62 =	vld [tilespmem:s16+$0xFFFFFFE0];
	v22 =	vmul.f32 v61, v22;
	v14 =	vunpack.i.u.bf16.f32 v13;
	v13 =	vunpack.i.l.bf16.f32 v13  }
0x229: {  	v12 =	vunpack.i.u.bf16.f32 v12;
	v9 =	vmul.f32 v9, v53;
	v61 =	vld [tilespmem:s12+$0xFFFFFFE0];
	v10 =	vmul.f32 v13, v10  }
0x22a: {  	v41 =	vmul.f32 v14, v56;
	v56 =	vld [tilespmem:s16+$0xFFFFFF60];
	v14 =	vunpack.i.l.bf16.f32 v58;
	v13 =	vadd.f32 v7, v4  }
0x22b: {  	v4 =	vunpack.i.u.bf16.f32 v43;
	v43 =	vunpack.i.l.bf16.f32 v43;
	v58 =	vld [tilespmem:s16+$0xFFFFFFA0];
	v53 =	vunpack.i.l.bf16.f32 v55  }
0x22c: {  	v24 =	vmul.bf16 v24, v60;
	v7 =	vmul.f32 v14, v57;
	v57 =	vld [tilespmem:s12+$0xFFFFFFA0];
	v60 =	vunpack.i.l.bf16.f32 v45  }
0x22d: {  	v14 =	vadd.f32 v20, v6;
	v20 =	vld.idx.msk [tilespmem:v50+s11+$0x0], $0xffff;
	v45 =	vunpack.i.u.bf16.f32 v45;
	v37 =	vmul.f32 v60, v37  }
0x22e: {  	v50 =	vld.idx.msk [tilespmem:v51+s11+$0x0], $0xffff;
	v51 =	vadd.s32 v27, v33;
	v47 =	vmul.f32 v45, v47;
	v42 =	vmul.bf16 v62, v61  }
0x22f: {  	v45 =	vunpack.i.u.bf16.f32 v55;
	v10 =	vadd.f32 v10, v22;
	v9 =	vadd.f32 v41, v9  }
0x230: {  	v25 =	vunpack.i.u.bf16.f32 v24;
	v24 =	vunpack.i.l.bf16.f32 v24;
	v39 =	vmul.bf16 v56, v63  }
0x231: {  	v15 =	vld.idx.msk [tilespmem:v15+s11+$0x0], $0xffff;
	v63 =	vunpack.i.u.bf16.f32 v2;
	v2 =	vunpack.i.l.bf16.f32 v2;
	v56 =	vunpack.i.u.bf16.f32 v11  }
0x232: {  	v0 =	vld.idx.msk [tilespmem:v0+s11+$0x0], $0xffff;
	v11 =	vunpack.i.l.bf16.f32 v11;
	v6 =	vmul.bf16 v58, v57;
	v57 =	vunpack.i.l.bf16.f32 v48  }
0x233: {  	v60 =	vld [tilespmem:s16+$0x20];
	v11 =	vmul.f32 v11, v43;
	v4 =	vmul.f32 v56, v4;
	v48 =	vunpack.i.u.bf16.f32 v48  }
0x234: {  	v62 =	vld [tilespmem:s12+$0x60];
	v61 =	vunpack.i.l.bf16.f32 v20;
	v20 =	vunpack.i.u.bf16.f32 v20;
	v43 =	vadd.s32 v27, v31  }
0x235: {  	v22 =	vld [tilespmem:s12+$0xFFFFFF30];
	v56 =	vadd.s32 v54, v36;
	v2 =	vmul.f32 v57, v2;
	v46 =	vmul.f32 v48, v63  }
0x236: {  	v55 =	vld [tilespmem:s16+$0xFFFFFF30];
	v49 =	vmul.f32 v61, v59;
	v12 =	vmul.f32 v20, v12;
	v20 =	vunpack.i.l.bf16.f32 v50  }
0x237: {  	v58 =	vld [tilespmem:s12+$0x20];
	v50 =	vunpack.i.u.bf16.f32 v50;
	v57 =	vadd.s32 v54, v33;
	v61 =	vadd.s32 v54, v28  }
0x238: {  	v63 =	vld [tilespmem:s16+$0x60];
	v33 =	vunpack.i.u.bf16.f32 v39;
	v59 =	vunpack.i.l.bf16.f32 v42;
	v1 =	vmul.f32 v20, v1  }
0x239: {  	v16 =	vld.idx.msk [tilespmem:v16+s11+$0x0], $0xffff;
	v20 =	vunpack.i.u.bf16.f32 v3;
	v3 =	vunpack.i.l.bf16.f32 v3;
	v21 =	vmul.f32 v50, v21  }
0x23a: {  	v50 =	vld [tilespmem:s12+$0xA0];
	v36 =	vadd.f32 v11, v37;
	v37 =	vadd.f32 v4, v47;
	v3 =	vmul.f32 v53, v3  }
0x23b: {  	v20 =	vmul.f32 v45, v20;
	v45 =	vld [tilespmem:s16+$0xA0];
	v53 =	vadd.s32 v54, v35;
	v35 =	vmul.bf16 v55, v22  }
0x23c: {  	v17 =	vld.idx.msk [tilespmem:v17+s11+$0x0], $0xffff;
	v22 =	vunpack.i.u.bf16.f32 v0;
	v0 =	vunpack.i.l.bf16.f32 v0;
	v40 =	vmul.bf16 v60, v58  }
0x23d: {  	v55 =	vld [tilespmem:s12+$0xFFFFFFF0];
	v41 =	vadd.f32 v20, v21;
	v48 =	vmul.bf16 v63, v62;
	v62 =	vadd.f32 v19, v8  }
0x23e: {  	v58 =	vld [tilespmem:s12+$0xFFFFFF70];
	v19 =	vadd.s32 v27, v28;
	v63 =	vadd.s32 v54, v31;
	v8 =	vunpack.i.l.bf16.f32 v39  }
0x23f: {  	v60 =	vld [tilespmem:s16+$0xFFFFFF70];
	v39 =	vadd.f32 v49, v2;
	v2 =	vunpack.i.u.bf16.f32 v40;
	v52 =	vunpack.i.l.bf16.f32 v40  }
0x240: {  	v20 =	vld [tilespmem:s16+$0xFFFFFFB0];
	v40 =	vadd.f32 v3, v1;
	v31 =	vmul.bf16 v45, v50;
	v45 =	vadd.f32 v44, v7  }
0x241: {  	v21 =	vld.idx.msk [tilespmem:v43+s11+$0x0], $0xffff;
	v7 =	vunpack.i.u.bf16.f32 v6;
	v6 =	vunpack.i.l.bf16.f32 v6;
	v44 =	vadd.f32 v38, v23  }
0x242: {  	v50 =	vld.idx.msk [tilespmem:v51+s11+$0x0], $0xffff;
	v23 =	vunpack.i.u.bf16.f32 v42;
	v1 =	vunpack.i.u.bf16.f32 v48;
	v42 =	vadd.f32 v12, v46  }
0x243: {  	v12 =	vunpack.i.l.bf16.f32 v17;
	v17 =	vunpack.i.u.bf16.f32 v17;
	v6 =	vmul.f32 v0, v6;
	v0 =	vld [tilespmem:s16+$0xFFFFFFF0]  }
0x244: {  	v3 =	vunpack.i.l.bf16.f32 v48;
	v12 =	vmul.f32 v12, v8;
	v17 =	vmul.f32 v17, v33;
	v54 =	vld.idx.msk [tilespmem:v19+s11+$0x0], $0xffff  }
0x245: {  	v7 =	vmul.f32 v22, v7;
	v4 =	vmul.bf16 v60, v58;
	v58 =	vunpack.i.l.bf16.f32 v15;
	v19 =	vld [tilespmem:s12+$0xFFFFFFB0]  }
0x246: {  	v18 =	vunpack.i.u.bf16.f32 v31;
	v15 =	vunpack.i.u.bf16.f32 v15;
	v11 =	vmul.f32 v58, v59  }
0x247: {  	v8 =	vmul.f32 v15, v23;
	v23 =	vunpack.i.l.bf16.f32 v31;
	v60 =	vunpack.i.l.bf16.f32 v50  }
0x248: {  	v59 =	vld [tilespmem:s12+$0x30];
	v31 =	vunpack.i.u.bf16.f32 v50;
	v33 =	vmul.bf16 v0, v55;
	v49 =	vmul.f32 v60, v3  }
0x249: {  	v15 =	vld [tilespmem:s16+$0x30];
	v0 =	vunpack.i.u.bf16.f32 v21;
	v48 =	vmul.f32 v31, v1;
	v3 =	vunpack.i.l.bf16.f32 v21  }
0x24a: {  	v55 =	vld [tilespmem:s12+$0x70];
	v20 =	vmul.bf16 v20, v19;
	v19 =	vunpack.i.l.bf16.f32 v16;
	v16 =	vunpack.i.u.bf16.f32 v16  }
0x24b: {  	v1 =	vld [tilespmem:s16+$0x70];
	v21 =	vunpack.i.l.bf16.f32 v35;
	v22 =	vmul.f32 v16, v2;
	v16 =	vunpack.i.l.bf16.f32 v54  }
0x24c: {  	v19 =	vmul.f32 v19, v52;
	v2 =	vunpack.i.u.bf16.f32 v54;
	v52 =	vmul.f32 v16, v23;
	v16 =	vld [tilespmem:s12+$0xB0];
	[tilespmem:$0x1FEF0] =	vst v21  }
0x24d: {  	v38 =	vunpack.i.u.bf16.f32 v35;
	v47 =	vunpack.i.u.bf16.f32 v4;
	v54 =	vmul.f32 v2, v18;
	v2 =	vld [tilespmem:s16+$0xB0]  }
0x24e: {  	v51 =	vunpack.i.l.bf16.f32 v4;
	v15 =	vmul.bf16 v15, v59;
	v59 =	vmul.f32 v3, v24;
	v3 =	vld.idx.msk [tilespmem:v30+s11+$0x0], $0xffff  }
0x24f: {  	v60 =	vadd.f32 v12, v13;
	v31 =	vadd.f32 v6, v62;
	v0 =	vmul.f32 v0, v25;
	v4 =	vld.idx.msk [tilespmem:v53+s11+$0x0], $0xffff  }
0x250: {  	v35 =	vunpack.i.u.bf16.f32 v33;
	v46 =	vunpack.i.u.bf16.f32 v20;
	v50 =	vunpack.i.l.bf16.f32 v20;
	v21 =	vld.idx.msk [tilespmem:v56+s11+$0x0], $0xffff  }
0x251: {  	v28 =	vunpack.i.u.bf16.f32 v15;
	v1 =	vmul.bf16 v1, v55;
	v55 =	vunpack.i.l.bf16.f32 v33;
	v12 =	vld.idx.msk [tilespmem:v32+s11+$0x0], $0xffff  }
0x252: {  	s6 =	simm.s32 $0x119B4;
	v56 =	vunpack.i.l.bf16.f32 v15;
	v33 =	vadd.f32 v17, v14;
	v32 =	vadd.f32 v7, v5  }
0x253: {  	v62 =	vld.idx.msk [tilespmem:v57+s11+$0x0], $0xffff;
	v57 =	vadd.f32 v11, v10;
	[tilespmem:s6+$0x33] =	vst v29;
	v29 =	vadd.f32 v8, v9;
	v53 =	vunpack.i.u.bf16.f32 v1  }
0x254: {  	v58 =	vunpack.i.l.bf16.f32 v1;
	v2 =	vmul.bf16 v2, v16;
	v17 =	vunpack.i.u.bf16.f32 v3  }
0x255: {  	v25 =	vunpack.i.l.bf16.f32 v3;
	v14 =	vunpack.i.u.bf16.f32 v4;
	v20 =	vunpack.i.l.bf16.f32 v4  }
0x256: {  	v61 =	vld.idx.msk [tilespmem:v61+s11+$0x0], $0xffff;
	v15 =	vunpack.i.u.bf16.f32 v21;
	v23 =	vunpack.i.l.bf16.f32 v21;
	v16 =	vunpack.i.u.bf16.f32 v12  }
0x257: {  	s7 =	simm.s32 $0x0;
	s5 =	simm.s32 $0x119B4;
	v21 =	vld.idx.msk [tilespmem:v63+s11+$0x0], $0xffff;
	v24 =	vunpack.i.l.bf16.f32 v12;
	v43 =	vunpack.i.u.bf16.f32 v2;
	v13 =	vunpack.i.l.bf16.f32 v2  }
.LBB2_7:
0x258: {  	v19 =	vadd.f32 v19, v45;
	v1 =	vunpack.i.u.bf16.f32 v62  }
0x259: {  	v2 =	vunpack.i.l.bf16.f32 v62;
	v22 =	vadd.f32 v22, v44;
	v25 =	vmul.f32 v25, v51  }
0x25a: {  	v17 =	vmul.f32 v17, v47;
	v45 =	vadd.f32 v0, v41;
	v0 =	vmul.f32 v20, v50  }
0x25b: {  	v51 =	vadd.f32 v48, v37;
	v14 =	vmul.f32 v14, v46;
	v23 =	vmul.f32 v23, v55  }
0x25c: {  	v48 =	vadd.f32 v59, v40;
	v15 =	vmul.f32 v15, v35;
	v24 =	vmul.f32 v24, v56  }
0x25d: {  	s8 =	sadd.s32 s7, s19;
	v16 =	vmul.f32 v16, v28;
	v44 =	vadd.f32 v49, v36;
	v52 =	vadd.f32 v52, v39  }
0x25e: {  	s9 =	sadd.s32 $0xA9, s8;
	s10 =	sadd.s32 $0xAA, s8;
	v49 =	vadd.f32 v54, v42;
	v46 =	vmul.f32 v2, v58;
	v62 =	vmul.f32 v1, v53  }
0x25f: {  	s15 =	sadd.s32 $0xAF, s8;
	v5 =	vmov s9;
	v6 =	vmov s10;
	v50 =	vadd.f32 v25, v60  }
0x260: {  	v18 =	vld [tilespmem:$0x1FFF0];
	s17 =	sadd.s32 $0xAC, s8;
	v7 =	vmov s15;
	v56 =	vadd.f32 v17, v33;
	v53 =	vadd.f32 v0, v31  }
0x261: {  	v47 =	vmovc v38;
	v38 =	vld [tilespmem:$0x1FF50];
	v9 =	vmov s17;
	v54 =	vadd.f32 v14, v32;
	v57 =	vadd.f32 v23, v57  }
0x262: {  	s12 =	sadd.s32 $0x200, s12;
	v30 =	vld [tilespmem:$0x1FF70];
	s10 =	sadd.s32 $0xAB, s8;
	v33 =	vadd.f32 v15, v29;
	v55 =	vadd.f32 v24, v19;
	v7 =	vshrl.u32 v7, $0x3  }
0x263: {  	s16 =	sadd.s32 $0x200, s16;
	v27 =	vld [tilespmem:s12+$0xF0];
	s15 =	sadd.s32 $0xAD, s8;
	s17 =	sadd.s32 $0xAE, s8;
	v58 =	vadd.f32 v16, v22;
	v8 =	vmov s10;
	v7 =	vshll.u32 v7, v34  }
0x264: {  	v36 =	vld [tilespmem:s16+$0xF0];
	v10 =	vmov s15;
	v11 =	vmov s17;
	v7 =	vadd.s32 $0x7, v7  }
0x265: {  	v37 =	vld [tilespmem:s12+$0xE0];
	s8 =	sadd.s32 $0xA8, s8;
	v5 =	vshrl.u32 v5, $0x3;
	v6 =	vshrl.u32 v6, $0x3;
	v7 =	vbroadcast v7, $0x0  }
0x266: {  	v40 =	vld [tilespmem:s16+$0xE0];
	v12 =	vmov s8;
	v8 =	vshrl.u32 v8, $0x3;
	v5 =	vshll.u32 v5, v34  }
0x267: {  	v20 =	vld [tilespmem:s12+$0xC0];
	v11 =	vshrl.u32 v11, $0x3;
	v6 =	vshll.u32 v6, v34;
	v5 =	vadd.s32 $0x1, v5  }
0x268: {  	v42 =	vld [tilespmem:s16+$0xC0];
	v12 =	vshrl.u32 v12, $0x3;
	v6 =	vadd.s32 $0x2, v6;
	v5 =	vbroadcast v5, $0x0  }
0x269: {  	v2 =	vld [tilespmem:s16+$0xD0];
	v8 =	vshll.u32 v8, v34;
	v12 =	vshll.u32 v12, v34;
	v6 =	vbroadcast v6, $0x0  }
0x26a: {  	v39 =	vld [tilespmem:$0x1FEF0];
	v11 =	vshll.u32 v11, v34;
	v8 =	vadd.s32 $0x3, v8;
	v12 =	vbroadcast v12, $0x0  }
0x26b: {  	v10 =	vshrl.u32 v10, $0x3;
	v11 =	vadd.s32 $0x6, v11;
	v8 =	vbroadcast v8, $0x0;
	v7 =	vld.idx.msk [tilespmem:v7+s13+$0x0], $0xffff  }
0x26c: {  	v25 =	vld [tilespmem:s12+$0xD0];
	v9 =	vshrl.u32 v9, $0x3;
	v10 =	vshll.u32 v10, v34;
	v11 =	vbroadcast v11, $0x0  }
0x26d: {  	v4 =	vunpack.i.l.bf16.f32 v61;
	v9 =	vshll.u32 v9, v34;
	v34 =	vld [tilespmem:$0x1FF60];
	v10 =	vadd.s32 $0x5, v10  }
0x26e: {  	v3 =	vunpack.i.u.bf16.f32 v61;
	v63 =	vmul.f32 v4, v13;
	v10 =	vbroadcast v10, $0x0;
	v4 =	vld.idx.msk [tilespmem:v5+s13+$0x0], $0xffff  }
0x26f: {  	v26 =	vunpack.i.u.bf16.f32 v21;
	v21 =	vunpack.i.l.bf16.f32 v21;
	v9 =	vadd.s32 $0x4, v9;
	v6 =	vld.idx.msk [tilespmem:v6+s13+$0x0], $0xffff  }
0x270: {  	v61 =	vmul.f32 v3, v43;
	v9 =	vbroadcast v9, $0x0;
	v12 =	vld.idx.msk [tilespmem:v12+s13+$0x0], $0xffff;
	v59 =	vadd.s32 v18, v7  }
0x271: {  	v13 =	vmul.bf16 v42, v20;
	v14 =	vmul.bf16 v40, v37;
	v8 =	vld.idx.msk [tilespmem:v8+s13+$0x0], $0xffff;
	v41 =	vadd.s32 v38, v7  }
0x272: {  	v60 =	vmul.f32 v21, v39;
	v2 =	vmul.bf16 v2, v25;
	v52 =	vadd.f32 v63, v52;
	v11 =	vld.idx.msk [tilespmem:v11+s13+$0x0], $0xffff  }
0x273: {  	v0 =	vld [tilespmem:s12+$0xFFFFFF10];
	v49 =	vadd.f32 v61, v49;
	v16 =	vunpack.i.u.bf16.f32 v13;
	v19 =	vunpack.i.u.bf16.f32 v14  }
0x274: {  	v14 =	vunpack.i.l.bf16.f32 v14;
	v13 =	vunpack.i.l.bf16.f32 v13;
	v10 =	vld.idx.msk [tilespmem:v10+s13+$0x0], $0xffff;
	v35 =	vadd.s32 v34, v7  }
0x275: {  	v20 =	vunpack.i.u.bf16.f32 v2;
	v2 =	vunpack.i.l.bf16.f32 v2;
	v7 =	vadd.s32 v30, v7;
	v1 =	vld.idx.msk [tilespmem:v59+s11+$0x0], $0xffff  }
0x276: {  	v28 =	vadd.s32 v38, v4;
	v23 =	vadd.s32 v38, v6;
	v32 =	vadd.s32 v38, v12;
	v3 =	vld.idx.msk [tilespmem:v41+s11+$0x0], $0xffff  }
0x277: {  	v29 =	vld [tilespmem:s12+$0xFFFFFF90];
	v42 =	vadd.s32 v34, v6;
	v24 =	vadd.s32 v18, v8;
	v31 =	vadd.s32 v38, v11  }
0x278: {  	v9 =	vld.idx.msk [tilespmem:v9+s13+$0x0], $0xffff;
	v40 =	vadd.s32 v34, v8;
	v59 =	vmul.f32 v26, v47;
	v47 =	vmul.bf16 v36, v27  }
0x279: {  	v39 =	vadd.s32 v34, v10;
	v37 =	vadd.s32 v34, v11;
	v15 =	vld.idx.msk [tilespmem:v35+s11+$0x0], $0xffff;
	v41 =	vadd.s32 v34, v4  }
0x27a: {  	v7 =	vld.idx.msk [tilespmem:v7+s11+$0x0], $0xffff;
	v36 =	vadd.s32 v34, v12;
	v17 =	vunpack.i.l.bf16.f32 v47;
	v5 =	vunpack.i.u.bf16.f32 v47  }
0x27b: {  	v43 =	vld [tilespmem:s12+$0xFFFFFF40];
	v21 =	vunpack.i.u.bf16.f32 v1;
	v1 =	vunpack.i.l.bf16.f32 v1;
	v22 =	vunpack.i.u.bf16.f32 v3  }
0x27c: {  	v63 =	vld [tilespmem:s16+$0x50];
	v3 =	vunpack.i.l.bf16.f32 v3;
	v1 =	vmul.f32 v1, v13;
	v13 =	vmul.f32 v21, v16  }
0x27d: {  	v61 =	vld [tilespmem:s16+$0x80];
	v45 =	vadd.f32 v59, v45;
	v2 =	vmul.f32 v3, v2;
	v3 =	vmul.f32 v22, v20  }
0x27e: {  	v26 =	vld [tilespmem:s12+$0xFFFFFF00];
	v16 =	vunpack.i.l.bf16.f32 v15;
	v15 =	vunpack.i.u.bf16.f32 v15;
	v22 =	vadd.s32 v38, v8  }
0x27f: {  	v27 =	vld [tilespmem:s16+$0xFFFFFF00];
	v20 =	vadd.s32 v38, v9;
	v14 =	vmul.f32 v16, v14;
	v16 =	vunpack.i.l.bf16.f32 v7  }
0x280: {  	v47 =	vld [tilespmem:s12+$0xFFFFFF50];
	v1 =	vadd.f32 v2, v1;
	v2 =	vadd.f32 v3, v13;
	v3 =	vmul.f32 v15, v19  }
0x281: {  	v59 =	vld [tilespmem:s16+$0x90];
	v13 =	vmul.f32 v16, v17;
	v19 =	vadd.s32 v18, v10;
	v17 =	vadd.s32 v38, v10  }
0x282: {  	v38 =	vadd.s32 v34, v9;
	v34 =	vadd.s32 v30, v8;
	v8 =	vld [tilespmem:s12+$0xFFFFFFC0];
	v10 =	vadd.s32 v30, v10  }
0x283: {  	v16 =	vadd.s32 v18, v11;
	v11 =	vadd.s32 v30, v11;
	[tilespmem:$0x1FDD0] =	vst v10;
	v10 =	vld [tilespmem:s16+$0xFFFFFFC0]  }
0x284: {  	v33 =	vadd.f32 v57, v33;
	v48 =	vadd.f32 v60, v48;
	v25 =	vadd.s32 v18, v6;
	[tilespmem:$0x1FDE0] =	vst v11;
	v11 =	vld [tilespmem:s12+$0xFFFFFFD0]  }
0x285: {  	v7 =	vunpack.i.u.bf16.f32 v7;
	v15 =	vadd.s32 v18, v12;
	[tilespmem:$0x1FDB0] =	vst v34;
	v34 =	vmul.bf16 v27, v26;
	v27 =	vld [tilespmem:s16+$0x0]  }
0x286: {  	v57 =	vadd.f32 v48, v45;
	v2 =	vadd.f32 v3, v2;
	v3 =	vmul.f32 v7, v5;
	v5 =	vld [tilespmem:s16+$0xFFFFFF10]  }
0x287: {  	v21 =	vadd.s32 v18, v9;
	v1 =	vadd.f32 v14, v1;
	v14 =	vadd.s32 v18, v4;
	v18 =	vld [tilespmem:s12+$0xFFFFFF80]  }
0x288: {  	v35 =	vadd.s32 v30, v4;
	v4 =	vld [tilespmem:s16+$0xFFFFFF90]  }
0x289: {  	[tilespmem:s5+$0xFFFFFFBC] =	vst v57;
	v1 =	vadd.f32 v13, v1;
	v2 =	vadd.f32 v3, v2;
	v3 =	vld [tilespmem:s16+$0xFFFFFF40]  }
0x28a: {  	v15 =	vld.idx.msk [tilespmem:v15+s11+$0x0], $0xffff  }
0x28b: {  	v50 =	vadd.f32 v50, v56;
	v1 =	vadd.f32 v1, v2;
	v2 =	vld [tilespmem:s16+$0xFFFFFF50]  }
0x28c: {  	v8 =	vmul.bf16 v10, v8;
	v10 =	vld [tilespmem:s12+$0x10]  }
0x28d: {  	[tilespmem:s5+$0xFFFFFFCD] =	vst v50;
	v5 =	vmul.bf16 v5, v0;
	v0 =	vld [tilespmem:s16+$0x10]  }
0x28e: {  	v14 =	vld.idx.msk [tilespmem:v14+s11+$0x0], $0xffff  }
0x28f: {  	s6 =	sadd.s32 $0x88, s6;
	v51 =	vadd.f32 v62, v51;
	v6 =	vadd.s32 v30, v6;
	v50 =	vadd.f32 v53, v54;
	v28 =	vld.idx.msk [tilespmem:v28+s11+$0x0], $0xffff  }
0x290: {  	v9 =	vadd.s32 v30, v9;
	v30 =	vadd.s32 v30, v12;
	v12 =	vadd.f32 v46, v44;
	[tilespmem:s6+$0x33] =	vst v1;
	v1 =	vld [tilespmem:s16+$0xFFFFFF80]  }
0x291: {  	v55 =	vadd.f32 v55, v58;
	[tilespmem:s5+$0xFFFFFFDE] =	vst v50;
	v44 =	vunpack.i.u.bf16.f32 v5;
	v46 =	vunpack.i.l.bf16.f32 v5;
	v5 =	vld [tilespmem:s12+$0x0]  }
0x292: {  	v58 =	vadd.f32 v52, v49;
	v12 =	vadd.f32 v12, v51;
	v4 =	vmul.bf16 v4, v29;
	v25 =	vld.idx.msk [tilespmem:v25+s11+$0x0], $0xffff  }
0x293: {  	v13 =	vunpack.i.u.bf16.f32 v8;
	v8 =	vunpack.i.l.bf16.f32 v8;
	v3 =	vmul.bf16 v3, v43;
	v23 =	vld.idx.msk [tilespmem:v23+s11+$0x0], $0xffff;
	[tilespmem:s5+$0x0] =	vst v55  }
0x294: {  	v43 =	vunpack.i.u.bf16.f32 v34;
	v7 =	vunpack.i.u.bf16.f32 v4;
	v20 =	vld.idx.msk [tilespmem:v20+s11+$0x0], $0xffff;
	v57 =	vunpack.i.u.bf16.f32 v15  }
0x295: {  	v2 =	vmul.bf16 v2, v47;
	v47 =	vunpack.i.l.bf16.f32 v34;
	v34 =	vld [tilespmem:s16+$0xFFFFFFD0];
	v43 =	vmul.f32 v57, v43  }
0x296: {  	v4 =	vunpack.i.l.bf16.f32 v4;
	[tilespmem:s5+$0xFFFFFFEF] =	vst v33;
	v0 =	vmul.bf16 v0, v10;
	v10 =	vld [tilespmem:s12+$0x80];
	v1 =	vmul.bf16 v1, v18  }
0x297: {  	v24 =	vld.idx.msk [tilespmem:v24+s11+$0x0], $0xffff;
	v18 =	vunpack.i.u.bf16.f32 v3;
	v3 =	vunpack.i.l.bf16.f32 v3;
	v26 =	vunpack.i.u.bf16.f32 v2  }
0x298: {  	v2 =	vunpack.i.l.bf16.f32 v2;
	v5 =	vmul.bf16 v27, v5;
	v27 =	vld [tilespmem:s12+$0x50];
	v56 =	vunpack.i.u.bf16.f32 v0  }
0x299: {  	[tilespmem:$0x1FDA0] =	vst v6;
	v0 =	vunpack.i.l.bf16.f32 v0;
	v29 =	vunpack.i.u.bf16.f32 v1;
	v6 =	vunpack.i.l.bf16.f32 v1;
	v1 =	vld [tilespmem:s16+$0x40]  }
0x29a: {  	[tilespmem:$0x1FDC0] =	vst v9;
	v49 =	vunpack.i.u.bf16.f32 v20;
	v20 =	vunpack.i.l.bf16.f32 v20;
	v9 =	vmul.bf16 v34, v11;
	v34 =	vld [tilespmem:s12+$0x40]  }
0x29b: {  	v60 =	vunpack.i.u.bf16.f32 v5;
	v5 =	vunpack.i.l.bf16.f32 v5;
	[tilespmem:s5+$0x11] =	vst v12;
	v12 =	vld.idx.msk [tilespmem:v22+s11+$0x0], $0xffff;
	v22 =	vunpack.i.u.bf16.f32 v14  }
0x29c: {  	v11 =	vld [tilespmem:s12+$0x90];
	[tilespmem:s5+$0x22] =	vst v58;
	v14 =	vunpack.i.l.bf16.f32 v14;
	v58 =	vunpack.i.l.bf16.f32 v15;
	v20 =	vmul.f32 v20, v0  }
0x29d: {  	v21 =	vld.idx.msk [tilespmem:v21+s11+$0x0], $0xffff;
	v10 =	vmul.bf16 v61, v10;
	v61 =	vunpack.i.u.bf16.f32 v28;
	v28 =	vunpack.i.l.bf16.f32 v28  }
0x29e: {  	v32 =	vld.idx.msk [tilespmem:v32+s11+$0x0], $0xffff;
	v3 =	vmul.f32 v14, v3;
	v14 =	vunpack.i.u.bf16.f32 v25;
	v25 =	vunpack.i.l.bf16.f32 v25  }
0x29f: {  	v52 =	vld [tilespmem:s12+$0xFFFFFF60];
	v18 =	vmul.f32 v22, v18;
	v22 =	vunpack.i.u.bf16.f32 v23;
	v23 =	vunpack.i.l.bf16.f32 v23  }
0x2a0: {  	v54 =	vld [tilespmem:s16+$0xFFFFFF60];
	v47 =	vmul.f32 v58, v47;
	v62 =	vunpack.i.u.bf16.f32 v9;
	v9 =	vunpack.i.l.bf16.f32 v9  }
0x2a1: {  	v41 =	vld.idx.msk [tilespmem:v41+s11+$0x0], $0xffff;
	v2 =	vmul.f32 v28, v2;
	v28 =	vunpack.i.u.bf16.f32 v24;
	v24 =	vunpack.i.l.bf16.f32 v24  }
0x2a2: {  	v42 =	vld.idx.msk [tilespmem:v42+s11+$0x0], $0xffff;
	v26 =	vmul.f32 v61, v26;
	v6 =	vmul.f32 v25, v6;
	v25 =	vunpack.i.u.bf16.f32 v21  }
0x2a3: {  	v50 =	vld [tilespmem:s16+$0xFFFFFF20];
	v21 =	vunpack.i.l.bf16.f32 v21;
	v29 =	vmul.f32 v14, v29;
	v4 =	vmul.f32 v23, v4  }
0x2a4: {  	v19 =	vld.idx.msk [tilespmem:v19+s11+$0x0], $0xffff;
	v7 =	vmul.f32 v22, v7;
	v27 =	vmul.bf16 v63, v27;
	v48 =	vunpack.i.u.bf16.f32 v10  }
0x2a5: {  	v17 =	vld.idx.msk [tilespmem:v17+s11+$0x0], $0xffff;
	v10 =	vunpack.i.l.bf16.f32 v10;
	v8 =	vmul.f32 v24, v8;
	v28 =	vmul.f32 v28, v13  }
0x2a6: {  	v16 =	vld.idx.msk [tilespmem:v16+s11+$0x0], $0xffff;
	v13 =	vadd.f32 v2, v3;
	v3 =	vmul.f32 v21, v5;
	v21 =	vmul.bf16 v54, v52  }
0x2a7: {  	v31 =	vld.idx.msk [tilespmem:v31+s11+$0x0], $0xffff;
	v4 =	vadd.f32 v4, v6;
	v6 =	vadd.f32 v7, v29;
	v52 =	vunpack.i.u.bf16.f32 v42  }
0x2a8: {  	v40 =	vld.idx.msk [tilespmem:v40+s11+$0x0], $0xffff;
	v1 =	vmul.bf16 v1, v34;
	v51 =	vunpack.i.u.bf16.f32 v27;
	v27 =	vunpack.i.l.bf16.f32 v27  }
0x2a9: {  	v14 =	vld [tilespmem:s12+$0xFFFFFF20];
	v11 =	vmul.bf16 v59, v11;
	v33 =	vunpack.i.u.bf16.f32 v12;
	v12 =	vunpack.i.l.bf16.f32 v12  }
0x2aa: {  	v61 =	vld [tilespmem:s16+$0xFFFFFFA0];
	v23 =	vunpack.i.u.bf16.f32 v19;
	v19 =	vunpack.i.l.bf16.f32 v19;
	v22 =	vunpack.i.u.bf16.f32 v17  }
0x2ab: {  	v63 =	vld [tilespmem:s16+$0xFFFFFFE0];
	v17 =	vunpack.i.l.bf16.f32 v17;
	v24 =	vunpack.i.u.bf16.f32 v16;
	v16 =	vunpack.i.l.bf16.f32 v16  }
0x2ac: {  	v2 =	vld [tilespmem:s12+$0xFFFFFFE0];
	v55 =	vunpack.i.u.bf16.f32 v31;
	v31 =	vunpack.i.l.bf16.f32 v31;
	v9 =	vmul.f32 v12, v9  }
0x2ad: {  	v59 =	vld [tilespmem:s12+$0xFFFFFFA0];
	v12 =	vunpack.i.u.bf16.f32 v32;
	v32 =	vunpack.i.l.bf16.f32 v32;
	v33 =	vmul.f32 v33, v62  }
0x2ae: {  	v34 =	vld [tilespmem:s16+$0x20];
	v62 =	vunpack.i.u.bf16.f32 v40;
	v53 =	vunpack.i.u.bf16.f32 v1;
	v45 =	vunpack.i.u.bf16.f32 v11  }
0x2af: {  	v15 =	vmul.bf16 v50, v14;
	v14 =	vadd.f32 v26, v18;
	v18 =	vmul.f32 v25, v60;
	v26 =	vld [tilespmem:s12+$0x20]  }
0x2b0: {  	v11 =	vunpack.i.l.bf16.f32 v11;
	v25 =	vmul.f32 v49, v56;
	v5 =	vmul.f32 v24, v48;
	v24 =	vld [tilespmem:s12+$0xA0]  }
0x2b1: {  	v22 =	vmul.f32 v22, v51;
	v49 =	vunpack.i.u.bf16.f32 v41;
	v51 =	vunpack.i.l.bf16.f32 v41;
	v41 =	vld [tilespmem:s12+$0xFFFFFF30]  }
0x2b2: {  	v11 =	vmul.f32 v31, v11;
	v31 =	vmul.f32 v55, v45;
	v45 =	vadd.f32 v20, v3;
	v3 =	vld [tilespmem:s12+$0xFFFFFF70]  }
0x2b3: {  	v17 =	vmul.f32 v17, v27;
	v12 =	vmul.f32 v12, v44;
	v44 =	vadd.f32 v25, v18;
	v25 =	vld [tilespmem:s16+$0xFFFFFF70]  }
0x2b4: {  	v1 =	vunpack.i.l.bf16.f32 v1;
	v54 =	vmul.bf16 v61, v59;
	v59 =	vld [tilespmem:s16+$0xA0];
	v26 =	vmul.bf16 v34, v26  }
0x2b5: {  	v10 =	vmul.f32 v16, v10;
	v32 =	vmul.f32 v32, v46;
	v60 =	vunpack.i.l.bf16.f32 v42;
	v61 =	vld [tilespmem:s16+$0xFFFFFF30]  }
0x2b6: {  	v1 =	vmul.f32 v19, v1;
	v46 =	vunpack.i.u.bf16.f32 v26;
	v7 =	vunpack.i.l.bf16.f32 v26;
	v26 =	vld.idx.msk [tilespmem:v38+s11+$0x0], $0xffff  }
0x2b7: {  	v19 =	vmul.f32 v23, v53;
	v23 =	vunpack.i.u.bf16.f32 v21;
	v21 =	vunpack.i.l.bf16.f32 v21;
	v38 =	vld.idx.msk [tilespmem:v39+s11+$0x0], $0xffff  }
0x2b8: {  	v8 =	vadd.f32 v9, v8;
	v9 =	vadd.f32 v33, v28;
	v28 =	vld.idx.msk [tilespmem:v37+s11+$0x0], $0xffff;
	v2 =	vmul.bf16 v63, v2  }
0x2b9: {  	v33 =	vld.idx.msk [tilespmem:v36+s11+$0x0], $0xffff;
	v63 =	vunpack.i.l.bf16.f32 v40;
	v42 =	vadd.f32 v31, v5;
	v5 =	vmul.f32 v51, v21  }
0x2ba: {  	v40 =	vadd.f32 v32, v47;
	v21 =	vld [tilespmem:s16+$0xFFFFFFF0];
	v3 =	vmul.bf16 v25, v3;
	v47 =	vmul.bf16 v61, v41  }
0x2bb: {  	v36 =	vadd.f32 v17, v1;
	v31 =	vld [tilespmem:s12+$0x70];
	v39 =	vadd.f32 v11, v10;
	v24 =	vmul.bf16 v59, v24  }
0x2bc: {  	v59 =	vld [tilespmem:s12+$0xFFFFFFF0];
	v51 =	vunpack.i.l.bf16.f32 v3;
	v10 =	vunpack.i.l.bf16.f32 v47;
	v1 =	vunpack.i.u.bf16.f32 v38  }
0x2bd: {  	v17 =	vunpack.i.l.bf16.f32 v38;
	v38 =	vunpack.i.u.bf16.f32 v47;
	v47 =	vunpack.i.u.bf16.f32 v3;
	v3 =	vld [tilespmem:s16+$0x70]  }
0x2be: {  	v27 =	vld [tilespmem:s12+$0x60];
	v0 =	vunpack.i.u.bf16.f32 v15;
	v37 =	vadd.f32 v22, v19;
	v50 =	vunpack.i.u.bf16.f32 v2  }
0x2bf: {  	v56 =	vld [tilespmem:s16+$0x60];
	v2 =	vunpack.i.l.bf16.f32 v2;
	v16 =	vunpack.i.u.bf16.f32 v54;
	v48 =	vunpack.i.l.bf16.f32 v54  }
0x2c0: {  	v19 =	vld [tilespmem:s16+$0xFFFFFFB0];
	v2 =	vmul.f32 v63, v2;
	v63 =	vmul.f32 v62, v50;
	v58 =	vunpack.i.u.bf16.f32 v33  }
0x2c1: {  	v25 =	vld [tilespmem:s12+$0x30];
	v0 =	vmul.f32 v58, v0;
	v18 =	vunpack.i.u.bf16.f32 v26;
	v62 =	vmul.bf16 v21, v59  }
0x2c2: {  	v57 =	vunpack.i.u.bf16.f32 v28;
	v22 =	vmul.f32 v18, v46;
	v18 =	vld.idx.msk [tilespmem:v35+s11+$0x0], $0xffff;
	v3 =	vmul.bf16 v3, v31  }
0x2c3: {  	v53 =	vunpack.i.u.bf16.f32 v24;
	v35 =	vunpack.i.u.bf16.f32 v62;
	v55 =	vunpack.i.l.bf16.f32 v62;
	v62 =	vld [tilespmem:$0x1FDC0]  }
0x2c4: {  	v54 =	vmul.f32 v57, v53;
	v53 =	vunpack.i.u.bf16.f32 v3;
	v58 =	vunpack.i.l.bf16.f32 v3;
	v3 =	vld [tilespmem:$0x1FDD0]  }
0x2c5: {  	v41 =	vadd.f32 v12, v43;
	v43 =	vld [tilespmem:s12+$0xB0]  }
0x2c6: {  	v15 =	vunpack.i.l.bf16.f32 v15;
	v33 =	vunpack.i.l.bf16.f32 v33;
	v61 =	vld [tilespmem:$0x1FDB0]  }
0x2c7: {  	v27 =	vmul.bf16 v56, v27;
	v59 =	vmul.f32 v33, v15;
	v15 =	vld [tilespmem:$0x1FDA0]  }
0x2c8: {  	[tilespmem:$0x1FEF0] =	vst v10;
	v10 =	vmul.f32 v52, v16;
	v16 =	vld [tilespmem:s16+$0x30]  }
0x2c9: {  	v29 =	vunpack.i.u.bf16.f32 v27;
	v12 =	vmul.f32 v49, v23;
	v20 =	vunpack.i.l.bf16.f32 v26;
	v26 =	vld [tilespmem:s12+$0xFFFFFFB0]  }
0x2ca: {  	v23 =	vmul.f32 v60, v48;
	v48 =	vmul.f32 v1, v29;
	v1 =	vld [tilespmem:s16+$0xB0]  }
0x2cb: {  	v60 =	vadd.f32 v5, v13;
	v5 =	vld.idx.msk [tilespmem:v62+s11+$0x0], $0xffff  }
0x2cc: {  	v28 =	vunpack.i.l.bf16.f32 v28;
	v24 =	vunpack.i.l.bf16.f32 v24;
	v62 =	vld.idx.msk [tilespmem:v3+s11+$0x0], $0xffff  }
0x2cd: {  	v27 =	vunpack.i.l.bf16.f32 v27;
	v52 =	vmul.f32 v28, v24;
	v3 =	vld [tilespmem:$0x1FDE0]  }
0x2ce: {  	v57 =	vadd.f32 v2, v8;
	v26 =	vmul.bf16 v19, v26;
	v19 =	vmul.f32 v20, v7;
	v7 =	vld.idx.msk [tilespmem:v61+s11+$0x0], $0xffff  }
0x2cf: {  	s7 =	sadd.s32 $0x8, s7;
	v33 =	vadd.f32 v12, v14;
	v32 =	vadd.f32 v10, v6;
	v16 =	vmul.bf16 v16, v25;
	v15 =	vld.idx.msk [tilespmem:v15+s11+$0x0], $0xffff  }
0x2d0: {  	p0 =	slt.u32 s7, $0x98;
	v49 =	vmul.f32 v17, v27;
	v29 =	vadd.f32 v63, v9;
	v31 =	vadd.f32 v23, v4  }
.Ltmp2:
0x2d1: {  	v28 =	vunpack.i.u.bf16.f32 v16;
	v56 =	vunpack.i.l.bf16.f32 v16;
	v1 =	vmul.bf16 v1, v43;
	(pc) =	sbr.rel @p0 .LBB2_7-.Ltmp2, $4  }
0x2d2: {  	v17 =	vunpack.i.u.bf16.f32 v18;
	v25 =	vunpack.i.l.bf16.f32 v18;
	v46 =	vunpack.i.u.bf16.f32 v26  }
0x2d3: {  	v34 =	vld [tilespmem:$0x1FF40];
	v50 =	vunpack.i.l.bf16.f32 v26;
	v43 =	vunpack.i.u.bf16.f32 v1;
	v13 =	vunpack.i.l.bf16.f32 v1  }
0x2d4: {  	v21 =	vld.idx.msk [tilespmem:v30+s11+$0x0], $0xffff;
	v23 =	vunpack.i.l.bf16.f32 v7;
	v14 =	vunpack.i.u.bf16.f32 v15;
	v20 =	vunpack.i.l.bf16.f32 v15  }
0x2d5: {  	s8 =	simm.s32 $0x0;
	s5 =	smov.u32 s6;
	v15 =	vunpack.i.u.bf16.f32 v7;
	v16 =	vunpack.i.u.bf16.f32 v5;
	v24 =	vunpack.i.l.bf16.f32 v5;
	v61 =	vld.idx.msk [tilespmem:v3+s11+$0x0], $0xffff  }
0x2d6: {  	v1 =	vadd.f32 v19, v45  }
0x2d7: {  	v2 =	vadd.f32 v22, v44;
	v3 =	vadd.f32 v49, v36;
	v4 =	vmul.f32 v25, v51  }
0x2d8: {  	v5 =	vadd.f32 v48, v37;
	v6 =	vadd.f32 v52, v39;
	v8 =	vmul.f32 v17, v47  }
0x2d9: {  	v7 =	vadd.f32 v59, v40;
	v10 =	vmul.f32 v20, v50;
	v11 =	vmul.f32 v14, v46  }
0x2da: {  	v9 =	vadd.f32 v54, v42;
	v12 =	vmul.f32 v23, v55;
	v14 =	vmul.f32 v15, v35  }
0x2db: {  	v15 =	vmul.f32 v24, v56;
	v17 =	vunpack.i.l.bf16.f32 v62;
	v16 =	vmul.f32 v16, v28  }
0x2dc: {  	v4 =	vadd.f32 v4, v60;
	v8 =	vadd.f32 v8, v33;
	v19 =	vunpack.i.l.bf16.f32 v61  }
0x2dd: {  	v10 =	vadd.f32 v10, v31;
	v11 =	vadd.f32 v11, v32;
	v13 =	vmul.f32 v19, v13;
	v19 =	vld [tilespmem:$0x1FEF0]  }
0x2de: {  	v18 =	vunpack.i.u.bf16.f32 v62;
	v12 =	vadd.f32 v12, v57;
	v14 =	vadd.f32 v14, v29  }
0x2df: {  	v17 =	vmul.f32 v17, v58;
	v1 =	vadd.f32 v15, v1;
	v4 =	vadd.f32 v4, v8  }
0x2e0: {  	v18 =	vmul.f32 v18, v53;
	v2 =	vadd.f32 v16, v2;
	v62 =	vadd.f32 v10, v11  }
0x2e1: {  	v20 =	vunpack.i.l.bf16.f32 v21;
	v3 =	vadd.f32 v17, v3;
	v63 =	vadd.f32 v12, v14;
	[tilespmem:s5+$0xFFFFFFCD] =	vst v4  }
0x2e2: {  	v5 =	vadd.f32 v18, v5;
	v44 =	vld [tilespmem:$0x1FE60];
	[tilespmem:s5+$0xFFFFFFDE] =	vst v62;
	v19 =	vmul.f32 v20, v19;
	v20 =	vunpack.i.u.bf16.f32 v61  }
0x2e3: {  	v15 =	vunpack.i.u.bf16.f32 v21;
	v1 =	vadd.f32 v1, v2;
	v45 =	vld [tilespmem:$0x1FE50];
	[tilespmem:s5+$0xFFFFFFEF] =	vst v63;
	v20 =	vmul.f32 v20, v43  }
0x2e4: {  	v0 =	vadd.f32 v0, v41;
	v15 =	vmul.f32 v15, v38;
	v2 =	vadd.f32 v3, v5;
	v32 =	vld [tilespmem:$0x1FF90]  }
0x2e5: {  	v6 =	vadd.f32 v13, v6;
	v61 =	vld [tilespmem:$0x1FFF0];
	[tilespmem:s5+$0x0] =	vst v1;
	v9 =	vadd.f32 v20, v9  }
0x2e6: {  	v0 =	vadd.f32 v15, v0;
	v47 =	vld [tilespmem:$0x1FE40]  }
0x2e7: {  	v36 =	vld [tilespmem:$0x1FFD0];
	[tilespmem:s5+$0x11] =	vst v2;
	v7 =	vadd.f32 v19, v7;
	v11 =	vadd.f32 v6, v9  }
0x2e8: {  	v3 =	vadd.s32 s8, v44;
	v48 =	vld [tilespmem:$0x1FE30]  }
0x2e9: {  	v43 =	vld [tilespmem:$0x1FE70];
	v3 =	vand.u32 $0x1FF8, v3;
	v0 =	vadd.f32 v7, v0;
	[tilespmem:s5+$0x22] =	vst v11  }
0x2ea: {  	v3 =	vor.u32 v32, v3;
	v49 =	vld [tilespmem:$0x1FE20]  }
0x2eb: {  	v31 =	vld [tilespmem:$0x1FF80];
	[tilespmem:s5+$0xFFFFFFBC] =	vst v0  }
0x2ec: {  	v50 =	vld [tilespmem:$0x1FE10]  }
0x2ed: {  	v28 =	vld [tilespmem:$0x1FFB0]  }
0x2ee: {  	v51 =	vld [tilespmem:$0x1FE00]  }
0x2ef: {  	v3 =	vld.idx.msk [tilespmem:v3+s30+$0x0], $0xffff  }
0x2f0: {  	v35 =	vld [tilespmem:$0x1FFC0]  }
0x2f1: {  	s16 =	simm.s32 $0x110;
	v40 =	vadd.s32 s8, v61;
	v52 =	vld [tilespmem:$0x1FDF0]  }
0x2f2: {  	v59 =	vadd.s32 s16, v44;
	v39 =	vadd.s32 s8, v45;
	v6 =	vand.u32 $0x1FF8, v40;
	v53 =	vld [tilespmem:$0x1FEA0]  }
0x2f3: {  	v60 =	vadd.s32 s16, v45;
	v5 =	vand.u32 $0x1FF8, v39;
	v6 =	vor.u32 v43, v6;
	v40 =	vld [tilespmem:$0x1FEC0]  }
0x2f4: {  	v1 =	vadd.s32 s8, v47;
	v5 =	vor.u32 v36, v5;
	v62 =	vadd.s32 s16, v47;
	v39 =	vld [tilespmem:$0x1FE90]  }
0x2f5: {  	v2 =	vadd.s32 s8, v48;
	v1 =	vand.u32 $0x1FF8, v1;
	v63 =	vadd.s32 s16, v48;
	v33 =	vld [tilespmem:$0x1FFA0]  }
0x2f6: {  	v2 =	vand.u32 $0x1FF8, v2;
	v37 =	vld [tilespmem:$0x1FFE0];
	v41 =	vadd.s32 s8, v49;
	v1 =	vor.u32 v31, v1  }
0x2f7: {  	v38 =	vld [tilespmem:$0x1FEE0];
	v54 =	vadd.s32 s16, v49;
	v0 =	vadd.s32 s8, v50;
	v2 =	vor.u32 v28, v2  }
0x2f8: {  	v6 =	vld.idx.msk [tilespmem:v6+s30+$0x0], $0xffff;
	v4 =	vand.u32 $0x1FF8, v41;
	v42 =	vadd.s32 s8, v51;
	v46 =	vadd.s32 s8, v52  }
0x2f9: {  	v55 =	vadd.s32 s8, v53;
	v41 =	vld [tilespmem:$0x1FE80];
	v4 =	vor.u32 v35, v4;
	v0 =	vand.u32 $0x1FF8, v0  }
0x2fa: {  	v7 =	vand.u32 $0x1FF8, v42;
	v8 =	vand.u32 $0x1FF8, v46;
	v46 =	vld [tilespmem:$0x1FEB0];
	v0 =	vor.u32 v43, v0  }
0x2fb: {  	v57 =	vadd.s32 s8, v40;
	v12 =	vadd.s32 s8, v39;
	v42 =	vld [tilespmem:$0x1FED0];
	v7 =	vor.u32 v31, v7  }
0x2fc: {  	v15 =	vadd.s32 s8, v38;
	v9 =	vand.u32 $0x1FF8, v55;
	v8 =	vor.u32 v28, v8;
	v1 =	vld.idx.msk [tilespmem:v1+s30+$0x0], $0xffff  }
0x2fd: {  	s5 =	simm.s32 $0x330;
	v16 =	vadd.s32 s16, v39;
	v12 =	vand.u32 $0x1FF8, v12;
	v9 =	vor.u32 v35, v9;
	v2 =	vld.idx.msk [tilespmem:v2+s30+$0x0], $0xffff  }
0x2fe: {  	v29 =	vadd.s32 s5, v53;
	v11 =	vand.u32 $0x1FF8, v57;
	v12 =	vor.u32 v33, v12;
	v4 =	vld.idx.msk [tilespmem:v4+s30+$0x0], $0xffff  }
0x2ff: {  	v15 =	vand.u32 $0x1FF8, v15;
	v16 =	vand.u32 $0x1FF8, v16;
	v13 =	vadd.s32 s8, v41;
	v0 =	vld.idx.msk [tilespmem:v0+s30+$0x0], $0xffff  }
0x300: {  	v11 =	vor.u32 v36, v11;
	v56 =	vadd.s32 s8, v46;
	v13 =	vand.u32 $0x1FF8, v13;
	v7 =	vld.idx.msk [tilespmem:v7+s30+$0x0], $0xffff  }
0x301: {  	v55 =	vadd.s32 s16, v50;
	v10 =	vand.u32 $0x1FF8, v56;
	v8 =	vld.idx.msk [tilespmem:v8+s30+$0x0], $0xffff;
	v13 =	vor.u32 v37, v13  }
0x302: {  	v15 =	vor.u32 v37, v15;
	v14 =	vadd.s32 s8, v42;
	v9 =	vld.idx.msk [tilespmem:v9+s30+$0x0], $0xffff;
	v10 =	vor.u32 v32, v10  }
0x303: {  	s17 =	simm.s32 $0x220;
	v16 =	vor.u32 v33, v16;
	v14 =	vand.u32 $0x1FF8, v14;
	v58 =	vld.idx.msk [tilespmem:v12+s30+$0x0], $0xffff;
	v12 =	vadd.s32 s16, v41  }
0x304: {  	v5 =	vld.idx.msk [tilespmem:v5+s30+$0x0], $0xffff;
	v56 =	vand.u32 $0x1FF8, v54;
	v54 =	vadd.s32 s17, v44;
	v14 =	vor.u32 v33, v14  }
0x305: {  	v11 =	vld.idx.msk [tilespmem:v11+s30+$0x0], $0xffff;
	v12 =	vand.u32 $0x1FF8, v12;
	v1 =	vadd.f32 v1, v6;
	v6 =	vand.u32 $0x1FF8, v55  }
0x306: {  	v57 =	vor.u32 v35, v56;
	v12 =	vor.u32 v37, v12;
	v6 =	vor.u32 v43, v6;
	v13 =	vld.idx.msk [tilespmem:v13+s30+$0x0], $0xffff  }
0x307: {  	v2 =	vadd.f32 v4, v2;
	v1 =	vadd.f32 v3, v1;
	v3 =	vadd.s32 s16, v61;
	v10 =	vld.idx.msk [tilespmem:v10+s30+$0x0], $0xffff  }
0x308: {  	v15 =	vld.idx.msk [tilespmem:v15+s30+$0x0], $0xffff;
	v4 =	vand.u32 $0x1FF8, v59;
	v0 =	vadd.f32 v7, v0;
	v8 =	vadd.f32 v9, v8  }
0x309: {  	v7 =	vand.u32 $0x1FF8, v60;
	v3 =	vand.u32 $0x1FF8, v3;
	v9 =	vand.u32 $0x1FF8, v62;
	v14 =	vld.idx.msk [tilespmem:v14+s30+$0x0], $0xffff  }
0x30a: {  	v2 =	vadd.f32 v5, v2;
	v1 =	vadd.f32 v58, v1;
	v3 =	vor.u32 v43, v3  }
0x30b: {  	v9 =	vor.u32 v31, v9;
	v58 =	vadd.s32 s16, v52;
	v8 =	vadd.f32 v11, v8  }
0x30c: {  	v2 =	vadd.f32 v13, v2;
	v13 =	vadd.s32 s16, v51;
	v0 =	vadd.f32 v10, v0  }
0x30d: {  	v12 =	vld.idx.msk [tilespmem:v12+s30+$0x0], $0xffff;
	v8 =	vadd.f32 v15, v8;
	v10 =	vand.u32 $0x1FF8, v63;
	v59 =	vand.u32 $0x1FF8, v13  }
0x30e: {  	v6 =	vld.idx.msk [tilespmem:v6+s30+$0x0], $0xffff;
	v1 =	vadd.f32 v2, v1;
	v2 =	vor.u32 v28, v10;
	v0 =	vadd.f32 v14, v0  }
0x30f: {  	v13 =	vadd.s32 s16, v53;
	v3 =	vld.idx.msk [tilespmem:v3+s30+$0x0], $0xffff;
	v11 =	vor.u32 v31, v59;
	v10 =	vand.u32 $0x1FF8, v58  }
0x310: {  	v62 =	vand.u32 $0x1FF8, v13;
	v14 =	vld.idx.msk [tilespmem:v16+s30+$0x0], $0xffff;
	v60 =	vor.u32 v28, v10;
	v0 =	vadd.f32 v8, v0  }
0x311: {  	v56 =	vadd.s32 s17, v61;
	v55 =	vadd.s32 s17, v45;
	v10 =	vor.u32 v35, v62;
	v8 =	vld.idx.msk [tilespmem:v57+s30+$0x0], $0xffff  }
0x312: {  	v4 =	vor.u32 v32, v4;
	v13 =	vadd.s32 s16, v40;
	v0 =	vadd.f32 v0, v1;
	v1 =	vld.idx.msk [tilespmem:v9+s30+$0x0], $0xffff  }
0x313: {  	v5 =	vadd.s32 s16, v46;
	v7 =	vor.u32 v36, v7;
	v13 =	vand.u32 $0x1FF8, v13;
	v2 =	vld.idx.msk [tilespmem:v2+s30+$0x0], $0xffff  }
0x314: {  	v5 =	vand.u32 $0x1FF8, v5;
	v15 =	vadd.s32 s16, v42;
	v13 =	vor.u32 v36, v13;
	v11 =	vld.idx.msk [tilespmem:v11+s30+$0x0], $0xffff  }
0x315: {  	v5 =	vor.u32 v32, v5;
	v15 =	vand.u32 $0x1FF8, v15;
	v16 =	vadd.s32 s16, v38;
	v9 =	vld.idx.msk [tilespmem:v60+s30+$0x0], $0xffff  }
0x316: {  	v15 =	vor.u32 v33, v15;
	v16 =	vand.u32 $0x1FF8, v16;
	v10 =	vld.idx.msk [tilespmem:v10+s30+$0x0], $0xffff;
	v0 =	vsub.f32 $0.0e+00, v0  }
0x317: {  	v4 =	vld.idx.msk [tilespmem:v4+s30+$0x0], $0xffff;
	v58 =	vadd.s32 s17, v46;
	v59 =	vadd.s32 s17, v48;
	v16 =	vor.u32 v37, v16  }
0x318: {  	v7 =	vld.idx.msk [tilespmem:v7+s30+$0x0], $0xffff;
	v62 =	vadd.s32 s17, v52;
	v57 =	vadd.s32 s17, v47;
	v0 =	vmul.f32 $1.442695020e+00, v0  }
0x319: {  	v63 =	vld.idx.msk [tilespmem:v13+s30+$0x0], $0xffff;
	v1 =	vadd.f32 v1, v3;
	v3 =	vadd.s32 s17, v39;
	v2 =	vadd.f32 v8, v2  }
0x31a: {  	v8 =	vadd.s32 s17, v41;
	v6 =	vadd.f32 v11, v6;
	(erf) = vpow2.f32 v0;
	v0 =	vld.idx.msk [tilespmem:v5+s30+$0x0], $0xffff  }
0x31b: {  	v13 =	vld.idx.msk [tilespmem:v15+s30+$0x0], $0xffff;
	v11 =	vand.u32 $0x1FF8, v54;
	v54 =	vadd.s32 s5, v39;
	v9 =	vadd.f32 v10, v9  }
0x31c: {  	v15 =	vld.idx.msk [tilespmem:v16+s30+$0x0], $0xffff;
	v11 =	vor.u32 v32, v11;
	v10 =	vand.u32 $0x1FF8, v56;
	v3 =	vand.u32 $0x1FF8, v3  }
0x31d: {  	v8 =	vand.u32 $0x1FF8, v8;
	v1 =	vadd.f32 v4, v1;
	v2 =	vadd.f32 v7, v2  }
0x31e: {  	v4 =	vand.u32 $0x1FF8, v55;
	v10 =	vor.u32 v43, v10;
	v7 =	vand.u32 $0x1FF8, v57  }
0x31f: {  	v3 =	vor.u32 v33, v3;
	v5 =	vadd.f32 v63, v9;
	v0 =	vadd.f32 v0, v6  }
0x320: {  	v8 =	vor.u32 v37, v8;
	v1 =	vadd.f32 v14, v1;
	v2 =	vadd.f32 v12, v2  }
0x321: {  	v9 =	vand.u32 $0x1FF8, v59;
	v5 =	vadd.f32 v15, v5;
	v0 =	vadd.f32 v13, v0  }
0x322: {  	v7 =	vor.u32 v31, v7;
	v14 =	vadd.s32 s17, v49;
	v12 =	vadd.s32 s17, v50  }
0x323: {  	v1 =	vadd.f32 v2, v1;
	v2 =	vor.u32 v28, v9;
	v0 =	vadd.f32 v5, v0  }
0x324: {  	v4 =	vor.u32 v36, v4;
	v60 =	vand.u32 $0x1FF8, v14;
	v12 =	vand.u32 $0x1FF8, v12;
	v11 =	vld.idx.msk [tilespmem:v11+s30+$0x0], $0xffff  }
0x325: {  	v63 =	vor.u32 v43, v12;
	v9 =	vand.u32 $0x1FF8, v62;
	v10 =	vld.idx.msk [tilespmem:v10+s30+$0x0], $0xffff;
	v0 =	vadd.f32 v0, v1  }
0x326: {  	v9 =	vor.u32 v28, v9;
	v3 =	vld.idx.msk [tilespmem:v3+s30+$0x0], $0xffff;
	v13 =	vadd.s32 s17, v51;
	v5 =	vor.u32 v35, v60  }
0x327: {  	v7 =	vld.idx.msk [tilespmem:v7+s30+$0x0], $0xffff;
	v12 =	vand.u32 $0x1FF8, v13;
	v13 =	vadd.s32 s17, v53;
	v15 =	vpop (erf);
	v0 =	vsub.f32 $0.0e+00, v0  }
0x328: {  	v12 =	vor.u32 v31, v12;
	v13 =	vand.u32 $0x1FF8, v13;
	v15 =	vadd.f32 $1.000000000e+00, v15;
	v2 =	vld.idx.msk [tilespmem:v2+s30+$0x0], $0xffff  }
0x329: {  	v14 =	vadd.s32 s17, v40;
	v13 =	vor.u32 v35, v13;
	v1 =	vld.idx.msk [tilespmem:v4+s30+$0x0], $0xffff;
	v0 =	vmul.f32 $1.442695020e+00, v0  }
0x32a: {  	v6 =	vand.u32 $0x1FF8, v58;
	v14 =	vand.u32 $0x1FF8, v14;
	v4 =	vld.idx.msk [tilespmem:v63+s30+$0x0], $0xffff;
	(erf) = vrcp.f32 v15  }
0x32b: {  	v6 =	vor.u32 v32, v6;
	v15 =	vadd.s32 s17, v38;
	v5 =	vld.idx.msk [tilespmem:v5+s30+$0x0], $0xffff;
	(erf) = vpow2.f32 v0  }
0x32c: {  	v14 =	vor.u32 v36, v14;
	v9 =	vld.idx.msk [tilespmem:v9+s30+$0x0], $0xffff;
	v15 =	vand.u32 $0x1FF8, v15;
	v0 =	vadd.s32 s17, v42  }
0x32d: {  	v56 =	vadd.s32 s5, v44;
	v12 =	vld.idx.msk [tilespmem:v12+s30+$0x0], $0xffff;
	v15 =	vor.u32 v37, v15;
	v0 =	vand.u32 $0x1FF8, v0  }
0x32e: {  	v55 =	vadd.s32 s5, v41;
	v7 =	vadd.f32 v7, v10;
	v13 =	vld.idx.msk [tilespmem:v13+s30+$0x0], $0xffff;
	v0 =	vor.u32 v33, v0  }
0x32f: {  	v59 =	vand.u32 $0x1FF8, v54;
	v58 =	vadd.s32 s5, v47;
	v62 =	vadd.s32 s5, v50;
	v8 =	vld.idx.msk [tilespmem:v8+s30+$0x0], $0xffff  }
0x330: {  	v6 =	vld.idx.msk [tilespmem:v6+s30+$0x0], $0xffff;
	v63 =	vadd.s32 s5, v52;
	v7 =	vadd.f32 v11, v7;
	v2 =	vadd.f32 v5, v2  }
0x331: {  	v60 =	vadd.s32 s5, v49;
	v14 =	vld.idx.msk [tilespmem:v14+s30+$0x0], $0xffff;
	v30 =	vand.u32 $0x1FF8, v63;
	v11 =	vand.u32 $0x1FF8, v56  }
0x332: {  	v11 =	vor.u32 v32, v11;
	v3 =	vadd.f32 v3, v7;
	v7 =	vand.u32 $0x1FF8, v58;
	v57 =	vld.idx.msk [tilespmem:v15+s30+$0x0], $0xffff  }
0x333: {  	v4 =	vadd.f32 v12, v4;
	v5 =	vand.u32 $0x1FF8, v55;
	v9 =	vadd.f32 v13, v9;
	v12 =	vpop (erf);
	v16 =	vld.idx.msk [tilespmem:v0+s30+$0x0], $0xffff  }
0x334: {  	v13 =	vadd.s32 s5, v45;
	v5 =	vor.u32 v37, v5;
	v1 =	vadd.f32 v1, v2;
	v2 =	vpop (erf)  }
0x335: {  	v4 =	vadd.f32 v6, v4;
	v13 =	vand.u32 $0x1FF8, v13;
	v2 =	vadd.f32 $1.000000000e+00, v2  }
0x336: {  	v9 =	vadd.f32 v14, v9;
	v14 =	vadd.s32 s5, v61;
	v17 =	vor.u32 v36, v13  }
0x337: {  	v1 =	vadd.f32 v8, v1;
	v8 =	vor.u32 v33, v59;
	(erf) = vrcp.f32 v2  }
0x338: {  	v14 =	vand.u32 $0x1FF8, v14;
	v6 =	vadd.f32 v57, v9;
	v4 =	vadd.f32 v16, v4  }
0x339: {  	v22 =	vor.u32 v31, v7;
	v18 =	vor.u32 v43, v14;
	v2 =	vadd.s32 s5, v48  }
0x33a: {  	v1 =	vadd.f32 v1, v3;
	v14 =	vld.idx.msk [tilespmem:v5+s30+$0x0], $0xffff;
	v2 =	vand.u32 $0x1FF8, v2;
	v4 =	vadd.f32 v6, v4  }
0x33b: {  	v3 =	vadd.s32 s5, v51;
	v17 =	vld.idx.msk [tilespmem:v17+s30+$0x0], $0xffff;
	v21 =	vor.u32 v28, v2;
	v2 =	vand.u32 $0x1FF8, v60  }
0x33c: {  	v13 =	vld.idx.msk [tilespmem:v8+s30+$0x0], $0xffff;
	v23 =	vor.u32 v35, v2;
	v2 =	vand.u32 $0x1FF8, v62;
	v1 =	vadd.f32 v4, v1  }
0x33d: {  	v15 =	vadd.s32 s5, v46;
	v16 =	vld.idx.msk [tilespmem:v11+s30+$0x0], $0xffff;
	v20 =	vor.u32 v43, v2;
	v2 =	vand.u32 $0x1FF8, v3  }
0x33e: {  	s7 =	simm.s32 $0x440;
	s6 =	smov.u32 s2;
	[tilespmem:s2+$0x0] =	vst v12;
	v0 =	vadd.s32 s5, v42;
	v19 =	vld.idx.msk [tilespmem:v18+s30+$0x0], $0xffff;
	v24 =	vor.u32 v31, v2;
	v25 =	vsub.f32 $0.0e+00, v1  }
.LBB2_9:
0x33f: {  	p0 =	sne.s32 s7, $0x990;
	v1 =	vld.idx.msk [tilespmem:v22+s30+$0x0], $0xffff;
	v2 =	vor.u32 v28, v30;
	v3 =	vand.u32 $0x1FF8, v29;
	v4 =	vadd.s32 s5, v40  }
0x340: {  	v6 =	vand.u32 $0x1FF8, v15;
	s6 =	sadd.s32 $0x10, s6;
	v5 =	vld.idx.msk [tilespmem:v21+s30+$0x0], $0xffff;
	v3 =	vor.u32 v35, v3;
	v7 =	vmul.f32 $1.442695020e+00, v25;
	v8 =	vpop (erf)  }
0x341: {  	v10 =	vadd.s32 s5, v38;
	s5 =	smov.u32 s7;
	v6 =	vor.u32 v32, v6;
	v4 =	vand.u32 $0x1FF8, v4;
	v9 =	vld.idx.msk [tilespmem:v23+s30+$0x0], $0xffff;
	[tilespmem:s6+$0x0] =	vst v8  }
0x342: {  	v0 =	vand.u32 $0x1FF8, v0;
	v4 =	vor.u32 v36, v4;
	v8 =	vld.idx.msk [tilespmem:v20+s30+$0x0], $0xffff;
	(erf) = vpow2.f32 v7  }
0x343: {  	v11 =	vor.u32 v33, v0;
	v0 =	vand.u32 $0x1FF8, v10;
	v7 =	vld.idx.msk [tilespmem:v24+s30+$0x0], $0xffff  }
0x344: {  	v12 =	vadd.s32 s7, v41;
	v10 =	vadd.s32 s7, v39;
	v18 =	vor.u32 v37, v0;
	v2 =	vld.idx.msk [tilespmem:v2+s30+$0x0], $0xffff  }
0x345: {  	v21 =	vadd.s32 s7, v45;
	v0 =	vadd.s32 s7, v42;
	v20 =	vadd.s32 s7, v44;
	v3 =	vld.idx.msk [tilespmem:v3+s30+$0x0], $0xffff  }
0x346: {  	v22 =	vadd.s32 s7, v61;
	v15 =	vadd.s32 s7, v46;
	v23 =	vadd.s32 s7, v47;
	v6 =	vld.idx.msk [tilespmem:v6+s30+$0x0], $0xffff  }
0x347: {  	v26 =	vadd.s32 s7, v50;
	v25 =	vadd.s32 s7, v49;
	v24 =	vadd.s32 s7, v48;
	v4 =	vld.idx.msk [tilespmem:v4+s30+$0x0], $0xffff  }
0x348: {  	v27 =	vadd.s32 s7, v51;
	v12 =	vand.u32 $0x1FF8, v12;
	v10 =	vand.u32 $0x1FF8, v10;
	v11 =	vld.idx.msk [tilespmem:v11+s30+$0x0], $0xffff  }
0x349: {  	v21 =	vand.u32 $0x1FF8, v21;
	v20 =	vand.u32 $0x1FF8, v20;
	v1 =	vadd.f32 v1, v19;
	v18 =	vld.idx.msk [tilespmem:v18+s30+$0x0], $0xffff  }
0x34a: {  	v19 =	vand.u32 $0x1FF8, v22;
	v5 =	vadd.f32 v9, v5;
	v7 =	vadd.f32 v7, v8  }
0x34b: {  	v1 =	vadd.f32 v16, v1;
	v8 =	vor.u32 v33, v10;
	v2 =	vadd.f32 v3, v2;
	v3 =	vpop (erf)  }
0x34c: {  	v9 =	vor.u32 v37, v12;
	v5 =	vadd.f32 v17, v5;
	v3 =	vadd.f32 $1.000000000e+00, v3  }
0x34d: {  	v10 =	vor.u32 v32, v20;
	v6 =	vadd.f32 v6, v7;
	v2 =	vadd.f32 v4, v2  }
0x34e: {  	v1 =	vadd.f32 v13, v1;
	v4 =	vadd.f32 v14, v5;
	(erf) = vrcp.f32 v3  }
0x34f: {  	v5 =	vadd.f32 v11, v6;
	v3 =	vor.u32 v36, v21;
	v2 =	vadd.f32 v18, v2  }
0x350: {  	v7 =	vand.u32 $0x1FF8, v23;
	v6 =	vor.u32 v43, v19;
	v11 =	vand.u32 $0x1FF8, v24  }
.Ltmp3:
0x351: {  	v22 =	vor.u32 v31, v7;
	v1 =	vadd.f32 v4, v1;
	v2 =	vadd.f32 v2, v5;
	v13 =	vld.idx.msk [tilespmem:v8+s30+$0x0], $0xffff;
	(pc) =	sbr.rel @p0 .LBB2_9-.Ltmp3, $4  }
0x352: {  	v21 =	vor.u32 v28, v11;
	v4 =	vand.u32 $0x1FF8, v25;
	v5 =	vadd.s32 s7, v52;
	v14 =	vld.idx.msk [tilespmem:v9+s30+$0x0], $0xffff  }
0x353: {  	v23 =	vor.u32 v35, v4;
	v4 =	vand.u32 $0x1FF8, v26;
	v1 =	vadd.f32 v2, v1;
	v16 =	vld.idx.msk [tilespmem:v10+s30+$0x0], $0xffff  }
0x354: {  	v29 =	vadd.s32 s7, v53;
	v20 =	vor.u32 v43, v4;
	v2 =	vand.u32 $0x1FF8, v27;
	v17 =	vld.idx.msk [tilespmem:v3+s30+$0x0], $0xffff  }
0x355: {  	s7 =	sadd.s32 $0x110, s7;
	v30 =	vand.u32 $0x1FF8, v5;
	v24 =	vor.u32 v31, v2;
	v25 =	vsub.f32 $0.0e+00, v1;
	v19 =	vld.idx.msk [tilespmem:v6+s30+$0x0], $0xffff  }
0x356: {  	_ =	sdelay $0x3  }
0x357: {  	v1 =	vld.idx.msk [tilespmem:v22+s30+$0x0], $0xffff;
	v2 =	vor.u32 v28, v30;
	v3 =	vand.u32 $0x1FF8, v29  }
0x358: {  	v4 =	vadd.s32 s5, v40;
	v5 =	vld.idx.msk [tilespmem:v21+s30+$0x0], $0xffff;
	v6 =	vand.u32 $0x1FF8, v15;
	v3 =	vor.u32 v35, v3  }
0x359: {  	v7 =	vld.idx.msk [tilespmem:v23+s30+$0x0], $0xffff;
	v6 =	vor.u32 v32, v6;
	v4 =	vand.u32 $0x1FF8, v4  }
0x35a: {  	v8 =	vadd.s32 s5, v38;
	v9 =	vld.idx.msk [tilespmem:v20+s30+$0x0], $0xffff;
	v0 =	vand.u32 $0x1FF8, v0;
	v4 =	vor.u32 v36, v4  }
0x35b: {  	v10 =	vld.idx.msk [tilespmem:v24+s30+$0x0], $0xffff;
	v0 =	vor.u32 v33, v0;
	v8 =	vand.u32 $0x1FF8, v8  }
0x35c: {  	v8 =	vor.u32 v37, v8;
	v2 =	vld.idx.msk [tilespmem:v2+s30+$0x0], $0xffff  }
0x35d: {  	v3 =	vld.idx.msk [tilespmem:v3+s30+$0x0], $0xffff  }
0x35e: {  	v6 =	vld.idx.msk [tilespmem:v6+s30+$0x0], $0xffff  }
0x35f: {  	v4 =	vld.idx.msk [tilespmem:v4+s30+$0x0], $0xffff  }
0x360: {  	v0 =	vld.idx.msk [tilespmem:v0+s30+$0x0], $0xffff  }
0x361: {  	v11 =	vmul.f32 $1.442695020e+00, v25;
	v1 =	vadd.f32 v1, v19;
	v5 =	vadd.f32 v7, v5;
	v8 =	vld.idx.msk [tilespmem:v8+s30+$0x0], $0xffff  }
0x362: {  	v55 =	vadd.f32 v10, v9;
	v2 =	vadd.f32 v3, v2  }
0x363: {  	(erf) = vpow2.f32 v11;
	v1 =	vadd.f32 v16, v1;
	v56 =	vadd.f32 v17, v5  }
0x364: {  	v57 =	vadd.f32 v6, v55;
	v2 =	vadd.f32 v4, v2  }
0x365: {  	v1 =	vadd.f32 v13, v1;
	v3 =	vadd.f32 v14, v56  }
0x366: {  	v0 =	vadd.f32 v0, v57;
	v2 =	vadd.f32 v8, v2;
	_ =	sdelay $0x1  }
0x367: {  	v1 =	vadd.f32 v3, v1;
	v0 =	vadd.f32 v2, v0;
	_ =	sdelay $0x1  }
0x368: {  	v0 =	vadd.f32 v0, v1  }
0x369: {  	v58 =	vpop (erf)  }
0x36a: {  	v59 =	vpop (erf);
	v0 =	vsub.f32 $0.0e+00, v0  }
0x36b: {  	v2 =	vadd.f32 $1.000000000e+00, v59  }
0x36c: {  	v0 =	vmul.f32 $1.442695020e+00, v0  }
0x36d: {  	(erf) = vrcp.f32 v2  }
0x36e: {  	(erf) = vpow2.f32 v0;
	_ =	sdelay $0x7  }
0x36f: {  	v60 =	vpop (erf)  }
0x370: {  	v62 =	vpop (erf)  }
0x371: {  	v2 =	vadd.f32 $1.000000000e+00, v62;
	_ =	sdelay $0x1  }
0x372: {  	(erf) = vrcp.f32 v2;
	_ =	sdelay $0x6  }
0x373: {  	s17 =	sadd.s32 $0x10, s6;
	s1 =	sadd.s32 $0x1, s1  }
0x374: {  	s5 =	sadd.s32 $0x10, s17;
	p0 =	sne.s32 s1, $0x1F;
	[tilespmem:s17+$0x0] =	vst v58  }
.Ltmp4:
0x375: {  	[tilespmem:s5+$0x0] =	vst v60;
	s5 =	sadd.s32 $0x10, s5;
	v63 =	vpop (erf);
	(pc) =	sbr.rel @p0 .LBB2_2-.Ltmp4, $4  }
0x376: {  	[tilespmem:s5+$0x0] =	vst v63  }
0x377: {  	v62 =	vld [tilespmem:$0x1FF50]  }
0x378: {  	v46 =	vld [tilespmem:$0x1FF60]  }
0x379: {  	s19 =	sadd.s32 $0x140, s19;
	s18 =	sadd.s32 $0x140, s18;
	s2 =	sadd.s32 $0x140, s2;
	v43 =	vld [tilespmem:$0x1FF70]  }
0x37a: {  	s7 =	simm.s32 $0x7530;
	s1 =	simm.s32 $0x26C0;
	s10 =	simm.s32 $0x26C0  }
0x37b: {  	[tilespmem:s7], [sflag:$0x1] =	stream.indirect.gather [spmem:s3], $0x40, s1, s14, $0xb8;
	v0 =	vmov s10;
	[tilespmem:$0x1E760] =	vst v63  }
0x37c: {  	s8 =	simm.s32 $0xC530;
	s9 =	simm.s32 $0x4DD0;
	v0 =	vshrl.u32 v0, $0x3  }
0x37d: {  	[tilespmem:s8], [sflag:$0x3] =	stream.indirect.gather [spmem:s3], $0x40, s9, s14, $0xb8;
	v0 =	vshll.u32 v0, v34;
	[tilespmem:$0x1E760] =	vst v63  }
0x37e: {  	_ =	swait.ge [sflag:s28], $0x1400;
	v0 =	vbroadcast v0, $0x0  }
0x37f: {  	[sflag:s28] =	ssyncset.done $0x0  }
0x380: {  	s2 =	simm.s32 $0x26C2;
	[sflag:s28] =	ssyncadd.s32 $0xFFFFEC00  }
0x381: {  	s15 =	simm.s32 $0x26C3;
	v2 =	vmov s2;
	_ =	swait.ge [sflag:s29], $0x1400  }
0x382: {  	v3 =	vmov s15;
	v2 =	vshrl.u32 v2, $0x3;
	[sflag:s29] =	ssyncset.done $0x0  }
0x383: {  	v3 =	vshrl.u32 v3, $0x3;
	v2 =	vshll.u32 v2, v34;
	[sflag:s29] =	ssyncadd.s32 $0xFFFFEC00  }
0x384: {  	s12 =	simm.s32 $0x26C1;
	s2 =	simm.s32 $0x7630;
	v3 =	vshll.u32 v3, v34;
	v2 =	vadd.s32 $0x2, v2;
	v29 =	vld.idx.msk [tilespmem:v0+s13+$0x0], $0xffff  }
0x385: {  	v1 =	vmov s12;
	s12 =	simm.s32 $0xC630;
	v3 =	vadd.s32 $0x3, v3;
	v2 =	vbroadcast v2, $0x0;
	v56 =	vld [tilespmem:s2+$0xF0]  }
0x386: {  	v0 =	vbroadcast v3, $0x0;
	v57 =	vld [tilespmem:s12+$0xF0]  }
0x387: {  	v11 =	vld [tilespmem:s2+$0xE0]  }
0x388: {  	v14 =	vld [tilespmem:s12+$0xE0]  }
0x389: {  	s16 =	simm.s32 $0x26C4;
	v15 =	vld [tilespmem:s2+$0xC0]  }
0x38a: {  	s17 =	simm.s32 $0x26C5;
	s18 =	simm.s32 $0x26C6;
	v4 =	vmov s16;
	v1 =	vshrl.u32 v1, $0x3;
	v17 =	vld [tilespmem:s12+$0xC0]  }
0x38b: {  	v5 =	vmov s17;
	v6 =	vmov s18;
	v1 =	vshll.u32 v1, v34;
	v2 =	vld.idx.msk [tilespmem:v2+s13+$0x0], $0xffff  }
0x38c: {  	s19 =	simm.s32 $0x26C7;
	v4 =	vshrl.u32 v4, $0x3;
	v1 =	vadd.s32 $0x1, v1;
	v33 =	vld.idx.msk [tilespmem:v0+s13+$0x0], $0xffff;
	v0 =	vadd.s32 v61, v29  }
0x38d: {  	v7 =	vmov s19;
	v4 =	vshll.u32 v4, v34;
	v1 =	vbroadcast v1, $0x0;
	v18 =	vld [tilespmem:s2+$0xD0]  }
0x38e: {  	v5 =	vshrl.u32 v5, $0x3;
	v7 =	vshrl.u32 v7, $0x3;
	v3 =	vadd.s32 $0x4, v4;
	v22 =	vld [tilespmem:s2+$0xFFFFFF00]  }
0x38f: {  	v6 =	vshrl.u32 v6, $0x3;
	v7 =	vshll.u32 v7, v34;
	v26 =	vld [tilespmem:s2+$0xFFFFFF10];
	v3 =	vbroadcast v3, $0x0  }
0x390: {  	v49 =	vshll.u32 v5, v34;
	v50 =	vshll.u32 v6, v34;
	v7 =	vadd.s32 $0x7, v7;
	v58 =	vld [tilespmem:s12+$0xFFFFFF10]  }
0x391: {  	v5 =	vadd.s32 $0x6, v50;
	v7 =	vbroadcast v7, $0x0;
	v8 =	vld.idx.msk [tilespmem:v0+s11+$0x0], $0xffff;
	v0 =	vadd.s32 v61, v2  }
0x392: {  	v5 =	vbroadcast v5, $0x0;
	v59 =	vld [tilespmem:s12+$0xFFFFFF80]  }
0x393: {  	v1 =	vld.idx.msk [tilespmem:v1+s13+$0x0], $0xffff  }
0x394: {  	v4 =	vadd.s32 $0x5, v49;
	v63 =	vld [tilespmem:s2+$0xFFFFFFC0]  }
0x395: {  	v4 =	vbroadcast v4, $0x0;
	v32 =	vld.idx.msk [tilespmem:v3+s13+$0x0], $0xffff;
	v3 =	vadd.s32 v62, v29  }
0x396: {  	v10 =	vld.idx.msk [tilespmem:v0+s11+$0x0], $0xffff  }
0x397: {  	v51 =	vadd.s32 v46, v29;
	v0 =	vld.idx.msk [tilespmem:v7+s13+$0x0], $0xffff  }
0x398: {  	v30 =	vld.idx.msk [tilespmem:v5+s13+$0x0], $0xffff;
	v52 =	vadd.s32 v46, v1;
	v53 =	vadd.s32 v61, v1;
	v55 =	vadd.s32 v61, v33  }
0x399: {  	v54 =	vadd.s32 v62, v1;
	v36 =	vadd.s32 v43, v1;
	v1 =	vld [tilespmem:s12+$0xD0];
	v9 =	vadd.s32 v62, v33  }
0x39a: {  	v39 =	vld.idx.msk [tilespmem:v3+s11+$0x0], $0xffff;
	v3 =	vadd.s32 v62, v2  }
0x39b: {  	v31 =	vld.idx.msk [tilespmem:v4+s13+$0x0], $0xffff;
	v21 =	vadd.s32 v62, v32  }
0x39c: {  	v37 =	vld.idx.msk [tilespmem:v51+s11+$0x0], $0xffff;
	v12 =	vadd.s32 v61, v0  }
0x39d: {  	v4 =	vld.idx.msk [tilespmem:v55+s11+$0x0], $0xffff;
	v16 =	vadd.s32 v62, v0  }
0x39e: {  	v15 =	vmul.bf16 v17, v15;
	v13 =	vld.idx.msk [tilespmem:v9+s11+$0x0], $0xffff;
	v19 =	vadd.s32 v46, v0  }
0x39f: {  	v11 =	vmul.bf16 v14, v11;
	v47 =	vmul.bf16 v58, v26;
	v3 =	vld.idx.msk [tilespmem:v3+s11+$0x0], $0xffff;
	v20 =	vadd.s32 v43, v0  }
0x3a0: {  	v35 =	vadd.s32 v43, v2;
	v44 =	vadd.s32 v46, v2;
	v40 =	vadd.s32 v46, v30;
	v21 =	vld.idx.msk [tilespmem:v21+s11+$0x0], $0xffff  }
0x3a1: {  	v17 =	vadd.s32 v61, v30;
	v24 =	vunpack.i.u.bf16.f32 v15;
	v25 =	vunpack.i.u.bf16.f32 v11;
	v2 =	vld.idx.msk [tilespmem:v12+s11+$0x0], $0xffff  }
0x3a2: {  	v11 =	vunpack.i.l.bf16.f32 v11;
	v15 =	vunpack.i.l.bf16.f32 v15;
	v1 =	vmul.bf16 v1, v18;
	v16 =	vld.idx.msk [tilespmem:v16+s11+$0x0], $0xffff  }
0x3a3: {  	v42 =	vadd.s32 v46, v31;
	v23 =	vadd.s32 v61, v31;
	v7 =	vmul.bf16 v57, v56;
	v14 =	vld.idx.msk [tilespmem:v19+s11+$0x0], $0xffff  }
0x3a4: {  	v27 =	vunpack.i.u.bf16.f32 v1;
	v1 =	vunpack.i.l.bf16.f32 v1;
	v41 =	vunpack.i.u.bf16.f32 v37;
	v19 =	vld.idx.msk [tilespmem:v20+s11+$0x0], $0xffff  }
0x3a5: {  	v37 =	vunpack.i.l.bf16.f32 v37;
	v9 =	vadd.s32 v62, v31;
	v18 =	vunpack.i.l.bf16.f32 v7;
	v20 =	vld [tilespmem:s12+$0xFFFFFF00]  }
0x3a6: {  	v26 =	vld [tilespmem:s12+$0xFFFFFFC0];
	v7 =	vunpack.i.u.bf16.f32 v7;
	v0 =	vadd.s32 v46, v33;
	v43 =	vadd.s32 v46, v32  }
0x3a7: {  	v58 =	vld [tilespmem:s2+$0x50];
	v57 =	vunpack.i.u.bf16.f32 v4;
	v4 =	vunpack.i.l.bf16.f32 v4;
	v55 =	vunpack.i.u.bf16.f32 v3  }
0x3a8: {  	v38 =	vld.idx.msk [tilespmem:v52+s11+$0x0], $0xffff;
	v3 =	vunpack.i.l.bf16.f32 v3;
	v50 =	vunpack.i.l.bf16.f32 v21;
	v21 =	vunpack.i.u.bf16.f32 v21  }
0x3a9: {  	v5 =	vld.idx.msk [tilespmem:v53+s11+$0x0], $0xffff;
	v12 =	vadd.s32 v61, v32;
	v28 =	vunpack.i.l.bf16.f32 v2;
	v2 =	vunpack.i.u.bf16.f32 v2  }
0x3aa: {  	v6 =	vld.idx.msk [tilespmem:v54+s11+$0x0], $0xffff;
	v20 =	vmul.bf16 v20, v22;
	v15 =	vmul.f32 v28, v15;
	v28 =	vunpack.i.l.bf16.f32 v16  }
0x3ab: {  	v16 =	vunpack.i.u.bf16.f32 v16;
	v2 =	vmul.f32 v2, v24;
	v24 =	vld [tilespmem:s12+$0xFFFFFF40];
	v1 =	vmul.f32 v28, v1  }
0x3ac: {  	v28 =	vld [tilespmem:s2+$0xFFFFFF40];
	v16 =	vmul.f32 v16, v27;
	v27 =	vunpack.i.l.bf16.f32 v14;
	v14 =	vunpack.i.u.bf16.f32 v14  }
0x3ad: {  	v22 =	vunpack.i.l.bf16.f32 v8;
	v11 =	vmul.f32 v27, v11;
	v27 =	vld [tilespmem:s2+$0xFFFFFF50];
	v14 =	vmul.f32 v14, v25  }
0x3ae: {  	v1 =	vadd.f32 v1, v15;
	v15 =	vunpack.i.l.bf16.f32 v19;
	v2 =	vadd.f32 v16, v2;
	v16 =	vld [tilespmem:s12+$0xFFFFFF50]  }
0x3af: {  	v25 =	vadd.s32 v62, v30;
	v19 =	vunpack.i.u.bf16.f32 v19;
	v15 =	vmul.f32 v15, v18;
	v18 =	vld [tilespmem:s2+$0xFFFFFF80]  }
0x3b0: {  	v7 =	vmul.f32 v19, v7;
	v1 =	vadd.f32 v11, v1;
	v2 =	vadd.f32 v14, v2;
	v14 =	vld [tilespmem:s2+$0xFFFFFF90]  }
0x3b1: {  	v19 =	vunpack.i.u.bf16.f32 v8;
	v60 =	vmul.bf16 v24, v28;
	v24 =	vld [tilespmem:s12+$0xFFFFFF90];
	v28 =	vunpack.i.u.bf16.f32 v47  }
0x3b2: {  	v52 =	vld [tilespmem:s2+$0xFFFFFFD0];
	v1 =	vadd.f32 v15, v1;
	v15 =	vunpack.i.u.bf16.f32 v5;
	v2 =	vadd.f32 v7, v2  }
0x3b3: {  	v40 =	vld.idx.msk [tilespmem:v40+s11+$0x0], $0xffff;
	v5 =	vunpack.i.l.bf16.f32 v5;
	v7 =	vmul.bf16 v26, v63;
	v16 =	vmul.bf16 v16, v27  }
0x3b4: {  	v56 =	vld.idx.msk [tilespmem:v23+s11+$0x0], $0xffff;
	v27 =	vunpack.i.l.bf16.f32 v6;
	v6 =	vunpack.i.u.bf16.f32 v6;
	v8 =	vunpack.i.u.bf16.f32 v60  }
0x3b5: {  	v12 =	vld.idx.msk [tilespmem:v12+s11+$0x0], $0xffff;
	v48 =	vadd.f32 v1, v2;
	v1 =	vunpack.i.l.bf16.f32 v60;
	v2 =	vmul.bf16 v59, v18  }
0x3b6: {  	v59 =	vld.idx.msk [tilespmem:v9+s11+$0x0], $0xffff;
	v1 =	vmul.f32 v5, v1;
	v53 =	vunpack.i.l.bf16.f32 v16;
	v18 =	vmul.bf16 v24, v14  }
0x3b7: {  	v14 =	vld [tilespmem:s12+$0xFFFFFFD0];
	v24 =	vunpack.i.u.bf16.f32 v10;
	v10 =	vunpack.i.l.bf16.f32 v10;
	v26 =	vunpack.i.l.bf16.f32 v2  }
0x3b8: {  	v5 =	vmul.f32 v27, v53;
	v27 =	vunpack.i.u.bf16.f32 v16;
	v10 =	vmul.f32 v10, v26;
	v26 =	vld [tilespmem:s2+$0x10]  }
0x3b9: {  	v8 =	vmul.f32 v15, v8;
	v2 =	vunpack.i.u.bf16.f32 v2;
	v54 =	vmul.f32 v6, v27;
	v27 =	vld [tilespmem:s12+$0x10]  }
0x3ba: {  	v15 =	vld [tilespmem:s2+$0x0];
	v60 =	vunpack.i.u.bf16.f32 v13;
	v2 =	vmul.f32 v24, v2;
	v23 =	vunpack.i.l.bf16.f32 v18  }
0x3bb: {  	v16 =	vadd.f32 v5, v1;
	v1 =	vld [tilespmem:s12+$0x0];
	v18 =	vunpack.i.u.bf16.f32 v18;
	v3 =	vmul.f32 v3, v23  }
0x3bc: {  	v5 =	vunpack.i.l.bf16.f32 v56;
	v23 =	vld [tilespmem:s2+$0x40];
	v6 =	vmul.f32 v55, v18;
	v11 =	vmul.bf16 v14, v52  }
0x3bd: {  	v45 =	vmovc v34;
	v18 =	vld [tilespmem:s12+$0x40];
	v14 =	vadd.f32 v54, v8;
	v34 =	vadd.f32 v3, v10;
	v3 =	vunpack.i.l.bf16.f32 v13  }
0x3be: {  	v0 =	vld.idx.msk [tilespmem:v0+s11+$0x0], $0xffff;
	v49 =	vadd.f32 v6, v2;
	v6 =	vunpack.i.l.bf16.f32 v59;
	v24 =	vmul.bf16 v27, v26  }
0x3bf: {  	v63 =	vld [tilespmem:s2+$0x80];
	v26 =	vunpack.i.u.bf16.f32 v12;
	v12 =	vunpack.i.l.bf16.f32 v12;
	v27 =	vunpack.i.u.bf16.f32 v39  }
0x3c0: {  	v2 =	vld [tilespmem:s12+$0x50];
	v1 =	vmul.bf16 v1, v15;
	v15 =	vunpack.i.l.bf16.f32 v7;
	v7 =	vunpack.i.u.bf16.f32 v7  }
0x3c1: {  	v53 =	vld [tilespmem:s12+$0x90];
	v27 =	vmul.f32 v27, v28;
	v4 =	vmul.f32 v4, v15;
	v15 =	vunpack.i.l.bf16.f32 v11  }
0x3c2: {  	v52 =	vld [tilespmem:s2+$0x90];
	v7 =	vmul.f32 v57, v7;
	v11 =	vunpack.i.u.bf16.f32 v11;
	v18 =	vmul.bf16 v18, v23  }
0x3c3: {  	v54 =	vld.idx.msk [tilespmem:v25+s11+$0x0], $0xffff;
	v3 =	vmul.f32 v3, v15;
	v9 =	vmul.f32 v60, v11;
	v51 =	vunpack.i.l.bf16.f32 v1  }
0x3c4: {  	v55 =	vld [tilespmem:s12+$0xFFFFFF20];
	v1 =	vunpack.i.u.bf16.f32 v1;
	v11 =	vmul.f32 v12, v51;
	v12 =	vunpack.i.l.bf16.f32 v24  }
0x3c5: {  	v23 =	vld [tilespmem:s12+$0x80];
	v2 =	vmul.bf16 v2, v58;
	v24 =	vunpack.i.u.bf16.f32 v24;
	v1 =	vmul.f32 v26, v1  }
0x3c6: {  	v25 =	vld [tilespmem:s2+$0xFFFFFF20];
	v13 =	vadd.f32 v3, v4;
	v15 =	vadd.f32 v9, v7;
	v4 =	vmul.f32 v50, v12  }
0x3c7: {  	v28 =	vld [tilespmem:s12+$0x60];
	v12 =	vunpack.i.u.bf16.f32 v56;
	v56 =	vmul.f32 v21, v24;
	v24 =	vunpack.i.u.bf16.f32 v59  }
0x3c8: {  	v57 =	vld [tilespmem:s12+$0xFFFFFF60];
	v7 =	vmul.bf16 v53, v52;
	v9 =	vunpack.i.l.bf16.f32 v54;
	v50 =	vunpack.i.u.bf16.f32 v38  }
0x3c9: {  	v26 =	vld.idx.msk [tilespmem:v43+s11+$0x0], $0xffff;
	v38 =	vunpack.i.l.bf16.f32 v38;
	v52 =	vunpack.i.u.bf16.f32 v0;
	v0 =	vunpack.i.l.bf16.f32 v0  }
0x3ca: {  	v3 =	vld.idx.msk [tilespmem:v17+s11+$0x0], $0xffff;
	v8 =	vmul.bf16 v23, v63;
	v23 =	vunpack.i.l.bf16.f32 v18;
	v17 =	vadd.f32 v4, v11  }
0x3cb: {  	v43 =	vld [tilespmem:$0x1FF70];
	v18 =	vunpack.i.u.bf16.f32 v18;
	v21 =	vadd.f32 v56, v1;
	v4 =	vmul.bf16 v55, v25  }
0x3cc: {  	v1 =	vld.idx.msk [tilespmem:v44+s11+$0x0], $0xffff;
	v44 =	vunpack.i.l.bf16.f32 v20;
	v20 =	vunpack.i.u.bf16.f32 v20;
	v55 =	vunpack.i.l.bf16.f32 v40  }
0x3cd: {  	v56 =	vunpack.i.u.bf16.f32 v40;
	v5 =	vmul.f32 v5, v23;
	v23 =	vld [tilespmem:s2+$0xFFFFFF60];
	v12 =	vmul.f32 v12, v18  }
0x3ce: {  	v60 =	vld [tilespmem:s2+$0xFFFFFFE0];
	v18 =	vunpack.i.l.bf16.f32 v2;
	v2 =	vunpack.i.u.bf16.f32 v2;
	v19 =	vmul.f32 v19, v20  }
0x3cf: {  	v25 =	vld [tilespmem:s2+$0xFFFFFFA0];
	v6 =	vmul.f32 v6, v18;
	v18 =	vunpack.i.u.bf16.f32 v54;
	v59 =	vunpack.i.l.bf16.f32 v8  }
0x3d0: {  	v2 =	vmul.f32 v24, v2;
	v24 =	vld [tilespmem:s12+$0xFFFFFFA0];
	v8 =	vunpack.i.u.bf16.f32 v8;
	v53 =	vunpack.i.u.bf16.f32 v26  }
0x3d1: {  	v51 =	vld [tilespmem:s2+$0xA0];
	v33 =	vadd.s32 v43, v33;
	v58 =	vunpack.i.u.bf16.f32 v3;
	v3 =	vunpack.i.l.bf16.f32 v3  }
0x3d2: {  	v63 =	vld [tilespmem:s12+$0xFFFFFFE0];
	v10 =	vmul.bf16 v57, v23;
	v23 =	vunpack.i.u.bf16.f32 v7;
	v7 =	vunpack.i.l.bf16.f32 v7  }
0x3d3: {  	v20 =	vld [tilespmem:s12+$0x20];
	v31 =	vadd.s32 v43, v31;
	v3 =	vmul.f32 v3, v59;
	v7 =	vmul.f32 v9, v7  }
0x3d4: {  	v27 =	vadd.f32 v27, v19;
	v18 =	vmul.f32 v18, v23;
	v9 =	vmul.f32 v22, v44;
	v22 =	vld [tilespmem:s2+$0x20]  }
0x3d5: {  	v23 =	vunpack.i.l.bf16.f32 v39;
	v24 =	vmul.bf16 v24, v25;
	v25 =	vunpack.i.l.bf16.f32 v47;
	v47 =	vld.idx.msk [tilespmem:v42+s11+$0x0], $0xffff  }
0x3d6: {  	v5 =	vadd.f32 v6, v5;
	v8 =	vmul.f32 v58, v8;
	v33 =	vld.idx.msk [tilespmem:v33+s11+$0x0], $0xffff;
	v23 =	vmul.f32 v23, v25  }
0x3d7: {  	v2 =	vadd.f32 v2, v12;
	v6 =	vmul.bf16 v63, v60;
	v12 =	vunpack.i.u.bf16.f32 v1;
	v25 =	vld [tilespmem:s2+$0x60]  }
0x3d8: {  	v1 =	vunpack.i.l.bf16.f32 v1;
	v19 =	vunpack.i.l.bf16.f32 v24;
	v9 =	vadd.f32 v23, v9;
	v23 =	vld [tilespmem:s12+$0xA0]  }
0x3d9: {  	v54 =	vld [tilespmem:s2+$0xFFFFFFF0];
	v3 =	vadd.f32 v7, v3;
	v24 =	vunpack.i.u.bf16.f32 v24;
	v1 =	vmul.f32 v1, v19  }
0x3da: {  	v59 =	vld [tilespmem:s2+$0xB0];
	v8 =	vadd.f32 v18, v8;
	v12 =	vmul.f32 v12, v24;
	v20 =	vmul.bf16 v20, v22  }
0x3db: {  	v18 =	vld [tilespmem:s2+$0xFFFFFF30];
	v22 =	vunpack.i.l.bf16.f32 v10;
	v10 =	vunpack.i.u.bf16.f32 v10;
	v11 =	vunpack.i.l.bf16.f32 v47  }
0x3dc: {  	v19 =	vld [tilespmem:s2+$0xFFFFFF70];
	v1 =	vadd.f32 v1, v34;
	v22 =	vmul.f32 v38, v22;
	v25 =	vmul.bf16 v28, v25  }
0x3dd: {  	v24 =	vld [tilespmem:s2+$0xFFFFFFB0];
	v10 =	vmul.f32 v50, v10;
	v50 =	vunpack.i.l.bf16.f32 v33;
	v7 =	vmul.bf16 v23, v51  }
0x3de: {  	v28 =	vld [tilespmem:s12+$0xFFFFFF30];
	v23 =	vunpack.i.l.bf16.f32 v6;
	v42 =	vadd.f32 v22, v16;
	v22 =	vunpack.i.l.bf16.f32 v26  }
0x3df: {  	v16 =	vld [tilespmem:s12+$0xFFFFFF70];
	v6 =	vunpack.i.u.bf16.f32 v6;
	v10 =	vadd.f32 v10, v14;
	v14 =	vunpack.i.l.bf16.f32 v20  }
0x3e0: {  	v26 =	vld [tilespmem:s12+$0xFFFFFFB0];
	v20 =	vunpack.i.u.bf16.f32 v20;
	v23 =	vmul.f32 v0, v23;
	v0 =	vunpack.i.u.bf16.f32 v47  }
0x3e1: {  	v60 =	vld [tilespmem:s12+$0xB0];
	v6 =	vmul.f32 v52, v6;
	v22 =	vmul.f32 v22, v14;
	v14 =	vunpack.i.l.bf16.f32 v25  }
0x3e2: {  	v20 =	vmul.f32 v53, v20;
	v25 =	vunpack.i.u.bf16.f32 v25;
	v11 =	vmul.f32 v11, v14;
	v14 =	vld [tilespmem:s2+$0x30]  }
0x3e3: {  	v52 =	vunpack.i.u.bf16.f32 v33;
	v25 =	vmul.f32 v0, v25;
	v18 =	vmul.bf16 v28, v18;
	v28 =	vld.idx.msk [tilespmem:v36+s11+$0x0], $0xffff  }
0x3e4: {  	v0 =	vunpack.i.l.bf16.f32 v7;
	v7 =	vunpack.i.u.bf16.f32 v7;
	v16 =	vmul.bf16 v16, v19;
	v19 =	vld [tilespmem:s12+$0xFFFFFFF0]  }
0x3e5: {  	v38 =	vmul.f32 v55, v0;
	v0 =	vunpack.i.l.bf16.f32 v4;
	v24 =	vmul.bf16 v26, v24;
	v26 =	vld [tilespmem:s12+$0x30]  }
0x3e6: {  	v58 =	vld [tilespmem:s12+$0x70];
	v4 =	vunpack.i.u.bf16.f32 v4;
	v7 =	vmul.f32 v56, v7;
	v37 =	vmul.f32 v37, v0  }
0x3e7: {  	v57 =	vld [tilespmem:s2+$0x70];
	v4 =	vmul.f32 v41, v4;
	v0 =	vadd.f32 v12, v49;
	v41 =	vmul.bf16 v60, v59  }
0x3e8: {  	v35 =	vld.idx.msk [tilespmem:v35+s11+$0x0], $0xffff;
	v49 =	vadd.s32 v43, v29;
	v29 =	vunpack.i.l.bf16.f32 v18;
	v12 =	vunpack.i.l.bf16.f32 v16  }
0x3e9: {  	v63 =	vunpack.i.u.bf16.f32 v28;
	v36 =	vmul.bf16 v19, v54;
	v19 =	vunpack.i.l.bf16.f32 v28  }
0x3ea: {  	v26 =	vmul.bf16 v26, v14;
	v14 =	vadd.f32 v23, v13;
	v23 =	vadd.s32 v43, v32  }
0x3eb: {  	v13 =	vadd.f32 v6, v15;
	v15 =	vunpack.i.u.bf16.f32 v16;
	v16 =	vadd.f32 v20, v21  }
0x3ec: {  	v28 =	vmul.bf16 v58, v57;
	v21 =	vadd.f32 v38, v3;
	v20 =	vadd.f32 v37, v9  }
0x3ed: {  	v12 =	vmul.f32 v19, v12;
	v6 =	vmul.f32 v63, v15;
	v19 =	vunpack.i.l.bf16.f32 v35  }
0x3ee: {  	v15 =	vadd.f32 v22, v17;
	v17 =	vunpack.i.l.bf16.f32 v24;
	v22 =	vunpack.i.u.bf16.f32 v35  }
0x3ef: {  	v55 =	vld.idx.msk [tilespmem:v49+s11+$0x0], $0xffff;
	v44 =	vmul.f32 v19, v17;
	v19 =	vadd.f32 v25, v2;
	v2 =	vadd.s32 v43, v30  }
0x3f0: {  	v3 =	vld.idx.msk [tilespmem:v31+s11+$0x0], $0xffff;
	v17 =	vadd.f32 v11, v5;
	v51 =	vunpack.i.l.bf16.f32 v36;
	v54 =	vunpack.i.u.bf16.f32 v36  }
0x3f1: {  	v56 =	vunpack.i.u.bf16.f32 v26;
	v57 =	vunpack.i.l.bf16.f32 v26;
	v59 =	vunpack.i.l.bf16.f32 v28  }
0x3f2: {  	v60 =	vunpack.i.u.bf16.f32 v28;
	v34 =	vmul.f32 v50, v51;
	v25 =	vadd.f32 v12, v42;
	v47 =	vld.idx.msk [tilespmem:v23+s11+$0x0], $0xffff  }
0x3f3: {  	v35 =	vmul.f32 v52, v54;
	v31 =	vadd.f32 v6, v10;
	v33 =	vadd.f32 v44, v1  }
0x3f4: {  	v44 =	vunpack.i.u.bf16.f32 v55;
	v30 =	vunpack.i.l.bf16.f32 v55;
	v23 =	vunpack.i.u.bf16.f32 v24;
	v2 =	vld.idx.msk [tilespmem:v2+s11+$0x0], $0xffff  }
0x3f5: {  	v58 =	vunpack.i.l.bf16.f32 v3;
	v3 =	vunpack.i.u.bf16.f32 v3;
	v24 =	vunpack.i.u.bf16.f32 v18  }
0x3f6: {  	v32 =	vmul.f32 v22, v23;
	v23 =	vadd.f32 v7, v8;
	v38 =	vmul.f32 v58, v59  }
0x3f7: {  	v39 =	vmul.f32 v3, v60;
	v53 =	vunpack.i.u.bf16.f32 v47;
	v5 =	vunpack.i.l.bf16.f32 v47  }
0x3f8: {  	v3 =	vunpack.i.l.bf16.f32 v41;
	v36 =	vmul.f32 v5, v57;
	v37 =	vmul.f32 v53, v56  }
0x3f9: {  	s5 =	simm.s32 $0x119B4;
	v63 =	vunpack.i.l.bf16.f32 v2;
	v1 =	vunpack.i.u.bf16.f32 v2;
	v2 =	vunpack.i.u.bf16.f32 v41  }
0x3fa: {  	s16 =	simm.s32 $0x0;
	s1 =	simm.s32 $0x14AD0;
	[tilespmem:s5+$0x33] =	vst v48;
	v22 =	vadd.f32 v4, v27;
	v40 =	vmul.f32 v63, v3;
	v42 =	vmul.f32 v1, v2  }
.LBB2_12:
0x3fb: {  	s6 =	sadd.s32 $0x26C8, s16;
	v1 =	vmul.f32 v30, v29;
	v2 =	vmul.f32 v44, v24;
	v11 =	vadd.f32 v39, v19  }
0x3fc: {  	s19 =	sadd.s32 $0x26C9, s16;
	v0 =	vadd.f32 v32, v0;
	v3 =	vmov s6;
	v4 =	vadd.f32 v34, v14  }
0x3fd: {  	s9 =	sadd.s32 $0x26CA, s16;
	v5 =	vadd.f32 v35, v13;
	v6 =	vmov s19;
	v7 =	vadd.f32 v36, v15  }
0x3fe: {  	s10 =	sadd.s32 $0x26CB, s16;
	v8 =	vadd.f32 v37, v16;
	v9 =	vmov s9;
	v10 =	vadd.f32 v38, v17  }
0x3ff: {  	s15 =	sadd.s32 $0x26CC, s16;
	s17 =	sadd.s32 $0x26CD, s16;
	s18 =	sadd.s32 $0x26CE, s16;
	v12 =	vmov s10;
	v13 =	vadd.f32 v40, v21;
	v14 =	vadd.f32 v42, v23  }
0x400: {  	v15 =	vmov s15;
	v16 =	vmov s17;
	v36 =	vmov s18  }
0x401: {  	v1 =	vadd.f32 v1, v20;
	v2 =	vadd.f32 v2, v22;
	v3 =	vshrl.u32 v3, $0x3  }
0x402: {  	v37 =	vshrl.u32 v12, $0x3;
	v38 =	vshrl.u32 v15, $0x3;
	v3 =	vshll.u32 v3, v45  }
0x403: {  	v39 =	vshrl.u32 v16, $0x3;
	v0 =	vadd.f32 v33, v0;
	v3 =	vbroadcast v3, $0x0  }
0x404: {  	v40 =	vshrl.u32 v36, $0x3;
	v4 =	vadd.f32 v4, v5;
	v35 =	vadd.f32 v13, v14  }
0x405: {  	v5 =	vshll.u32 v40, v45;
	v1 =	vadd.f32 v1, v2;
	v2 =	vshrl.u32 v9, $0x3  }
0x406: {  	v5 =	vadd.s32 $0x6, v5;
	[tilespmem:s5+$0xFFFFFFDE] =	vst v0;
	v0 =	vshrl.u32 v6, $0x3;
	v2 =	vshll.u32 v2, v45  }
0x407: {  	[tilespmem:s5+$0xFFFFFFEF] =	vst v4;
	v4 =	vshll.u32 v38, v45;
	v5 =	vbroadcast v5, $0x0;
	v2 =	vadd.s32 $0x2, v2  }
0x408: {  	v0 =	vshll.u32 v0, v45;
	[tilespmem:s5+$0xFFFFFFBC] =	vst v1;
	v4 =	vadd.s32 $0x4, v4;
	v2 =	vbroadcast v2, $0x0  }
0x409: {  	v6 =	vshll.u32 v37, v45;
	v0 =	vadd.s32 $0x1, v0;
	v4 =	vbroadcast v4, $0x0;
	v1 =	vld.idx.msk [tilespmem:v3+s13+$0x0], $0xffff  }
0x40a: {  	v41 =	vshll.u32 v39, v45;
	v6 =	vadd.s32 $0x3, v6;
	v0 =	vbroadcast v0, $0x0  }
0x40b: {  	v3 =	vbroadcast v6, $0x0;
	v6 =	vadd.s32 $0x5, v41  }
0x40c: {  	v33 =	vadd.f32 v7, v8;
	[tilespmem:s5+$0x22] =	vst v35;
	v6 =	vbroadcast v6, $0x0  }
0x40d: {  	v17 =	vadd.f32 v25, v31;
	v5 =	vld.idx.msk [tilespmem:v5+s13+$0x0], $0xffff  }
0x40e: {  	[tilespmem:s5+$0x0] =	vst v33;
	v2 =	vld.idx.msk [tilespmem:v2+s13+$0x0], $0xffff;
	v42 =	vadd.s32 v43, v1  }
0x40f: {  	[tilespmem:s5+$0xFFFFFFCD] =	vst v17;
	v34 =	vadd.f32 v10, v11;
	v4 =	vld.idx.msk [tilespmem:v4+s13+$0x0], $0xffff;
	v44 =	vadd.s32 v46, v1  }
0x410: {  	v0 =	vld.idx.msk [tilespmem:v0+s13+$0x0], $0xffff;
	v47 =	vadd.s32 v61, v1  }
0x411: {  	[tilespmem:s5+$0x11] =	vst v34;
	v1 =	vadd.s32 v62, v1;
	v3 =	vld.idx.msk [tilespmem:v3+s13+$0x0], $0xffff  }
0x412: {  	v15 =	vadd.s32 v43, v5;
	v6 =	vld.idx.msk [tilespmem:v6+s13+$0x0], $0xffff  }
0x413: {  	v21 =	vadd.s32 v46, v5;
	v7 =	vld.idx.msk [tilespmem:v42+s11+$0x0], $0xffff  }
0x414: {  	v49 =	vadd.s32 v43, v2;
	v8 =	vld.idx.msk [tilespmem:v44+s11+$0x0], $0xffff  }
0x415: {  	v13 =	vadd.s32 v43, v4;
	v9 =	vld.idx.msk [tilespmem:v47+s11+$0x0], $0xffff  }
0x416: {  	v17 =	vadd.s32 v46, v2;
	v1 =	vld.idx.msk [tilespmem:v1+s11+$0x0], $0xffff  }
0x417: {  	v19 =	vadd.s32 v46, v4;
	v15 =	vld.idx.msk [tilespmem:v15+s11+$0x0], $0xffff  }
0x418: {  	v23 =	vadd.s32 v61, v2;
	v21 =	vld.idx.msk [tilespmem:v21+s11+$0x0], $0xffff  }
0x419: {  	v2 =	vadd.s32 v62, v2;
	v11 =	vld.idx.msk [tilespmem:v49+s11+$0x0], $0xffff  }
0x41a: {  	v48 =	vadd.s32 v43, v0;
	v13 =	vld.idx.msk [tilespmem:v13+s11+$0x0], $0xffff  }
0x41b: {  	v16 =	vadd.s32 v46, v0;
	v17 =	vld.idx.msk [tilespmem:v17+s11+$0x0], $0xffff  }
0x41c: {  	v22 =	vadd.s32 v61, v0;
	v19 =	vld.idx.msk [tilespmem:v19+s11+$0x0], $0xffff  }
0x41d: {  	v0 =	vadd.s32 v62, v0;
	v23 =	vld.idx.msk [tilespmem:v23+s11+$0x0], $0xffff  }
0x41e: {  	v26 =	vadd.s32 v61, v4;
	v2 =	vld.idx.msk [tilespmem:v2+s11+$0x0], $0xffff  }
0x41f: {  	v28 =	vadd.s32 v61, v5;
	v10 =	vld.idx.msk [tilespmem:v48+s11+$0x0], $0xffff  }
0x420: {  	v12 =	vadd.s32 v43, v3;
	v16 =	vld.idx.msk [tilespmem:v16+s11+$0x0], $0xffff  }
0x421: {  	v18 =	vadd.s32 v46, v3;
	v25 =	vld.idx.msk [tilespmem:v22+s11+$0x0], $0xffff  }
0x422: {  	v24 =	vadd.s32 v61, v3;
	v0 =	vld.idx.msk [tilespmem:v0+s11+$0x0], $0xffff  }
0x423: {  	v3 =	vadd.s32 v62, v3;
	v44 =	vunpack.i.u.bf16.f32 v7;
	v30 =	vunpack.i.l.bf16.f32 v7;
	v7 =	vld.idx.msk [tilespmem:v26+s11+$0x0], $0xffff  }
0x424: {  	v14 =	vadd.s32 v43, v6;
	v56 =	vunpack.i.u.bf16.f32 v9;
	v59 =	vunpack.i.l.bf16.f32 v9;
	v9 =	vld.idx.msk [tilespmem:v28+s11+$0x0], $0xffff  }
0x425: {  	v20 =	vadd.s32 v46, v6;
	v12 =	vld.idx.msk [tilespmem:v12+s11+$0x0], $0xffff  }
0x426: {  	s19 =	sadd.s32 $0x26CF, s16;
	v27 =	vadd.s32 v61, v6;
	v6 =	vadd.s32 v62, v6;
	v18 =	vld.idx.msk [tilespmem:v18+s11+$0x0], $0xffff  }
0x427: {  	v22 =	vmov s19;
	v24 =	vld.idx.msk [tilespmem:v24+s11+$0x0], $0xffff  }
0x428: {  	v22 =	vshrl.u32 v22, $0x3;
	v3 =	vld.idx.msk [tilespmem:v3+s11+$0x0], $0xffff  }
0x429: {  	v5 =	vadd.s32 v62, v5;
	v4 =	vadd.s32 v62, v4;
	v22 =	vshll.u32 v22, v45;
	v14 =	vld.idx.msk [tilespmem:v14+s11+$0x0], $0xffff  }
0x42a: {  	v29 =	vunpack.i.u.bf16.f32 v8;
	v50 =	vunpack.i.l.bf16.f32 v8;
	v20 =	vld.idx.msk [tilespmem:v20+s11+$0x0], $0xffff;
	v22 =	vadd.s32 $0x7, v22  }
0x42b: {  	s2 =	sadd.s32 $0x200, s2;
	v57 =	vunpack.i.u.bf16.f32 v1;
	v36 =	vunpack.i.l.bf16.f32 v15;
	v6 =	vld.idx.msk [tilespmem:v6+s11+$0x0], $0xffff;
	v22 =	vbroadcast v22, $0x0  }
0x42c: {  	s12 =	sadd.s32 $0x200, s12;
	v58 =	vunpack.i.l.bf16.f32 v1;
	[tilespmem:$0x1FD80] =	vst v36;
	v52 =	vunpack.i.u.bf16.f32 v11;
	v53 =	vunpack.i.l.bf16.f32 v11;
	v11 =	vld [tilespmem:s2+$0xE0]  }
0x42d: {  	v37 =	vunpack.i.u.bf16.f32 v21;
	v1 =	vunpack.i.u.bf16.f32 v10;
	v51 =	vunpack.i.l.bf16.f32 v10;
	[tilespmem:$0x1FD10] =	vst v52;
	v10 =	vld [tilespmem:s12+$0xF0]  }
0x42e: {  	v48 =	vunpack.i.l.bf16.f32 v21;
	[tilespmem:$0x1FD00] =	vst v53;
	v21 =	vunpack.i.u.bf16.f32 v0;
	v40 =	vunpack.i.l.bf16.f32 v0;
	v0 =	vld [tilespmem:s2+$0xC0]  }
0x42f: {  	v35 =	vunpack.i.u.bf16.f32 v15;
	v60 =	vunpack.i.u.bf16.f32 v13;
	v63 =	vunpack.i.l.bf16.f32 v13;
	[tilespmem:$0x1FCF0] =	vst v1;
	v1 =	vld.idx.msk [tilespmem:v4+s11+$0x0], $0xffff  }
0x430: {  	v47 =	vunpack.i.u.bf16.f32 v19;
	v36 =	vunpack.i.l.bf16.f32 v2;
	[tilespmem:$0x1FD50] =	vst v60;
	v53 =	vunpack.i.u.bf16.f32 v16;
	v4 =	vld.idx.msk [tilespmem:v27+s11+$0x0], $0xffff  }
0x431: {  	v60 =	vunpack.i.l.bf16.f32 v16;
	v52 =	vunpack.i.u.bf16.f32 v17;
	[tilespmem:$0x1FCE0] =	vst v51;
	v51 =	vunpack.i.l.bf16.f32 v19;
	v34 =	vld.idx.msk [tilespmem:v22+s13+$0x0], $0xffff  }
0x432: {  	[tilespmem:$0x1FD90] =	vst v35;
	v35 =	vunpack.i.l.bf16.f32 v7;
	v15 =	vunpack.i.u.bf16.f32 v24;
	v19 =	vunpack.i.l.bf16.f32 v24;
	v24 =	vld [tilespmem:s2+$0xD0]  }
0x433: {  	v54 =	vunpack.i.u.bf16.f32 v12;
	v13 =	vunpack.i.u.bf16.f32 v3;
	v16 =	vunpack.i.l.bf16.f32 v3;
	v3 =	vld [tilespmem:s12+$0xD0]  }
0x434: {  	[tilespmem:$0x1FCB0] =	vst v50;
	v55 =	vunpack.i.l.bf16.f32 v12;
	v12 =	vunpack.i.l.bf16.f32 v25;
	v22 =	vunpack.i.u.bf16.f32 v25;
	v25 =	vld [tilespmem:s12+$0xE0]  }
0x435: {  	v50 =	vunpack.i.u.bf16.f32 v18;
	[tilespmem:$0x1FD30] =	vst v54;
	v32 =	vunpack.i.u.bf16.f32 v14;
	v33 =	vunpack.i.l.bf16.f32 v14;
	v14 =	vld.idx.msk [tilespmem:v5+s11+$0x0], $0xffff  }
0x436: {  	[tilespmem:$0x1FD20] =	vst v55;
	v55 =	vunpack.i.l.bf16.f32 v17;
	v54 =	vunpack.i.l.bf16.f32 v18;
	v5 =	vld [tilespmem:s2+$0xF0];
	v18 =	vadd.s32 v61, v34  }
0x437: {  	[tilespmem:$0x1FD40] =	vst v63;
	v42 =	vunpack.i.u.bf16.f32 v20;
	v17 =	vunpack.i.u.bf16.f32 v2;
	v2 =	vld [tilespmem:s12+$0xC0];
	v26 =	vadd.s32 v62, v34  }
0x438: {  	[tilespmem:$0x1FD70] =	vst v32;
	v63 =	vunpack.i.u.bf16.f32 v4;
	v32 =	vunpack.i.l.bf16.f32 v4;
	v4 =	vld [tilespmem:s2+$0xFFFFFF00];
	v27 =	vadd.s32 v46, v34  }
0x439: {  	v49 =	vunpack.i.l.bf16.f32 v20;
	v8 =	vadd.s32 v43, v34;
	v39 =	vmul.bf16 v25, v11;
	v11 =	vld [tilespmem:s12+$0xFFFFFF00]  }
0x43a: {  	[tilespmem:$0x1FCD0] =	vst v29;
	v20 =	vunpack.i.u.bf16.f32 v23;
	v23 =	vunpack.i.l.bf16.f32 v23;
	v29 =	vunpack.i.l.bf16.f32 v6;
	v25 =	vld [tilespmem:s2+$0xFFFFFF10]  }
0x43b: {  	[tilespmem:$0x1FD60] =	vst v33;
	v33 =	vunpack.i.u.bf16.f32 v7;
	v31 =	vunpack.i.u.bf16.f32 v1;
	v3 =	vmul.bf16 v3, v24;
	v38 =	vld.idx.msk [tilespmem:v18+s11+$0x0], $0xffff  }
0x43c: {  	v5 =	vmul.bf16 v10, v5;
	v2 =	vmul.bf16 v2, v0;
	v34 =	vunpack.i.l.bf16.f32 v1;
	v1 =	vld.idx.msk [tilespmem:v26+s11+$0x0], $0xffff  }
0x43d: {  	v0 =	vunpack.i.l.bf16.f32 v9;
	v62 =	vunpack.i.u.bf16.f32 v6;
	v43 =	vunpack.i.u.bf16.f32 v9;
	v10 =	vld.idx.msk [tilespmem:v27+s11+$0x0], $0xffff  }
0x43e: {  	v9 =	vunpack.i.l.bf16.f32 v5;
	v5 =	vunpack.i.u.bf16.f32 v5;
	v24 =	vunpack.i.u.bf16.f32 v39;
	v8 =	vld.idx.msk [tilespmem:v8+s11+$0x0], $0xffff  }
0x43f: {  	v6 =	vunpack.i.l.bf16.f32 v39;
	v18 =	vunpack.i.u.bf16.f32 v2;
	v2 =	vunpack.i.l.bf16.f32 v2;
	v27 =	vld [tilespmem:s12+$0xFFFFFF10]  }
0x440: {  	v26 =	vunpack.i.u.bf16.f32 v3;
	v3 =	vunpack.i.l.bf16.f32 v3;
	v4 =	vmul.bf16 v11, v4;
	v11 =	vld [tilespmem:s12+$0xFFFFFF90]  }
0x441: {  	v28 =	vunpack.i.u.bf16.f32 v38;
	v7 =	vunpack.i.l.bf16.f32 v38;
	v41 =	vunpack.i.u.bf16.f32 v1;
	v38 =	vld [tilespmem:s2+$0xFFFFFF40]  }
0x442: {  	v1 =	vunpack.i.l.bf16.f32 v1;
	v2 =	vmul.f32 v7, v2;
	v7 =	vmul.f32 v28, v18;
	v18 =	vld [tilespmem:s12+$0xFFFFFF40]  }
0x443: {  	v1 =	vmul.f32 v1, v3;
	v3 =	vmul.f32 v41, v26;
	v26 =	vunpack.i.l.bf16.f32 v10;
	v28 =	vld [tilespmem:s2+$0xFFFFFF50]  }
0x444: {  	v10 =	vunpack.i.u.bf16.f32 v10;
	v41 =	vld [tilespmem:s12+$0xFFFFFF50];
	v6 =	vmul.f32 v26, v6;
	v26 =	vunpack.i.l.bf16.f32 v8  }
0x445: {  	v1 =	vadd.f32 v1, v2;
	v2 =	vadd.f32 v3, v7;
	v3 =	vmul.f32 v10, v24;
	v7 =	vld [tilespmem:s2+$0xFFFFFF80]  }
0x446: {  	[tilespmem:$0x1FCC0] =	vst v37;
	v37 =	vunpack.i.u.bf16.f32 v4;
	v8 =	vunpack.i.u.bf16.f32 v8;
	v9 =	vmul.f32 v26, v9;
	v10 =	vld [tilespmem:s12+$0xFFFFFF80]  }
0x447: {  	v1 =	vadd.f32 v6, v1;
	v2 =	vadd.f32 v3, v2;
	v3 =	vmul.f32 v8, v5;
	v6 =	vld [tilespmem:s2+$0xFFFFFF90]  }
0x448: {  	v5 =	vmul.bf16 v27, v25;
	v25 =	vunpack.i.l.bf16.f32 v4;
	v4 =	vld [tilespmem:s2+$0xFFFFFFC0];
	v8 =	vmul.bf16 v18, v38  }
0x449: {  	v18 =	vld [tilespmem:s12+$0x0];
	v25 =	vmul.f32 v59, v25;
	v1 =	vadd.f32 v9, v1;
	v2 =	vadd.f32 v3, v2  }
0x44a: {  	v3 =	vmul.bf16 v41, v28;
	v38 =	vunpack.i.u.bf16.f32 v5;
	v24 =	vunpack.i.l.bf16.f32 v5;
	v5 =	vld [tilespmem:s12+$0xFFFFFFC0]  }
0x44b: {  	v59 =	vld [tilespmem:s2+$0x30];
	v7 =	vmul.bf16 v10, v7;
	v1 =	vadd.f32 v1, v2;
	v2 =	vunpack.i.u.bf16.f32 v8  }
0x44c: {  	v9 =	vld [tilespmem:s2+$0xFFFFFFD0];
	v8 =	vunpack.i.l.bf16.f32 v8;
	v41 =	vunpack.i.u.bf16.f32 v3;
	v3 =	vunpack.i.l.bf16.f32 v3  }
0x44d: {  	s5 =	sadd.s32 $0x88, s5;
	v39 =	vunpack.i.u.bf16.f32 v14;
	v8 =	vmul.f32 v12, v8;
	v12 =	vld [tilespmem:s12+$0xFFFFFFD0];
	v3 =	vmul.f32 v40, v3  }
0x44e: {  	v6 =	vmul.bf16 v11, v6;
	v11 =	vld [tilespmem:s2+$0x0];
	v2 =	vmul.f32 v22, v2;
	[tilespmem:s5+$0x33] =	vst v1;
	v1 =	vunpack.i.u.bf16.f32 v7  }
0x44f: {  	v4 =	vmul.bf16 v5, v4;
	v5 =	vld [tilespmem:s2+$0x10];
	v22 =	vadd.f32 v3, v8;
	v3 =	vmul.f32 v21, v41  }
0x450: {  	v7 =	vunpack.i.l.bf16.f32 v7;
	v27 =	vunpack.i.u.bf16.f32 v6;
	v6 =	vunpack.i.l.bf16.f32 v6;
	v8 =	vld [tilespmem:s12+$0x10]  }
0x451: {  	v7 =	vmul.f32 v23, v7;
	v1 =	vmul.f32 v20, v1;
	v21 =	vadd.f32 v3, v2;
	v3 =	vld [tilespmem:s12+$0x40]  }
0x452: {  	v26 =	vunpack.i.l.bf16.f32 v14;
	v2 =	vmul.f32 v36, v6;
	v9 =	vmul.bf16 v12, v9;
	v12 =	vld [tilespmem:s2+$0x40]  }
0x453: {  	v40 =	vld [tilespmem:s12+$0x50];
	v41 =	vunpack.i.u.bf16.f32 v4;
	v4 =	vunpack.i.l.bf16.f32 v4;
	v11 =	vmul.bf16 v18, v11  }
0x454: {  	v18 =	vld [tilespmem:s2+$0x50];
	v4 =	vmul.f32 v19, v4;
	v14 =	vadd.f32 v2, v7;
	v2 =	vmul.f32 v17, v27  }
0x455: {  	v36 =	vunpack.i.u.bf16.f32 v9;
	v9 =	vunpack.i.l.bf16.f32 v9;
	v5 =	vmul.bf16 v8, v5;
	v8 =	vld [tilespmem:s2+$0x80]  }
0x456: {  	v17 =	vadd.f32 v2, v1;
	v1 =	vmul.f32 v15, v41;
	v2 =	vmul.f32 v16, v9;
	v41 =	vld [tilespmem:s12+$0x80]  }
0x457: {  	v3 =	vmul.bf16 v3, v12;
	v12 =	vld [tilespmem:s2+$0x90]  }
0x458: {  	v15 =	vadd.f32 v2, v4;
	v2 =	vmul.f32 v13, v36;
	v36 =	vld [tilespmem:s2+$0xFFFFFF20]  }
0x459: {  	v19 =	vunpack.i.u.bf16.f32 v11;
	v11 =	vunpack.i.l.bf16.f32 v11;
	v7 =	vmul.bf16 v40, v18;
	v18 =	vld [tilespmem:s12+$0xFFFFFF20]  }
0x45a: {  	v10 =	vunpack.i.u.bf16.f32 v5;
	v5 =	vunpack.i.l.bf16.f32 v5;
	v4 =	vmul.f32 v35, v11;
	v35 =	vld [tilespmem:s12+$0x90]  }
0x45b: {  	v23 =	vld [tilespmem:s12+$0xFFFFFFE0];
	v13 =	vadd.f32 v2, v1;
	v2 =	vmul.f32 v34, v5  }
0x45c: {  	v24 =	vmul.f32 v58, v24;
	v40 =	vld [tilespmem:s2+$0xFFFFFF60];
	v20 =	vunpack.i.u.bf16.f32 v3;
	v8 =	vmul.bf16 v41, v8  }
0x45d: {  	v1 =	vmul.f32 v33, v19;
	v19 =	vunpack.i.u.bf16.f32 v7;
	v41 =	vld [tilespmem:s12+$0xFFFFFF60];
	v16 =	vadd.f32 v2, v4  }
0x45e: {  	v2 =	vmul.f32 v31, v10;
	v34 =	vunpack.i.u.bf16.f32 v8;
	v11 =	vmul.bf16 v18, v36;
	v18 =	vld [tilespmem:s2+$0xFFFFFFE0]  }
0x45f: {  	v33 =	vld [tilespmem:s2+$0xFFFFFFA0];
	v8 =	vunpack.i.l.bf16.f32 v8;
	v6 =	vmul.bf16 v35, v12;
	v35 =	vmul.f32 v62, v19  }
0x460: {  	v12 =	vld [tilespmem:s12+$0xFFFFFFA0];
	v1 =	vadd.f32 v2, v1;
	v2 =	vmul.f32 v63, v20;
	v0 =	vmul.f32 v0, v8  }
0x461: {  	v36 =	vld [tilespmem:s2+$0x20];
	v10 =	vmul.f32 v43, v34;
	v20 =	vunpack.i.u.bf16.f32 v6;
	v6 =	vunpack.i.l.bf16.f32 v6  }
0x462: {  	v19 =	vld [tilespmem:s12+$0x20];
	v5 =	vmul.bf16 v41, v40;
	v6 =	vmul.f32 v26, v6  }
0x463: {  	v20 =	vmul.f32 v39, v20;
	v18 =	vmul.bf16 v23, v18;
	v23 =	vld [tilespmem:s2+$0xA0]  }
0x464: {  	v6 =	vadd.f32 v6, v0;
	v0 =	vld [tilespmem:s12+$0xA0]  }
0x465: {  	v25 =	vadd.f32 v24, v25;
	v26 =	vunpack.i.u.bf16.f32 v5;
	v10 =	vadd.f32 v20, v10;
	v20 =	vld [tilespmem:s2+$0xFFFFFF70]  }
0x466: {  	v27 =	vmul.f32 v56, v37;
	v3 =	vunpack.i.l.bf16.f32 v3;
	v24 =	vmul.f32 v53, v26;
	v26 =	vld [tilespmem:s12+$0xFFFFFF70]  }
0x467: {  	v28 =	vld [tilespmem:s12+$0x60];
	v3 =	vmul.f32 v32, v3;
	v4 =	vmul.bf16 v12, v33;
	v5 =	vunpack.i.l.bf16.f32 v5  }
0x468: {  	v7 =	vunpack.i.l.bf16.f32 v7;
	v12 =	vld [tilespmem:s2+$0x60];
	v9 =	vmul.bf16 v19, v36;
	v5 =	vmul.f32 v60, v5  }
0x469: {  	v58 =	vld [tilespmem:s12+$0xFFFFFFF0];
	v7 =	vmul.f32 v29, v7;
	v31 =	vunpack.i.u.bf16.f32 v4;
	v0 =	vmul.bf16 v0, v23  }
0x46a: {  	v40 =	vld [tilespmem:s2+$0xFFFFFF30];
	v56 =	vunpack.i.u.bf16.f32 v9;
	v5 =	vadd.f32 v5, v22;
	v22 =	vmul.f32 v52, v31  }
0x46b: {  	v19 =	vld [tilespmem:s12+$0xFFFFFF30];
	v20 =	vmul.bf16 v26, v20;
	v31 =	vunpack.i.u.bf16.f32 v0;
	v0 =	vunpack.i.l.bf16.f32 v0  }
0x46c: {  	v4 =	vunpack.i.l.bf16.f32 v4;
	v26 =	vmul.f32 v47, v56;
	v47 =	vmul.f32 v48, v0;
	v0 =	vld [tilespmem:$0x1FCB0]  }
0x46d: {  	v4 =	vmul.f32 v55, v4;
	v12 =	vmul.bf16 v28, v12;
	v28 =	vld [tilespmem:s2+$0xFFFFFFB0]  }
0x46e: {  	v23 =	vld [tilespmem:s12+$0xFFFFFFB0]  }
0x46f: {  	v3 =	vadd.f32 v7, v3;
	v4 =	vadd.f32 v4, v14;
	v14 =	vld [tilespmem:$0x1FCE0]  }
0x470: {  	v8 =	vunpack.i.u.bf16.f32 v11;
	v11 =	vunpack.i.l.bf16.f32 v11;
	v7 =	vmul.bf16 v19, v40;
	v19 =	vld [tilespmem:s2+$0xFFFFFFF0]  }
0x471: {  	v41 =	vunpack.i.u.bf16.f32 v18;
	v18 =	vunpack.i.l.bf16.f32 v18;
	v11 =	vmul.f32 v0, v11;
	v0 =	vld [tilespmem:$0x1FCC0]  }
0x472: {  	v18 =	vmul.f32 v54, v18;
	v48 =	vld [tilespmem:s12+$0x70]  }
0x473: {  	v63 =	vunpack.i.u.bf16.f32 v20;
	v20 =	vunpack.i.l.bf16.f32 v20;
	v23 =	vmul.bf16 v23, v28;
	v28 =	vld [tilespmem:s2+$0x70]  }
0x474: {  	v53 =	vmul.f32 v14, v20;
	v14 =	vadd.f32 v18, v15;
	v15 =	vld [tilespmem:$0x1FCF0]  }
0x475: {  	v29 =	vmul.f32 v57, v38;
	v60 =	vld [tilespmem:s12+$0x30]  }
0x476: {  	v19 =	vmul.bf16 v58, v19;
	v31 =	vmul.f32 v0, v31;
	v0 =	vld [tilespmem:$0x1FCD0]  }
0x477: {  	v9 =	vunpack.i.l.bf16.f32 v9;
	v38 =	vadd.f32 v24, v21;
	v21 =	vmul.f32 v50, v41;
	v50 =	vld [tilespmem:s2+$0xB0]  }
0x478: {  	v9 =	vmul.f32 v51, v9;
	v55 =	vld [tilespmem:$0x1FD10];
	v51 =	vunpack.i.u.bf16.f32 v19  }
0x479: {  	v52 =	vunpack.i.l.bf16.f32 v19;
	v19 =	vmul.bf16 v48, v28;
	v28 =	vmul.f32 v15, v63;
	v63 =	vld [tilespmem:$0x1FD70]  }
0x47a: {  	v27 =	vadd.f32 v29, v27;
	v56 =	vld [tilespmem:$0x1FD20]  }
0x47b: {  	v24 =	vunpack.i.u.bf16.f32 v7;
	v8 =	vmul.f32 v0, v8;
	v0 =	vadd.f32 v22, v17;
	v22 =	vld [tilespmem:s12+$0xB0]  }
0x47c: {  	v29 =	vunpack.i.l.bf16.f32 v7;
	v7 =	vmul.bf16 v60, v59;
	v59 =	vld [tilespmem:$0x1FD50];
	v15 =	vadd.f32 v9, v16  }
0x47d: {  	v16 =	vadd.f32 v26, v1;
	v1 =	vunpack.i.u.bf16.f32 v19;
	v54 =	vunpack.i.l.bf16.f32 v19;
	v19 =	vld [tilespmem:$0x1FD00]  }
0x47e: {  	v57 =	vunpack.i.u.bf16.f32 v12;
	v39 =	vmul.f32 v63, v1;
	v1 =	vld [tilespmem:$0x1FD80]  }
0x47f: {  	v2 =	vadd.f32 v35, v2;
	v12 =	vunpack.i.l.bf16.f32 v12;
	v34 =	vmul.f32 v42, v57;
	v57 =	vld [tilespmem:$0x1FD30]  }
0x480: {  	v13 =	vadd.f32 v21, v13;
	v12 =	vmul.f32 v49, v12;
	v58 =	vld [tilespmem:$0x1FD40];
	v20 =	vmul.bf16 v22, v50  }
0x481: {  	v60 =	vld [tilespmem:$0x1FD60];
	v18 =	vunpack.i.u.bf16.f32 v7;
	v7 =	vunpack.i.l.bf16.f32 v7;
	v17 =	vunpack.i.l.bf16.f32 v23  }
0x482: {  	s16 =	sadd.s32 $0x8, s16;
	v26 =	vmul.f32 v19, v17;
	v17 =	vadd.f32 v12, v3;
	v3 =	vunpack.i.l.bf16.f32 v20  }
0x483: {  	p0 =	slt.u32 s16, $0x48;
	v49 =	vunpack.i.u.bf16.f32 v23;
	v37 =	vmul.f32 v59, v18;
	v40 =	vmul.f32 v1, v3;
	v1 =	vld [tilespmem:$0x1FD90]  }
.Ltmp5:
0x484: {  	v21 =	vadd.f32 v47, v6;
	v32 =	vmul.f32 v55, v49;
	v35 =	vmul.f32 v57, v51;
	(pc) =	sbr.rel @p0 .LBB2_12-.Ltmp5, $4  }
0x485: {  	v36 =	vmul.f32 v58, v7;
	v23 =	vadd.f32 v31, v10;
	v31 =	vadd.f32 v28, v38  }
0x486: {  	v38 =	vmul.f32 v60, v54;
	v19 =	vadd.f32 v34, v2;
	v34 =	vmul.f32 v56, v52  }
0x487: {  	v62 =	vld [tilespmem:$0x1FF50];
	v33 =	vadd.f32 v26, v4;
	v22 =	vadd.f32 v8, v27;
	v2 =	vunpack.i.u.bf16.f32 v20  }
0x488: {  	s6 =	simm.s32 $0x0;
	v43 =	vld [tilespmem:$0x1FF70];
	v20 =	vadd.f32 v11, v25;
	v25 =	vadd.f32 v53, v5;
	v42 =	vmul.f32 v1, v2  }
0x489: {  	v0 =	vadd.f32 v32, v0;
	v1 =	vadd.f32 v34, v14  }
0x48a: {  	v2 =	vadd.f32 v35, v13;
	v11 =	vadd.f32 v25, v31  }
0x48b: {  	v4 =	vadd.f32 v36, v15;
	v0 =	vadd.f32 v33, v0  }
0x48c: {  	v5 =	vadd.f32 v37, v16;
	v1 =	vadd.f32 v1, v2;
	[tilespmem:s5+$0xFFFFFFCD] =	vst v11  }
0x48d: {  	v7 =	vadd.f32 v38, v17;
	v8 =	vadd.f32 v39, v19;
	v38 =	vld [tilespmem:$0x1FE90];
	[tilespmem:s5+$0xFFFFFFDE] =	vst v0  }
0x48e: {  	v3 =	vmul.f32 v30, v29;
	v9 =	vadd.f32 v40, v21;
	v2 =	vadd.f32 v4, v5;
	v40 =	vld [tilespmem:$0x1FE80];
	[tilespmem:s5+$0xFFFFFFEF] =	vst v1  }
0x48f: {  	v6 =	vmul.f32 v44, v24;
	v10 =	vadd.f32 v42, v23;
	v44 =	vld [tilespmem:$0x1FE60]  }
0x490: {  	v3 =	vadd.f32 v3, v20;
	v60 =	vadd.f32 v7, v8;
	v33 =	vld [tilespmem:$0x1FFA0];
	[tilespmem:s5+$0x0] =	vst v2  }
0x491: {  	v6 =	vadd.f32 v6, v22;
	v63 =	vadd.f32 v9, v10;
	v45 =	vld [tilespmem:$0x1FE50]  }
0x492: {  	v37 =	vld [tilespmem:$0x1FFE0];
	[tilespmem:s5+$0x11] =	vst v60  }
0x493: {  	v3 =	vadd.f32 v3, v6;
	v32 =	vld [tilespmem:$0x1FF90];
	[tilespmem:s5+$0x22] =	vst v63  }
0x494: {  	v47 =	vld [tilespmem:$0x1FE40]  }
0x495: {  	v36 =	vld [tilespmem:$0x1FFD0];
	[tilespmem:s5+$0xFFFFFFBC] =	vst v3  }
0x496: {  	v48 =	vld [tilespmem:$0x1FE30]  }
0x497: {  	v42 =	vld [tilespmem:$0x1FE70]  }
0x498: {  	v49 =	vld [tilespmem:$0x1FE20]  }
0x499: {  	v27 =	vld [tilespmem:$0x1FF80]  }
0x49a: {  	v50 =	vld [tilespmem:$0x1FE10]  }
0x49b: {  	v9 =	vadd.s32 s6, v38;
	v54 =	vld [tilespmem:$0x1FFB0]  }
0x49c: {  	v10 =	vand.u32 $0xFF8, v9;
	v51 =	vld [tilespmem:$0x1FE00]  }
0x49d: {  	v11 =	vadd.s32 s6, v61;
	v52 =	vld [tilespmem:$0x1FDF0];
	v6 =	vor.u32 v33, v10  }
0x49e: {  	v4 =	vand.u32 $0xFF8, v11;
	v0 =	vadd.s32 s6, v40;
	v53 =	vld [tilespmem:$0x1FEA0]  }
0x49f: {  	v39 =	vld [tilespmem:$0x1FEC0];
	v1 =	vadd.s32 s6, v44;
	v0 =	vand.u32 $0xFF8, v0;
	v2 =	vadd.s32 s6, v45  }
0x4a0: {  	v28 =	vld [tilespmem:$0x1FEE0];
	v1 =	vand.u32 $0xFF8, v1;
	v0 =	vor.u32 v37, v0;
	v35 =	vadd.s32 s6, v47  }
0x4a1: {  	v2 =	vand.u32 $0xFF8, v2;
	v1 =	vor.u32 v32, v1;
	v5 =	vand.u32 $0xFF8, v35;
	v35 =	vld [tilespmem:$0x1FFC0]  }
0x4a2: {  	v2 =	vor.u32 v36, v2;
	v3 =	vadd.s32 s6, v48;
	v46 =	vadd.s32 s6, v50;
	v6 =	vld.idx.msk [tilespmem:v6+s30+$0x0], $0xffff  }
0x4a3: {  	v4 =	vor.u32 v42, v4;
	v41 =	vadd.s32 s6, v49;
	v8 =	vand.u32 $0xFF8, v46;
	v46 =	vld [tilespmem:$0x1FEB0]  }
0x4a4: {  	v5 =	vor.u32 v27, v5;
	v3 =	vand.u32 $0xFF8, v3;
	v7 =	vand.u32 $0xFF8, v41;
	v41 =	vld [tilespmem:$0x1FED0]  }
0x4a5: {  	v56 =	vadd.s32 s6, v51;
	v3 =	vor.u32 v54, v3;
	v0 =	vld.idx.msk [tilespmem:v0+s30+$0x0], $0xffff  }
0x4a6: {  	v57 =	vadd.s32 s6, v52;
	v9 =	vand.u32 $0xFF8, v56;
	v8 =	vor.u32 v42, v8;
	v1 =	vld.idx.msk [tilespmem:v1+s30+$0x0], $0xffff  }
0x4a7: {  	v10 =	vand.u32 $0xFF8, v57;
	v9 =	vor.u32 v27, v9;
	v2 =	vld.idx.msk [tilespmem:v2+s30+$0x0], $0xffff  }
0x4a8: {  	v58 =	vadd.s32 s6, v53;
	v10 =	vor.u32 v54, v10;
	v4 =	vld.idx.msk [tilespmem:v4+s30+$0x0], $0xffff  }
0x4a9: {  	v13 =	vadd.s32 s6, v39;
	v11 =	vand.u32 $0xFF8, v58;
	v7 =	vor.u32 v35, v7;
	v5 =	vld.idx.msk [tilespmem:v5+s30+$0x0], $0xffff  }
0x4aa: {  	v13 =	vand.u32 $0xFF8, v13;
	v11 =	vor.u32 v35, v11;
	v12 =	vadd.s32 s6, v46;
	v3 =	vld.idx.msk [tilespmem:v3+s30+$0x0], $0xffff  }
0x4ab: {  	v15 =	vadd.s32 s6, v28;
	v13 =	vor.u32 v36, v13;
	v12 =	vand.u32 $0xFF8, v12;
	v8 =	vld.idx.msk [tilespmem:v8+s30+$0x0], $0xffff  }
0x4ac: {  	v15 =	vand.u32 $0xFF8, v15;
	v14 =	vadd.s32 s6, v41;
	v9 =	vld.idx.msk [tilespmem:v9+s30+$0x0], $0xffff;
	v12 =	vor.u32 v32, v12  }
0x4ad: {  	s2 =	simm.s32 $0x110;
	v15 =	vor.u32 v37, v15;
	v14 =	vand.u32 $0xFF8, v14;
	v10 =	vld.idx.msk [tilespmem:v10+s30+$0x0], $0xffff  }
0x4ae: {  	v18 =	vadd.s32 s2, v44;
	v14 =	vor.u32 v33, v14;
	v7 =	vld.idx.msk [tilespmem:v7+s30+$0x0], $0xffff  }
0x4af: {  	v34 =	vand.u32 $0xFF8, v18;
	v11 =	vld.idx.msk [tilespmem:v11+s30+$0x0], $0xffff  }
0x4b0: {  	v20 =	vadd.s32 s2, v61;
	v16 =	vadd.s32 s2, v38;
	v58 =	vor.u32 v32, v34;
	v13 =	vld.idx.msk [tilespmem:v13+s30+$0x0], $0xffff  }
0x4b1: {  	v17 =	vadd.s32 s2, v40;
	v16 =	vand.u32 $0xFF8, v16;
	v4 =	vadd.f32 v5, v4;
	v12 =	vld.idx.msk [tilespmem:v12+s30+$0x0], $0xffff  }
0x4b2: {  	v60 =	vand.u32 $0xFF8, v17;
	v21 =	vadd.s32 s2, v47;
	v57 =	vor.u32 v33, v16;
	v59 =	vld.idx.msk [tilespmem:v15+s30+$0x0], $0xffff  }
0x4b3: {  	v23 =	vadd.s32 s2, v48;
	v14 =	vld.idx.msk [tilespmem:v14+s30+$0x0], $0xffff;
	v1 =	vadd.f32 v1, v4;
	v3 =	vadd.f32 v7, v3  }
0x4b4: {  	v24 =	vadd.s32 s2, v49;
	v8 =	vadd.f32 v9, v8;
	v63 =	vadd.f32 v11, v10  }
0x4b5: {  	v1 =	vadd.f32 v6, v1;
	v6 =	vld.idx.msk [tilespmem:v58+s30+$0x0], $0xffff;
	v58 =	vadd.s32 s2, v52;
	v2 =	vadd.f32 v2, v3  }
0x4b6: {  	v11 =	vand.u32 $0xFF8, v58;
	v56 =	vadd.f32 v13, v63;
	v55 =	vadd.f32 v12, v8  }
0x4b7: {  	v11 =	vor.u32 v54, v11;
	v8 =	vld.idx.msk [tilespmem:v57+s30+$0x0], $0xffff;
	v57 =	vand.u32 $0xFF8, v24;
	v0 =	vadd.f32 v0, v2  }
0x4b8: {  	v2 =	vor.u32 v37, v60;
	v5 =	vadd.f32 v59, v56;
	v4 =	vadd.f32 v14, v55  }
0x4b9: {  	v59 =	vand.u32 $0xFF8, v20;
	v60 =	vand.u32 $0xFF8, v21;
	v10 =	vor.u32 v35, v57  }
0x4ba: {  	v34 =	vor.u32 v42, v59;
	v0 =	vadd.f32 v0, v1;
	v1 =	vadd.f32 v5, v4  }
0x4bb: {  	v12 =	vadd.s32 s2, v53;
	v56 =	vand.u32 $0xFF8, v23;
	v55 =	vor.u32 v27, v60  }
0x4bc: {  	v12 =	vand.u32 $0xFF8, v12;
	v9 =	vor.u32 v54, v56;
	v0 =	vadd.f32 v1, v0  }
0x4bd: {  	v19 =	vadd.s32 s2, v45;
	v22 =	vadd.s32 s2, v46;
	v12 =	vor.u32 v35, v12;
	v11 =	vld.idx.msk [tilespmem:v11+s30+$0x0], $0xffff  }
0x4be: {  	v3 =	vand.u32 $0xFF8, v19;
	v13 =	vand.u32 $0xFF8, v22;
	v10 =	vld.idx.msk [tilespmem:v10+s30+$0x0], $0xffff;
	v0 =	vsub.f32 $0.0e+00, v0  }
0x4bf: {  	v63 =	vadd.s32 s2, v50;
	v3 =	vor.u32 v36, v3;
	v13 =	vor.u32 v32, v13;
	v5 =	vld.idx.msk [tilespmem:v34+s30+$0x0], $0xffff  }
0x4c0: {  	v4 =	vand.u32 $0xFF8, v63;
	v1 =	vadd.s32 s2, v51;
	v7 =	vld.idx.msk [tilespmem:v55+s30+$0x0], $0xffff;
	v0 =	vmul.f32 $1.442695020e+00, v0  }
0x4c1: {  	v14 =	vadd.s32 s2, v39;
	v4 =	vor.u32 v42, v4;
	v1 =	vand.u32 $0xFF8, v1;
	v9 =	vld.idx.msk [tilespmem:v9+s30+$0x0], $0xffff  }
0x4c2: {  	v14 =	vand.u32 $0xFF8, v14;
	v12 =	vld.idx.msk [tilespmem:v12+s30+$0x0], $0xffff;
	v1 =	vor.u32 v27, v1;
	(erf) = vpow2.f32 v0  }
0x4c3: {  	v14 =	vor.u32 v36, v14;
	v0 =	vadd.s32 s2, v41  }
0x4c4: {  	v15 =	vadd.s32 s2, v28;
	v3 =	vld.idx.msk [tilespmem:v3+s30+$0x0], $0xffff;
	v0 =	vand.u32 $0xFF8, v0  }
0x4c5: {  	v13 =	vld.idx.msk [tilespmem:v13+s30+$0x0], $0xffff;
	v16 =	vor.u32 v33, v0;
	v0 =	vand.u32 $0xFF8, v15  }
0x4c6: {  	v4 =	vld.idx.msk [tilespmem:v4+s30+$0x0], $0xffff;
	s2 =	simm.s32 $0x220;
	v5 =	vadd.f32 v7, v5;
	v9 =	vadd.f32 v10, v9;
	v17 =	vor.u32 v37, v0  }
0x4c7: {  	v11 =	vadd.f32 v12, v11;
	v1 =	vld.idx.msk [tilespmem:v1+s30+$0x0], $0xffff;
	v18 =	vadd.s32 s2, v38;
	v19 =	vadd.s32 s2, v40  }
0x4c8: {  	v14 =	vld.idx.msk [tilespmem:v14+s30+$0x0], $0xffff;
	v20 =	vadd.s32 s2, v44;
	v21 =	vadd.s32 s2, v45;
	v22 =	vadd.s32 s2, v61  }
0x4c9: {  	v2 =	vld.idx.msk [tilespmem:v2+s30+$0x0], $0xffff;
	v23 =	vadd.s32 s2, v47;
	v24 =	vadd.s32 s2, v48;
	v25 =	vadd.s32 s2, v49  }
0x4ca: {  	v26 =	vadd.s32 s2, v50;
	v31 =	vadd.s32 s2, v53;
	v15 =	vadd.s32 s2, v46;
	v16 =	vld.idx.msk [tilespmem:v16+s30+$0x0], $0xffff  }
0x4cb: {  	v18 =	vand.u32 $0xFF8, v18;
	v5 =	vadd.f32 v6, v5;
	v3 =	vadd.f32 v3, v9;
	v59 =	vld.idx.msk [tilespmem:v17+s30+$0x0], $0xffff;
	v60 =	vpop (erf)  }
0x4cc: {  	v19 =	vand.u32 $0xFF8, v19;
	v1 =	vadd.f32 v1, v4;
	v4 =	vadd.f32 $1.000000000e+00, v60  }
0x4cd: {  	v34 =	vadd.f32 v14, v11;
	v56 =	vand.u32 $0xFF8, v22;
	v12 =	vor.u32 v33, v18  }
0x4ce: {  	v55 =	vor.u32 v37, v19;
	v1 =	vadd.f32 v13, v1;
	(erf) = vrcp.f32 v4  }
0x4cf: {  	v5 =	vadd.f32 v8, v5;
	v2 =	vadd.f32 v2, v3;
	v17 =	vand.u32 $0xFF8, v20  }
0x4d0: {  	v3 =	vor.u32 v32, v17;
	v1 =	vadd.f32 v16, v1;
	v6 =	vadd.f32 v59, v34  }
0x4d1: {  	v63 =	vand.u32 $0xFF8, v21;
	v57 =	vand.u32 $0xFF8, v23;
	v7 =	vor.u32 v42, v56  }
0x4d2: {  	v58 =	vor.u32 v36, v63;
	v2 =	vadd.f32 v2, v5;
	v1 =	vadd.f32 v6, v1  }
0x4d3: {  	v21 =	vor.u32 v27, v57;
	v63 =	vand.u32 $0xFF8, v25;
	v13 =	vld.idx.msk [tilespmem:v12+s30+$0x0], $0xffff;
	v59 =	vand.u32 $0xFF8, v24  }
0x4d4: {  	v23 =	vor.u32 v35, v63;
	v14 =	vld.idx.msk [tilespmem:v55+s30+$0x0], $0xffff;
	v22 =	vor.u32 v54, v59;
	v1 =	vadd.f32 v1, v2  }
0x4d5: {  	v60 =	vadd.s32 s2, v51;
	v16 =	vld.idx.msk [tilespmem:v3+s30+$0x0], $0xffff;
	v3 =	vadd.s32 s2, v52;
	v2 =	vand.u32 $0xFF8, v26  }
0x4d6: {  	v19 =	vld.idx.msk [tilespmem:v7+s30+$0x0], $0xffff;
	v25 =	vor.u32 v42, v2;
	v2 =	vand.u32 $0xFF8, v60;
	v29 =	vsub.f32 $0.0e+00, v1  }
0x4d7: {  	s5 =	simm.s32 $0x330;
	v0 =	vadd.s32 s2, v41;
	v17 =	vld.idx.msk [tilespmem:v58+s30+$0x0], $0xffff;
	v30 =	vand.u32 $0xFF8, v3;
	v24 =	vor.u32 v27, v2;
	v20 =	vpop (erf)  }
.LBB2_14:
0x4d8: {  	p0 =	sne.s32 s5, $0x440;
	v1 =	vld.idx.msk [tilespmem:v21+s30+$0x0], $0xffff;
	v2 =	vor.u32 v54, v30;
	v3 =	vand.u32 $0xFF8, v31;
	v4 =	vmul.f32 $1.442695020e+00, v29;
	[tilespmem:s1+$0x0] =	vst v20  }
0x4d9: {  	v6 =	vand.u32 $0xFF8, v15;
	v7 =	vadd.s32 s2, v39;
	v5 =	vld.idx.msk [tilespmem:v22+s30+$0x0], $0xffff;
	v3 =	vor.u32 v35, v3  }
0x4da: {  	v6 =	vor.u32 v32, v6;
	v7 =	vand.u32 $0xFF8, v7;
	v8 =	vld.idx.msk [tilespmem:v23+s30+$0x0], $0xffff;
	(erf) = vpow2.f32 v4  }
0x4db: {  	v0 =	vand.u32 $0xFF8, v0;
	v9 =	vadd.s32 s2, v28;
	s2 =	smov.u32 s5;
	v7 =	vor.u32 v36, v7;
	v4 =	vld.idx.msk [tilespmem:v25+s30+$0x0], $0xffff  }
0x4dc: {  	v11 =	vor.u32 v33, v0;
	v0 =	vand.u32 $0xFF8, v9;
	v10 =	vld.idx.msk [tilespmem:v24+s30+$0x0], $0xffff  }
0x4dd: {  	v9 =	vor.u32 v37, v0;
	v2 =	vld.idx.msk [tilespmem:v2+s30+$0x0], $0xffff  }
0x4de: {  	v12 =	vadd.s32 s5, v38;
	v18 =	vadd.s32 s5, v40;
	v3 =	vld.idx.msk [tilespmem:v3+s30+$0x0], $0xffff  }
0x4df: {  	v20 =	vadd.s32 s5, v44;
	v21 =	vadd.s32 s5, v45;
	v0 =	vadd.s32 s5, v41;
	v6 =	vld.idx.msk [tilespmem:v6+s30+$0x0], $0xffff  }
0x4e0: {  	v15 =	vadd.s32 s5, v46;
	v22 =	vadd.s32 s5, v61;
	v23 =	vadd.s32 s5, v47;
	v7 =	vld.idx.msk [tilespmem:v7+s30+$0x0], $0xffff  }
0x4e1: {  	v26 =	vadd.s32 s5, v50;
	v25 =	vadd.s32 s5, v49;
	v24 =	vadd.s32 s5, v48;
	v11 =	vld.idx.msk [tilespmem:v11+s30+$0x0], $0xffff  }
0x4e2: {  	v12 =	vand.u32 $0xFF8, v12;
	v18 =	vand.u32 $0xFF8, v18;
	v1 =	vadd.f32 v1, v19;
	v9 =	vld.idx.msk [tilespmem:v9+s30+$0x0], $0xffff  }
0x4e3: {  	v19 =	vand.u32 $0xFF8, v20;
	v5 =	vadd.f32 v8, v5;
	v4 =	vadd.f32 v10, v4;
	v8 =	vpop (erf)  }
0x4e4: {  	v10 =	vand.u32 $0xFF8, v21;
	v2 =	vadd.f32 v3, v2;
	v3 =	vadd.f32 $1.000000000e+00, v8  }
0x4e5: {  	v1 =	vadd.f32 v16, v1;
	v5 =	vadd.f32 v17, v5;
	v8 =	vor.u32 v33, v12  }
0x4e6: {  	v4 =	vadd.f32 v6, v4;
	v2 =	vadd.f32 v7, v2;
	(erf) = vrcp.f32 v3  }
0x4e7: {  	v1 =	vadd.f32 v13, v1;
	v5 =	vadd.f32 v14, v5;
	v3 =	vor.u32 v37, v18  }
0x4e8: {  	v6 =	vor.u32 v32, v19;
	v4 =	vadd.f32 v11, v4;
	v2 =	vadd.f32 v9, v2  }
0x4e9: {  	v10 =	vor.u32 v36, v10;
	v7 =	vand.u32 $0xFF8, v22;
	v9 =	vand.u32 $0xFF8, v23  }
0x4ea: {  	v1 =	vadd.f32 v5, v1;
	v7 =	vor.u32 v42, v7;
	v2 =	vadd.f32 v2, v4  }
.Ltmp6:
0x4eb: {  	v5 =	vadd.s32 s5, v51;
	v21 =	vor.u32 v27, v9;
	v4 =	vand.u32 $0xFF8, v24;
	v13 =	vld.idx.msk [tilespmem:v8+s30+$0x0], $0xffff;
	(pc) =	sbr.rel @p0 .LBB2_14-.Ltmp6, $4  }
0x4ec: {  	v22 =	vor.u32 v54, v4;
	v4 =	vand.u32 $0xFF8, v25;
	v1 =	vadd.f32 v2, v1;
	v14 =	vld.idx.msk [tilespmem:v3+s30+$0x0], $0xffff  }
0x4ed: {  	v23 =	vor.u32 v35, v4;
	v2 =	vand.u32 $0xFF8, v26;
	v3 =	vadd.s32 s5, v52;
	v16 =	vld.idx.msk [tilespmem:v6+s30+$0x0], $0xffff  }
0x4ee: {  	v25 =	vor.u32 v42, v2;
	v2 =	vand.u32 $0xFF8, v5;
	v29 =	vsub.f32 $0.0e+00, v1;
	v17 =	vld.idx.msk [tilespmem:v10+s30+$0x0], $0xffff  }
0x4ef: {  	s1 =	sadd.s32 $0x10, s1;
	v31 =	vadd.s32 s2, v53;
	s5 =	sadd.s32 $0x110, s5;
	v24 =	vor.u32 v27, v2;
	v30 =	vand.u32 $0xFF8, v3;
	v19 =	vld.idx.msk [tilespmem:v7+s30+$0x0], $0xffff;
	v20 =	vpop (erf)  }
0x4f0: {  	_ =	sdelay $0x3  }
0x4f1: {  	v1 =	vld.idx.msk [tilespmem:v21+s30+$0x0], $0xffff;
	v2 =	vor.u32 v54, v30;
	v3 =	vand.u32 $0xFF8, v31  }
0x4f2: {  	v4 =	vld.idx.msk [tilespmem:v22+s30+$0x0], $0xffff;
	v5 =	vand.u32 $0xFF8, v15;
	v6 =	vadd.s32 s2, v39;
	v3 =	vor.u32 v35, v3  }
0x4f3: {  	v7 =	vld.idx.msk [tilespmem:v23+s30+$0x0], $0xffff;
	v5 =	vor.u32 v32, v5;
	v6 =	vand.u32 $0xFF8, v6  }
0x4f4: {  	v8 =	vld.idx.msk [tilespmem:v25+s30+$0x0], $0xffff;
	v0 =	vand.u32 $0xFF8, v0;
	v9 =	vadd.s32 s2, v28;
	v6 =	vor.u32 v36, v6  }
0x4f5: {  	v10 =	vld.idx.msk [tilespmem:v24+s30+$0x0], $0xffff;
	v0 =	vor.u32 v33, v0;
	v9 =	vand.u32 $0xFF8, v9  }
0x4f6: {  	v9 =	vor.u32 v37, v9;
	v2 =	vld.idx.msk [tilespmem:v2+s30+$0x0], $0xffff  }
0x4f7: {  	v3 =	vld.idx.msk [tilespmem:v3+s30+$0x0], $0xffff  }
0x4f8: {  	v5 =	vld.idx.msk [tilespmem:v5+s30+$0x0], $0xffff  }
0x4f9: {  	v6 =	vld.idx.msk [tilespmem:v6+s30+$0x0], $0xffff  }
0x4fa: {  	v0 =	vld.idx.msk [tilespmem:v0+s30+$0x0], $0xffff  }
0x4fb: {  	v11 =	vmul.f32 $1.442695020e+00, v29;
	v1 =	vadd.f32 v1, v19;
	v4 =	vadd.f32 v7, v4;
	v9 =	vld.idx.msk [tilespmem:v9+s30+$0x0], $0xffff  }
0x4fc: {  	v55 =	vadd.f32 v10, v8;
	v2 =	vadd.f32 v3, v2  }
0x4fd: {  	(erf) = vpow2.f32 v11;
	v1 =	vadd.f32 v16, v1;
	v56 =	vadd.f32 v17, v4  }
0x4fe: {  	v57 =	vadd.f32 v5, v55;
	v2 =	vadd.f32 v6, v2  }
0x4ff: {  	v1 =	vadd.f32 v13, v1;
	v3 =	vadd.f32 v14, v56  }
0x500: {  	v0 =	vadd.f32 v0, v57;
	v2 =	vadd.f32 v9, v2;
	_ =	sdelay $0x1  }
0x501: {  	v1 =	vadd.f32 v3, v1;
	v0 =	vadd.f32 v2, v0;
	_ =	sdelay $0x1  }
0x502: {  	v0 =	vadd.f32 v0, v1;
	_ =	sdelay $0x1  }
0x503: {  	v58 =	vpop (erf);
	v0 =	vsub.f32 $0.0e+00, v0  }
0x504: {  	v1 =	vadd.f32 $1.000000000e+00, v58  }
0x505: {  	v0 =	vmul.f32 $1.442695020e+00, v0  }
0x506: {  	(erf) = vrcp.f32 v1  }
0x507: {  	(erf) = vpow2.f32 v0;
	_ =	sdelay $0x7  }
0x508: {  	v59 =	vpop (erf)  }
0x509: {  	v60 =	vpop (erf)  }
0x50a: {  	v1 =	vadd.f32 $1.000000000e+00, v60;
	_ =	sdelay $0x1  }
0x50b: {  	(erf) = vrcp.f32 v1;
	_ =	sdelay $0x7  }
0x50c: {  	[tilespmem:s1+$0x0] =	vst v20;
	s17 =	sadd.s32 $0x10, s1  }
0x50d: {  	s1 =	sadd.s32 $0x10, s17;
	[tilespmem:s17+$0x0] =	vst v59;
	v63 =	vpop (erf)  }
0x50e: {  	[tilespmem:s1+$0x0] =	vst v63  }
0x50f: {  	s18 =	simm.s32 $0x12410;
	s1 =	rddreg [dreg:$0xa]  }
0x510: {  	[hbm4b:s1+s4] =	stream.linear.scatter [tilespmem:s18], [sflag:$0x5], $0x2710, $0x38;
	[tilespmem:$0x1E760] =	vst v63  }
0x511: {  	_ =	swait.ge [sflag:s24], $0x2710  }
0x512: {  	s20 =	sadd.s32 $0x1, s20;
	s19 =	rddreg [dreg:$0xb]  }
0x513: {  	p0 =	sne.s32 s20, s19  }
.Ltmp7:
0x514: {  	_ = 	snop;
	(pc) =	sbr.rel @p0 .LBB2_1-.Ltmp7, $3  }
0x515: {  	_ =	sdelay $0x1  }
0x516: {  	[sflag:s24] =	ssyncset.done $0x0;
	v34 =	vld [tilespmem:$0x1FF40]  }
0x517: {  	v46 =	vld [tilespmem:$0x1FF60];
	[sflag:s24] =	ssyncadd.s32 $0xFFFFD8F0  }
0x518: {  	_ =	sfence.sel $0x180000  }
0x519: {  	[bflag:$0x0] =	sbarrier.arrive $0xFFFF  }
0x51a: {  	_ =	strace $0x90000047  }
0x51b: {  	s0 =	stileid.u32;
	[bflag:$0x2] =	sbarrier.arrive $0xFFFF  }
0x51c: {  	p0 =	sne.s32 s0, $0x0;
	s0 =	rddreg [dreg:$0x4]  }
0x51d: {  	s0 =	sadd.s32 @!p0 $0x100000, s0  }
0x51e: {  	[sflag:s0] =	ssyncadd.tile.s32 @!p0 $0x1;
	_ =	shalt  }
.Lfunc_end2:
_tile_overlayer_lowered:
.L_overlay_start_2:
0x51f: {  	(tag) =	ssettag $0x2  }
0x520: {  	s0 =	rddreg [dreg:$0x0];
	s2 =	stileid.u32  }
0x521: {  	s1 =	rddreg [dreg:$0x1];
	p0 =	sne.s32 s2, $0x0  }
0x522: {  	s3 =	rddreg [dreg:$0x2];
	[bflag:$0x3] =	sbarrier.arrive $0xFFFF;
	s2 =	simm.s32 @!p0 $0x1C05  }
0x523: {  	[timem:s3], [sflag:s2] =	dma.local @!p0 [hbm:s0], s1  }
0x524: {  	s0 =	simm.s32 @!p0 $0x5  }
0x525: {  	_ =	swait.ge @!p0 [sflag:s0], s1  }
0x526: {  	s1 =	ssub.s32 @!p0 $0x0, s1;
	[sflag:s0] =	ssyncset.done @!p0 $0x0  }
0x527: {  	[sflag:s0] =	ssyncadd.s32 @!p0 s1  }
0x528: {  	[bflag:$0x3] =	sbarrier.arrive $0xFFFF  }
0x529: {  	_ =	shalt  }

</sc_bundles>
